<compile_context>
chip_gen: v7x
topology: tpu7x:2x2x1
jax: 0.10.2.dev20260603
libtpu: 0.0.44.dev20260713+nightly
codegen_flags: <defaults>
</compile_context>

<pallas_src>
import functools

import jax
import jax.numpy as jnp
from jax import lax
from jax.experimental import pallas as pl
from jax.experimental.pallas import tpu as pltpu
from jax.experimental.pallas import tpu_sc as plsc

_DEPTH = 8
_ROWS = 64


@functools.lru_cache(maxsize=None)
def _make_gather(V, D, B):
    info = plsc.get_sparse_core_info()
    NC, NS, L = info.num_cores, info.num_subcores, info.num_lanes
    NW = NC * NS
    assert B % (16 * NW) == 0 and D % L == 0
    assert B & (B - 1) == 0 and B <= (1 << 14)
    n_chunk = (V + 127) // 128
    cpw = (n_chunk + NW - 1) // NW
    n_hist = ((cpw + 15) // 16) * 16
    mesh = plsc.VectorSubcoreMesh(core_axis_name="c", subcore_axis_name="s")

    @functools.partial(
        pl.kernel,
        mesh=mesh,
        compiler_params=pltpu.CompilerParams(needs_layout_passes=False),
        out_type=jax.ShapeDtypeStruct((B, D), jnp.float32),
        scratch_types=[
            pltpu.VMEM((B,), jnp.int32),
            pltpu.VMEM((B + 16,), jnp.int32),
            pltpu.VMEM((B + 16,), jnp.int32),
            pltpu.VMEM((n_hist + 16,), jnp.int32),
            pltpu.VMEM((n_hist + 16,), jnp.int32),
            pltpu.VMEM((n_hist + 16,), jnp.int32),
            pltpu.VMEM((n_hist + 16,), jnp.int32),
            pltpu.VMEM((n_hist + 16,), jnp.int32),
            pltpu.VMEM((n_hist + 16,), jnp.int32),
            *[pltpu.VMEM((D, 128), jnp.float32) for _ in range(_DEPTH)],
            pltpu.VMEM((_ROWS, D), jnp.float32),
            pltpu.SemaphoreType.DMA,
            *[pltpu.SemaphoreType.DMA for _ in range(_DEPTH)],
        ],
    )
    def k(idx_hbm, tableT_hbm, out_hbm, idx_v, wl_p, ws_p,
          hist, starts0, cursor, cl_c, cl_lo, cl_hi, *rest):
        chunks = rest[:_DEPTH]
        rows_v = rest[_DEPTH]
        sem_out = rest[_DEPTH + 1]
        sems = rest[_DEPTH + 2 :]
        wid = lax.axis_index("s") * NC + lax.axis_index("c")
        c_lo = wid * cpw
        c_hi = jnp.minimum(c_lo + cpw, n_chunk)
        nc_w = c_hi - c_lo

        iota = lax.iota(jnp.int32, L)
        lane0 = iota == 0
        zeros = jnp.zeros((L,), jnp.int32)

        def fire(kk, slot):
            cid = cl_c[pl.ds(kk, L)][0]
            cc = pl.multiple_of(cid * 128, 128)
            pltpu.async_copy(
                tableT_hbm.at[:, pl.ds(cc, 128)], chunks[slot], sems[slot]
            )

        def wait(slot):
            pltpu.make_async_copy(
                tableT_hbm.at[:, pl.ds(0, 128)], chunks[slot], sems[slot]
            ).wait()

        pltpu.sync_copy(idx_hbm, idx_v)

        def scan_body(n, off):
            vec = idx_v[pl.ds(n * L, L)]
            cvec = vec >> 7
            mask = (cvec >= c_lo) & (cvec < c_hi)
            packed = ((cvec - c_lo) << 21) | ((n * L + iota) << 7) | (vec & 127)
            plsc.store_compressed(wl_p.at[pl.ds(off, L)], packed, mask=mask)
            return off + plsc.all_reduce_population_count(mask)[0]

        n_wl = lax.fori_loop(0, B // L, scan_body, jnp.int32(0), unroll=4)

        for gp in range(n_hist // 16):
            hist[pl.ds(gp * 16, 16)] = zeros

        def count_body(q, _):
            b = wl_p[pl.ds(q, L)][0] >> 21
            cnt = hist[pl.ds(b, L)]
            plsc.store_compressed(hist.at[pl.ds(b, L)], cnt + 1, mask=lane0)
            return 0

        lax.fori_loop(0, n_wl, count_body, 0)

        carry = jnp.int32(0)
        for gp in range(n_hist // 16):
            hv = hist[pl.ds(gp * 16, 16)]
            cs = plsc.cumsum(hv)
            sv = cs - hv + carry
            starts0[pl.ds(gp * 16, 16)] = sv
            cursor[pl.ds(gp * 16, 16)] = sv
            carry = sv[15] + hv[15]

        def place_body(q, _):
            e = wl_p[pl.ds(q, L)][0]
            b = e >> 21
            pos = cursor[pl.ds(b, L)][0]
            plsc.store_compressed(
                cursor.at[pl.ds(b, L)],
                jnp.broadcast_to(pos + 1, (L,)),
                mask=lane0,
            )
            plsc.store_compressed(
                ws_p.at[pl.ds(pos, L)], jnp.broadcast_to(e, (L,)), mask=lane0
            )
            return 0

        lax.fori_loop(0, n_wl, place_body, 0)

        n_ne = jnp.int32(0)
        for gp in range(n_hist // 16):
            hv = hist[pl.ds(gp * 16, 16)]
            mask = hv > 0
            plsc.store_compressed(
                cl_c.at[pl.ds(n_ne, L)], c_lo + gp * 16 + iota, mask=mask
            )
            plsc.store_compressed(
                cl_lo.at[pl.ds(n_ne, L)],
                starts0[pl.ds(gp * 16, 16)],
                mask=mask,
            )
            plsc.store_compressed(
                cl_hi.at[pl.ds(n_ne, L)],
                cursor[pl.ds(gp * 16, 16)],
                mask=mask,
            )
            n_ne = n_ne + plsc.all_reduce_population_count(mask)[0]

        for p in range(_DEPTH - 1):

            @pl.when(p < n_ne)
            def _():
                fire(p, p)

        def sweep_body(it, r):
            for m in range(_DEPTH):
                kk = it * _DEPTH + m
                valid = kk < n_ne

                @pl.when((kk + _DEPTH - 1) < n_ne)
                def _():
                    fire(kk + _DEPTH - 1, (m + _DEPTH - 1) % _DEPTH)

                @pl.when(valid)
                def _():
                    wait(m)

                lo = cl_lo[pl.ds(kk, L)][0]
                hi = cl_hi[pl.ds(kk, L)][0]
                lo = jnp.where(valid, lo, 0)
                hi = jnp.where(valid, hi, 0)

                def extract_body(q, rr):
                    @pl.when(rr >= _ROWS)
                    def _():
                        pltpu.make_async_copy(
                            rows_v.at[0], out_hbm.at[0], sem_out
                        ).wait()

                    slot_r = rr & (_ROWS - 1)
                    e = ws_p[pl.ds(q, L)][0]
                    jq = (e >> 7) & (B - 1)
                    lane = jnp.broadcast_to(e & 127, (L,))
                    for g2 in range(D // L):
                        v = plsc.load_gather(
                            chunks[m], [iota + L * g2, lane]
                        )
                        rows_v[slot_r, pl.ds(L * g2, L)] = v
                    pltpu.async_copy(
                        rows_v.at[slot_r], out_hbm.at[jq], sem_out
                    )
                    return rr + 1

                r = lax.fori_loop(lo, hi, extract_body, r)
            return r

        n_it = (cpw + _DEPTH - 1) // _DEPTH
        r_total = lax.fori_loop(0, n_it, sweep_body, jnp.int32(0))

        def drain_body(q, _):
            pltpu.make_async_copy(
                rows_v.at[0], out_hbm.at[0], sem_out
            ).wait()
            return 0

        lax.fori_loop(0, jnp.minimum(r_total, _ROWS), drain_body, 0)

    return k


def kernel(indices, table):
    idx = indices.astype(jnp.int32)
    (B,) = idx.shape
    V, D = table.shape
    return _make_gather(V, D, B)(idx, table.T)

# --- scband reference (transcript-rebuilt; emitter-appended) ---
"""Pipeline reference for scband-embedding-layer-33002528703252 (READ-ONLY COPY).

The authoritative reference and input builder live on the scoring server;
editing this copy changes nothing except your own understanding.
"""

import jax, jax.numpy as jnp
import numpy as np

NUM_ENTITIES = 1000000
EMBED_DIM = 64
BATCH = 16384


def setup_inputs(seed: int = 0) -> dict:
    key = jax.random.key(seed)
    k_idx, k_tab = jax.random.split(key)
    indices = jax.random.randint(k_idx, (BATCH,), 0, NUM_ENTITIES, dtype=jnp.int64 if jax.config.jax_enable_x64 else jnp.int32)
    # Xavier uniform init for embedding table: limit = sqrt(6 / (fan_in + fan_out))
    limit = float(np.sqrt(6.0 / (NUM_ENTITIES + EMBED_DIM)))
    table = jax.random.uniform(k_tab, (NUM_ENTITIES, EMBED_DIM), dtype=jnp.float32, minval=-limit, maxval=limit)
    return {"indices": indices, "table": table}


def reference(indices, table):
    # Embedding lookup (gather). Dropout is identity in eval mode; layer_norm=False.
    x = jnp.take(table, indices, axis=0)
    return x

if __name__ == "__main__":
    import jax
    _d = setup_inputs()
    print(jax.jit(kernel)(*tuple(_d.values())))

</pallas_src>

<mosaic_0001>
#map = affine_map<(d0, d1) -> (0)>
#map1 = affine_map<(d0, d1) -> (0, 0)>
module attributes {stable_mosaic.version = 14 : i64} {
  func.func @k(%arg0: i32, %arg1: i32, %arg2: memref<16384xi32, #tpu.memory_space<hbm>>, %arg3: memref<64x1000000xf32, #tpu.memory_space<hbm>>, %arg4: memref<16384x64xf32, #tpu.memory_space<hbm>>, %arg5: memref<16384xi32, #tpu.memory_space<vmem>>, %arg6: memref<16400xi32, #tpu.memory_space<vmem>>, %arg7: memref<16400xi32, #tpu.memory_space<vmem>>, %arg8: memref<272xi32, #tpu.memory_space<vmem>>, %arg9: memref<272xi32, #tpu.memory_space<vmem>>, %arg10: memref<272xi32, #tpu.memory_space<vmem>>, %arg11: memref<272xi32, #tpu.memory_space<vmem>>, %arg12: memref<272xi32, #tpu.memory_space<vmem>>, %arg13: memref<272xi32, #tpu.memory_space<vmem>>, %arg14: memref<64x128xf32, #tpu.memory_space<vmem>>, %arg15: memref<64x128xf32, #tpu.memory_space<vmem>>, %arg16: memref<64x128xf32, #tpu.memory_space<vmem>>, %arg17: memref<64x128xf32, #tpu.memory_space<vmem>>, %arg18: memref<64x128xf32, #tpu.memory_space<vmem>>, %arg19: memref<64x128xf32, #tpu.memory_space<vmem>>, %arg20: memref<64x128xf32, #tpu.memory_space<vmem>>, %arg21: memref<64x128xf32, #tpu.memory_space<vmem>>, %arg22: memref<64x64xf32, #tpu.memory_space<vmem>>, %arg23: memref<!tpu.dma_semaphore, #tpu.memory_space<semaphore_mem>>, %arg24: memref<!tpu.dma_semaphore, #tpu.memory_space<semaphore_mem>>, %arg25: memref<!tpu.dma_semaphore, #tpu.memory_space<semaphore_mem>>, %arg26: memref<!tpu.dma_semaphore, #tpu.memory_space<semaphore_mem>>, %arg27: memref<!tpu.dma_semaphore, #tpu.memory_space<semaphore_mem>>, %arg28: memref<!tpu.dma_semaphore, #tpu.memory_space<semaphore_mem>>, %arg29: memref<!tpu.dma_semaphore, #tpu.memory_space<semaphore_mem>>, %arg30: memref<!tpu.dma_semaphore, #tpu.memory_space<semaphore_mem>>, %arg31: memref<!tpu.dma_semaphore, #tpu.memory_space<semaphore_mem>>) attributes {dimension_semantics = [#tpu.dimension_semantics<core_parallel>, #tpu.dimension_semantics<subcore_parallel>], iteration_bounds = array<i64: 2, 16>, scalar_prefetch = 0 : i64, scratch_operands = 27 : i64, tpu.core_type = #tpu.core_type<sc_vector_subcore>, window_params = [{transform_indices = #map}, {transform_indices = #map1}, {transform_indices = #map1}]} {
    %mul3A = arith.constant 2 : i32
    %mul3A_0 = arith.muli %arg1, %mul3A : i32
    %add3A = arith.addi %mul3A_0, %arg0 : i32
    %mul3A_1 = arith.constant 245 : i32
    %mul3A_2 = arith.muli %add3A, %mul3A_1 : i32
    %add3A_3 = arith.constant 245 : i32
    %add3A_4 = arith.addi %mul3A_2, %add3A_3 : i32
    %min3A = arith.constant 7813 : i32
    %min3A_5 = arith.minsi %add3A_4, %min3A : i32
    %sub3A = arith.subi %min3A_5, %mul3A_2 : i32
    %iota3A = tpu.iota {dimensions = array<i32: 0>} : vector<16xi32>
    %eq3A = arith.constant 0 : i32
    %eq3A_6 = vector.broadcast %eq3A : i32 to vector<16xi32>
    %eq3A_7 = arith.cmpi eq, %iota3A, %eq3A_6 : vector<16xi32>
    %broadcast_in_dim3A = arith.constant 0 : i32
    %broadcast_in_dim3A_8 = vector.broadcast %broadcast_in_dim3A : i32 to vector<16xi32>
    "tpu.region"() ({
      %run_scoped3A = tpu.sem_alloc : memref<!tpu.dma_semaphore, #tpu.memory_space<semaphore_mem>>
      tpu.enqueue_dma source(%arg2 : memref<16384xi32, #tpu.memory_space<hbm>>) target(%arg5 : memref<16384xi32, #tpu.memory_space<vmem>>) target_semaphore(%run_scoped3A : memref<!tpu.dma_semaphore, #tpu.memory_space<semaphore_mem>>)
      tpu.wait_dma2 semaphore(%run_scoped3A : memref<!tpu.dma_semaphore, #tpu.memory_space<semaphore_mem>>) src(%arg2 : memref<16384xi32, #tpu.memory_space<hbm>>) dst(%arg5 : memref<16384xi32, #tpu.memory_space<vmem>>)
      tpu.yield
    }) : () -> ()
    %scan3A = arith.constant 0 : i32
    %scan3A_9 = arith.constant 0 : i32
    %scan3A_10 = arith.constant 1024 : i32
    %scan3A_11 = arith.addi %scan3A_9, %scan3A_10 : i32
    %scan3A_12 = arith.constant 4 : i32
    %scan3A_13 = scf.for %scan3A_762 = %scan3A_9 to %scan3A_11 step %scan3A_12 iter_args(%scan3A_763 = %scan3A) -> (i32)  : i32 {
      %mul3A_764 = arith.constant 16 : i32
      %mul3A_765 = arith.muli %scan3A_762, %mul3A_764 : i32
      %get3A_766 = arith.index_cast %mul3A_765 : i32 to index
      %get3A_767 = tpu.vector_load %arg5[%get3A_766] {strides = array<i32>} : memref<16384xi32, #tpu.memory_space<vmem>>, vector<16xi32>,
      %shift_right_arithmetic3A = arith.constant 7 : i32
      %shift_right_arithmetic3A_768 = vector.broadcast %shift_right_arithmetic3A : i32 to vector<16xi32>
      %shift_right_arithmetic3A_769 = arith.shrsi %get3A_767, %shift_right_arithmetic3A_768 : vector<16xi32>
      %ge3A = vector.broadcast %mul3A_2 : i32 to vector<16xi32>
      %ge3A_770 = arith.cmpi sge, %shift_right_arithmetic3A_769, %ge3A : vector<16xi32>
      %lt3A = vector.broadcast %min3A_5 : i32 to vector<16xi32>
      %lt3A_771 = arith.cmpi slt, %shift_right_arithmetic3A_769, %lt3A : vector<16xi32>
      %and3A = arith.andi %ge3A_770, %lt3A_771 : vector<16xi1>
      %sub3A_772 = vector.broadcast %mul3A_2 : i32 to vector<16xi32>
      %sub3A_773 = arith.subi %shift_right_arithmetic3A_769, %sub3A_772 : vector<16xi32>
      %shift_left3A = arith.constant 21 : i32
      %shift_left3A_774 = vector.broadcast %shift_left3A : i32 to vector<16xi32>
      %shift_left3A_775 = arith.shli %sub3A_773, %shift_left3A_774 : vector<16xi32>
      %mul3A_776 = arith.constant 16 : i32
      %mul3A_777 = arith.muli %scan3A_762, %mul3A_776 : i32
      %add3A_778 = vector.broadcast %mul3A_777 : i32 to vector<16xi32>
      %add3A_779 = arith.addi %add3A_778, %iota3A : vector<16xi32>
      %shift_left3A_780 = arith.constant 7 : i32
      %shift_left3A_781 = vector.broadcast %shift_left3A_780 : i32 to vector<16xi32>
      %shift_left3A_782 = arith.shli %add3A_779, %shift_left3A_781 : vector<16xi32>
      %or3A = arith.ori %shift_left3A_775, %shift_left3A_782 : vector<16xi32>
      %and3A_783 = arith.constant 127 : i32
      %and3A_784 = vector.broadcast %and3A_783 : i32 to vector<16xi32>
      %and3A_785 = arith.andi %get3A_767, %and3A_784 : vector<16xi32>
      %or3A_786 = arith.ori %or3A, %and3A_785 : vector<16xi32>
      %swap3A_787 = arith.index_cast %scan3A_763 : i32 to index
      %swap3A_788 = tpu.vector_load %arg6[%swap3A_787] masked %and3A {strides = array<i32>} : memref<16400xi32, #tpu.memory_space<vmem>>, vector<16xi32>, vector<16xi1>
      tpu.vector_store %arg6[%swap3A_787], %or3A_786 masked %and3A {strides = array<i32>} : memref<16400xi32, #tpu.memory_space<vmem>>, vector<16xi32>, vector<16xi1>
      %all_reduce_population_count3A_789 = tpu.all_reduce %and3A {dim = 0 : i64, kind = #tpu.reduction_kind<sum>} : vector<16xi1> -> vector<16xi32>
      %slice3A_790 = vector.extract_strided_slice %all_reduce_population_count3A_789 {offsets = [0], sizes = [1], strides = [1]} : vector<16xi32> to vector<1xi32>
      %squeeze3A_791 = vector.extract %slice3A_790[0] : i32 from vector<1xi32>
      %add3A_792 = arith.addi %scan3A_763, %squeeze3A_791 : i32
      %scan3A_793 = arith.constant 1 : i32
      %scan3A_794 = arith.addi %scan3A_762, %scan3A_793 : i32
      %mul3A_795 = arith.constant 16 : i32
      %mul3A_796 = arith.muli %scan3A_794, %mul3A_795 : i32
      %get3A_797 = arith.index_cast %mul3A_796 : i32 to index
      %get3A_798 = tpu.vector_load %arg5[%get3A_797] {strides = array<i32>} : memref<16384xi32, #tpu.memory_space<vmem>>, vector<16xi32>,
      %shift_right_arithmetic3A_799 = arith.constant 7 : i32
      %shift_right_arithmetic3A_800 = vector.broadcast %shift_right_arithmetic3A_799 : i32 to vector<16xi32>
      %shift_right_arithmetic3A_801 = arith.shrsi %get3A_798, %shift_right_arithmetic3A_800 : vector<16xi32>
      %ge3A_802 = vector.broadcast %mul3A_2 : i32 to vector<16xi32>
      %ge3A_803 = arith.cmpi sge, %shift_right_arithmetic3A_801, %ge3A_802 : vector<16xi32>
      %lt3A_804 = vector.broadcast %min3A_5 : i32 to vector<16xi32>
      %lt3A_805 = arith.cmpi slt, %shift_right_arithmetic3A_801, %lt3A_804 : vector<16xi32>
      %and3A_806 = arith.andi %ge3A_803, %lt3A_805 : vector<16xi1>
      %sub3A_807 = vector.broadcast %mul3A_2 : i32 to vector<16xi32>
      %sub3A_808 = arith.subi %shift_right_arithmetic3A_801, %sub3A_807 : vector<16xi32>
      %shift_left3A_809 = arith.constant 21 : i32
      %shift_left3A_810 = vector.broadcast %shift_left3A_809 : i32 to vector<16xi32>
      %shift_left3A_811 = arith.shli %sub3A_808, %shift_left3A_810 : vector<16xi32>
      %mul3A_812 = arith.constant 16 : i32
      %mul3A_813 = arith.muli %scan3A_794, %mul3A_812 : i32
      %add3A_814 = vector.broadcast %mul3A_813 : i32 to vector<16xi32>
      %add3A_815 = arith.addi %add3A_814, %iota3A : vector<16xi32>
      %shift_left3A_816 = arith.constant 7 : i32
      %shift_left3A_817 = vector.broadcast %shift_left3A_816 : i32 to vector<16xi32>
      %shift_left3A_818 = arith.shli %add3A_815, %shift_left3A_817 : vector<16xi32>
      %or3A_819 = arith.ori %shift_left3A_811, %shift_left3A_818 : vector<16xi32>
      %and3A_820 = arith.constant 127 : i32
      %and3A_821 = vector.broadcast %and3A_820 : i32 to vector<16xi32>
      %and3A_822 = arith.andi %get3A_798, %and3A_821 : vector<16xi32>
      %or3A_823 = arith.ori %or3A_819, %and3A_822 : vector<16xi32>
      %swap3A_824 = arith.index_cast %add3A_792 : i32 to index
      %swap3A_825 = tpu.vector_load %arg6[%swap3A_824] masked %and3A_806 {strides = array<i32>} : memref<16400xi32, #tpu.memory_space<vmem>>, vector<16xi32>, vector<16xi1>
      tpu.vector_store %arg6[%swap3A_824], %or3A_823 masked %and3A_806 {strides = array<i32>} : memref<16400xi32, #tpu.memory_space<vmem>>, vector<16xi32>, vector<16xi1>
      %all_reduce_population_count3A_826 = tpu.all_reduce %and3A_806 {dim = 0 : i64, kind = #tpu.reduction_kind<sum>} : vector<16xi1> -> vector<16xi32>
      %slice3A_827 = vector.extract_strided_slice %all_reduce_population_count3A_826 {offsets = [0], sizes = [1], strides = [1]} : vector<16xi32> to vector<1xi32>
      %squeeze3A_828 = vector.extract %slice3A_827[0] : i32 from vector<1xi32>
      %add3A_829 = arith.addi %add3A_792, %squeeze3A_828 : i32
      %scan3A_830 = arith.constant 2 : i32
      %scan3A_831 = arith.addi %scan3A_762, %scan3A_830 : i32
      %mul3A_832 = arith.constant 16 : i32
      %mul3A_833 = arith.muli %scan3A_831, %mul3A_832 : i32
      %get3A_834 = arith.index_cast %mul3A_833 : i32 to index
      %get3A_835 = tpu.vector_load %arg5[%get3A_834] {strides = array<i32>} : memref<16384xi32, #tpu.memory_space<vmem>>, vector<16xi32>,
      %shift_right_arithmetic3A_836 = arith.constant 7 : i32
      %shift_right_arithmetic3A_837 = vector.broadcast %shift_right_arithmetic3A_836 : i32 to vector<16xi32>
      %shift_right_arithmetic3A_838 = arith.shrsi %get3A_835, %shift_right_arithmetic3A_837 : vector<16xi32>
      %ge3A_839 = vector.broadcast %mul3A_2 : i32 to vector<16xi32>
      %ge3A_840 = arith.cmpi sge, %shift_right_arithmetic3A_838, %ge3A_839 : vector<16xi32>
      %lt3A_841 = vector.broadcast %min3A_5 : i32 to vector<16xi32>
      %lt3A_842 = arith.cmpi slt, %shift_right_arithmetic3A_838, %lt3A_841 : vector<16xi32>
      %and3A_843 = arith.andi %ge3A_840, %lt3A_842 : vector<16xi1>
      %sub3A_844 = vector.broadcast %mul3A_2 : i32 to vector<16xi32>
      %sub3A_845 = arith.subi %shift_right_arithmetic3A_838, %sub3A_844 : vector<16xi32>
      %shift_left3A_846 = arith.constant 21 : i32
      %shift_left3A_847 = vector.broadcast %shift_left3A_846 : i32 to vector<16xi32>
      %shift_left3A_848 = arith.shli %sub3A_845, %shift_left3A_847 : vector<16xi32>
      %mul3A_849 = arith.constant 16 : i32
      %mul3A_850 = arith.muli %scan3A_831, %mul3A_849 : i32
      %add3A_851 = vector.broadcast %mul3A_850 : i32 to vector<16xi32>
      %add3A_852 = arith.addi %add3A_851, %iota3A : vector<16xi32>
      %shift_left3A_853 = arith.constant 7 : i32
      %shift_left3A_854 = vector.broadcast %shift_left3A_853 : i32 to vector<16xi32>
      %shift_left3A_855 = arith.shli %add3A_852, %shift_left3A_854 : vector<16xi32>
      %or3A_856 = arith.ori %shift_left3A_848, %shift_left3A_855 : vector<16xi32>
      %and3A_857 = arith.constant 127 : i32
      %and3A_858 = vector.broadcast %and3A_857 : i32 to vector<16xi32>
      %and3A_859 = arith.andi %get3A_835, %and3A_858 : vector<16xi32>
      %or3A_860 = arith.ori %or3A_856, %and3A_859 : vector<16xi32>
      %swap3A_861 = arith.index_cast %add3A_829 : i32 to index
      %swap3A_862 = tpu.vector_load %arg6[%swap3A_861] masked %and3A_843 {strides = array<i32>} : memref<16400xi32, #tpu.memory_space<vmem>>, vector<16xi32>, vector<16xi1>
      tpu.vector_store %arg6[%swap3A_861], %or3A_860 masked %and3A_843 {strides = array<i32>} : memref<16400xi32, #tpu.memory_space<vmem>>, vector<16xi32>, vector<16xi1>
      %all_reduce_population_count3A_863 = tpu.all_reduce %and3A_843 {dim = 0 : i64, kind = #tpu.reduction_kind<sum>} : vector<16xi1> -> vector<16xi32>
      %slice3A_864 = vector.extract_strided_slice %all_reduce_population_count3A_863 {offsets = [0], sizes = [1], strides = [1]} : vector<16xi32> to vector<1xi32>
      %squeeze3A_865 = vector.extract %slice3A_864[0] : i32 from vector<1xi32>
      %add3A_866 = arith.addi %add3A_829, %squeeze3A_865 : i32
      %scan3A_867 = arith.constant 3 : i32
      %scan3A_868 = arith.addi %scan3A_762, %scan3A_867 : i32
      %mul3A_869 = arith.constant 16 : i32
      %mul3A_870 = arith.muli %scan3A_868, %mul3A_869 : i32
      %get3A_871 = arith.index_cast %mul3A_870 : i32 to index
      %get3A_872 = tpu.vector_load %arg5[%get3A_871] {strides = array<i32>} : memref<16384xi32, #tpu.memory_space<vmem>>, vector<16xi32>,
      %shift_right_arithmetic3A_873 = arith.constant 7 : i32
      %shift_right_arithmetic3A_874 = vector.broadcast %shift_right_arithmetic3A_873 : i32 to vector<16xi32>
      %shift_right_arithmetic3A_875 = arith.shrsi %get3A_872, %shift_right_arithmetic3A_874 : vector<16xi32>
      %ge3A_876 = vector.broadcast %mul3A_2 : i32 to vector<16xi32>
      %ge3A_877 = arith.cmpi sge, %shift_right_arithmetic3A_875, %ge3A_876 : vector<16xi32>
      %lt3A_878 = vector.broadcast %min3A_5 : i32 to vector<16xi32>
      %lt3A_879 = arith.cmpi slt, %shift_right_arithmetic3A_875, %lt3A_878 : vector<16xi32>
      %and3A_880 = arith.andi %ge3A_877, %lt3A_879 : vector<16xi1>
      %sub3A_881 = vector.broadcast %mul3A_2 : i32 to vector<16xi32>
      %sub3A_882 = arith.subi %shift_right_arithmetic3A_875, %sub3A_881 : vector<16xi32>
      %shift_left3A_883 = arith.constant 21 : i32
      %shift_left3A_884 = vector.broadcast %shift_left3A_883 : i32 to vector<16xi32>
      %shift_left3A_885 = arith.shli %sub3A_882, %shift_left3A_884 : vector<16xi32>
      %mul3A_886 = arith.constant 16 : i32
      %mul3A_887 = arith.muli %scan3A_868, %mul3A_886 : i32
      %add3A_888 = vector.broadcast %mul3A_887 : i32 to vector<16xi32>
      %add3A_889 = arith.addi %add3A_888, %iota3A : vector<16xi32>
      %shift_left3A_890 = arith.constant 7 : i32
      %shift_left3A_891 = vector.broadcast %shift_left3A_890 : i32 to vector<16xi32>
      %shift_left3A_892 = arith.shli %add3A_889, %shift_left3A_891 : vector<16xi32>
      %or3A_893 = arith.ori %shift_left3A_885, %shift_left3A_892 : vector<16xi32>
      %and3A_894 = arith.constant 127 : i32
      %and3A_895 = vector.broadcast %and3A_894 : i32 to vector<16xi32>
      %and3A_896 = arith.andi %get3A_872, %and3A_895 : vector<16xi32>
      %or3A_897 = arith.ori %or3A_893, %and3A_896 : vector<16xi32>
      %swap3A_898 = arith.index_cast %add3A_866 : i32 to index
      %swap3A_899 = tpu.vector_load %arg6[%swap3A_898] masked %and3A_880 {strides = array<i32>} : memref<16400xi32, #tpu.memory_space<vmem>>, vector<16xi32>, vector<16xi1>
      tpu.vector_store %arg6[%swap3A_898], %or3A_897 masked %and3A_880 {strides = array<i32>} : memref<16400xi32, #tpu.memory_space<vmem>>, vector<16xi32>, vector<16xi1>
      %all_reduce_population_count3A_900 = tpu.all_reduce %and3A_880 {dim = 0 : i64, kind = #tpu.reduction_kind<sum>} : vector<16xi1> -> vector<16xi32>
      %slice3A_901 = vector.extract_strided_slice %all_reduce_population_count3A_900 {offsets = [0], sizes = [1], strides = [1]} : vector<16xi32> to vector<1xi32>
      %squeeze3A_902 = vector.extract %slice3A_901[0] : i32 from vector<1xi32>
      %add3A_903 = arith.addi %add3A_866, %squeeze3A_902 : i32
      scf.yield %add3A_903 : i32
    }
    %scan3A_14 = arith.constant 1024 : i32
    %swap3A = arith.constant 0 : index
    %swap3A_15 = tpu.vector_load %arg8[%swap3A] {strides = array<i32>} : memref<272xi32, #tpu.memory_space<vmem>>, vector<16xi32>,
    tpu.vector_store %arg8[%swap3A], %broadcast_in_dim3A_8 {strides = array<i32>} : memref<272xi32, #tpu.memory_space<vmem>>, vector<16xi32>,
    %swap3A_16 = arith.constant 16 : index
    %swap3A_17 = tpu.vector_load %arg8[%swap3A_16] {strides = array<i32>} : memref<272xi32, #tpu.memory_space<vmem>>, vector<16xi32>,
    tpu.vector_store %arg8[%swap3A_16], %broadcast_in_dim3A_8 {strides = array<i32>} : memref<272xi32, #tpu.memory_space<vmem>>, vector<16xi32>,
    %swap3A_18 = arith.constant 32 : index
    %swap3A_19 = tpu.vector_load %arg8[%swap3A_18] {strides = array<i32>} : memref<272xi32, #tpu.memory_space<vmem>>, vector<16xi32>,
    tpu.vector_store %arg8[%swap3A_18], %broadcast_in_dim3A_8 {strides = array<i32>} : memref<272xi32, #tpu.memory_space<vmem>>, vector<16xi32>,
    %swap3A_20 = arith.constant 48 : index
    %swap3A_21 = tpu.vector_load %arg8[%swap3A_20] {strides = array<i32>} : memref<272xi32, #tpu.memory_space<vmem>>, vector<16xi32>,
    tpu.vector_store %arg8[%swap3A_20], %broadcast_in_dim3A_8 {strides = array<i32>} : memref<272xi32, #tpu.memory_space<vmem>>, vector<16xi32>,
    %swap3A_22 = arith.constant 64 : index
    %swap3A_23 = tpu.vector_load %arg8[%swap3A_22] {strides = array<i32>} : memref<272xi32, #tpu.memory_space<vmem>>, vector<16xi32>,
    tpu.vector_store %arg8[%swap3A_22], %broadcast_in_dim3A_8 {strides = array<i32>} : memref<272xi32, #tpu.memory_space<vmem>>, vector<16xi32>,
    %swap3A_24 = arith.constant 80 : index
    %swap3A_25 = tpu.vector_load %arg8[%swap3A_24] {strides = array<i32>} : memref<272xi32, #tpu.memory_space<vmem>>, vector<16xi32>,
    tpu.vector_store %arg8[%swap3A_24], %broadcast_in_dim3A_8 {strides = array<i32>} : memref<272xi32, #tpu.memory_space<vmem>>, vector<16xi32>,
    %swap3A_26 = arith.constant 96 : index
    %swap3A_27 = tpu.vector_load %arg8[%swap3A_26] {strides = array<i32>} : memref<272xi32, #tpu.memory_space<vmem>>, vector<16xi32>,
    tpu.vector_store %arg8[%swap3A_26], %broadcast_in_dim3A_8 {strides = array<i32>} : memref<272xi32, #tpu.memory_space<vmem>>, vector<16xi32>,
    %swap3A_28 = arith.constant 112 : index
    %swap3A_29 = tpu.vector_load %arg8[%swap3A_28] {strides = array<i32>} : memref<272xi32, #tpu.memory_space<vmem>>, vector<16xi32>,
    tpu.vector_store %arg8[%swap3A_28], %broadcast_in_dim3A_8 {strides = array<i32>} : memref<272xi32, #tpu.memory_space<vmem>>, vector<16xi32>,
    %swap3A_30 = arith.constant 128 : index
    %swap3A_31 = tpu.vector_load %arg8[%swap3A_30] {strides = array<i32>} : memref<272xi32, #tpu.memory_space<vmem>>, vector<16xi32>,
    tpu.vector_store %arg8[%swap3A_30], %broadcast_in_dim3A_8 {strides = array<i32>} : memref<272xi32, #tpu.memory_space<vmem>>, vector<16xi32>,
    %swap3A_32 = arith.constant 144 : index
    %swap3A_33 = tpu.vector_load %arg8[%swap3A_32] {strides = array<i32>} : memref<272xi32, #tpu.memory_space<vmem>>, vector<16xi32>,
    tpu.vector_store %arg8[%swap3A_32], %broadcast_in_dim3A_8 {strides = array<i32>} : memref<272xi32, #tpu.memory_space<vmem>>, vector<16xi32>,
    %swap3A_34 = arith.constant 160 : index
    %swap3A_35 = tpu.vector_load %arg8[%swap3A_34] {strides = array<i32>} : memref<272xi32, #tpu.memory_space<vmem>>, vector<16xi32>,
    tpu.vector_store %arg8[%swap3A_34], %broadcast_in_dim3A_8 {strides = array<i32>} : memref<272xi32, #tpu.memory_space<vmem>>, vector<16xi32>,
    %swap3A_36 = arith.constant 176 : index
    %swap3A_37 = tpu.vector_load %arg8[%swap3A_36] {strides = array<i32>} : memref<272xi32, #tpu.memory_space<vmem>>, vector<16xi32>,
    tpu.vector_store %arg8[%swap3A_36], %broadcast_in_dim3A_8 {strides = array<i32>} : memref<272xi32, #tpu.memory_space<vmem>>, vector<16xi32>,
    %swap3A_38 = arith.constant 192 : index
    %swap3A_39 = tpu.vector_load %arg8[%swap3A_38] {strides = array<i32>} : memref<272xi32, #tpu.memory_space<vmem>>, vector<16xi32>,
    tpu.vector_store %arg8[%swap3A_38], %broadcast_in_dim3A_8 {strides = array<i32>} : memref<272xi32, #tpu.memory_space<vmem>>, vector<16xi32>,
    %swap3A_40 = arith.constant 208 : index
    %swap3A_41 = tpu.vector_load %arg8[%swap3A_40] {strides = array<i32>} : memref<272xi32, #tpu.memory_space<vmem>>, vector<16xi32>,
    tpu.vector_store %arg8[%swap3A_40], %broadcast_in_dim3A_8 {strides = array<i32>} : memref<272xi32, #tpu.memory_space<vmem>>, vector<16xi32>,
    %swap3A_42 = arith.constant 224 : index
    %swap3A_43 = tpu.vector_load %arg8[%swap3A_42] {strides = array<i32>} : memref<272xi32, #tpu.memory_space<vmem>>, vector<16xi32>,
    tpu.vector_store %arg8[%swap3A_42], %broadcast_in_dim3A_8 {strides = array<i32>} : memref<272xi32, #tpu.memory_space<vmem>>, vector<16xi32>,
    %swap3A_44 = arith.constant 240 : index
    %swap3A_45 = tpu.vector_load %arg8[%swap3A_44] {strides = array<i32>} : memref<272xi32, #tpu.memory_space<vmem>>, vector<16xi32>,
    tpu.vector_store %arg8[%swap3A_44], %broadcast_in_dim3A_8 {strides = array<i32>} : memref<272xi32, #tpu.memory_space<vmem>>, vector<16xi32>,
    %while3A = arith.constant 0 : i32
    %while3A_46 = arith.constant 0 : i32
    %while3A_47 = arith.subi %scan3A_13, %while3A : i32
    %while3A_48 = arith.addi %while3A, %while3A_47 : i32
    %while3A_49 = arith.constant 1 : i32
    %while3A_50 = arith.divsi %while3A_47, %while3A_49 : i32
    %while3A_51 = arith.muli %while3A_50, %while3A_49 : i32
    %while3A_52 = arith.addi %while3A, %while3A_51 : i32
    %while3A_53 = arith.constant 1 : i32
    %while3A_54 = scf.for %while3A_762 = %while3A to %while3A_52 step %while3A_53 iter_args(%while3A_763 = %while3A_46) -> (i32)  : i32 {
      %get3A_764 = arith.index_cast %while3A_762 : i32 to index
      %get3A_765 = tpu.vector_load %arg6[%get3A_764] {strides = array<i32>} : memref<16400xi32, #tpu.memory_space<vmem>>, vector<16xi32>,
      %slice3A_766 = vector.extract_strided_slice %get3A_765 {offsets = [0], sizes = [1], strides = [1]} : vector<16xi32> to vector<1xi32>
      %squeeze3A_767 = vector.extract %slice3A_766[0] : i32 from vector<1xi32>
      %shift_right_arithmetic3A = arith.constant 21 : i32
      %shift_right_arithmetic3A_768 = arith.shrsi %squeeze3A_767, %shift_right_arithmetic3A : i32
      %get3A_769 = arith.index_cast %shift_right_arithmetic3A_768 : i32 to index
      %get3A_770 = tpu.vector_load %arg8[%get3A_769] {strides = array<i32>} : memref<272xi32, #tpu.memory_space<vmem>>, vector<16xi32>,
      %add3A_771 = arith.constant 1 : i32
      %add3A_772 = vector.broadcast %add3A_771 : i32 to vector<16xi32>
      %add3A_773 = arith.addi %get3A_770, %add3A_772 : vector<16xi32>
      %swap3A_774 = arith.index_cast %shift_right_arithmetic3A_768 : i32 to index
      %swap3A_775 = tpu.vector_load %arg8[%swap3A_774] masked %eq3A_7 {strides = array<i32>} : memref<272xi32, #tpu.memory_space<vmem>>, vector<16xi32>, vector<16xi1>
      tpu.vector_store %arg8[%swap3A_774], %add3A_773 masked %eq3A_7 {strides = array<i32>} : memref<272xi32, #tpu.memory_space<vmem>>, vector<16xi32>, vector<16xi1>
      %while3A_776 = arith.constant 0 : i32
      scf.yield %while3A_776 : i32
    }
    %while3A_55 = arith.constant 1 : i32
    %while3A_56 = scf.for %while3A_762 = %while3A_52 to %while3A_48 step %while3A_55 iter_args(%while3A_763 = %while3A_54) -> (i32)  : i32 {
      %get3A_764 = arith.index_cast %while3A_762 : i32 to index
      %get3A_765 = tpu.vector_load %arg6[%get3A_764] {strides = array<i32>} : memref<16400xi32, #tpu.memory_space<vmem>>, vector<16xi32>,
      %slice3A_766 = vector.extract_strided_slice %get3A_765 {offsets = [0], sizes = [1], strides = [1]} : vector<16xi32> to vector<1xi32>
      %squeeze3A_767 = vector.extract %slice3A_766[0] : i32 from vector<1xi32>
      %shift_right_arithmetic3A = arith.constant 21 : i32
      %shift_right_arithmetic3A_768 = arith.shrsi %squeeze3A_767, %shift_right_arithmetic3A : i32
      %get3A_769 = arith.index_cast %shift_right_arithmetic3A_768 : i32 to index
      %get3A_770 = tpu.vector_load %arg8[%get3A_769] {strides = array<i32>} : memref<272xi32, #tpu.memory_space<vmem>>, vector<16xi32>,
      %add3A_771 = arith.constant 1 : i32
      %add3A_772 = vector.broadcast %add3A_771 : i32 to vector<16xi32>
      %add3A_773 = arith.addi %get3A_770, %add3A_772 : vector<16xi32>
      %swap3A_774 = arith.index_cast %shift_right_arithmetic3A_768 : i32 to index
      %swap3A_775 = tpu.vector_load %arg8[%swap3A_774] masked %eq3A_7 {strides = array<i32>} : memref<272xi32, #tpu.memory_space<vmem>>, vector<16xi32>, vector<16xi1>
      tpu.vector_store %arg8[%swap3A_774], %add3A_773 masked %eq3A_7 {strides = array<i32>} : memref<272xi32, #tpu.memory_space<vmem>>, vector<16xi32>, vector<16xi1>
      %while3A_776 = arith.constant 0 : i32
      scf.yield %while3A_776 : i32
    }
    %get3A = arith.constant 0 : index
    %get3A_57 = tpu.vector_load %arg8[%get3A] {strides = array<i32>} : memref<272xi32, #tpu.memory_space<vmem>>, vector<16xi32>,
    %broadcast_in_dim3A_58 = arith.constant true
    %broadcast_in_dim3A_59 = vector.broadcast %broadcast_in_dim3A_58 : i1 to vector<16xi1>
    %masked_cumsum3A = tpu.scan <sum>, %get3A_57 masked %broadcast_in_dim3A_59 : vector<16xi32>, vector<16xi1> -> vector<16xi32>
    %sub3A_60 = arith.subi %masked_cumsum3A, %get3A_57 : vector<16xi32>
    %add3A_61 = arith.constant 0 : i32
    %add3A_62 = vector.broadcast %add3A_61 : i32 to vector<16xi32>
    %add3A_63 = arith.addi %sub3A_60, %add3A_62 : vector<16xi32>
    %swap3A_64 = arith.constant 0 : index
    %swap3A_65 = tpu.vector_load %arg9[%swap3A_64] {strides = array<i32>} : memref<272xi32, #tpu.memory_space<vmem>>, vector<16xi32>,
    tpu.vector_store %arg9[%swap3A_64], %add3A_63 {strides = array<i32>} : memref<272xi32, #tpu.memory_space<vmem>>, vector<16xi32>,
    %swap3A_66 = arith.constant 0 : index
    %swap3A_67 = tpu.vector_load %arg10[%swap3A_66] {strides = array<i32>} : memref<272xi32, #tpu.memory_space<vmem>>, vector<16xi32>,
    tpu.vector_store %arg10[%swap3A_66], %add3A_63 {strides = array<i32>} : memref<272xi32, #tpu.memory_space<vmem>>, vector<16xi32>,
    %slice3A = vector.extract_strided_slice %add3A_63 {offsets = [15], sizes = [1], strides = [1]} : vector<16xi32> to vector<1xi32>
    %squeeze3A = vector.extract %slice3A[0] : i32 from vector<1xi32>
    %slice3A_68 = vector.extract_strided_slice %get3A_57 {offsets = [15], sizes = [1], strides = [1]} : vector<16xi32> to vector<1xi32>
    %squeeze3A_69 = vector.extract %slice3A_68[0] : i32 from vector<1xi32>
    %add3A_70 = arith.addi %squeeze3A, %squeeze3A_69 : i32
    %get3A_71 = arith.constant 16 : index
    %get3A_72 = tpu.vector_load %arg8[%get3A_71] {strides = array<i32>} : memref<272xi32, #tpu.memory_space<vmem>>, vector<16xi32>,
    %broadcast_in_dim3A_73 = arith.constant true
    %broadcast_in_dim3A_74 = vector.broadcast %broadcast_in_dim3A_73 : i1 to vector<16xi1>
    %masked_cumsum3A_75 = tpu.scan <sum>, %get3A_72 masked %broadcast_in_dim3A_74 : vector<16xi32>, vector<16xi1> -> vector<16xi32>
    %sub3A_76 = arith.subi %masked_cumsum3A_75, %get3A_72 : vector<16xi32>
    %add3A_77 = vector.broadcast %add3A_70 : i32 to vector<16xi32>
    %add3A_78 = arith.addi %sub3A_76, %add3A_77 : vector<16xi32>
    %swap3A_79 = arith.constant 16 : index
    %swap3A_80 = tpu.vector_load %arg9[%swap3A_79] {strides = array<i32>} : memref<272xi32, #tpu.memory_space<vmem>>, vector<16xi32>,
    tpu.vector_store %arg9[%swap3A_79], %add3A_78 {strides = array<i32>} : memref<272xi32, #tpu.memory_space<vmem>>, vector<16xi32>,
    %swap3A_81 = arith.constant 16 : index
    %swap3A_82 = tpu.vector_load %arg10[%swap3A_81] {strides = array<i32>} : memref<272xi32, #tpu.memory_space<vmem>>, vector<16xi32>,
    tpu.vector_store %arg10[%swap3A_81], %add3A_78 {strides = array<i32>} : memref<272xi32, #tpu.memory_space<vmem>>, vector<16xi32>,
    %slice3A_83 = vector.extract_strided_slice %add3A_78 {offsets = [15], sizes = [1], strides = [1]} : vector<16xi32> to vector<1xi32>
    %squeeze3A_84 = vector.extract %slice3A_83[0] : i32 from vector<1xi32>
    %slice3A_85 = vector.extract_strided_slice %get3A_72 {offsets = [15], sizes = [1], strides = [1]} : vector<16xi32> to vector<1xi32>
    %squeeze3A_86 = vector.extract %slice3A_85[0] : i32 from vector<1xi32>
    %add3A_87 = arith.addi %squeeze3A_84, %squeeze3A_86 : i32
    %get3A_88 = arith.constant 32 : index
    %get3A_89 = tpu.vector_load %arg8[%get3A_88] {strides = array<i32>} : memref<272xi32, #tpu.memory_space<vmem>>, vector<16xi32>,
    %broadcast_in_dim3A_90 = arith.constant true
    %broadcast_in_dim3A_91 = vector.broadcast %broadcast_in_dim3A_90 : i1 to vector<16xi1>
    %masked_cumsum3A_92 = tpu.scan <sum>, %get3A_89 masked %broadcast_in_dim3A_91 : vector<16xi32>, vector<16xi1> -> vector<16xi32>
    %sub3A_93 = arith.subi %masked_cumsum3A_92, %get3A_89 : vector<16xi32>
    %add3A_94 = vector.broadcast %add3A_87 : i32 to vector<16xi32>
    %add3A_95 = arith.addi %sub3A_93, %add3A_94 : vector<16xi32>
    %swap3A_96 = arith.constant 32 : index
    %swap3A_97 = tpu.vector_load %arg9[%swap3A_96] {strides = array<i32>} : memref<272xi32, #tpu.memory_space<vmem>>, vector<16xi32>,
    tpu.vector_store %arg9[%swap3A_96], %add3A_95 {strides = array<i32>} : memref<272xi32, #tpu.memory_space<vmem>>, vector<16xi32>,
    %swap3A_98 = arith.constant 32 : index
    %swap3A_99 = tpu.vector_load %arg10[%swap3A_98] {strides = array<i32>} : memref<272xi32, #tpu.memory_space<vmem>>, vector<16xi32>,
    tpu.vector_store %arg10[%swap3A_98], %add3A_95 {strides = array<i32>} : memref<272xi32, #tpu.memory_space<vmem>>, vector<16xi32>,
    %slice3A_100 = vector.extract_strided_slice %add3A_95 {offsets = [15], sizes = [1], strides = [1]} : vector<16xi32> to vector<1xi32>
    %squeeze3A_101 = vector.extract %slice3A_100[0] : i32 from vector<1xi32>
    %slice3A_102 = vector.extract_strided_slice %get3A_89 {offsets = [15], sizes = [1], strides = [1]} : vector<16xi32> to vector<1xi32>
    %squeeze3A_103 = vector.extract %slice3A_102[0] : i32 from vector<1xi32>
    %add3A_104 = arith.addi %squeeze3A_101, %squeeze3A_103 : i32
    %get3A_105 = arith.constant 48 : index
    %get3A_106 = tpu.vector_load %arg8[%get3A_105] {strides = array<i32>} : memref<272xi32, #tpu.memory_space<vmem>>, vector<16xi32>,
    %broadcast_in_dim3A_107 = arith.constant true
    %broadcast_in_dim3A_108 = vector.broadcast %broadcast_in_dim3A_107 : i1 to vector<16xi1>
    %masked_cumsum3A_109 = tpu.scan <sum>, %get3A_106 masked %broadcast_in_dim3A_108 : vector<16xi32>, vector<16xi1> -> vector<16xi32>
    %sub3A_110 = arith.subi %masked_cumsum3A_109, %get3A_106 : vector<16xi32>
    %add3A_111 = vector.broadcast %add3A_104 : i32 to vector<16xi32>
    %add3A_112 = arith.addi %sub3A_110, %add3A_111 : vector<16xi32>
    %swap3A_113 = arith.constant 48 : index
    %swap3A_114 = tpu.vector_load %arg9[%swap3A_113] {strides = array<i32>} : memref<272xi32, #tpu.memory_space<vmem>>, vector<16xi32>,
    tpu.vector_store %arg9[%swap3A_113], %add3A_112 {strides = array<i32>} : memref<272xi32, #tpu.memory_space<vmem>>, vector<16xi32>,
    %swap3A_115 = arith.constant 48 : index
    %swap3A_116 = tpu.vector_load %arg10[%swap3A_115] {strides = array<i32>} : memref<272xi32, #tpu.memory_space<vmem>>, vector<16xi32>,
    tpu.vector_store %arg10[%swap3A_115], %add3A_112 {strides = array<i32>} : memref<272xi32, #tpu.memory_space<vmem>>, vector<16xi32>,
    %slice3A_117 = vector.extract_strided_slice %add3A_112 {offsets = [15], sizes = [1], strides = [1]} : vector<16xi32> to vector<1xi32>
    %squeeze3A_118 = vector.extract %slice3A_117[0] : i32 from vector<1xi32>
    %slice3A_119 = vector.extract_strided_slice %get3A_106 {offsets = [15], sizes = [1], strides = [1]} : vector<16xi32> to vector<1xi32>
    %squeeze3A_120 = vector.extract %slice3A_119[0] : i32 from vector<1xi32>
    %add3A_121 = arith.addi %squeeze3A_118, %squeeze3A_120 : i32
    %get3A_122 = arith.constant 64 : index
    %get3A_123 = tpu.vector_load %arg8[%get3A_122] {strides = array<i32>} : memref<272xi32, #tpu.memory_space<vmem>>, vector<16xi32>,
    %broadcast_in_dim3A_124 = arith.constant true
    %broadcast_in_dim3A_125 = vector.broadcast %broadcast_in_dim3A_124 : i1 to vector<16xi1>
    %masked_cumsum3A_126 = tpu.scan <sum>, %get3A_123 masked %broadcast_in_dim3A_125 : vector<16xi32>, vector<16xi1> -> vector<16xi32>
    %sub3A_127 = arith.subi %masked_cumsum3A_126, %get3A_123 : vector<16xi32>
    %add3A_128 = vector.broadcast %add3A_121 : i32 to vector<16xi32>
    %add3A_129 = arith.addi %sub3A_127, %add3A_128 : vector<16xi32>
    %swap3A_130 = arith.constant 64 : index
    %swap3A_131 = tpu.vector_load %arg9[%swap3A_130] {strides = array<i32>} : memref<272xi32, #tpu.memory_space<vmem>>, vector<16xi32>,
    tpu.vector_store %arg9[%swap3A_130], %add3A_129 {strides = array<i32>} : memref<272xi32, #tpu.memory_space<vmem>>, vector<16xi32>,
    %swap3A_132 = arith.constant 64 : index
    %swap3A_133 = tpu.vector_load %arg10[%swap3A_132] {strides = array<i32>} : memref<272xi32, #tpu.memory_space<vmem>>, vector<16xi32>,
    tpu.vector_store %arg10[%swap3A_132], %add3A_129 {strides = array<i32>} : memref<272xi32, #tpu.memory_space<vmem>>, vector<16xi32>,
    %slice3A_134 = vector.extract_strided_slice %add3A_129 {offsets = [15], sizes = [1], strides = [1]} : vector<16xi32> to vector<1xi32>
    %squeeze3A_135 = vector.extract %slice3A_134[0] : i32 from vector<1xi32>
    %slice3A_136 = vector.extract_strided_slice %get3A_123 {offsets = [15], sizes = [1], strides = [1]} : vector<16xi32> to vector<1xi32>
    %squeeze3A_137 = vector.extract %slice3A_136[0] : i32 from vector<1xi32>
    %add3A_138 = arith.addi %squeeze3A_135, %squeeze3A_137 : i32
    %get3A_139 = arith.constant 80 : index
    %get3A_140 = tpu.vector_load %arg8[%get3A_139] {strides = array<i32>} : memref<272xi32, #tpu.memory_space<vmem>>, vector<16xi32>,
    %broadcast_in_dim3A_141 = arith.constant true
    %broadcast_in_dim3A_142 = vector.broadcast %broadcast_in_dim3A_141 : i1 to vector<16xi1>
    %masked_cumsum3A_143 = tpu.scan <sum>, %get3A_140 masked %broadcast_in_dim3A_142 : vector<16xi32>, vector<16xi1> -> vector<16xi32>
    %sub3A_144 = arith.subi %masked_cumsum3A_143, %get3A_140 : vector<16xi32>
    %add3A_145 = vector.broadcast %add3A_138 : i32 to vector<16xi32>
    %add3A_146 = arith.addi %sub3A_144, %add3A_145 : vector<16xi32>
    %swap3A_147 = arith.constant 80 : index
    %swap3A_148 = tpu.vector_load %arg9[%swap3A_147] {strides = array<i32>} : memref<272xi32, #tpu.memory_space<vmem>>, vector<16xi32>,
    tpu.vector_store %arg9[%swap3A_147], %add3A_146 {strides = array<i32>} : memref<272xi32, #tpu.memory_space<vmem>>, vector<16xi32>,
    %swap3A_149 = arith.constant 80 : index
    %swap3A_150 = tpu.vector_load %arg10[%swap3A_149] {strides = array<i32>} : memref<272xi32, #tpu.memory_space<vmem>>, vector<16xi32>,
    tpu.vector_store %arg10[%swap3A_149], %add3A_146 {strides = array<i32>} : memref<272xi32, #tpu.memory_space<vmem>>, vector<16xi32>,
    %slice3A_151 = vector.extract_strided_slice %add3A_146 {offsets = [15], sizes = [1], strides = [1]} : vector<16xi32> to vector<1xi32>
    %squeeze3A_152 = vector.extract %slice3A_151[0] : i32 from vector<1xi32>
    %slice3A_153 = vector.extract_strided_slice %get3A_140 {offsets = [15], sizes = [1], strides = [1]} : vector<16xi32> to vector<1xi32>
    %squeeze3A_154 = vector.extract %slice3A_153[0] : i32 from vector<1xi32>
    %add3A_155 = arith.addi %squeeze3A_152, %squeeze3A_154 : i32
    %get3A_156 = arith.constant 96 : index
    %get3A_157 = tpu.vector_load %arg8[%get3A_156] {strides = array<i32>} : memref<272xi32, #tpu.memory_space<vmem>>, vector<16xi32>,
    %broadcast_in_dim3A_158 = arith.constant true
    %broadcast_in_dim3A_159 = vector.broadcast %broadcast_in_dim3A_158 : i1 to vector<16xi1>
    %masked_cumsum3A_160 = tpu.scan <sum>, %get3A_157 masked %broadcast_in_dim3A_159 : vector<16xi32>, vector<16xi1> -> vector<16xi32>
    %sub3A_161 = arith.subi %masked_cumsum3A_160, %get3A_157 : vector<16xi32>
    %add3A_162 = vector.broadcast %add3A_155 : i32 to vector<16xi32>
    %add3A_163 = arith.addi %sub3A_161, %add3A_162 : vector<16xi32>
    %swap3A_164 = arith.constant 96 : index
    %swap3A_165 = tpu.vector_load %arg9[%swap3A_164] {strides = array<i32>} : memref<272xi32, #tpu.memory_space<vmem>>, vector<16xi32>,
    tpu.vector_store %arg9[%swap3A_164], %add3A_163 {strides = array<i32>} : memref<272xi32, #tpu.memory_space<vmem>>, vector<16xi32>,
    %swap3A_166 = arith.constant 96 : index
    %swap3A_167 = tpu.vector_load %arg10[%swap3A_166] {strides = array<i32>} : memref<272xi32, #tpu.memory_space<vmem>>, vector<16xi32>,
    tpu.vector_store %arg10[%swap3A_166], %add3A_163 {strides = array<i32>} : memref<272xi32, #tpu.memory_space<vmem>>, vector<16xi32>,
    %slice3A_168 = vector.extract_strided_slice %add3A_163 {offsets = [15], sizes = [1], strides = [1]} : vector<16xi32> to vector<1xi32>
    %squeeze3A_169 = vector.extract %slice3A_168[0] : i32 from vector<1xi32>
    %slice3A_170 = vector.extract_strided_slice %get3A_157 {offsets = [15], sizes = [1], strides = [1]} : vector<16xi32> to vector<1xi32>
    %squeeze3A_171 = vector.extract %slice3A_170[0] : i32 from vector<1xi32>
    %add3A_172 = arith.addi %squeeze3A_169, %squeeze3A_171 : i32
    %get3A_173 = arith.constant 112 : index
    %get3A_174 = tpu.vector_load %arg8[%get3A_173] {strides = array<i32>} : memref<272xi32, #tpu.memory_space<vmem>>, vector<16xi32>,
    %broadcast_in_dim3A_175 = arith.constant true
    %broadcast_in_dim3A_176 = vector.broadcast %broadcast_in_dim3A_175 : i1 to vector<16xi1>
    %masked_cumsum3A_177 = tpu.scan <sum>, %get3A_174 masked %broadcast_in_dim3A_176 : vector<16xi32>, vector<16xi1> -> vector<16xi32>
    %sub3A_178 = arith.subi %masked_cumsum3A_177, %get3A_174 : vector<16xi32>
    %add3A_179 = vector.broadcast %add3A_172 : i32 to vector<16xi32>
    %add3A_180 = arith.addi %sub3A_178, %add3A_179 : vector<16xi32>
    %swap3A_181 = arith.constant 112 : index
    %swap3A_182 = tpu.vector_load %arg9[%swap3A_181] {strides = array<i32>} : memref<272xi32, #tpu.memory_space<vmem>>, vector<16xi32>,
    tpu.vector_store %arg9[%swap3A_181], %add3A_180 {strides = array<i32>} : memref<272xi32, #tpu.memory_space<vmem>>, vector<16xi32>,
    %swap3A_183 = arith.constant 112 : index
    %swap3A_184 = tpu.vector_load %arg10[%swap3A_183] {strides = array<i32>} : memref<272xi32, #tpu.memory_space<vmem>>, vector<16xi32>,
    tpu.vector_store %arg10[%swap3A_183], %add3A_180 {strides = array<i32>} : memref<272xi32, #tpu.memory_space<vmem>>, vector<16xi32>,
    %slice3A_185 = vector.extract_strided_slice %add3A_180 {offsets = [15], sizes = [1], strides = [1]} : vector<16xi32> to vector<1xi32>
    %squeeze3A_186 = vector.extract %slice3A_185[0] : i32 from vector<1xi32>
    %slice3A_187 = vector.extract_strided_slice %get3A_174 {offsets = [15], sizes = [1], strides = [1]} : vector<16xi32> to vector<1xi32>
    %squeeze3A_188 = vector.extract %slice3A_187[0] : i32 from vector<1xi32>
    %add3A_189 = arith.addi %squeeze3A_186, %squeeze3A_188 : i32
    %get3A_190 = arith.constant 128 : index
    %get3A_191 = tpu.vector_load %arg8[%get3A_190] {strides = array<i32>} : memref<272xi32, #tpu.memory_space<vmem>>, vector<16xi32>,
    %broadcast_in_dim3A_192 = arith.constant true
    %broadcast_in_dim3A_193 = vector.broadcast %broadcast_in_dim3A_192 : i1 to vector<16xi1>
    %masked_cumsum3A_194 = tpu.scan <sum>, %get3A_191 masked %broadcast_in_dim3A_193 : vector<16xi32>, vector<16xi1> -> vector<16xi32>
    %sub3A_195 = arith.subi %masked_cumsum3A_194, %get3A_191 : vector<16xi32>
    %add3A_196 = vector.broadcast %add3A_189 : i32 to vector<16xi32>
    %add3A_197 = arith.addi %sub3A_195, %add3A_196 : vector<16xi32>
    %swap3A_198 = arith.constant 128 : index
    %swap3A_199 = tpu.vector_load %arg9[%swap3A_198] {strides = array<i32>} : memref<272xi32, #tpu.memory_space<vmem>>, vector<16xi32>,
    tpu.vector_store %arg9[%swap3A_198], %add3A_197 {strides = array<i32>} : memref<272xi32, #tpu.memory_space<vmem>>, vector<16xi32>,
    %swap3A_200 = arith.constant 128 : index
    %swap3A_201 = tpu.vector_load %arg10[%swap3A_200] {strides = array<i32>} : memref<272xi32, #tpu.memory_space<vmem>>, vector<16xi32>,
    tpu.vector_store %arg10[%swap3A_200], %add3A_197 {strides = array<i32>} : memref<272xi32, #tpu.memory_space<vmem>>, vector<16xi32>,
    %slice3A_202 = vector.extract_strided_slice %add3A_197 {offsets = [15], sizes = [1], strides = [1]} : vector<16xi32> to vector<1xi32>
    %squeeze3A_203 = vector.extract %slice3A_202[0] : i32 from vector<1xi32>
    %slice3A_204 = vector.extract_strided_slice %get3A_191 {offsets = [15], sizes = [1], strides = [1]} : vector<16xi32> to vector<1xi32>
    %squeeze3A_205 = vector.extract %slice3A_204[0] : i32 from vector<1xi32>
    %add3A_206 = arith.addi %squeeze3A_203, %squeeze3A_205 : i32
    %get3A_207 = arith.constant 144 : index
    %get3A_208 = tpu.vector_load %arg8[%get3A_207] {strides = array<i32>} : memref<272xi32, #tpu.memory_space<vmem>>, vector<16xi32>,
    %broadcast_in_dim3A_209 = arith.constant true
    %broadcast_in_dim3A_210 = vector.broadcast %broadcast_in_dim3A_209 : i1 to vector<16xi1>
    %masked_cumsum3A_211 = tpu.scan <sum>, %get3A_208 masked %broadcast_in_dim3A_210 : vector<16xi32>, vector<16xi1> -> vector<16xi32>
    %sub3A_212 = arith.subi %masked_cumsum3A_211, %get3A_208 : vector<16xi32>
    %add3A_213 = vector.broadcast %add3A_206 : i32 to vector<16xi32>
    %add3A_214 = arith.addi %sub3A_212, %add3A_213 : vector<16xi32>
    %swap3A_215 = arith.constant 144 : index
    %swap3A_216 = tpu.vector_load %arg9[%swap3A_215] {strides = array<i32>} : memref<272xi32, #tpu.memory_space<vmem>>, vector<16xi32>,
    tpu.vector_store %arg9[%swap3A_215], %add3A_214 {strides = array<i32>} : memref<272xi32, #tpu.memory_space<vmem>>, vector<16xi32>,
    %swap3A_217 = arith.constant 144 : index
    %swap3A_218 = tpu.vector_load %arg10[%swap3A_217] {strides = array<i32>} : memref<272xi32, #tpu.memory_space<vmem>>, vector<16xi32>,
    tpu.vector_store %arg10[%swap3A_217], %add3A_214 {strides = array<i32>} : memref<272xi32, #tpu.memory_space<vmem>>, vector<16xi32>,
    %slice3A_219 = vector.extract_strided_slice %add3A_214 {offsets = [15], sizes = [1], strides = [1]} : vector<16xi32> to vector<1xi32>
    %squeeze3A_220 = vector.extract %slice3A_219[0] : i32 from vector<1xi32>
    %slice3A_221 = vector.extract_strided_slice %get3A_208 {offsets = [15], sizes = [1], strides = [1]} : vector<16xi32> to vector<1xi32>
    %squeeze3A_222 = vector.extract %slice3A_221[0] : i32 from vector<1xi32>
    %add3A_223 = arith.addi %squeeze3A_220, %squeeze3A_222 : i32
    %get3A_224 = arith.constant 160 : index
    %get3A_225 = tpu.vector_load %arg8[%get3A_224] {strides = array<i32>} : memref<272xi32, #tpu.memory_space<vmem>>, vector<16xi32>,
    %broadcast_in_dim3A_226 = arith.constant true
    %broadcast_in_dim3A_227 = vector.broadcast %broadcast_in_dim3A_226 : i1 to vector<16xi1>
    %masked_cumsum3A_228 = tpu.scan <sum>, %get3A_225 masked %broadcast_in_dim3A_227 : vector<16xi32>, vector<16xi1> -> vector<16xi32>
    %sub3A_229 = arith.subi %masked_cumsum3A_228, %get3A_225 : vector<16xi32>
    %add3A_230 = vector.broadcast %add3A_223 : i32 to vector<16xi32>
    %add3A_231 = arith.addi %sub3A_229, %add3A_230 : vector<16xi32>
    %swap3A_232 = arith.constant 160 : index
    %swap3A_233 = tpu.vector_load %arg9[%swap3A_232] {strides = array<i32>} : memref<272xi32, #tpu.memory_space<vmem>>, vector<16xi32>,
    tpu.vector_store %arg9[%swap3A_232], %add3A_231 {strides = array<i32>} : memref<272xi32, #tpu.memory_space<vmem>>, vector<16xi32>,
    %swap3A_234 = arith.constant 160 : index
    %swap3A_235 = tpu.vector_load %arg10[%swap3A_234] {strides = array<i32>} : memref<272xi32, #tpu.memory_space<vmem>>, vector<16xi32>,
    tpu.vector_store %arg10[%swap3A_234], %add3A_231 {strides = array<i32>} : memref<272xi32, #tpu.memory_space<vmem>>, vector<16xi32>,
    %slice3A_236 = vector.extract_strided_slice %add3A_231 {offsets = [15], sizes = [1], strides = [1]} : vector<16xi32> to vector<1xi32>
    %squeeze3A_237 = vector.extract %slice3A_236[0] : i32 from vector<1xi32>
    %slice3A_238 = vector.extract_strided_slice %get3A_225 {offsets = [15], sizes = [1], strides = [1]} : vector<16xi32> to vector<1xi32>
    %squeeze3A_239 = vector.extract %slice3A_238[0] : i32 from vector<1xi32>
    %add3A_240 = arith.addi %squeeze3A_237, %squeeze3A_239 : i32
    %get3A_241 = arith.constant 176 : index
    %get3A_242 = tpu.vector_load %arg8[%get3A_241] {strides = array<i32>} : memref<272xi32, #tpu.memory_space<vmem>>, vector<16xi32>,
    %broadcast_in_dim3A_243 = arith.constant true
    %broadcast_in_dim3A_244 = vector.broadcast %broadcast_in_dim3A_243 : i1 to vector<16xi1>
    %masked_cumsum3A_245 = tpu.scan <sum>, %get3A_242 masked %broadcast_in_dim3A_244 : vector<16xi32>, vector<16xi1> -> vector<16xi32>
    %sub3A_246 = arith.subi %masked_cumsum3A_245, %get3A_242 : vector<16xi32>
    %add3A_247 = vector.broadcast %add3A_240 : i32 to vector<16xi32>
    %add3A_248 = arith.addi %sub3A_246, %add3A_247 : vector<16xi32>
    %swap3A_249 = arith.constant 176 : index
    %swap3A_250 = tpu.vector_load %arg9[%swap3A_249] {strides = array<i32>} : memref<272xi32, #tpu.memory_space<vmem>>, vector<16xi32>,
    tpu.vector_store %arg9[%swap3A_249], %add3A_248 {strides = array<i32>} : memref<272xi32, #tpu.memory_space<vmem>>, vector<16xi32>,
    %swap3A_251 = arith.constant 176 : index
    %swap3A_252 = tpu.vector_load %arg10[%swap3A_251] {strides = array<i32>} : memref<272xi32, #tpu.memory_space<vmem>>, vector<16xi32>,
    tpu.vector_store %arg10[%swap3A_251], %add3A_248 {strides = array<i32>} : memref<272xi32, #tpu.memory_space<vmem>>, vector<16xi32>,
    %slice3A_253 = vector.extract_strided_slice %add3A_248 {offsets = [15], sizes = [1], strides = [1]} : vector<16xi32> to vector<1xi32>
    %squeeze3A_254 = vector.extract %slice3A_253[0] : i32 from vector<1xi32>
    %slice3A_255 = vector.extract_strided_slice %get3A_242 {offsets = [15], sizes = [1], strides = [1]} : vector<16xi32> to vector<1xi32>
    %squeeze3A_256 = vector.extract %slice3A_255[0] : i32 from vector<1xi32>
    %add3A_257 = arith.addi %squeeze3A_254, %squeeze3A_256 : i32
    %get3A_258 = arith.constant 192 : index
    %get3A_259 = tpu.vector_load %arg8[%get3A_258] {strides = array<i32>} : memref<272xi32, #tpu.memory_space<vmem>>, vector<16xi32>,
    %broadcast_in_dim3A_260 = arith.constant true
    %broadcast_in_dim3A_261 = vector.broadcast %broadcast_in_dim3A_260 : i1 to vector<16xi1>
    %masked_cumsum3A_262 = tpu.scan <sum>, %get3A_259 masked %broadcast_in_dim3A_261 : vector<16xi32>, vector<16xi1> -> vector<16xi32>
    %sub3A_263 = arith.subi %masked_cumsum3A_262, %get3A_259 : vector<16xi32>
    %add3A_264 = vector.broadcast %add3A_257 : i32 to vector<16xi32>
    %add3A_265 = arith.addi %sub3A_263, %add3A_264 : vector<16xi32>
    %swap3A_266 = arith.constant 192 : index
    %swap3A_267 = tpu.vector_load %arg9[%swap3A_266] {strides = array<i32>} : memref<272xi32, #tpu.memory_space<vmem>>, vector<16xi32>,
    tpu.vector_store %arg9[%swap3A_266], %add3A_265 {strides = array<i32>} : memref<272xi32, #tpu.memory_space<vmem>>, vector<16xi32>,
    %swap3A_268 = arith.constant 192 : index
    %swap3A_269 = tpu.vector_load %arg10[%swap3A_268] {strides = array<i32>} : memref<272xi32, #tpu.memory_space<vmem>>, vector<16xi32>,
    tpu.vector_store %arg10[%swap3A_268], %add3A_265 {strides = array<i32>} : memref<272xi32, #tpu.memory_space<vmem>>, vector<16xi32>,
    %slice3A_270 = vector.extract_strided_slice %add3A_265 {offsets = [15], sizes = [1], strides = [1]} : vector<16xi32> to vector<1xi32>
    %squeeze3A_271 = vector.extract %slice3A_270[0] : i32 from vector<1xi32>
    %slice3A_272 = vector.extract_strided_slice %get3A_259 {offsets = [15], sizes = [1], strides = [1]} : vector<16xi32> to vector<1xi32>
    %squeeze3A_273 = vector.extract %slice3A_272[0] : i32 from vector<1xi32>
    %add3A_274 = arith.addi %squeeze3A_271, %squeeze3A_273 : i32
    %get3A_275 = arith.constant 208 : index
    %get3A_276 = tpu.vector_load %arg8[%get3A_275] {strides = array<i32>} : memref<272xi32, #tpu.memory_space<vmem>>, vector<16xi32>,
    %broadcast_in_dim3A_277 = arith.constant true
    %broadcast_in_dim3A_278 = vector.broadcast %broadcast_in_dim3A_277 : i1 to vector<16xi1>
    %masked_cumsum3A_279 = tpu.scan <sum>, %get3A_276 masked %broadcast_in_dim3A_278 : vector<16xi32>, vector<16xi1> -> vector<16xi32>
    %sub3A_280 = arith.subi %masked_cumsum3A_279, %get3A_276 : vector<16xi32>
    %add3A_281 = vector.broadcast %add3A_274 : i32 to vector<16xi32>
    %add3A_282 = arith.addi %sub3A_280, %add3A_281 : vector<16xi32>
    %swap3A_283 = arith.constant 208 : index
    %swap3A_284 = tpu.vector_load %arg9[%swap3A_283] {strides = array<i32>} : memref<272xi32, #tpu.memory_space<vmem>>, vector<16xi32>,
    tpu.vector_store %arg9[%swap3A_283], %add3A_282 {strides = array<i32>} : memref<272xi32, #tpu.memory_space<vmem>>, vector<16xi32>,
    %swap3A_285 = arith.constant 208 : index
    %swap3A_286 = tpu.vector_load %arg10[%swap3A_285] {strides = array<i32>} : memref<272xi32, #tpu.memory_space<vmem>>, vector<16xi32>,
    tpu.vector_store %arg10[%swap3A_285], %add3A_282 {strides = array<i32>} : memref<272xi32, #tpu.memory_space<vmem>>, vector<16xi32>,
    %slice3A_287 = vector.extract_strided_slice %add3A_282 {offsets = [15], sizes = [1], strides = [1]} : vector<16xi32> to vector<1xi32>
    %squeeze3A_288 = vector.extract %slice3A_287[0] : i32 from vector<1xi32>
    %slice3A_289 = vector.extract_strided_slice %get3A_276 {offsets = [15], sizes = [1], strides = [1]} : vector<16xi32> to vector<1xi32>
    %squeeze3A_290 = vector.extract %slice3A_289[0] : i32 from vector<1xi32>
    %add3A_291 = arith.addi %squeeze3A_288, %squeeze3A_290 : i32
    %get3A_292 = arith.constant 224 : index
    %get3A_293 = tpu.vector_load %arg8[%get3A_292] {strides = array<i32>} : memref<272xi32, #tpu.memory_space<vmem>>, vector<16xi32>,
    %broadcast_in_dim3A_294 = arith.constant true
    %broadcast_in_dim3A_295 = vector.broadcast %broadcast_in_dim3A_294 : i1 to vector<16xi1>
    %masked_cumsum3A_296 = tpu.scan <sum>, %get3A_293 masked %broadcast_in_dim3A_295 : vector<16xi32>, vector<16xi1> -> vector<16xi32>
    %sub3A_297 = arith.subi %masked_cumsum3A_296, %get3A_293 : vector<16xi32>
    %add3A_298 = vector.broadcast %add3A_291 : i32 to vector<16xi32>
    %add3A_299 = arith.addi %sub3A_297, %add3A_298 : vector<16xi32>
    %swap3A_300 = arith.constant 224 : index
    %swap3A_301 = tpu.vector_load %arg9[%swap3A_300] {strides = array<i32>} : memref<272xi32, #tpu.memory_space<vmem>>, vector<16xi32>,
    tpu.vector_store %arg9[%swap3A_300], %add3A_299 {strides = array<i32>} : memref<272xi32, #tpu.memory_space<vmem>>, vector<16xi32>,
    %swap3A_302 = arith.constant 224 : index
    %swap3A_303 = tpu.vector_load %arg10[%swap3A_302] {strides = array<i32>} : memref<272xi32, #tpu.memory_space<vmem>>, vector<16xi32>,
    tpu.vector_store %arg10[%swap3A_302], %add3A_299 {strides = array<i32>} : memref<272xi32, #tpu.memory_space<vmem>>, vector<16xi32>,
    %slice3A_304 = vector.extract_strided_slice %add3A_299 {offsets = [15], sizes = [1], strides = [1]} : vector<16xi32> to vector<1xi32>
    %squeeze3A_305 = vector.extract %slice3A_304[0] : i32 from vector<1xi32>
    %slice3A_306 = vector.extract_strided_slice %get3A_293 {offsets = [15], sizes = [1], strides = [1]} : vector<16xi32> to vector<1xi32>
    %squeeze3A_307 = vector.extract %slice3A_306[0] : i32 from vector<1xi32>
    %add3A_308 = arith.addi %squeeze3A_305, %squeeze3A_307 : i32
    %get3A_309 = arith.constant 240 : index
    %get3A_310 = tpu.vector_load %arg8[%get3A_309] {strides = array<i32>} : memref<272xi32, #tpu.memory_space<vmem>>, vector<16xi32>,
    %broadcast_in_dim3A_311 = arith.constant true
    %broadcast_in_dim3A_312 = vector.broadcast %broadcast_in_dim3A_311 : i1 to vector<16xi1>
    %masked_cumsum3A_313 = tpu.scan <sum>, %get3A_310 masked %broadcast_in_dim3A_312 : vector<16xi32>, vector<16xi1> -> vector<16xi32>
    %sub3A_314 = arith.subi %masked_cumsum3A_313, %get3A_310 : vector<16xi32>
    %add3A_315 = vector.broadcast %add3A_308 : i32 to vector<16xi32>
    %add3A_316 = arith.addi %sub3A_314, %add3A_315 : vector<16xi32>
    %swap3A_317 = arith.constant 240 : index
    %swap3A_318 = tpu.vector_load %arg9[%swap3A_317] {strides = array<i32>} : memref<272xi32, #tpu.memory_space<vmem>>, vector<16xi32>,
    tpu.vector_store %arg9[%swap3A_317], %add3A_316 {strides = array<i32>} : memref<272xi32, #tpu.memory_space<vmem>>, vector<16xi32>,
    %swap3A_319 = arith.constant 240 : index
    %swap3A_320 = tpu.vector_load %arg10[%swap3A_319] {strides = array<i32>} : memref<272xi32, #tpu.memory_space<vmem>>, vector<16xi32>,
    tpu.vector_store %arg10[%swap3A_319], %add3A_316 {strides = array<i32>} : memref<272xi32, #tpu.memory_space<vmem>>, vector<16xi32>,
    %slice3A_321 = vector.extract_strided_slice %add3A_316 {offsets = [15], sizes = [1], strides = [1]} : vector<16xi32> to vector<1xi32>
    %squeeze3A_322 = vector.extract %slice3A_321[0] : i32 from vector<1xi32>
    %slice3A_323 = vector.extract_strided_slice %get3A_310 {offsets = [15], sizes = [1], strides = [1]} : vector<16xi32> to vector<1xi32>
    %squeeze3A_324 = vector.extract %slice3A_323[0] : i32 from vector<1xi32>
    %add3A_325 = arith.addi %squeeze3A_322, %squeeze3A_324 : i32
    %while3A_326 = arith.constant 0 : i32
    %while3A_327 = arith.constant 0 : i32
    %while3A_328 = arith.subi %scan3A_13, %while3A_326 : i32
    %while3A_329 = arith.addi %while3A_326, %while3A_328 : i32
    %while3A_330 = arith.constant 1 : i32
    %while3A_331 = arith.divsi %while3A_328, %while3A_330 : i32
    %while3A_332 = arith.muli %while3A_331, %while3A_330 : i32
    %while3A_333 = arith.addi %while3A_326, %while3A_332 : i32
    %while3A_334 = arith.constant 1 : i32
    %while3A_335 = scf.for %while3A_762 = %while3A_326 to %while3A_333 step %while3A_334 iter_args(%while3A_763 = %while3A_327) -> (i32)  : i32 {
      %get3A_764 = arith.index_cast %while3A_762 : i32 to index
      %get3A_765 = tpu.vector_load %arg6[%get3A_764] {strides = array<i32>} : memref<16400xi32, #tpu.memory_space<vmem>>, vector<16xi32>,
      %slice3A_766 = vector.extract_strided_slice %get3A_765 {offsets = [0], sizes = [1], strides = [1]} : vector<16xi32> to vector<1xi32>
      %squeeze3A_767 = vector.extract %slice3A_766[0] : i32 from vector<1xi32>
      %shift_right_arithmetic3A = arith.constant 21 : i32
      %shift_right_arithmetic3A_768 = arith.shrsi %squeeze3A_767, %shift_right_arithmetic3A : i32
      %get3A_769 = arith.index_cast %shift_right_arithmetic3A_768 : i32 to index
      %get3A_770 = tpu.vector_load %arg10[%get3A_769] {strides = array<i32>} : memref<272xi32, #tpu.memory_space<vmem>>, vector<16xi32>,
      %slice3A_771 = vector.extract_strided_slice %get3A_770 {offsets = [0], sizes = [1], strides = [1]} : vector<16xi32> to vector<1xi32>
      %squeeze3A_772 = vector.extract %slice3A_771[0] : i32 from vector<1xi32>
      %add3A_773 = arith.constant 1 : i32
      %add3A_774 = arith.addi %squeeze3A_772, %add3A_773 : i32
      %broadcast_in_dim3A_775 = vector.broadcast %add3A_774 : i32 to vector<16xi32>
      %swap3A_776 = arith.index_cast %shift_right_arithmetic3A_768 : i32 to index
      %swap3A_777 = tpu.vector_load %arg10[%swap3A_776] masked %eq3A_7 {strides = array<i32>} : memref<272xi32, #tpu.memory_space<vmem>>, vector<16xi32>, vector<16xi1>
      tpu.vector_store %arg10[%swap3A_776], %broadcast_in_dim3A_775 masked %eq3A_7 {strides = array<i32>} : memref<272xi32, #tpu.memory_space<vmem>>, vector<16xi32>, vector<16xi1>
      %broadcast_in_dim3A_778 = vector.broadcast %squeeze3A_767 : i32 to vector<16xi32>
      %swap3A_779 = arith.index_cast %squeeze3A_772 : i32 to index
      %swap3A_780 = tpu.vector_load %arg7[%swap3A_779] masked %eq3A_7 {strides = array<i32>} : memref<16400xi32, #tpu.memory_space<vmem>>, vector<16xi32>, vector<16xi1>
      tpu.vector_store %arg7[%swap3A_779], %broadcast_in_dim3A_778 masked %eq3A_7 {strides = array<i32>} : memref<16400xi32, #tpu.memory_space<vmem>>, vector<16xi32>, vector<16xi1>
      %while3A_781 = arith.constant 0 : i32
      scf.yield %while3A_781 : i32
    }
    %while3A_336 = arith.constant 1 : i32
    %while3A_337 = scf.for %while3A_762 = %while3A_333 to %while3A_329 step %while3A_336 iter_args(%while3A_763 = %while3A_335) -> (i32)  : i32 {
      %get3A_764 = arith.index_cast %while3A_762 : i32 to index
      %get3A_765 = tpu.vector_load %arg6[%get3A_764] {strides = array<i32>} : memref<16400xi32, #tpu.memory_space<vmem>>, vector<16xi32>,
      %slice3A_766 = vector.extract_strided_slice %get3A_765 {offsets = [0], sizes = [1], strides = [1]} : vector<16xi32> to vector<1xi32>
      %squeeze3A_767 = vector.extract %slice3A_766[0] : i32 from vector<1xi32>
      %shift_right_arithmetic3A = arith.constant 21 : i32
      %shift_right_arithmetic3A_768 = arith.shrsi %squeeze3A_767, %shift_right_arithmetic3A : i32
      %get3A_769 = arith.index_cast %shift_right_arithmetic3A_768 : i32 to index
      %get3A_770 = tpu.vector_load %arg10[%get3A_769] {strides = array<i32>} : memref<272xi32, #tpu.memory_space<vmem>>, vector<16xi32>,
      %slice3A_771 = vector.extract_strided_slice %get3A_770 {offsets = [0], sizes = [1], strides = [1]} : vector<16xi32> to vector<1xi32>
      %squeeze3A_772 = vector.extract %slice3A_771[0] : i32 from vector<1xi32>
      %add3A_773 = arith.constant 1 : i32
      %add3A_774 = arith.addi %squeeze3A_772, %add3A_773 : i32
      %broadcast_in_dim3A_775 = vector.broadcast %add3A_774 : i32 to vector<16xi32>
      %swap3A_776 = arith.index_cast %shift_right_arithmetic3A_768 : i32 to index
      %swap3A_777 = tpu.vector_load %arg10[%swap3A_776] masked %eq3A_7 {strides = array<i32>} : memref<272xi32, #tpu.memory_space<vmem>>, vector<16xi32>, vector<16xi1>
      tpu.vector_store %arg10[%swap3A_776], %broadcast_in_dim3A_775 masked %eq3A_7 {strides = array<i32>} : memref<272xi32, #tpu.memory_space<vmem>>, vector<16xi32>, vector<16xi1>
      %broadcast_in_dim3A_778 = vector.broadcast %squeeze3A_767 : i32 to vector<16xi32>
      %swap3A_779 = arith.index_cast %squeeze3A_772 : i32 to index
      %swap3A_780 = tpu.vector_load %arg7[%swap3A_779] masked %eq3A_7 {strides = array<i32>} : memref<16400xi32, #tpu.memory_space<vmem>>, vector<16xi32>, vector<16xi1>
      tpu.vector_store %arg7[%swap3A_779], %broadcast_in_dim3A_778 masked %eq3A_7 {strides = array<i32>} : memref<16400xi32, #tpu.memory_space<vmem>>, vector<16xi32>, vector<16xi1>
      %while3A_781 = arith.constant 0 : i32
      scf.yield %while3A_781 : i32
    }
    %get3A_338 = arith.constant 0 : index
    %get3A_339 = tpu.vector_load %arg8[%get3A_338] {strides = array<i32>} : memref<272xi32, #tpu.memory_space<vmem>>, vector<16xi32>,
    %gt3A = arith.constant 0 : i32
    %gt3A_340 = vector.broadcast %gt3A : i32 to vector<16xi32>
    %gt3A_341 = arith.cmpi sgt, %get3A_339, %gt3A_340 : vector<16xi32>
    %add3A_342 = arith.constant 0 : i32
    %add3A_343 = arith.addi %mul3A_2, %add3A_342 : i32
    %add3A_344 = vector.broadcast %add3A_343 : i32 to vector<16xi32>
    %add3A_345 = arith.addi %add3A_344, %iota3A : vector<16xi32>
    %swap3A_346 = arith.constant 0 : i32
    %swap3A_347 = arith.index_cast %swap3A_346 : i32 to index
    %swap3A_348 = tpu.vector_load %arg11[%swap3A_347] masked %gt3A_341 {strides = array<i32>} : memref<272xi32, #tpu.memory_space<vmem>>, vector<16xi32>, vector<16xi1>
    tpu.vector_store %arg11[%swap3A_347], %add3A_345 masked %gt3A_341 {strides = array<i32>} : memref<272xi32, #tpu.memory_space<vmem>>, vector<16xi32>, vector<16xi1>
    %get3A_349 = arith.constant 0 : index
    %get3A_350 = tpu.vector_load %arg9[%get3A_349] {strides = array<i32>} : memref<272xi32, #tpu.memory_space<vmem>>, vector<16xi32>,
    %swap3A_351 = arith.constant 0 : i32
    %swap3A_352 = arith.index_cast %swap3A_351 : i32 to index
    %swap3A_353 = tpu.vector_load %arg12[%swap3A_352] masked %gt3A_341 {strides = array<i32>} : memref<272xi32, #tpu.memory_space<vmem>>, vector<16xi32>, vector<16xi1>
    tpu.vector_store %arg12[%swap3A_352], %get3A_350 masked %gt3A_341 {strides = array<i32>} : memref<272xi32, #tpu.memory_space<vmem>>, vector<16xi32>, vector<16xi1>
    %get3A_354 = arith.constant 0 : index
    %get3A_355 = tpu.vector_load %arg10[%get3A_354] {strides = array<i32>} : memref<272xi32, #tpu.memory_space<vmem>>, vector<16xi32>,
    %swap3A_356 = arith.constant 0 : i32
    %swap3A_357 = arith.index_cast %swap3A_356 : i32 to index
    %swap3A_358 = tpu.vector_load %arg13[%swap3A_357] masked %gt3A_341 {strides = array<i32>} : memref<272xi32, #tpu.memory_space<vmem>>, vector<16xi32>, vector<16xi1>
    tpu.vector_store %arg13[%swap3A_357], %get3A_355 masked %gt3A_341 {strides = array<i32>} : memref<272xi32, #tpu.memory_space<vmem>>, vector<16xi32>, vector<16xi1>
    %all_reduce_population_count3A = tpu.all_reduce %gt3A_341 {dim = 0 : i64, kind = #tpu.reduction_kind<sum>} : vector<16xi1> -> vector<16xi32>
    %slice3A_359 = vector.extract_strided_slice %all_reduce_population_count3A {offsets = [0], sizes = [1], strides = [1]} : vector<16xi32> to vector<1xi32>
    %squeeze3A_360 = vector.extract %slice3A_359[0] : i32 from vector<1xi32>
    %add3A_361 = arith.constant 0 : i32
    %add3A_362 = arith.addi %add3A_361, %squeeze3A_360 : i32
    %get3A_363 = arith.constant 16 : index
    %get3A_364 = tpu.vector_load %arg8[%get3A_363] {strides = array<i32>} : memref<272xi32, #tpu.memory_space<vmem>>, vector<16xi32>,
    %gt3A_365 = arith.constant 0 : i32
    %gt3A_366 = vector.broadcast %gt3A_365 : i32 to vector<16xi32>
    %gt3A_367 = arith.cmpi sgt, %get3A_364, %gt3A_366 : vector<16xi32>
    %add3A_368 = arith.constant 16 : i32
    %add3A_369 = arith.addi %mul3A_2, %add3A_368 : i32
    %add3A_370 = vector.broadcast %add3A_369 : i32 to vector<16xi32>
    %add3A_371 = arith.addi %add3A_370, %iota3A : vector<16xi32>
    %swap3A_372 = arith.index_cast %add3A_362 : i32 to index
    %swap3A_373 = tpu.vector_load %arg11[%swap3A_372] masked %gt3A_367 {strides = array<i32>} : memref<272xi32, #tpu.memory_space<vmem>>, vector<16xi32>, vector<16xi1>
    tpu.vector_store %arg11[%swap3A_372], %add3A_371 masked %gt3A_367 {strides = array<i32>} : memref<272xi32, #tpu.memory_space<vmem>>, vector<16xi32>, vector<16xi1>
    %get3A_374 = arith.constant 16 : index
    %get3A_375 = tpu.vector_load %arg9[%get3A_374] {strides = array<i32>} : memref<272xi32, #tpu.memory_space<vmem>>, vector<16xi32>,
    %swap3A_376 = arith.index_cast %add3A_362 : i32 to index
    %swap3A_377 = tpu.vector_load %arg12[%swap3A_376] masked %gt3A_367 {strides = array<i32>} : memref<272xi32, #tpu.memory_space<vmem>>, vector<16xi32>, vector<16xi1>
    tpu.vector_store %arg12[%swap3A_376], %get3A_375 masked %gt3A_367 {strides = array<i32>} : memref<272xi32, #tpu.memory_space<vmem>>, vector<16xi32>, vector<16xi1>
    %get3A_378 = arith.constant 16 : index
    %get3A_379 = tpu.vector_load %arg10[%get3A_378] {strides = array<i32>} : memref<272xi32, #tpu.memory_space<vmem>>, vector<16xi32>,
    %swap3A_380 = arith.index_cast %add3A_362 : i32 to index
    %swap3A_381 = tpu.vector_load %arg13[%swap3A_380] masked %gt3A_367 {strides = array<i32>} : memref<272xi32, #tpu.memory_space<vmem>>, vector<16xi32>, vector<16xi1>
    tpu.vector_store %arg13[%swap3A_380], %get3A_379 masked %gt3A_367 {strides = array<i32>} : memref<272xi32, #tpu.memory_space<vmem>>, vector<16xi32>, vector<16xi1>
    %all_reduce_population_count3A_382 = tpu.all_reduce %gt3A_367 {dim = 0 : i64, kind = #tpu.reduction_kind<sum>} : vector<16xi1> -> vector<16xi32>
    %slice3A_383 = vector.extract_strided_slice %all_reduce_population_count3A_382 {offsets = [0], sizes = [1], strides = [1]} : vector<16xi32> to vector<1xi32>
    %squeeze3A_384 = vector.extract %slice3A_383[0] : i32 from vector<1xi32>
    %add3A_385 = arith.addi %add3A_362, %squeeze3A_384 : i32
    %get3A_386 = arith.constant 32 : index
    %get3A_387 = tpu.vector_load %arg8[%get3A_386] {strides = array<i32>} : memref<272xi32, #tpu.memory_space<vmem>>, vector<16xi32>,
    %gt3A_388 = arith.constant 0 : i32
    %gt3A_389 = vector.broadcast %gt3A_388 : i32 to vector<16xi32>
    %gt3A_390 = arith.cmpi sgt, %get3A_387, %gt3A_389 : vector<16xi32>
    %add3A_391 = arith.constant 32 : i32
    %add3A_392 = arith.addi %mul3A_2, %add3A_391 : i32
    %add3A_393 = vector.broadcast %add3A_392 : i32 to vector<16xi32>
    %add3A_394 = arith.addi %add3A_393, %iota3A : vector<16xi32>
    %swap3A_395 = arith.index_cast %add3A_385 : i32 to index
    %swap3A_396 = tpu.vector_load %arg11[%swap3A_395] masked %gt3A_390 {strides = array<i32>} : memref<272xi32, #tpu.memory_space<vmem>>, vector<16xi32>, vector<16xi1>
    tpu.vector_store %arg11[%swap3A_395], %add3A_394 masked %gt3A_390 {strides = array<i32>} : memref<272xi32, #tpu.memory_space<vmem>>, vector<16xi32>, vector<16xi1>
    %get3A_397 = arith.constant 32 : index
    %get3A_398 = tpu.vector_load %arg9[%get3A_397] {strides = array<i32>} : memref<272xi32, #tpu.memory_space<vmem>>, vector<16xi32>,
    %swap3A_399 = arith.index_cast %add3A_385 : i32 to index
    %swap3A_400 = tpu.vector_load %arg12[%swap3A_399] masked %gt3A_390 {strides = array<i32>} : memref<272xi32, #tpu.memory_space<vmem>>, vector<16xi32>, vector<16xi1>
    tpu.vector_store %arg12[%swap3A_399], %get3A_398 masked %gt3A_390 {strides = array<i32>} : memref<272xi32, #tpu.memory_space<vmem>>, vector<16xi32>, vector<16xi1>
    %get3A_401 = arith.constant 32 : index
    %get3A_402 = tpu.vector_load %arg10[%get3A_401] {strides = array<i32>} : memref<272xi32, #tpu.memory_space<vmem>>, vector<16xi32>,
    %swap3A_403 = arith.index_cast %add3A_385 : i32 to index
    %swap3A_404 = tpu.vector_load %arg13[%swap3A_403] masked %gt3A_390 {strides = array<i32>} : memref<272xi32, #tpu.memory_space<vmem>>, vector<16xi32>, vector<16xi1>
    tpu.vector_store %arg13[%swap3A_403], %get3A_402 masked %gt3A_390 {strides = array<i32>} : memref<272xi32, #tpu.memory_space<vmem>>, vector<16xi32>, vector<16xi1>
    %all_reduce_population_count3A_405 = tpu.all_reduce %gt3A_390 {dim = 0 : i64, kind = #tpu.reduction_kind<sum>} : vector<16xi1> -> vector<16xi32>
    %slice3A_406 = vector.extract_strided_slice %all_reduce_population_count3A_405 {offsets = [0], sizes = [1], strides = [1]} : vector<16xi32> to vector<1xi32>
    %squeeze3A_407 = vector.extract %slice3A_406[0] : i32 from vector<1xi32>
    %add3A_408 = arith.addi %add3A_385, %squeeze3A_407 : i32
    %get3A_409 = arith.constant 48 : index
    %get3A_410 = tpu.vector_load %arg8[%get3A_409] {strides = array<i32>} : memref<272xi32, #tpu.memory_space<vmem>>, vector<16xi32>,
    %gt3A_411 = arith.constant 0 : i32
    %gt3A_412 = vector.broadcast %gt3A_411 : i32 to vector<16xi32>
    %gt3A_413 = arith.cmpi sgt, %get3A_410, %gt3A_412 : vector<16xi32>
    %add3A_414 = arith.constant 48 : i32
    %add3A_415 = arith.addi %mul3A_2, %add3A_414 : i32
    %add3A_416 = vector.broadcast %add3A_415 : i32 to vector<16xi32>
    %add3A_417 = arith.addi %add3A_416, %iota3A : vector<16xi32>
    %swap3A_418 = arith.index_cast %add3A_408 : i32 to index
    %swap3A_419 = tpu.vector_load %arg11[%swap3A_418] masked %gt3A_413 {strides = array<i32>} : memref<272xi32, #tpu.memory_space<vmem>>, vector<16xi32>, vector<16xi1>
    tpu.vector_store %arg11[%swap3A_418], %add3A_417 masked %gt3A_413 {strides = array<i32>} : memref<272xi32, #tpu.memory_space<vmem>>, vector<16xi32>, vector<16xi1>
    %get3A_420 = arith.constant 48 : index
    %get3A_421 = tpu.vector_load %arg9[%get3A_420] {strides = array<i32>} : memref<272xi32, #tpu.memory_space<vmem>>, vector<16xi32>,
    %swap3A_422 = arith.index_cast %add3A_408 : i32 to index
    %swap3A_423 = tpu.vector_load %arg12[%swap3A_422] masked %gt3A_413 {strides = array<i32>} : memref<272xi32, #tpu.memory_space<vmem>>, vector<16xi32>, vector<16xi1>
    tpu.vector_store %arg12[%swap3A_422], %get3A_421 masked %gt3A_413 {strides = array<i32>} : memref<272xi32, #tpu.memory_space<vmem>>, vector<16xi32>, vector<16xi1>
    %get3A_424 = arith.constant 48 : index
    %get3A_425 = tpu.vector_load %arg10[%get3A_424] {strides = array<i32>} : memref<272xi32, #tpu.memory_space<vmem>>, vector<16xi32>,
    %swap3A_426 = arith.index_cast %add3A_408 : i32 to index
    %swap3A_427 = tpu.vector_load %arg13[%swap3A_426] masked %gt3A_413 {strides = array<i32>} : memref<272xi32, #tpu.memory_space<vmem>>, vector<16xi32>, vector<16xi1>
    tpu.vector_store %arg13[%swap3A_426], %get3A_425 masked %gt3A_413 {strides = array<i32>} : memref<272xi32, #tpu.memory_space<vmem>>, vector<16xi32>, vector<16xi1>
    %all_reduce_population_count3A_428 = tpu.all_reduce %gt3A_413 {dim = 0 : i64, kind = #tpu.reduction_kind<sum>} : vector<16xi1> -> vector<16xi32>
    %slice3A_429 = vector.extract_strided_slice %all_reduce_population_count3A_428 {offsets = [0], sizes = [1], strides = [1]} : vector<16xi32> to vector<1xi32>
    %squeeze3A_430 = vector.extract %slice3A_429[0] : i32 from vector<1xi32>
    %add3A_431 = arith.addi %add3A_408, %squeeze3A_430 : i32
    %get3A_432 = arith.constant 64 : index
    %get3A_433 = tpu.vector_load %arg8[%get3A_432] {strides = array<i32>} : memref<272xi32, #tpu.memory_space<vmem>>, vector<16xi32>,
    %gt3A_434 = arith.constant 0 : i32
    %gt3A_435 = vector.broadcast %gt3A_434 : i32 to vector<16xi32>
    %gt3A_436 = arith.cmpi sgt, %get3A_433, %gt3A_435 : vector<16xi32>
    %add3A_437 = arith.constant 64 : i32
    %add3A_438 = arith.addi %mul3A_2, %add3A_437 : i32
    %add3A_439 = vector.broadcast %add3A_438 : i32 to vector<16xi32>
    %add3A_440 = arith.addi %add3A_439, %iota3A : vector<16xi32>
    %swap3A_441 = arith.index_cast %add3A_431 : i32 to index
    %swap3A_442 = tpu.vector_load %arg11[%swap3A_441] masked %gt3A_436 {strides = array<i32>} : memref<272xi32, #tpu.memory_space<vmem>>, vector<16xi32>, vector<16xi1>
    tpu.vector_store %arg11[%swap3A_441], %add3A_440 masked %gt3A_436 {strides = array<i32>} : memref<272xi32, #tpu.memory_space<vmem>>, vector<16xi32>, vector<16xi1>
    %get3A_443 = arith.constant 64 : index
    %get3A_444 = tpu.vector_load %arg9[%get3A_443] {strides = array<i32>} : memref<272xi32, #tpu.memory_space<vmem>>, vector<16xi32>,
    %swap3A_445 = arith.index_cast %add3A_431 : i32 to index
    %swap3A_446 = tpu.vector_load %arg12[%swap3A_445] masked %gt3A_436 {strides = array<i32>} : memref<272xi32, #tpu.memory_space<vmem>>, vector<16xi32>, vector<16xi1>
    tpu.vector_store %arg12[%swap3A_445], %get3A_444 masked %gt3A_436 {strides = array<i32>} : memref<272xi32, #tpu.memory_space<vmem>>, vector<16xi32>, vector<16xi1>
    %get3A_447 = arith.constant 64 : index
    %get3A_448 = tpu.vector_load %arg10[%get3A_447] {strides = array<i32>} : memref<272xi32, #tpu.memory_space<vmem>>, vector<16xi32>,
    %swap3A_449 = arith.index_cast %add3A_431 : i32 to index
    %swap3A_450 = tpu.vector_load %arg13[%swap3A_449] masked %gt3A_436 {strides = array<i32>} : memref<272xi32, #tpu.memory_space<vmem>>, vector<16xi32>, vector<16xi1>
    tpu.vector_store %arg13[%swap3A_449], %get3A_448 masked %gt3A_436 {strides = array<i32>} : memref<272xi32, #tpu.memory_space<vmem>>, vector<16xi32>, vector<16xi1>
    %all_reduce_population_count3A_451 = tpu.all_reduce %gt3A_436 {dim = 0 : i64, kind = #tpu.reduction_kind<sum>} : vector<16xi1> -> vector<16xi32>
    %slice3A_452 = vector.extract_strided_slice %all_reduce_population_count3A_451 {offsets = [0], sizes = [1], strides = [1]} : vector<16xi32> to vector<1xi32>
    %squeeze3A_453 = vector.extract %slice3A_452[0] : i32 from vector<1xi32>
    %add3A_454 = arith.addi %add3A_431, %squeeze3A_453 : i32
    %get3A_455 = arith.constant 80 : index
    %get3A_456 = tpu.vector_load %arg8[%get3A_455] {strides = array<i32>} : memref<272xi32, #tpu.memory_space<vmem>>, vector<16xi32>,
    %gt3A_457 = arith.constant 0 : i32
    %gt3A_458 = vector.broadcast %gt3A_457 : i32 to vector<16xi32>
    %gt3A_459 = arith.cmpi sgt, %get3A_456, %gt3A_458 : vector<16xi32>
    %add3A_460 = arith.constant 80 : i32
    %add3A_461 = arith.addi %mul3A_2, %add3A_460 : i32
    %add3A_462 = vector.broadcast %add3A_461 : i32 to vector<16xi32>
    %add3A_463 = arith.addi %add3A_462, %iota3A : vector<16xi32>
    %swap3A_464 = arith.index_cast %add3A_454 : i32 to index
    %swap3A_465 = tpu.vector_load %arg11[%swap3A_464] masked %gt3A_459 {strides = array<i32>} : memref<272xi32, #tpu.memory_space<vmem>>, vector<16xi32>, vector<16xi1>
    tpu.vector_store %arg11[%swap3A_464], %add3A_463 masked %gt3A_459 {strides = array<i32>} : memref<272xi32, #tpu.memory_space<vmem>>, vector<16xi32>, vector<16xi1>
    %get3A_466 = arith.constant 80 : index
    %get3A_467 = tpu.vector_load %arg9[%get3A_466] {strides = array<i32>} : memref<272xi32, #tpu.memory_space<vmem>>, vector<16xi32>,
    %swap3A_468 = arith.index_cast %add3A_454 : i32 to index
    %swap3A_469 = tpu.vector_load %arg12[%swap3A_468] masked %gt3A_459 {strides = array<i32>} : memref<272xi32, #tpu.memory_space<vmem>>, vector<16xi32>, vector<16xi1>
    tpu.vector_store %arg12[%swap3A_468], %get3A_467 masked %gt3A_459 {strides = array<i32>} : memref<272xi32, #tpu.memory_space<vmem>>, vector<16xi32>, vector<16xi1>
    %get3A_470 = arith.constant 80 : index
    %get3A_471 = tpu.vector_load %arg10[%get3A_470] {strides = array<i32>} : memref<272xi32, #tpu.memory_space<vmem>>, vector<16xi32>,
    %swap3A_472 = arith.index_cast %add3A_454 : i32 to index
    %swap3A_473 = tpu.vector_load %arg13[%swap3A_472] masked %gt3A_459 {strides = array<i32>} : memref<272xi32, #tpu.memory_space<vmem>>, vector<16xi32>, vector<16xi1>
    tpu.vector_store %arg13[%swap3A_472], %get3A_471 masked %gt3A_459 {strides = array<i32>} : memref<272xi32, #tpu.memory_space<vmem>>, vector<16xi32>, vector<16xi1>
    %all_reduce_population_count3A_474 = tpu.all_reduce %gt3A_459 {dim = 0 : i64, kind = #tpu.reduction_kind<sum>} : vector<16xi1> -> vector<16xi32>
    %slice3A_475 = vector.extract_strided_slice %all_reduce_population_count3A_474 {offsets = [0], sizes = [1], strides = [1]} : vector<16xi32> to vector<1xi32>
    %squeeze3A_476 = vector.extract %slice3A_475[0] : i32 from vector<1xi32>
    %add3A_477 = arith.addi %add3A_454, %squeeze3A_476 : i32
    %get3A_478 = arith.constant 96 : index
    %get3A_479 = tpu.vector_load %arg8[%get3A_478] {strides = array<i32>} : memref<272xi32, #tpu.memory_space<vmem>>, vector<16xi32>,
    %gt3A_480 = arith.constant 0 : i32
    %gt3A_481 = vector.broadcast %gt3A_480 : i32 to vector<16xi32>
    %gt3A_482 = arith.cmpi sgt, %get3A_479, %gt3A_481 : vector<16xi32>
    %add3A_483 = arith.constant 96 : i32
    %add3A_484 = arith.addi %mul3A_2, %add3A_483 : i32
    %add3A_485 = vector.broadcast %add3A_484 : i32 to vector<16xi32>
    %add3A_486 = arith.addi %add3A_485, %iota3A : vector<16xi32>
    %swap3A_487 = arith.index_cast %add3A_477 : i32 to index
    %swap3A_488 = tpu.vector_load %arg11[%swap3A_487] masked %gt3A_482 {strides = array<i32>} : memref<272xi32, #tpu.memory_space<vmem>>, vector<16xi32>, vector<16xi1>
    tpu.vector_store %arg11[%swap3A_487], %add3A_486 masked %gt3A_482 {strides = array<i32>} : memref<272xi32, #tpu.memory_space<vmem>>, vector<16xi32>, vector<16xi1>
    %get3A_489 = arith.constant 96 : index
    %get3A_490 = tpu.vector_load %arg9[%get3A_489] {strides = array<i32>} : memref<272xi32, #tpu.memory_space<vmem>>, vector<16xi32>,
    %swap3A_491 = arith.index_cast %add3A_477 : i32 to index
    %swap3A_492 = tpu.vector_load %arg12[%swap3A_491] masked %gt3A_482 {strides = array<i32>} : memref<272xi32, #tpu.memory_space<vmem>>, vector<16xi32>, vector<16xi1>
    tpu.vector_store %arg12[%swap3A_491], %get3A_490 masked %gt3A_482 {strides = array<i32>} : memref<272xi32, #tpu.memory_space<vmem>>, vector<16xi32>, vector<16xi1>
    %get3A_493 = arith.constant 96 : index
    %get3A_494 = tpu.vector_load %arg10[%get3A_493] {strides = array<i32>} : memref<272xi32, #tpu.memory_space<vmem>>, vector<16xi32>,
    %swap3A_495 = arith.index_cast %add3A_477 : i32 to index
    %swap3A_496 = tpu.vector_load %arg13[%swap3A_495] masked %gt3A_482 {strides = array<i32>} : memref<272xi32, #tpu.memory_space<vmem>>, vector<16xi32>, vector<16xi1>
    tpu.vector_store %arg13[%swap3A_495], %get3A_494 masked %gt3A_482 {strides = array<i32>} : memref<272xi32, #tpu.memory_space<vmem>>, vector<16xi32>, vector<16xi1>
    %all_reduce_population_count3A_497 = tpu.all_reduce %gt3A_482 {dim = 0 : i64, kind = #tpu.reduction_kind<sum>} : vector<16xi1> -> vector<16xi32>
    %slice3A_498 = vector.extract_strided_slice %all_reduce_population_count3A_497 {offsets = [0], sizes = [1], strides = [1]} : vector<16xi32> to vector<1xi32>
    %squeeze3A_499 = vector.extract %slice3A_498[0] : i32 from vector<1xi32>
    %add3A_500 = arith.addi %add3A_477, %squeeze3A_499 : i32
    %get3A_501 = arith.constant 112 : index
    %get3A_502 = tpu.vector_load %arg8[%get3A_501] {strides = array<i32>} : memref<272xi32, #tpu.memory_space<vmem>>, vector<16xi32>,
    %gt3A_503 = arith.constant 0 : i32
    %gt3A_504 = vector.broadcast %gt3A_503 : i32 to vector<16xi32>
    %gt3A_505 = arith.cmpi sgt, %get3A_502, %gt3A_504 : vector<16xi32>
    %add3A_506 = arith.constant 112 : i32
    %add3A_507 = arith.addi %mul3A_2, %add3A_506 : i32
    %add3A_508 = vector.broadcast %add3A_507 : i32 to vector<16xi32>
    %add3A_509 = arith.addi %add3A_508, %iota3A : vector<16xi32>
    %swap3A_510 = arith.index_cast %add3A_500 : i32 to index
    %swap3A_511 = tpu.vector_load %arg11[%swap3A_510] masked %gt3A_505 {strides = array<i32>} : memref<272xi32, #tpu.memory_space<vmem>>, vector<16xi32>, vector<16xi1>
    tpu.vector_store %arg11[%swap3A_510], %add3A_509 masked %gt3A_505 {strides = array<i32>} : memref<272xi32, #tpu.memory_space<vmem>>, vector<16xi32>, vector<16xi1>
    %get3A_512 = arith.constant 112 : index
    %get3A_513 = tpu.vector_load %arg9[%get3A_512] {strides = array<i32>} : memref<272xi32, #tpu.memory_space<vmem>>, vector<16xi32>,
    %swap3A_514 = arith.index_cast %add3A_500 : i32 to index
    %swap3A_515 = tpu.vector_load %arg12[%swap3A_514] masked %gt3A_505 {strides = array<i32>} : memref<272xi32, #tpu.memory_space<vmem>>, vector<16xi32>, vector<16xi1>
    tpu.vector_store %arg12[%swap3A_514], %get3A_513 masked %gt3A_505 {strides = array<i32>} : memref<272xi32, #tpu.memory_space<vmem>>, vector<16xi32>, vector<16xi1>
    %get3A_516 = arith.constant 112 : index
    %get3A_517 = tpu.vector_load %arg10[%get3A_516] {strides = array<i32>} : memref<272xi32, #tpu.memory_space<vmem>>, vector<16xi32>,
    %swap3A_518 = arith.index_cast %add3A_500 : i32 to index
    %swap3A_519 = tpu.vector_load %arg13[%swap3A_518] masked %gt3A_505 {strides = array<i32>} : memref<272xi32, #tpu.memory_space<vmem>>, vector<16xi32>, vector<16xi1>
    tpu.vector_store %arg13[%swap3A_518], %get3A_517 masked %gt3A_505 {strides = array<i32>} : memref<272xi32, #tpu.memory_space<vmem>>, vector<16xi32>, vector<16xi1>
    %all_reduce_population_count3A_520 = tpu.all_reduce %gt3A_505 {dim = 0 : i64, kind = #tpu.reduction_kind<sum>} : vector<16xi1> -> vector<16xi32>
    %slice3A_521 = vector.extract_strided_slice %all_reduce_population_count3A_520 {offsets = [0], sizes = [1], strides = [1]} : vector<16xi32> to vector<1xi32>
    %squeeze3A_522 = vector.extract %slice3A_521[0] : i32 from vector<1xi32>
    %add3A_523 = arith.addi %add3A_500, %squeeze3A_522 : i32
    %get3A_524 = arith.constant 128 : index
    %get3A_525 = tpu.vector_load %arg8[%get3A_524] {strides = array<i32>} : memref<272xi32, #tpu.memory_space<vmem>>, vector<16xi32>,
    %gt3A_526 = arith.constant 0 : i32
    %gt3A_527 = vector.broadcast %gt3A_526 : i32 to vector<16xi32>
    %gt3A_528 = arith.cmpi sgt, %get3A_525, %gt3A_527 : vector<16xi32>
    %add3A_529 = arith.constant 128 : i32
    %add3A_530 = arith.addi %mul3A_2, %add3A_529 : i32
    %add3A_531 = vector.broadcast %add3A_530 : i32 to vector<16xi32>
    %add3A_532 = arith.addi %add3A_531, %iota3A : vector<16xi32>
    %swap3A_533 = arith.index_cast %add3A_523 : i32 to index
    %swap3A_534 = tpu.vector_load %arg11[%swap3A_533] masked %gt3A_528 {strides = array<i32>} : memref<272xi32, #tpu.memory_space<vmem>>, vector<16xi32>, vector<16xi1>
    tpu.vector_store %arg11[%swap3A_533], %add3A_532 masked %gt3A_528 {strides = array<i32>} : memref<272xi32, #tpu.memory_space<vmem>>, vector<16xi32>, vector<16xi1>
    %get3A_535 = arith.constant 128 : index
    %get3A_536 = tpu.vector_load %arg9[%get3A_535] {strides = array<i32>} : memref<272xi32, #tpu.memory_space<vmem>>, vector<16xi32>,
    %swap3A_537 = arith.index_cast %add3A_523 : i32 to index
    %swap3A_538 = tpu.vector_load %arg12[%swap3A_537] masked %gt3A_528 {strides = array<i32>} : memref<272xi32, #tpu.memory_space<vmem>>, vector<16xi32>, vector<16xi1>
    tpu.vector_store %arg12[%swap3A_537], %get3A_536 masked %gt3A_528 {strides = array<i32>} : memref<272xi32, #tpu.memory_space<vmem>>, vector<16xi32>, vector<16xi1>
    %get3A_539 = arith.constant 128 : index
    %get3A_540 = tpu.vector_load %arg10[%get3A_539] {strides = array<i32>} : memref<272xi32, #tpu.memory_space<vmem>>, vector<16xi32>,
    %swap3A_541 = arith.index_cast %add3A_523 : i32 to index
    %swap3A_542 = tpu.vector_load %arg13[%swap3A_541] masked %gt3A_528 {strides = array<i32>} : memref<272xi32, #tpu.memory_space<vmem>>, vector<16xi32>, vector<16xi1>
    tpu.vector_store %arg13[%swap3A_541], %get3A_540 masked %gt3A_528 {strides = array<i32>} : memref<272xi32, #tpu.memory_space<vmem>>, vector<16xi32>, vector<16xi1>
    %all_reduce_population_count3A_543 = tpu.all_reduce %gt3A_528 {dim = 0 : i64, kind = #tpu.reduction_kind<sum>} : vector<16xi1> -> vector<16xi32>
    %slice3A_544 = vector.extract_strided_slice %all_reduce_population_count3A_543 {offsets = [0], sizes = [1], strides = [1]} : vector<16xi32> to vector<1xi32>
    %squeeze3A_545 = vector.extract %slice3A_544[0] : i32 from vector<1xi32>
    %add3A_546 = arith.addi %add3A_523, %squeeze3A_545 : i32
    %get3A_547 = arith.constant 144 : index
    %get3A_548 = tpu.vector_load %arg8[%get3A_547] {strides = array<i32>} : memref<272xi32, #tpu.memory_space<vmem>>, vector<16xi32>,
    %gt3A_549 = arith.constant 0 : i32
    %gt3A_550 = vector.broadcast %gt3A_549 : i32 to vector<16xi32>
    %gt3A_551 = arith.cmpi sgt, %get3A_548, %gt3A_550 : vector<16xi32>
    %add3A_552 = arith.constant 144 : i32
    %add3A_553 = arith.addi %mul3A_2, %add3A_552 : i32
    %add3A_554 = vector.broadcast %add3A_553 : i32 to vector<16xi32>
    %add3A_555 = arith.addi %add3A_554, %iota3A : vector<16xi32>
    %swap3A_556 = arith.index_cast %add3A_546 : i32 to index
    %swap3A_557 = tpu.vector_load %arg11[%swap3A_556] masked %gt3A_551 {strides = array<i32>} : memref<272xi32, #tpu.memory_space<vmem>>, vector<16xi32>, vector<16xi1>
    tpu.vector_store %arg11[%swap3A_556], %add3A_555 masked %gt3A_551 {strides = array<i32>} : memref<272xi32, #tpu.memory_space<vmem>>, vector<16xi32>, vector<16xi1>
    %get3A_558 = arith.constant 144 : index
    %get3A_559 = tpu.vector_load %arg9[%get3A_558] {strides = array<i32>} : memref<272xi32, #tpu.memory_space<vmem>>, vector<16xi32>,
    %swap3A_560 = arith.index_cast %add3A_546 : i32 to index
    %swap3A_561 = tpu.vector_load %arg12[%swap3A_560] masked %gt3A_551 {strides = array<i32>} : memref<272xi32, #tpu.memory_space<vmem>>, vector<16xi32>, vector<16xi1>
    tpu.vector_store %arg12[%swap3A_560], %get3A_559 masked %gt3A_551 {strides = array<i32>} : memref<272xi32, #tpu.memory_space<vmem>>, vector<16xi32>, vector<16xi1>
    %get3A_562 = arith.constant 144 : index
    %get3A_563 = tpu.vector_load %arg10[%get3A_562] {strides = array<i32>} : memref<272xi32, #tpu.memory_space<vmem>>, vector<16xi32>,
    %swap3A_564 = arith.index_cast %add3A_546 : i32 to index
    %swap3A_565 = tpu.vector_load %arg13[%swap3A_564] masked %gt3A_551 {strides = array<i32>} : memref<272xi32, #tpu.memory_space<vmem>>, vector<16xi32>, vector<16xi1>
    tpu.vector_store %arg13[%swap3A_564], %get3A_563 masked %gt3A_551 {strides = array<i32>} : memref<272xi32, #tpu.memory_space<vmem>>, vector<16xi32>, vector<16xi1>
    %all_reduce_population_count3A_566 = tpu.all_reduce %gt3A_551 {dim = 0 : i64, kind = #tpu.reduction_kind<sum>} : vector<16xi1> -> vector<16xi32>
    %slice3A_567 = vector.extract_strided_slice %all_reduce_population_count3A_566 {offsets = [0], sizes = [1], strides = [1]} : vector<16xi32> to vector<1xi32>
    %squeeze3A_568 = vector.extract %slice3A_567[0] : i32 from vector<1xi32>
    %add3A_569 = arith.addi %add3A_546, %squeeze3A_568 : i32
    %get3A_570 = arith.constant 160 : index
    %get3A_571 = tpu.vector_load %arg8[%get3A_570] {strides = array<i32>} : memref<272xi32, #tpu.memory_space<vmem>>, vector<16xi32>,
    %gt3A_572 = arith.constant 0 : i32
    %gt3A_573 = vector.broadcast %gt3A_572 : i32 to vector<16xi32>
    %gt3A_574 = arith.cmpi sgt, %get3A_571, %gt3A_573 : vector<16xi32>
    %add3A_575 = arith.constant 160 : i32
    %add3A_576 = arith.addi %mul3A_2, %add3A_575 : i32
    %add3A_577 = vector.broadcast %add3A_576 : i32 to vector<16xi32>
    %add3A_578 = arith.addi %add3A_577, %iota3A : vector<16xi32>
    %swap3A_579 = arith.index_cast %add3A_569 : i32 to index
    %swap3A_580 = tpu.vector_load %arg11[%swap3A_579] masked %gt3A_574 {strides = array<i32>} : memref<272xi32, #tpu.memory_space<vmem>>, vector<16xi32>, vector<16xi1>
    tpu.vector_store %arg11[%swap3A_579], %add3A_578 masked %gt3A_574 {strides = array<i32>} : memref<272xi32, #tpu.memory_space<vmem>>, vector<16xi32>, vector<16xi1>
    %get3A_581 = arith.constant 160 : index
    %get3A_582 = tpu.vector_load %arg9[%get3A_581] {strides = array<i32>} : memref<272xi32, #tpu.memory_space<vmem>>, vector<16xi32>,
    %swap3A_583 = arith.index_cast %add3A_569 : i32 to index
    %swap3A_584 = tpu.vector_load %arg12[%swap3A_583] masked %gt3A_574 {strides = array<i32>} : memref<272xi32, #tpu.memory_space<vmem>>, vector<16xi32>, vector<16xi1>
    tpu.vector_store %arg12[%swap3A_583], %get3A_582 masked %gt3A_574 {strides = array<i32>} : memref<272xi32, #tpu.memory_space<vmem>>, vector<16xi32>, vector<16xi1>
    %get3A_585 = arith.constant 160 : index
    %get3A_586 = tpu.vector_load %arg10[%get3A_585] {strides = array<i32>} : memref<272xi32, #tpu.memory_space<vmem>>, vector<16xi32>,
    %swap3A_587 = arith.index_cast %add3A_569 : i32 to index
    %swap3A_588 = tpu.vector_load %arg13[%swap3A_587] masked %gt3A_574 {strides = array<i32>} : memref<272xi32, #tpu.memory_space<vmem>>, vector<16xi32>, vector<16xi1>
    tpu.vector_store %arg13[%swap3A_587], %get3A_586 masked %gt3A_574 {strides = array<i32>} : memref<272xi32, #tpu.memory_space<vmem>>, vector<16xi32>, vector<16xi1>
    %all_reduce_population_count3A_589 = tpu.all_reduce %gt3A_574 {dim = 0 : i64, kind = #tpu.reduction_kind<sum>} : vector<16xi1> -> vector<16xi32>
    %slice3A_590 = vector.extract_strided_slice %all_reduce_population_count3A_589 {offsets = [0], sizes = [1], strides = [1]} : vector<16xi32> to vector<1xi32>
    %squeeze3A_591 = vector.extract %slice3A_590[0] : i32 from vector<1xi32>
    %add3A_592 = arith.addi %add3A_569, %squeeze3A_591 : i32
    %get3A_593 = arith.constant 176 : index
    %get3A_594 = tpu.vector_load %arg8[%get3A_593] {strides = array<i32>} : memref<272xi32, #tpu.memory_space<vmem>>, vector<16xi32>,
    %gt3A_595 = arith.constant 0 : i32
    %gt3A_596 = vector.broadcast %gt3A_595 : i32 to vector<16xi32>
    %gt3A_597 = arith.cmpi sgt, %get3A_594, %gt3A_596 : vector<16xi32>
    %add3A_598 = arith.constant 176 : i32
    %add3A_599 = arith.addi %mul3A_2, %add3A_598 : i32
    %add3A_600 = vector.broadcast %add3A_599 : i32 to vector<16xi32>
    %add3A_601 = arith.addi %add3A_600, %iota3A : vector<16xi32>
    %swap3A_602 = arith.index_cast %add3A_592 : i32 to index
    %swap3A_603 = tpu.vector_load %arg11[%swap3A_602] masked %gt3A_597 {strides = array<i32>} : memref<272xi32, #tpu.memory_space<vmem>>, vector<16xi32>, vector<16xi1>
    tpu.vector_store %arg11[%swap3A_602], %add3A_601 masked %gt3A_597 {strides = array<i32>} : memref<272xi32, #tpu.memory_space<vmem>>, vector<16xi32>, vector<16xi1>
    %get3A_604 = arith.constant 176 : index
    %get3A_605 = tpu.vector_load %arg9[%get3A_604] {strides = array<i32>} : memref<272xi32, #tpu.memory_space<vmem>>, vector<16xi32>,
    %swap3A_606 = arith.index_cast %add3A_592 : i32 to index
    %swap3A_607 = tpu.vector_load %arg12[%swap3A_606] masked %gt3A_597 {strides = array<i32>} : memref<272xi32, #tpu.memory_space<vmem>>, vector<16xi32>, vector<16xi1>
    tpu.vector_store %arg12[%swap3A_606], %get3A_605 masked %gt3A_597 {strides = array<i32>} : memref<272xi32, #tpu.memory_space<vmem>>, vector<16xi32>, vector<16xi1>
    %get3A_608 = arith.constant 176 : index
    %get3A_609 = tpu.vector_load %arg10[%get3A_608] {strides = array<i32>} : memref<272xi32, #tpu.memory_space<vmem>>, vector<16xi32>,
    %swap3A_610 = arith.index_cast %add3A_592 : i32 to index
    %swap3A_611 = tpu.vector_load %arg13[%swap3A_610] masked %gt3A_597 {strides = array<i32>} : memref<272xi32, #tpu.memory_space<vmem>>, vector<16xi32>, vector<16xi1>
    tpu.vector_store %arg13[%swap3A_610], %get3A_609 masked %gt3A_597 {strides = array<i32>} : memref<272xi32, #tpu.memory_space<vmem>>, vector<16xi32>, vector<16xi1>
    %all_reduce_population_count3A_612 = tpu.all_reduce %gt3A_597 {dim = 0 : i64, kind = #tpu.reduction_kind<sum>} : vector<16xi1> -> vector<16xi32>
    %slice3A_613 = vector.extract_strided_slice %all_reduce_population_count3A_612 {offsets = [0], sizes = [1], strides = [1]} : vector<16xi32> to vector<1xi32>
    %squeeze3A_614 = vector.extract %slice3A_613[0] : i32 from vector<1xi32>
    %add3A_615 = arith.addi %add3A_592, %squeeze3A_614 : i32
    %get3A_616 = arith.constant 192 : index
    %get3A_617 = tpu.vector_load %arg8[%get3A_616] {strides = array<i32>} : memref<272xi32, #tpu.memory_space<vmem>>, vector<16xi32>,
    %gt3A_618 = arith.constant 0 : i32
    %gt3A_619 = vector.broadcast %gt3A_618 : i32 to vector<16xi32>
    %gt3A_620 = arith.cmpi sgt, %get3A_617, %gt3A_619 : vector<16xi32>
    %add3A_621 = arith.constant 192 : i32
    %add3A_622 = arith.addi %mul3A_2, %add3A_621 : i32
    %add3A_623 = vector.broadcast %add3A_622 : i32 to vector<16xi32>
    %add3A_624 = arith.addi %add3A_623, %iota3A : vector<16xi32>
    %swap3A_625 = arith.index_cast %add3A_615 : i32 to index
    %swap3A_626 = tpu.vector_load %arg11[%swap3A_625] masked %gt3A_620 {strides = array<i32>} : memref<272xi32, #tpu.memory_space<vmem>>, vector<16xi32>, vector<16xi1>
    tpu.vector_store %arg11[%swap3A_625], %add3A_624 masked %gt3A_620 {strides = array<i32>} : memref<272xi32, #tpu.memory_space<vmem>>, vector<16xi32>, vector<16xi1>
    %get3A_627 = arith.constant 192 : index
    %get3A_628 = tpu.vector_load %arg9[%get3A_627] {strides = array<i32>} : memref<272xi32, #tpu.memory_space<vmem>>, vector<16xi32>,
    %swap3A_629 = arith.index_cast %add3A_615 : i32 to index
    %swap3A_630 = tpu.vector_load %arg12[%swap3A_629] masked %gt3A_620 {strides = array<i32>} : memref<272xi32, #tpu.memory_space<vmem>>, vector<16xi32>, vector<16xi1>
    tpu.vector_store %arg12[%swap3A_629], %get3A_628 masked %gt3A_620 {strides = array<i32>} : memref<272xi32, #tpu.memory_space<vmem>>, vector<16xi32>, vector<16xi1>
    %get3A_631 = arith.constant 192 : index
    %get3A_632 = tpu.vector_load %arg10[%get3A_631] {strides = array<i32>} : memref<272xi32, #tpu.memory_space<vmem>>, vector<16xi32>,
    %swap3A_633 = arith.index_cast %add3A_615 : i32 to index
    %swap3A_634 = tpu.vector_load %arg13[%swap3A_633] masked %gt3A_620 {strides = array<i32>} : memref<272xi32, #tpu.memory_space<vmem>>, vector<16xi32>, vector<16xi1>
    tpu.vector_store %arg13[%swap3A_633], %get3A_632 masked %gt3A_620 {strides = array<i32>} : memref<272xi32, #tpu.memory_space<vmem>>, vector<16xi32>, vector<16xi1>
    %all_reduce_population_count3A_635 = tpu.all_reduce %gt3A_620 {dim = 0 : i64, kind = #tpu.reduction_kind<sum>} : vector<16xi1> -> vector<16xi32>
    %slice3A_636 = vector.extract_strided_slice %all_reduce_population_count3A_635 {offsets = [0], sizes = [1], strides = [1]} : vector<16xi32> to vector<1xi32>
    %squeeze3A_637 = vector.extract %slice3A_636[0] : i32 from vector<1xi32>
    %add3A_638 = arith.addi %add3A_615, %squeeze3A_637 : i32
    %get3A_639 = arith.constant 208 : index
    %get3A_640 = tpu.vector_load %arg8[%get3A_639] {strides = array<i32>} : memref<272xi32, #tpu.memory_space<vmem>>, vector<16xi32>,
    %gt3A_641 = arith.constant 0 : i32
    %gt3A_642 = vector.broadcast %gt3A_641 : i32 to vector<16xi32>
    %gt3A_643 = arith.cmpi sgt, %get3A_640, %gt3A_642 : vector<16xi32>
    %add3A_644 = arith.constant 208 : i32
    %add3A_645 = arith.addi %mul3A_2, %add3A_644 : i32
    %add3A_646 = vector.broadcast %add3A_645 : i32 to vector<16xi32>
    %add3A_647 = arith.addi %add3A_646, %iota3A : vector<16xi32>
    %swap3A_648 = arith.index_cast %add3A_638 : i32 to index
    %swap3A_649 = tpu.vector_load %arg11[%swap3A_648] masked %gt3A_643 {strides = array<i32>} : memref<272xi32, #tpu.memory_space<vmem>>, vector<16xi32>, vector<16xi1>
    tpu.vector_store %arg11[%swap3A_648], %add3A_647 masked %gt3A_643 {strides = array<i32>} : memref<272xi32, #tpu.memory_space<vmem>>, vector<16xi32>, vector<16xi1>
    %get3A_650 = arith.constant 208 : index
    %get3A_651 = tpu.vector_load %arg9[%get3A_650] {strides = array<i32>} : memref<272xi32, #tpu.memory_space<vmem>>, vector<16xi32>,
    %swap3A_652 = arith.index_cast %add3A_638 : i32 to index
    %swap3A_653 = tpu.vector_load %arg12[%swap3A_652] masked %gt3A_643 {strides = array<i32>} : memref<272xi32, #tpu.memory_space<vmem>>, vector<16xi32>, vector<16xi1>
    tpu.vector_store %arg12[%swap3A_652], %get3A_651 masked %gt3A_643 {strides = array<i32>} : memref<272xi32, #tpu.memory_space<vmem>>, vector<16xi32>, vector<16xi1>
    %get3A_654 = arith.constant 208 : index
    %get3A_655 = tpu.vector_load %arg10[%get3A_654] {strides = array<i32>} : memref<272xi32, #tpu.memory_space<vmem>>, vector<16xi32>,
    %swap3A_656 = arith.index_cast %add3A_638 : i32 to index
    %swap3A_657 = tpu.vector_load %arg13[%swap3A_656] masked %gt3A_643 {strides = array<i32>} : memref<272xi32, #tpu.memory_space<vmem>>, vector<16xi32>, vector<16xi1>
    tpu.vector_store %arg13[%swap3A_656], %get3A_655 masked %gt3A_643 {strides = array<i32>} : memref<272xi32, #tpu.memory_space<vmem>>, vector<16xi32>, vector<16xi1>
    %all_reduce_population_count3A_658 = tpu.all_reduce %gt3A_643 {dim = 0 : i64, kind = #tpu.reduction_kind<sum>} : vector<16xi1> -> vector<16xi32>
    %slice3A_659 = vector.extract_strided_slice %all_reduce_population_count3A_658 {offsets = [0], sizes = [1], strides = [1]} : vector<16xi32> to vector<1xi32>
    %squeeze3A_660 = vector.extract %slice3A_659[0] : i32 from vector<1xi32>
    %add3A_661 = arith.addi %add3A_638, %squeeze3A_660 : i32
    %get3A_662 = arith.constant 224 : index
    %get3A_663 = tpu.vector_load %arg8[%get3A_662] {strides = array<i32>} : memref<272xi32, #tpu.memory_space<vmem>>, vector<16xi32>,
    %gt3A_664 = arith.constant 0 : i32
    %gt3A_665 = vector.broadcast %gt3A_664 : i32 to vector<16xi32>
    %gt3A_666 = arith.cmpi sgt, %get3A_663, %gt3A_665 : vector<16xi32>
    %add3A_667 = arith.constant 224 : i32
    %add3A_668 = arith.addi %mul3A_2, %add3A_667 : i32
    %add3A_669 = vector.broadcast %add3A_668 : i32 to vector<16xi32>
    %add3A_670 = arith.addi %add3A_669, %iota3A : vector<16xi32>
    %swap3A_671 = arith.index_cast %add3A_661 : i32 to index
    %swap3A_672 = tpu.vector_load %arg11[%swap3A_671] masked %gt3A_666 {strides = array<i32>} : memref<272xi32, #tpu.memory_space<vmem>>, vector<16xi32>, vector<16xi1>
    tpu.vector_store %arg11[%swap3A_671], %add3A_670 masked %gt3A_666 {strides = array<i32>} : memref<272xi32, #tpu.memory_space<vmem>>, vector<16xi32>, vector<16xi1>
    %get3A_673 = arith.constant 224 : index
    %get3A_674 = tpu.vector_load %arg9[%get3A_673] {strides = array<i32>} : memref<272xi32, #tpu.memory_space<vmem>>, vector<16xi32>,
    %swap3A_675 = arith.index_cast %add3A_661 : i32 to index
    %swap3A_676 = tpu.vector_load %arg12[%swap3A_675] masked %gt3A_666 {strides = array<i32>} : memref<272xi32, #tpu.memory_space<vmem>>, vector<16xi32>, vector<16xi1>
    tpu.vector_store %arg12[%swap3A_675], %get3A_674 masked %gt3A_666 {strides = array<i32>} : memref<272xi32, #tpu.memory_space<vmem>>, vector<16xi32>, vector<16xi1>
    %get3A_677 = arith.constant 224 : index
    %get3A_678 = tpu.vector_load %arg10[%get3A_677] {strides = array<i32>} : memref<272xi32, #tpu.memory_space<vmem>>, vector<16xi32>,
    %swap3A_679 = arith.index_cast %add3A_661 : i32 to index
    %swap3A_680 = tpu.vector_load %arg13[%swap3A_679] masked %gt3A_666 {strides = array<i32>} : memref<272xi32, #tpu.memory_space<vmem>>, vector<16xi32>, vector<16xi1>
    tpu.vector_store %arg13[%swap3A_679], %get3A_678 masked %gt3A_666 {strides = array<i32>} : memref<272xi32, #tpu.memory_space<vmem>>, vector<16xi32>, vector<16xi1>
    %all_reduce_population_count3A_681 = tpu.all_reduce %gt3A_666 {dim = 0 : i64, kind = #tpu.reduction_kind<sum>} : vector<16xi1> -> vector<16xi32>
    %slice3A_682 = vector.extract_strided_slice %all_reduce_population_count3A_681 {offsets = [0], sizes = [1], strides = [1]} : vector<16xi32> to vector<1xi32>
    %squeeze3A_683 = vector.extract %slice3A_682[0] : i32 from vector<1xi32>
    %add3A_684 = arith.addi %add3A_661, %squeeze3A_683 : i32
    %get3A_685 = arith.constant 240 : index
    %get3A_686 = tpu.vector_load %arg8[%get3A_685] {strides = array<i32>} : memref<272xi32, #tpu.memory_space<vmem>>, vector<16xi32>,
    %gt3A_687 = arith.constant 0 : i32
    %gt3A_688 = vector.broadcast %gt3A_687 : i32 to vector<16xi32>
    %gt3A_689 = arith.cmpi sgt, %get3A_686, %gt3A_688 : vector<16xi32>
    %add3A_690 = arith.constant 240 : i32
    %add3A_691 = arith.addi %mul3A_2, %add3A_690 : i32
    %add3A_692 = vector.broadcast %add3A_691 : i32 to vector<16xi32>
    %add3A_693 = arith.addi %add3A_692, %iota3A : vector<16xi32>
    %swap3A_694 = arith.index_cast %add3A_684 : i32 to index
    %swap3A_695 = tpu.vector_load %arg11[%swap3A_694] masked %gt3A_689 {strides = array<i32>} : memref<272xi32, #tpu.memory_space<vmem>>, vector<16xi32>, vector<16xi1>
    tpu.vector_store %arg11[%swap3A_694], %add3A_693 masked %gt3A_689 {strides = array<i32>} : memref<272xi32, #tpu.memory_space<vmem>>, vector<16xi32>, vector<16xi1>
    %get3A_696 = arith.constant 240 : index
    %get3A_697 = tpu.vector_load %arg9[%get3A_696] {strides = array<i32>} : memref<272xi32, #tpu.memory_space<vmem>>, vector<16xi32>,
    %swap3A_698 = arith.index_cast %add3A_684 : i32 to index
    %swap3A_699 = tpu.vector_load %arg12[%swap3A_698] masked %gt3A_689 {strides = array<i32>} : memref<272xi32, #tpu.memory_space<vmem>>, vector<16xi32>, vector<16xi1>
    tpu.vector_store %arg12[%swap3A_698], %get3A_697 masked %gt3A_689 {strides = array<i32>} : memref<272xi32, #tpu.memory_space<vmem>>, vector<16xi32>, vector<16xi1>
    %get3A_700 = arith.constant 240 : index
    %get3A_701 = tpu.vector_load %arg10[%get3A_700] {strides = array<i32>} : memref<272xi32, #tpu.memory_space<vmem>>, vector<16xi32>,
    %swap3A_702 = arith.index_cast %add3A_684 : i32 to index
    %swap3A_703 = tpu.vector_load %arg13[%swap3A_702] masked %gt3A_689 {strides = array<i32>} : memref<272xi32, #tpu.memory_space<vmem>>, vector<16xi32>, vector<16xi1>
    tpu.vector_store %arg13[%swap3A_702], %get3A_701 masked %gt3A_689 {strides = array<i32>} : memref<272xi32, #tpu.memory_space<vmem>>, vector<16xi32>, vector<16xi1>
    %all_reduce_population_count3A_704 = tpu.all_reduce %gt3A_689 {dim = 0 : i64, kind = #tpu.reduction_kind<sum>} : vector<16xi1> -> vector<16xi32>
    %slice3A_705 = vector.extract_strided_slice %all_reduce_population_count3A_704 {offsets = [0], sizes = [1], strides = [1]} : vector<16xi32> to vector<1xi32>
    %squeeze3A_706 = vector.extract %slice3A_705[0] : i32 from vector<1xi32>
    %add3A_707 = arith.addi %add3A_684, %squeeze3A_706 : i32
    %gt3A_708 = arith.constant 0 : i32
    %gt3A_709 = arith.cmpi sgt, %add3A_707, %gt3A_708 : i32
    %convert_element_type3A = arith.extui %gt3A_709 : i1 to i32
    %cond3A = arith.constant 0 : i32
    %cond3A_710 = arith.cmpi ne, %convert_element_type3A, %cond3A : i32
    scf.if %cond3A_710 {
      %get3A_762 = arith.constant 0 : index
      %get3A_763 = tpu.vector_load %arg11[%get3A_762] {strides = array<i32>} : memref<272xi32, #tpu.memory_space<vmem>>, vector<16xi32>,
      %slice3A_764 = vector.extract_strided_slice %get3A_763 {offsets = [0], sizes = [1], strides = [1]} : vector<16xi32> to vector<1xi32>
      %squeeze3A_765 = vector.extract %slice3A_764[0] : i32 from vector<1xi32>
      %mul3A_766 = arith.constant 128 : i32
      %mul3A_767 = arith.muli %squeeze3A_765, %mul3A_766 : i32
      %multiple_of3A = tpu.assume_multiple %mul3A_767, 128 : i32
      %dma_start3A = arith.constant 0 : i32
      %dma_start3A_768 = tpu.memref_slice %arg3[%dma_start3A, %multiple_of3A] : memref<64x1000000xf32, #tpu.memory_space<hbm>> -> memref<64x128xf32, #tpu.memory_space<hbm>>
      %dma_start3A_769 = arith.constant 0 : i32
      %dma_start3A_770 = tpu.memref_slice %arg3[%dma_start3A_769, %multiple_of3A] : memref<64x1000000xf32, #tpu.memory_space<hbm>> -> memref<64x128xf32, #tpu.memory_space<hbm>>
      tpu.enqueue_dma source(%dma_start3A_770 : memref<64x128xf32, #tpu.memory_space<hbm>>) target(%arg14 : memref<64x128xf32, #tpu.memory_space<vmem>>) target_semaphore(%arg24 : memref<!tpu.dma_semaphore, #tpu.memory_space<semaphore_mem>>)
    } else {
    }
    %gt3A_711 = arith.constant 1 : i32
    %gt3A_712 = arith.cmpi sgt, %add3A_707, %gt3A_711 : i32
    %convert_element_type3A_713 = arith.extui %gt3A_712 : i1 to i32
    %cond3A_714 = arith.constant 0 : i32
    %cond3A_715 = arith.cmpi ne, %convert_element_type3A_713, %cond3A_714 : i32
    scf.if %cond3A_715 {
      %get3A_762 = arith.constant 1 : index
      %get3A_763 = tpu.vector_load %arg11[%get3A_762] {strides = array<i32>} : memref<272xi32, #tpu.memory_space<vmem>>, vector<16xi32>,
      %slice3A_764 = vector.extract_strided_slice %get3A_763 {offsets = [0], sizes = [1], strides = [1]} : vector<16xi32> to vector<1xi32>
      %squeeze3A_765 = vector.extract %slice3A_764[0] : i32 from vector<1xi32>
      %mul3A_766 = arith.constant 128 : i32
      %mul3A_767 = arith.muli %squeeze3A_765, %mul3A_766 : i32
      %multiple_of3A = tpu.assume_multiple %mul3A_767, 128 : i32
      %dma_start3A = arith.constant 0 : i32
      %dma_start3A_768 = tpu.memref_slice %arg3[%dma_start3A, %multiple_of3A] : memref<64x1000000xf32, #tpu.memory_space<hbm>> -> memref<64x128xf32, #tpu.memory_space<hbm>>
      %dma_start3A_769 = arith.constant 0 : i32
      %dma_start3A_770 = tpu.memref_slice %arg3[%dma_start3A_769, %multiple_of3A] : memref<64x1000000xf32, #tpu.memory_space<hbm>> -> memref<64x128xf32, #tpu.memory_space<hbm>>
      tpu.enqueue_dma source(%dma_start3A_770 : memref<64x128xf32, #tpu.memory_space<hbm>>) target(%arg15 : memref<64x128xf32, #tpu.memory_space<vmem>>) target_semaphore(%arg25 : memref<!tpu.dma_semaphore, #tpu.memory_space<semaphore_mem>>)
    } else {
    }
    %gt3A_716 = arith.constant 2 : i32
    %gt3A_717 = arith.cmpi sgt, %add3A_707, %gt3A_716 : i32
    %convert_element_type3A_718 = arith.extui %gt3A_717 : i1 to i32
    %cond3A_719 = arith.constant 0 : i32
    %cond3A_720 = arith.cmpi ne, %convert_element_type3A_718, %cond3A_719 : i32
    scf.if %cond3A_720 {
      %get3A_762 = arith.constant 2 : index
      %get3A_763 = tpu.vector_load %arg11[%get3A_762] {strides = array<i32>} : memref<272xi32, #tpu.memory_space<vmem>>, vector<16xi32>,
      %slice3A_764 = vector.extract_strided_slice %get3A_763 {offsets = [0], sizes = [1], strides = [1]} : vector<16xi32> to vector<1xi32>
      %squeeze3A_765 = vector.extract %slice3A_764[0] : i32 from vector<1xi32>
      %mul3A_766 = arith.constant 128 : i32
      %mul3A_767 = arith.muli %squeeze3A_765, %mul3A_766 : i32
      %multiple_of3A = tpu.assume_multiple %mul3A_767, 128 : i32
      %dma_start3A = arith.constant 0 : i32
      %dma_start3A_768 = tpu.memref_slice %arg3[%dma_start3A, %multiple_of3A] : memref<64x1000000xf32, #tpu.memory_space<hbm>> -> memref<64x128xf32, #tpu.memory_space<hbm>>
      %dma_start3A_769 = arith.constant 0 : i32
      %dma_start3A_770 = tpu.memref_slice %arg3[%dma_start3A_769, %multiple_of3A] : memref<64x1000000xf32, #tpu.memory_space<hbm>> -> memref<64x128xf32, #tpu.memory_space<hbm>>
      tpu.enqueue_dma source(%dma_start3A_770 : memref<64x128xf32, #tpu.memory_space<hbm>>) target(%arg16 : memref<64x128xf32, #tpu.memory_space<vmem>>) target_semaphore(%arg26 : memref<!tpu.dma_semaphore, #tpu.memory_space<semaphore_mem>>)
    } else {
    }
    %gt3A_721 = arith.constant 3 : i32
    %gt3A_722 = arith.cmpi sgt, %add3A_707, %gt3A_721 : i32
    %convert_element_type3A_723 = arith.extui %gt3A_722 : i1 to i32
    %cond3A_724 = arith.constant 0 : i32
    %cond3A_725 = arith.cmpi ne, %convert_element_type3A_723, %cond3A_724 : i32
    scf.if %cond3A_725 {
      %get3A_762 = arith.constant 3 : index
      %get3A_763 = tpu.vector_load %arg11[%get3A_762] {strides = array<i32>} : memref<272xi32, #tpu.memory_space<vmem>>, vector<16xi32>,
      %slice3A_764 = vector.extract_strided_slice %get3A_763 {offsets = [0], sizes = [1], strides = [1]} : vector<16xi32> to vector<1xi32>
      %squeeze3A_765 = vector.extract %slice3A_764[0] : i32 from vector<1xi32>
      %mul3A_766 = arith.constant 128 : i32
      %mul3A_767 = arith.muli %squeeze3A_765, %mul3A_766 : i32
      %multiple_of3A = tpu.assume_multiple %mul3A_767, 128 : i32
      %dma_start3A = arith.constant 0 : i32
      %dma_start3A_768 = tpu.memref_slice %arg3[%dma_start3A, %multiple_of3A] : memref<64x1000000xf32, #tpu.memory_space<hbm>> -> memref<64x128xf32, #tpu.memory_space<hbm>>
      %dma_start3A_769 = arith.constant 0 : i32
      %dma_start3A_770 = tpu.memref_slice %arg3[%dma_start3A_769, %multiple_of3A] : memref<64x1000000xf32, #tpu.memory_space<hbm>> -> memref<64x128xf32, #tpu.memory_space<hbm>>
      tpu.enqueue_dma source(%dma_start3A_770 : memref<64x128xf32, #tpu.memory_space<hbm>>) target(%arg17 : memref<64x128xf32, #tpu.memory_space<vmem>>) target_semaphore(%arg27 : memref<!tpu.dma_semaphore, #tpu.memory_space<semaphore_mem>>)
    } else {
    }
    %gt3A_726 = arith.constant 4 : i32
    %gt3A_727 = arith.cmpi sgt, %add3A_707, %gt3A_726 : i32
    %convert_element_type3A_728 = arith.extui %gt3A_727 : i1 to i32
    %cond3A_729 = arith.constant 0 : i32
    %cond3A_730 = arith.cmpi ne, %convert_element_type3A_728, %cond3A_729 : i32
    scf.if %cond3A_730 {
      %get3A_762 = arith.constant 4 : index
      %get3A_763 = tpu.vector_load %arg11[%get3A_762] {strides = array<i32>} : memref<272xi32, #tpu.memory_space<vmem>>, vector<16xi32>,
      %slice3A_764 = vector.extract_strided_slice %get3A_763 {offsets = [0], sizes = [1], strides = [1]} : vector<16xi32> to vector<1xi32>
      %squeeze3A_765 = vector.extract %slice3A_764[0] : i32 from vector<1xi32>
      %mul3A_766 = arith.constant 128 : i32
      %mul3A_767 = arith.muli %squeeze3A_765, %mul3A_766 : i32
      %multiple_of3A = tpu.assume_multiple %mul3A_767, 128 : i32
      %dma_start3A = arith.constant 0 : i32
      %dma_start3A_768 = tpu.memref_slice %arg3[%dma_start3A, %multiple_of3A] : memref<64x1000000xf32, #tpu.memory_space<hbm>> -> memref<64x128xf32, #tpu.memory_space<hbm>>
      %dma_start3A_769 = arith.constant 0 : i32
      %dma_start3A_770 = tpu.memref_slice %arg3[%dma_start3A_769, %multiple_of3A] : memref<64x1000000xf32, #tpu.memory_space<hbm>> -> memref<64x128xf32, #tpu.memory_space<hbm>>
      tpu.enqueue_dma source(%dma_start3A_770 : memref<64x128xf32, #tpu.memory_space<hbm>>) target(%arg18 : memref<64x128xf32, #tpu.memory_space<vmem>>) target_semaphore(%arg28 : memref<!tpu.dma_semaphore, #tpu.memory_space<semaphore_mem>>)
    } else {
    }
    %gt3A_731 = arith.constant 5 : i32
    %gt3A_732 = arith.cmpi sgt, %add3A_707, %gt3A_731 : i32
    %convert_element_type3A_733 = arith.extui %gt3A_732 : i1 to i32
    %cond3A_734 = arith.constant 0 : i32
    %cond3A_735 = arith.cmpi ne, %convert_element_type3A_733, %cond3A_734 : i32
    scf.if %cond3A_735 {
      %get3A_762 = arith.constant 5 : index
      %get3A_763 = tpu.vector_load %arg11[%get3A_762] {strides = array<i32>} : memref<272xi32, #tpu.memory_space<vmem>>, vector<16xi32>,
      %slice3A_764 = vector.extract_strided_slice %get3A_763 {offsets = [0], sizes = [1], strides = [1]} : vector<16xi32> to vector<1xi32>
      %squeeze3A_765 = vector.extract %slice3A_764[0] : i32 from vector<1xi32>
      %mul3A_766 = arith.constant 128 : i32
      %mul3A_767 = arith.muli %squeeze3A_765, %mul3A_766 : i32
      %multiple_of3A = tpu.assume_multiple %mul3A_767, 128 : i32
      %dma_start3A = arith.constant 0 : i32
      %dma_start3A_768 = tpu.memref_slice %arg3[%dma_start3A, %multiple_of3A] : memref<64x1000000xf32, #tpu.memory_space<hbm>> -> memref<64x128xf32, #tpu.memory_space<hbm>>
      %dma_start3A_769 = arith.constant 0 : i32
      %dma_start3A_770 = tpu.memref_slice %arg3[%dma_start3A_769, %multiple_of3A] : memref<64x1000000xf32, #tpu.memory_space<hbm>> -> memref<64x128xf32, #tpu.memory_space<hbm>>
      tpu.enqueue_dma source(%dma_start3A_770 : memref<64x128xf32, #tpu.memory_space<hbm>>) target(%arg19 : memref<64x128xf32, #tpu.memory_space<vmem>>) target_semaphore(%arg29 : memref<!tpu.dma_semaphore, #tpu.memory_space<semaphore_mem>>)
    } else {
    }
    %gt3A_736 = arith.constant 6 : i32
    %gt3A_737 = arith.cmpi sgt, %add3A_707, %gt3A_736 : i32
    %convert_element_type3A_738 = arith.extui %gt3A_737 : i1 to i32
    %cond3A_739 = arith.constant 0 : i32
    %cond3A_740 = arith.cmpi ne, %convert_element_type3A_738, %cond3A_739 : i32
    scf.if %cond3A_740 {
      %get3A_762 = arith.constant 6 : index
      %get3A_763 = tpu.vector_load %arg11[%get3A_762] {strides = array<i32>} : memref<272xi32, #tpu.memory_space<vmem>>, vector<16xi32>,
      %slice3A_764 = vector.extract_strided_slice %get3A_763 {offsets = [0], sizes = [1], strides = [1]} : vector<16xi32> to vector<1xi32>
      %squeeze3A_765 = vector.extract %slice3A_764[0] : i32 from vector<1xi32>
      %mul3A_766 = arith.constant 128 : i32
      %mul3A_767 = arith.muli %squeeze3A_765, %mul3A_766 : i32
      %multiple_of3A = tpu.assume_multiple %mul3A_767, 128 : i32
      %dma_start3A = arith.constant 0 : i32
      %dma_start3A_768 = tpu.memref_slice %arg3[%dma_start3A, %multiple_of3A] : memref<64x1000000xf32, #tpu.memory_space<hbm>> -> memref<64x128xf32, #tpu.memory_space<hbm>>
      %dma_start3A_769 = arith.constant 0 : i32
      %dma_start3A_770 = tpu.memref_slice %arg3[%dma_start3A_769, %multiple_of3A] : memref<64x1000000xf32, #tpu.memory_space<hbm>> -> memref<64x128xf32, #tpu.memory_space<hbm>>
      tpu.enqueue_dma source(%dma_start3A_770 : memref<64x128xf32, #tpu.memory_space<hbm>>) target(%arg20 : memref<64x128xf32, #tpu.memory_space<vmem>>) target_semaphore(%arg30 : memref<!tpu.dma_semaphore, #tpu.memory_space<semaphore_mem>>)
    } else {
    }
    %scan3A_741 = arith.constant 0 : i32
    %scan3A_742 = arith.constant 0 : i32
    %scan3A_743 = arith.constant 31 : i32
    %scan3A_744 = arith.addi %scan3A_742, %scan3A_743 : i32
    %scan3A_745 = arith.constant 1 : i32
    %scan3A_746 = scf.for %scan3A_762 = %scan3A_742 to %scan3A_744 step %scan3A_745 iter_args(%scan3A_763 = %scan3A_741) -> (i32)  : i32 {
      %mul3A_764 = arith.constant 8 : i32
      %mul3A_765 = arith.muli %scan3A_762, %mul3A_764 : i32
      %add3A_766 = arith.constant 0 : i32
      %add3A_767 = arith.addi %mul3A_765, %add3A_766 : i32
      %lt3A = arith.cmpi slt, %add3A_767, %add3A_707 : i32
      %add3A_768 = arith.constant 8 : i32
      %add3A_769 = arith.addi %add3A_767, %add3A_768 : i32
      %sub3A_770 = arith.constant 1 : i32
      %sub3A_771 = arith.subi %add3A_769, %sub3A_770 : i32
      %lt3A_772 = arith.cmpi slt, %sub3A_771, %add3A_707 : i32
      %convert_element_type3A_773 = arith.extui %lt3A_772 : i1 to i32
      %cond3A_774 = arith.constant 0 : i32
      %cond3A_775 = arith.cmpi ne, %convert_element_type3A_773, %cond3A_774 : i32
      scf.if %cond3A_775 {
        %add3A_1065 = arith.constant 8 : i32
        %add3A_1066 = arith.addi %add3A_767, %add3A_1065 : i32
        %sub3A_1067 = arith.constant 1 : i32
        %sub3A_1068 = arith.subi %add3A_1066, %sub3A_1067 : i32
        %get3A_1069 = arith.index_cast %sub3A_1068 : i32 to index
        %get3A_1070 = tpu.vector_load %arg11[%get3A_1069] {strides = array<i32>} : memref<272xi32, #tpu.memory_space<vmem>>, vector<16xi32>,
        %slice3A_1071 = vector.extract_strided_slice %get3A_1070 {offsets = [0], sizes = [1], strides = [1]} : vector<16xi32> to vector<1xi32>
        %squeeze3A_1072 = vector.extract %slice3A_1071[0] : i32 from vector<1xi32>
        %mul3A_1073 = arith.constant 128 : i32
        %mul3A_1074 = arith.muli %squeeze3A_1072, %mul3A_1073 : i32
        %multiple_of3A = tpu.assume_multiple %mul3A_1074, 128 : i32
        %dma_start3A = arith.constant 0 : i32
        %dma_start3A_1075 = tpu.memref_slice %arg3[%dma_start3A, %multiple_of3A] : memref<64x1000000xf32, #tpu.memory_space<hbm>> -> memref<64x128xf32, #tpu.memory_space<hbm>>
        %dma_start3A_1076 = arith.constant 0 : i32
        %dma_start3A_1077 = tpu.memref_slice %arg3[%dma_start3A_1076, %multiple_of3A] : memref<64x1000000xf32, #tpu.memory_space<hbm>> -> memref<64x128xf32, #tpu.memory_space<hbm>>
        tpu.enqueue_dma source(%dma_start3A_1077 : memref<64x128xf32, #tpu.memory_space<hbm>>) target(%arg21 : memref<64x128xf32, #tpu.memory_space<vmem>>) target_semaphore(%arg31 : memref<!tpu.dma_semaphore, #tpu.memory_space<semaphore_mem>>)
      } else {
      }
      %convert_element_type3A_776 = arith.extui %lt3A : i1 to i32
      %cond3A_777 = arith.constant 0 : i32
      %cond3A_778 = arith.cmpi ne, %convert_element_type3A_776, %cond3A_777 : i32
      scf.if %cond3A_778 {
        %dma_wait3A = arith.constant 0 : i32
        %dma_wait3A_1065 = arith.constant 0 : i32
        %dma_wait3A_1066 = tpu.memref_slice %arg3[%dma_wait3A, %dma_wait3A_1065] : memref<64x1000000xf32, #tpu.memory_space<hbm>> -> memref<64x128xf32, #tpu.memory_space<hbm>>
        %dma_wait3A_1067 = arith.constant 0 : i32
        %dma_wait3A_1068 = arith.constant 0 : i32
        %dma_wait3A_1069 = tpu.memref_slice %arg3[%dma_wait3A_1067, %dma_wait3A_1068] : memref<64x1000000xf32, #tpu.memory_space<hbm>> -> memref<64x128xf32, #tpu.memory_space<hbm>>
        tpu.wait_dma2 semaphore(%arg24 : memref<!tpu.dma_semaphore, #tpu.memory_space<semaphore_mem>>) src(%dma_wait3A_1069 : memref<64x128xf32, #tpu.memory_space<hbm>>) dst(%arg14 : memref<64x128xf32, #tpu.memory_space<vmem>>)
      } else {
      }
      %get3A_779 = arith.index_cast %add3A_767 : i32 to index
      %get3A_780 = tpu.vector_load %arg12[%get3A_779] {strides = array<i32>} : memref<272xi32, #tpu.memory_space<vmem>>, vector<16xi32>,
      %slice3A_781 = vector.extract_strided_slice %get3A_780 {offsets = [0], sizes = [1], strides = [1]} : vector<16xi32> to vector<1xi32>
      %squeeze3A_782 = vector.extract %slice3A_781[0] : i32 from vector<1xi32>
      %get3A_783 = arith.index_cast %add3A_767 : i32 to index
      %get3A_784 = tpu.vector_load %arg13[%get3A_783] {strides = array<i32>} : memref<272xi32, #tpu.memory_space<vmem>>, vector<16xi32>,
      %slice3A_785 = vector.extract_strided_slice %get3A_784 {offsets = [0], sizes = [1], strides = [1]} : vector<16xi32> to vector<1xi32>
      %squeeze3A_786 = vector.extract %slice3A_785[0] : i32 from vector<1xi32>
      %jit3A = arith.constant 0 : i32
      %select_n3A = arith.select %lt3A, %squeeze3A_782, %jit3A : i32
      %jit3A_787 = arith.constant 0 : i32
      %select_n3A_788 = arith.select %lt3A, %squeeze3A_786, %jit3A_787 : i32
      %while3A_789 = arith.subi %select_n3A_788, %select_n3A : i32
      %while3A_790 = arith.addi %select_n3A, %while3A_789 : i32
      %while3A_791 = arith.constant 1 : i32
      %while3A_792 = arith.divsi %while3A_789, %while3A_791 : i32
      %while3A_793 = arith.muli %while3A_792, %while3A_791 : i32
      %while3A_794 = arith.addi %select_n3A, %while3A_793 : i32
      %while3A_795 = arith.constant 1 : i32
      %while3A_796 = scf.for %while3A_1065 = %select_n3A to %while3A_794 step %while3A_795 iter_args(%while3A_1066 = %scan3A_763) -> (i32)  : i32 {
        %ge3A = arith.constant 64 : i32
        %ge3A_1067 = arith.cmpi sge, %while3A_1066, %ge3A : i32
        %convert_element_type3A_1068 = arith.extui %ge3A_1067 : i1 to i32
        %cond3A_1069 = arith.constant 0 : i32
        %cond3A_1070 = arith.cmpi ne, %convert_element_type3A_1068, %cond3A_1069 : i32
        scf.if %cond3A_1070 {
          %dma_wait3A = arith.constant 0 : i32
          %dma_wait3A_1122 = arith.constant 0 : i32
          %dma_wait3A_1123 = arith.constant 0 : i32
          %dma_wait3A_1124 = tpu.memref_slice %arg22[%dma_wait3A, %dma_wait3A_1123] : memref<64x64xf32, #tpu.memory_space<vmem>> -> memref<1x64xf32, #tpu.memory_space<vmem>>
          %dma_wait3A_1125 = tpu.memref_squeeze %dma_wait3A_1124 : memref<1x64xf32, #tpu.memory_space<vmem>> -> memref<64xf32, #tpu.memory_space<vmem>>
          %dma_wait3A_1126 = arith.constant 0 : i32
          %dma_wait3A_1127 = tpu.memref_slice %arg4[%dma_wait3A_1122, %dma_wait3A_1126] : memref<16384x64xf32, #tpu.memory_space<hbm>> -> memref<1x64xf32, #tpu.memory_space<hbm>>
          %dma_wait3A_1128 = tpu.memref_squeeze %dma_wait3A_1127 : memref<1x64xf32, #tpu.memory_space<hbm>> -> memref<64xf32, #tpu.memory_space<hbm>>
          %dma_wait3A_1129 = arith.constant 0 : i32
          %dma_wait3A_1130 = tpu.memref_slice %arg4[%dma_wait3A_1122, %dma_wait3A_1129] : memref<16384x64xf32, #tpu.memory_space<hbm>> -> memref<1x64xf32, #tpu.memory_space<hbm>>
          %dma_wait3A_1131 = tpu.memref_squeeze %dma_wait3A_1130 : memref<1x64xf32, #tpu.memory_space<hbm>> -> memref<64xf32, #tpu.memory_space<hbm>>
          %dma_wait3A_1132 = arith.constant 0 : i32
          %dma_wait3A_1133 = tpu.memref_slice %arg22[%dma_wait3A, %dma_wait3A_1132] : memref<64x64xf32, #tpu.memory_space<vmem>> -> memref<1x64xf32, #tpu.memory_space<vmem>>
          %dma_wait3A_1134 = tpu.memref_squeeze %dma_wait3A_1133 : memref<1x64xf32, #tpu.memory_space<vmem>> -> memref<64xf32, #tpu.memory_space<vmem>>
          tpu.wait_dma2 semaphore(%arg23 : memref<!tpu.dma_semaphore, #tpu.memory_space<semaphore_mem>>) src(%dma_wait3A_1134 : memref<64xf32, #tpu.memory_space<vmem>>) dst(%dma_wait3A_1131 : memref<64xf32, #tpu.memory_space<hbm>>)
        } else {
        }
        %and3A = arith.constant 63 : i32
        %and3A_1071 = arith.andi %while3A_1066, %and3A : i32
        %get3A_1072 = arith.index_cast %while3A_1065 : i32 to index
        %get3A_1073 = tpu.vector_load %arg7[%get3A_1072] {strides = array<i32>} : memref<16400xi32, #tpu.memory_space<vmem>>, vector<16xi32>,
        %slice3A_1074 = vector.extract_strided_slice %get3A_1073 {offsets = [0], sizes = [1], strides = [1]} : vector<16xi32> to vector<1xi32>
        %squeeze3A_1075 = vector.extract %slice3A_1074[0] : i32 from vector<1xi32>
        %shift_right_arithmetic3A = arith.constant 7 : i32
        %shift_right_arithmetic3A_1076 = arith.shrsi %squeeze3A_1075, %shift_right_arithmetic3A : i32
        %and3A_1077 = arith.constant 16383 : i32
        %and3A_1078 = arith.andi %shift_right_arithmetic3A_1076, %and3A_1077 : i32
        %and3A_1079 = arith.constant 127 : i32
        %and3A_1080 = arith.andi %squeeze3A_1075, %and3A_1079 : i32
        %broadcast_in_dim3A_1081 = vector.broadcast %and3A_1080 : i32 to vector<16xi32>
        %add3A_1082 = arith.constant 0 : i32
        %add3A_1083 = vector.broadcast %add3A_1082 : i32 to vector<16xi32>
        %add3A_1084 = arith.addi %iota3A, %add3A_1083 : vector<16xi32>
        %gather3A = tpu.vector_load_idx %arg14[%add3A_1084, %broadcast_in_dim3A_1081] : memref<64x128xf32, #tpu.memory_space<vmem>>[vector<16xi32>, vector<16xi32>], vector<16xf32>,
        %swap3A_1085 = arith.index_cast %and3A_1071 : i32 to index
        %swap3A_1086 = arith.constant 0 : index
        %swap3A_1087 = tpu.vector_load %arg22[%swap3A_1085, %swap3A_1086] {strides = array<i32>} : memref<64x64xf32, #tpu.memory_space<vmem>>, vector<16xf32>,
        tpu.vector_store %arg22[%swap3A_1085, %swap3A_1086], %gather3A {strides = array<i32>} : memref<64x64xf32, #tpu.memory_space<vmem>>, vector<16xf32>,
        %add3A_1088 = arith.constant 16 : i32
        %add3A_1089 = vector.broadcast %add3A_1088 : i32 to vector<16xi32>
        %add3A_1090 = arith.addi %iota3A, %add3A_1089 : vector<16xi32>
        %gather3A_1091 = tpu.vector_load_idx %arg14[%add3A_1090, %broadcast_in_dim3A_1081] : memref<64x128xf32, #tpu.memory_space<vmem>>[vector<16xi32>, vector<16xi32>], vector<16xf32>,
        %swap3A_1092 = arith.index_cast %and3A_1071 : i32 to index
        %swap3A_1093 = arith.constant 16 : index
        %swap3A_1094 = tpu.vector_load %arg22[%swap3A_1092, %swap3A_1093] {strides = array<i32>} : memref<64x64xf32, #tpu.memory_space<vmem>>, vector<16xf32>,
        tpu.vector_store %arg22[%swap3A_1092, %swap3A_1093], %gather3A_1091 {strides = array<i32>} : memref<64x64xf32, #tpu.memory_space<vmem>>, vector<16xf32>,
        %add3A_1095 = arith.constant 32 : i32
        %add3A_1096 = vector.broadcast %add3A_1095 : i32 to vector<16xi32>
        %add3A_1097 = arith.addi %iota3A, %add3A_1096 : vector<16xi32>
        %gather3A_1098 = tpu.vector_load_idx %arg14[%add3A_1097, %broadcast_in_dim3A_1081] : memref<64x128xf32, #tpu.memory_space<vmem>>[vector<16xi32>, vector<16xi32>], vector<16xf32>,
        %swap3A_1099 = arith.index_cast %and3A_1071 : i32 to index
        %swap3A_1100 = arith.constant 32 : index
        %swap3A_1101 = tpu.vector_load %arg22[%swap3A_1099, %swap3A_1100] {strides = array<i32>} : memref<64x64xf32, #tpu.memory_space<vmem>>, vector<16xf32>,
        tpu.vector_store %arg22[%swap3A_1099, %swap3A_1100], %gather3A_1098 {strides = array<i32>} : memref<64x64xf32, #tpu.memory_space<vmem>>, vector<16xf32>,
        %add3A_1102 = arith.constant 48 : i32
        %add3A_1103 = vector.broadcast %add3A_1102 : i32 to vector<16xi32>
        %add3A_1104 = arith.addi %iota3A, %add3A_1103 : vector<16xi32>
        %gather3A_1105 = tpu.vector_load_idx %arg14[%add3A_1104, %broadcast_in_dim3A_1081] : memref<64x128xf32, #tpu.memory_space<vmem>>[vector<16xi32>, vector<16xi32>], vector<16xf32>,
        %swap3A_1106 = arith.index_cast %and3A_1071 : i32 to index
        %swap3A_1107 = arith.constant 48 : index
        %swap3A_1108 = tpu.vector_load %arg22[%swap3A_1106, %swap3A_1107] {strides = array<i32>} : memref<64x64xf32, #tpu.memory_space<vmem>>, vector<16xf32>,
        tpu.vector_store %arg22[%swap3A_1106, %swap3A_1107], %gather3A_1105 {strides = array<i32>} : memref<64x64xf32, #tpu.memory_space<vmem>>, vector<16xf32>,
        %dma_start3A = arith.constant 0 : i32
        %dma_start3A_1109 = tpu.memref_slice %arg22[%and3A_1071, %dma_start3A] : memref<64x64xf32, #tpu.memory_space<vmem>> -> memref<1x64xf32, #tpu.memory_space<vmem>>
        %dma_start3A_1110 = tpu.memref_squeeze %dma_start3A_1109 : memref<1x64xf32, #tpu.memory_space<vmem>> -> memref<64xf32, #tpu.memory_space<vmem>>
        %dma_start3A_1111 = arith.constant 0 : i32
        %dma_start3A_1112 = tpu.memref_slice %arg4[%and3A_1078, %dma_start3A_1111] : memref<16384x64xf32, #tpu.memory_space<hbm>> -> memref<1x64xf32, #tpu.memory_space<hbm>>
        %dma_start3A_1113 = tpu.memref_squeeze %dma_start3A_1112 : memref<1x64xf32, #tpu.memory_space<hbm>> -> memref<64xf32, #tpu.memory_space<hbm>>
        %dma_start3A_1114 = arith.constant 0 : i32
        %dma_start3A_1115 = tpu.memref_slice %arg4[%and3A_1078, %dma_start3A_1114] : memref<16384x64xf32, #tpu.memory_space<hbm>> -> memref<1x64xf32, #tpu.memory_space<hbm>>
        %dma_start3A_1116 = tpu.memref_squeeze %dma_start3A_1115 : memref<1x64xf32, #tpu.memory_space<hbm>> -> memref<64xf32, #tpu.memory_space<hbm>>
        %dma_start3A_1117 = arith.constant 0 : i32
        %dma_start3A_1118 = tpu.memref_slice %arg22[%and3A_1071, %dma_start3A_1117] : memref<64x64xf32, #tpu.memory_space<vmem>> -> memref<1x64xf32, #tpu.memory_space<vmem>>
        %dma_start3A_1119 = tpu.memref_squeeze %dma_start3A_1118 : memref<1x64xf32, #tpu.memory_space<vmem>> -> memref<64xf32, #tpu.memory_space<vmem>>
        tpu.enqueue_dma source(%dma_start3A_1119 : memref<64xf32, #tpu.memory_space<vmem>>) target(%dma_start3A_1116 : memref<64xf32, #tpu.memory_space<hbm>>) target_semaphore(%arg23 : memref<!tpu.dma_semaphore, #tpu.memory_space<semaphore_mem>>)
        %add3A_1120 = arith.constant 1 : i32
        %add3A_1121 = arith.addi %while3A_1066, %add3A_1120 : i32
        scf.yield %add3A_1121 : i32
      }
      %while3A_797 = arith.constant 1 : i32
      %while3A_798 = scf.for %while3A_1065 = %while3A_794 to %while3A_790 step %while3A_797 iter_args(%while3A_1066 = %while3A_796) -> (i32)  : i32 {
        %ge3A = arith.constant 64 : i32
        %ge3A_1067 = arith.cmpi sge, %while3A_1066, %ge3A : i32
        %convert_element_type3A_1068 = arith.extui %ge3A_1067 : i1 to i32
        %cond3A_1069 = arith.constant 0 : i32
        %cond3A_1070 = arith.cmpi ne, %convert_element_type3A_1068, %cond3A_1069 : i32
        scf.if %cond3A_1070 {
          %dma_wait3A = arith.constant 0 : i32
          %dma_wait3A_1122 = arith.constant 0 : i32
          %dma_wait3A_1123 = arith.constant 0 : i32
          %dma_wait3A_1124 = tpu.memref_slice %arg22[%dma_wait3A, %dma_wait3A_1123] : memref<64x64xf32, #tpu.memory_space<vmem>> -> memref<1x64xf32, #tpu.memory_space<vmem>>
          %dma_wait3A_1125 = tpu.memref_squeeze %dma_wait3A_1124 : memref<1x64xf32, #tpu.memory_space<vmem>> -> memref<64xf32, #tpu.memory_space<vmem>>
          %dma_wait3A_1126 = arith.constant 0 : i32
          %dma_wait3A_1127 = tpu.memref_slice %arg4[%dma_wait3A_1122, %dma_wait3A_1126] : memref<16384x64xf32, #tpu.memory_space<hbm>> -> memref<1x64xf32, #tpu.memory_space<hbm>>
          %dma_wait3A_1128 = tpu.memref_squeeze %dma_wait3A_1127 : memref<1x64xf32, #tpu.memory_space<hbm>> -> memref<64xf32, #tpu.memory_space<hbm>>
          %dma_wait3A_1129 = arith.constant 0 : i32
          %dma_wait3A_1130 = tpu.memref_slice %arg4[%dma_wait3A_1122, %dma_wait3A_1129] : memref<16384x64xf32, #tpu.memory_space<hbm>> -> memref<1x64xf32, #tpu.memory_space<hbm>>
          %dma_wait3A_1131 = tpu.memref_squeeze %dma_wait3A_1130 : memref<1x64xf32, #tpu.memory_space<hbm>> -> memref<64xf32, #tpu.memory_space<hbm>>
          %dma_wait3A_1132 = arith.constant 0 : i32
          %dma_wait3A_1133 = tpu.memref_slice %arg22[%dma_wait3A, %dma_wait3A_1132] : memref<64x64xf32, #tpu.memory_space<vmem>> -> memref<1x64xf32, #tpu.memory_space<vmem>>
          %dma_wait3A_1134 = tpu.memref_squeeze %dma_wait3A_1133 : memref<1x64xf32, #tpu.memory_space<vmem>> -> memref<64xf32, #tpu.memory_space<vmem>>
          tpu.wait_dma2 semaphore(%arg23 : memref<!tpu.dma_semaphore, #tpu.memory_space<semaphore_mem>>) src(%dma_wait3A_1134 : memref<64xf32, #tpu.memory_space<vmem>>) dst(%dma_wait3A_1131 : memref<64xf32, #tpu.memory_space<hbm>>)
        } else {
        }
        %and3A = arith.constant 63 : i32
        %and3A_1071 = arith.andi %while3A_1066, %and3A : i32
        %get3A_1072 = arith.index_cast %while3A_1065 : i32 to index
        %get3A_1073 = tpu.vector_load %arg7[%get3A_1072] {strides = array<i32>} : memref<16400xi32, #tpu.memory_space<vmem>>, vector<16xi32>,
        %slice3A_1074 = vector.extract_strided_slice %get3A_1073 {offsets = [0], sizes = [1], strides = [1]} : vector<16xi32> to vector<1xi32>
        %squeeze3A_1075 = vector.extract %slice3A_1074[0] : i32 from vector<1xi32>
        %shift_right_arithmetic3A = arith.constant 7 : i32
        %shift_right_arithmetic3A_1076 = arith.shrsi %squeeze3A_1075, %shift_right_arithmetic3A : i32
        %and3A_1077 = arith.constant 16383 : i32
        %and3A_1078 = arith.andi %shift_right_arithmetic3A_1076, %and3A_1077 : i32
        %and3A_1079 = arith.constant 127 : i32
        %and3A_1080 = arith.andi %squeeze3A_1075, %and3A_1079 : i32
        %broadcast_in_dim3A_1081 = vector.broadcast %and3A_1080 : i32 to vector<16xi32>
        %add3A_1082 = arith.constant 0 : i32
        %add3A_1083 = vector.broadcast %add3A_1082 : i32 to vector<16xi32>
        %add3A_1084 = arith.addi %iota3A, %add3A_1083 : vector<16xi32>
        %gather3A = tpu.vector_load_idx %arg14[%add3A_1084, %broadcast_in_dim3A_1081] : memref<64x128xf32, #tpu.memory_space<vmem>>[vector<16xi32>, vector<16xi32>], vector<16xf32>,
        %swap3A_1085 = arith.index_cast %and3A_1071 : i32 to index
        %swap3A_1086 = arith.constant 0 : index
        %swap3A_1087 = tpu.vector_load %arg22[%swap3A_1085, %swap3A_1086] {strides = array<i32>} : memref<64x64xf32, #tpu.memory_space<vmem>>, vector<16xf32>,
        tpu.vector_store %arg22[%swap3A_1085, %swap3A_1086], %gather3A {strides = array<i32>} : memref<64x64xf32, #tpu.memory_space<vmem>>, vector<16xf32>,
        %add3A_1088 = arith.constant 16 : i32
        %add3A_1089 = vector.broadcast %add3A_1088 : i32 to vector<16xi32>
        %add3A_1090 = arith.addi %iota3A, %add3A_1089 : vector<16xi32>
        %gather3A_1091 = tpu.vector_load_idx %arg14[%add3A_1090, %broadcast_in_dim3A_1081] : memref<64x128xf32, #tpu.memory_space<vmem>>[vector<16xi32>, vector<16xi32>], vector<16xf32>,
        %swap3A_1092 = arith.index_cast %and3A_1071 : i32 to index
        %swap3A_1093 = arith.constant 16 : index
        %swap3A_1094 = tpu.vector_load %arg22[%swap3A_1092, %swap3A_1093] {strides = array<i32>} : memref<64x64xf32, #tpu.memory_space<vmem>>, vector<16xf32>,
        tpu.vector_store %arg22[%swap3A_1092, %swap3A_1093], %gather3A_1091 {strides = array<i32>} : memref<64x64xf32, #tpu.memory_space<vmem>>, vector<16xf32>,
        %add3A_1095 = arith.constant 32 : i32
        %add3A_1096 = vector.broadcast %add3A_1095 : i32 to vector<16xi32>
        %add3A_1097 = arith.addi %iota3A, %add3A_1096 : vector<16xi32>
        %gather3A_1098 = tpu.vector_load_idx %arg14[%add3A_1097, %broadcast_in_dim3A_1081] : memref<64x128xf32, #tpu.memory_space<vmem>>[vector<16xi32>, vector<16xi32>], vector<16xf32>,
        %swap3A_1099 = arith.index_cast %and3A_1071 : i32 to index
        %swap3A_1100 = arith.constant 32 : index
        %swap3A_1101 = tpu.vector_load %arg22[%swap3A_1099, %swap3A_1100] {strides = array<i32>} : memref<64x64xf32, #tpu.memory_space<vmem>>, vector<16xf32>,
        tpu.vector_store %arg22[%swap3A_1099, %swap3A_1100], %gather3A_1098 {strides = array<i32>} : memref<64x64xf32, #tpu.memory_space<vmem>>, vector<16xf32>,
        %add3A_1102 = arith.constant 48 : i32
        %add3A_1103 = vector.broadcast %add3A_1102 : i32 to vector<16xi32>
        %add3A_1104 = arith.addi %iota3A, %add3A_1103 : vector<16xi32>
        %gather3A_1105 = tpu.vector_load_idx %arg14[%add3A_1104, %broadcast_in_dim3A_1081] : memref<64x128xf32, #tpu.memory_space<vmem>>[vector<16xi32>, vector<16xi32>], vector<16xf32>,
        %swap3A_1106 = arith.index_cast %and3A_1071 : i32 to index
        %swap3A_1107 = arith.constant 48 : index
        %swap3A_1108 = tpu.vector_load %arg22[%swap3A_1106, %swap3A_1107] {strides = array<i32>} : memref<64x64xf32, #tpu.memory_space<vmem>>, vector<16xf32>,
        tpu.vector_store %arg22[%swap3A_1106, %swap3A_1107], %gather3A_1105 {strides = array<i32>} : memref<64x64xf32, #tpu.memory_space<vmem>>, vector<16xf32>,
        %dma_start3A = arith.constant 0 : i32
        %dma_start3A_1109 = tpu.memref_slice %arg22[%and3A_1071, %dma_start3A] : memref<64x64xf32, #tpu.memory_space<vmem>> -> memref<1x64xf32, #tpu.memory_space<vmem>>
        %dma_start3A_1110 = tpu.memref_squeeze %dma_start3A_1109 : memref<1x64xf32, #tpu.memory_space<vmem>> -> memref<64xf32, #tpu.memory_space<vmem>>
        %dma_start3A_1111 = arith.constant 0 : i32
        %dma_start3A_1112 = tpu.memref_slice %arg4[%and3A_1078, %dma_start3A_1111] : memref<16384x64xf32, #tpu.memory_space<hbm>> -> memref<1x64xf32, #tpu.memory_space<hbm>>
        %dma_start3A_1113 = tpu.memref_squeeze %dma_start3A_1112 : memref<1x64xf32, #tpu.memory_space<hbm>> -> memref<64xf32, #tpu.memory_space<hbm>>
        %dma_start3A_1114 = arith.constant 0 : i32
        %dma_start3A_1115 = tpu.memref_slice %arg4[%and3A_1078, %dma_start3A_1114] : memref<16384x64xf32, #tpu.memory_space<hbm>> -> memref<1x64xf32, #tpu.memory_space<hbm>>
        %dma_start3A_1116 = tpu.memref_squeeze %dma_start3A_1115 : memref<1x64xf32, #tpu.memory_space<hbm>> -> memref<64xf32, #tpu.memory_space<hbm>>
        %dma_start3A_1117 = arith.constant 0 : i32
        %dma_start3A_1118 = tpu.memref_slice %arg22[%and3A_1071, %dma_start3A_1117] : memref<64x64xf32, #tpu.memory_space<vmem>> -> memref<1x64xf32, #tpu.memory_space<vmem>>
        %dma_start3A_1119 = tpu.memref_squeeze %dma_start3A_1118 : memref<1x64xf32, #tpu.memory_space<vmem>> -> memref<64xf32, #tpu.memory_space<vmem>>
        tpu.enqueue_dma source(%dma_start3A_1119 : memref<64xf32, #tpu.memory_space<vmem>>) target(%dma_start3A_1116 : memref<64xf32, #tpu.memory_space<hbm>>) target_semaphore(%arg23 : memref<!tpu.dma_semaphore, #tpu.memory_space<semaphore_mem>>)
        %add3A_1120 = arith.constant 1 : i32
        %add3A_1121 = arith.addi %while3A_1066, %add3A_1120 : i32
        scf.yield %add3A_1121 : i32
      }
      %mul3A_799 = arith.constant 8 : i32
      %mul3A_800 = arith.muli %scan3A_762, %mul3A_799 : i32
      %add3A_801 = arith.constant 1 : i32
      %add3A_802 = arith.addi %mul3A_800, %add3A_801 : i32
      %lt3A_803 = arith.cmpi slt, %add3A_802, %add3A_707 : i32
      %add3A_804 = arith.constant 8 : i32
      %add3A_805 = arith.addi %add3A_802, %add3A_804 : i32
      %sub3A_806 = arith.constant 1 : i32
      %sub3A_807 = arith.subi %add3A_805, %sub3A_806 : i32
      %lt3A_808 = arith.cmpi slt, %sub3A_807, %add3A_707 : i32
      %convert_element_type3A_809 = arith.extui %lt3A_808 : i1 to i32
      %cond3A_810 = arith.constant 0 : i32
      %cond3A_811 = arith.cmpi ne, %convert_element_type3A_809, %cond3A_810 : i32
      scf.if %cond3A_811 {
        %add3A_1065 = arith.constant 8 : i32
        %add3A_1066 = arith.addi %add3A_802, %add3A_1065 : i32
        %sub3A_1067 = arith.constant 1 : i32
        %sub3A_1068 = arith.subi %add3A_1066, %sub3A_1067 : i32
        %get3A_1069 = arith.index_cast %sub3A_1068 : i32 to index
        %get3A_1070 = tpu.vector_load %arg11[%get3A_1069] {strides = array<i32>} : memref<272xi32, #tpu.memory_space<vmem>>, vector<16xi32>,
        %slice3A_1071 = vector.extract_strided_slice %get3A_1070 {offsets = [0], sizes = [1], strides = [1]} : vector<16xi32> to vector<1xi32>
        %squeeze3A_1072 = vector.extract %slice3A_1071[0] : i32 from vector<1xi32>
        %mul3A_1073 = arith.constant 128 : i32
        %mul3A_1074 = arith.muli %squeeze3A_1072, %mul3A_1073 : i32
        %multiple_of3A = tpu.assume_multiple %mul3A_1074, 128 : i32
        %dma_start3A = arith.constant 0 : i32
        %dma_start3A_1075 = tpu.memref_slice %arg3[%dma_start3A, %multiple_of3A] : memref<64x1000000xf32, #tpu.memory_space<hbm>> -> memref<64x128xf32, #tpu.memory_space<hbm>>
        %dma_start3A_1076 = arith.constant 0 : i32
        %dma_start3A_1077 = tpu.memref_slice %arg3[%dma_start3A_1076, %multiple_of3A] : memref<64x1000000xf32, #tpu.memory_space<hbm>> -> memref<64x128xf32, #tpu.memory_space<hbm>>
        tpu.enqueue_dma source(%dma_start3A_1077 : memref<64x128xf32, #tpu.memory_space<hbm>>) target(%arg14 : memref<64x128xf32, #tpu.memory_space<vmem>>) target_semaphore(%arg24 : memref<!tpu.dma_semaphore, #tpu.memory_space<semaphore_mem>>)
      } else {
      }
      %convert_element_type3A_812 = arith.extui %lt3A_803 : i1 to i32
      %cond3A_813 = arith.constant 0 : i32
      %cond3A_814 = arith.cmpi ne, %convert_element_type3A_812, %cond3A_813 : i32
      scf.if %cond3A_814 {
        %dma_wait3A = arith.constant 0 : i32
        %dma_wait3A_1065 = arith.constant 0 : i32
        %dma_wait3A_1066 = tpu.memref_slice %arg3[%dma_wait3A, %dma_wait3A_1065] : memref<64x1000000xf32, #tpu.memory_space<hbm>> -> memref<64x128xf32, #tpu.memory_space<hbm>>
        %dma_wait3A_1067 = arith.constant 0 : i32
        %dma_wait3A_1068 = arith.constant 0 : i32
        %dma_wait3A_1069 = tpu.memref_slice %arg3[%dma_wait3A_1067, %dma_wait3A_1068] : memref<64x1000000xf32, #tpu.memory_space<hbm>> -> memref<64x128xf32, #tpu.memory_space<hbm>>
        tpu.wait_dma2 semaphore(%arg25 : memref<!tpu.dma_semaphore, #tpu.memory_space<semaphore_mem>>) src(%dma_wait3A_1069 : memref<64x128xf32, #tpu.memory_space<hbm>>) dst(%arg15 : memref<64x128xf32, #tpu.memory_space<vmem>>)
      } else {
      }
      %get3A_815 = arith.index_cast %add3A_802 : i32 to index
      %get3A_816 = tpu.vector_load %arg12[%get3A_815] {strides = array<i32>} : memref<272xi32, #tpu.memory_space<vmem>>, vector<16xi32>,
      %slice3A_817 = vector.extract_strided_slice %get3A_816 {offsets = [0], sizes = [1], strides = [1]} : vector<16xi32> to vector<1xi32>
      %squeeze3A_818 = vector.extract %slice3A_817[0] : i32 from vector<1xi32>
      %get3A_819 = arith.index_cast %add3A_802 : i32 to index
      %get3A_820 = tpu.vector_load %arg13[%get3A_819] {strides = array<i32>} : memref<272xi32, #tpu.memory_space<vmem>>, vector<16xi32>,
      %slice3A_821 = vector.extract_strided_slice %get3A_820 {offsets = [0], sizes = [1], strides = [1]} : vector<16xi32> to vector<1xi32>
      %squeeze3A_822 = vector.extract %slice3A_821[0] : i32 from vector<1xi32>
      %jit3A_823 = arith.constant 0 : i32
      %select_n3A_824 = arith.select %lt3A_803, %squeeze3A_818, %jit3A_823 : i32
      %jit3A_825 = arith.constant 0 : i32
      %select_n3A_826 = arith.select %lt3A_803, %squeeze3A_822, %jit3A_825 : i32
      %while3A_827 = arith.subi %select_n3A_826, %select_n3A_824 : i32
      %while3A_828 = arith.addi %select_n3A_824, %while3A_827 : i32
      %while3A_829 = arith.constant 1 : i32
      %while3A_830 = arith.divsi %while3A_827, %while3A_829 : i32
      %while3A_831 = arith.muli %while3A_830, %while3A_829 : i32
      %while3A_832 = arith.addi %select_n3A_824, %while3A_831 : i32
      %while3A_833 = arith.constant 1 : i32
      %while3A_834 = scf.for %while3A_1065 = %select_n3A_824 to %while3A_832 step %while3A_833 iter_args(%while3A_1066 = %while3A_798) -> (i32)  : i32 {
        %ge3A = arith.constant 64 : i32
        %ge3A_1067 = arith.cmpi sge, %while3A_1066, %ge3A : i32
        %convert_element_type3A_1068 = arith.extui %ge3A_1067 : i1 to i32
        %cond3A_1069 = arith.constant 0 : i32
        %cond3A_1070 = arith.cmpi ne, %convert_element_type3A_1068, %cond3A_1069 : i32
        scf.if %cond3A_1070 {
          %dma_wait3A = arith.constant 0 : i32
          %dma_wait3A_1122 = arith.constant 0 : i32
          %dma_wait3A_1123 = arith.constant 0 : i32
          %dma_wait3A_1124 = tpu.memref_slice %arg22[%dma_wait3A, %dma_wait3A_1123] : memref<64x64xf32, #tpu.memory_space<vmem>> -> memref<1x64xf32, #tpu.memory_space<vmem>>
          %dma_wait3A_1125 = tpu.memref_squeeze %dma_wait3A_1124 : memref<1x64xf32, #tpu.memory_space<vmem>> -> memref<64xf32, #tpu.memory_space<vmem>>
          %dma_wait3A_1126 = arith.constant 0 : i32
          %dma_wait3A_1127 = tpu.memref_slice %arg4[%dma_wait3A_1122, %dma_wait3A_1126] : memref<16384x64xf32, #tpu.memory_space<hbm>> -> memref<1x64xf32, #tpu.memory_space<hbm>>
          %dma_wait3A_1128 = tpu.memref_squeeze %dma_wait3A_1127 : memref<1x64xf32, #tpu.memory_space<hbm>> -> memref<64xf32, #tpu.memory_space<hbm>>
          %dma_wait3A_1129 = arith.constant 0 : i32
          %dma_wait3A_1130 = tpu.memref_slice %arg4[%dma_wait3A_1122, %dma_wait3A_1129] : memref<16384x64xf32, #tpu.memory_space<hbm>> -> memref<1x64xf32, #tpu.memory_space<hbm>>
          %dma_wait3A_1131 = tpu.memref_squeeze %dma_wait3A_1130 : memref<1x64xf32, #tpu.memory_space<hbm>> -> memref<64xf32, #tpu.memory_space<hbm>>
          %dma_wait3A_1132 = arith.constant 0 : i32
          %dma_wait3A_1133 = tpu.memref_slice %arg22[%dma_wait3A, %dma_wait3A_1132] : memref<64x64xf32, #tpu.memory_space<vmem>> -> memref<1x64xf32, #tpu.memory_space<vmem>>
          %dma_wait3A_1134 = tpu.memref_squeeze %dma_wait3A_1133 : memref<1x64xf32, #tpu.memory_space<vmem>> -> memref<64xf32, #tpu.memory_space<vmem>>
          tpu.wait_dma2 semaphore(%arg23 : memref<!tpu.dma_semaphore, #tpu.memory_space<semaphore_mem>>) src(%dma_wait3A_1134 : memref<64xf32, #tpu.memory_space<vmem>>) dst(%dma_wait3A_1131 : memref<64xf32, #tpu.memory_space<hbm>>)
        } else {
        }
        %and3A = arith.constant 63 : i32
        %and3A_1071 = arith.andi %while3A_1066, %and3A : i32
        %get3A_1072 = arith.index_cast %while3A_1065 : i32 to index
        %get3A_1073 = tpu.vector_load %arg7[%get3A_1072] {strides = array<i32>} : memref<16400xi32, #tpu.memory_space<vmem>>, vector<16xi32>,
        %slice3A_1074 = vector.extract_strided_slice %get3A_1073 {offsets = [0], sizes = [1], strides = [1]} : vector<16xi32> to vector<1xi32>
        %squeeze3A_1075 = vector.extract %slice3A_1074[0] : i32 from vector<1xi32>
        %shift_right_arithmetic3A = arith.constant 7 : i32
        %shift_right_arithmetic3A_1076 = arith.shrsi %squeeze3A_1075, %shift_right_arithmetic3A : i32
        %and3A_1077 = arith.constant 16383 : i32
        %and3A_1078 = arith.andi %shift_right_arithmetic3A_1076, %and3A_1077 : i32
        %and3A_1079 = arith.constant 127 : i32
        %and3A_1080 = arith.andi %squeeze3A_1075, %and3A_1079 : i32
        %broadcast_in_dim3A_1081 = vector.broadcast %and3A_1080 : i32 to vector<16xi32>
        %add3A_1082 = arith.constant 0 : i32
        %add3A_1083 = vector.broadcast %add3A_1082 : i32 to vector<16xi32>
        %add3A_1084 = arith.addi %iota3A, %add3A_1083 : vector<16xi32>
        %gather3A = tpu.vector_load_idx %arg15[%add3A_1084, %broadcast_in_dim3A_1081] : memref<64x128xf32, #tpu.memory_space<vmem>>[vector<16xi32>, vector<16xi32>], vector<16xf32>,
        %swap3A_1085 = arith.index_cast %and3A_1071 : i32 to index
        %swap3A_1086 = arith.constant 0 : index
        %swap3A_1087 = tpu.vector_load %arg22[%swap3A_1085, %swap3A_1086] {strides = array<i32>} : memref<64x64xf32, #tpu.memory_space<vmem>>, vector<16xf32>,
        tpu.vector_store %arg22[%swap3A_1085, %swap3A_1086], %gather3A {strides = array<i32>} : memref<64x64xf32, #tpu.memory_space<vmem>>, vector<16xf32>,
        %add3A_1088 = arith.constant 16 : i32
        %add3A_1089 = vector.broadcast %add3A_1088 : i32 to vector<16xi32>
        %add3A_1090 = arith.addi %iota3A, %add3A_1089 : vector<16xi32>
        %gather3A_1091 = tpu.vector_load_idx %arg15[%add3A_1090, %broadcast_in_dim3A_1081] : memref<64x128xf32, #tpu.memory_space<vmem>>[vector<16xi32>, vector<16xi32>], vector<16xf32>,
        %swap3A_1092 = arith.index_cast %and3A_1071 : i32 to index
        %swap3A_1093 = arith.constant 16 : index
        %swap3A_1094 = tpu.vector_load %arg22[%swap3A_1092, %swap3A_1093] {strides = array<i32>} : memref<64x64xf32, #tpu.memory_space<vmem>>, vector<16xf32>,
        tpu.vector_store %arg22[%swap3A_1092, %swap3A_1093], %gather3A_1091 {strides = array<i32>} : memref<64x64xf32, #tpu.memory_space<vmem>>, vector<16xf32>,
        %add3A_1095 = arith.constant 32 : i32
        %add3A_1096 = vector.broadcast %add3A_1095 : i32 to vector<16xi32>
        %add3A_1097 = arith.addi %iota3A, %add3A_1096 : vector<16xi32>
        %gather3A_1098 = tpu.vector_load_idx %arg15[%add3A_1097, %broadcast_in_dim3A_1081] : memref<64x128xf32, #tpu.memory_space<vmem>>[vector<16xi32>, vector<16xi32>], vector<16xf32>,
        %swap3A_1099 = arith.index_cast %and3A_1071 : i32 to index
        %swap3A_1100 = arith.constant 32 : index
        %swap3A_1101 = tpu.vector_load %arg22[%swap3A_1099, %swap3A_1100] {strides = array<i32>} : memref<64x64xf32, #tpu.memory_space<vmem>>, vector<16xf32>,
        tpu.vector_store %arg22[%swap3A_1099, %swap3A_1100], %gather3A_1098 {strides = array<i32>} : memref<64x64xf32, #tpu.memory_space<vmem>>, vector<16xf32>,
        %add3A_1102 = arith.constant 48 : i32
        %add3A_1103 = vector.broadcast %add3A_1102 : i32 to vector<16xi32>
        %add3A_1104 = arith.addi %iota3A, %add3A_1103 : vector<16xi32>
        %gather3A_1105 = tpu.vector_load_idx %arg15[%add3A_1104, %broadcast_in_dim3A_1081] : memref<64x128xf32, #tpu.memory_space<vmem>>[vector<16xi32>, vector<16xi32>], vector<16xf32>,
        %swap3A_1106 = arith.index_cast %and3A_1071 : i32 to index
        %swap3A_1107 = arith.constant 48 : index
        %swap3A_1108 = tpu.vector_load %arg22[%swap3A_1106, %swap3A_1107] {strides = array<i32>} : memref<64x64xf32, #tpu.memory_space<vmem>>, vector<16xf32>,
        tpu.vector_store %arg22[%swap3A_1106, %swap3A_1107], %gather3A_1105 {strides = array<i32>} : memref<64x64xf32, #tpu.memory_space<vmem>>, vector<16xf32>,
        %dma_start3A = arith.constant 0 : i32
        %dma_start3A_1109 = tpu.memref_slice %arg22[%and3A_1071, %dma_start3A] : memref<64x64xf32, #tpu.memory_space<vmem>> -> memref<1x64xf32, #tpu.memory_space<vmem>>
        %dma_start3A_1110 = tpu.memref_squeeze %dma_start3A_1109 : memref<1x64xf32, #tpu.memory_space<vmem>> -> memref<64xf32, #tpu.memory_space<vmem>>
        %dma_start3A_1111 = arith.constant 0 : i32
        %dma_start3A_1112 = tpu.memref_slice %arg4[%and3A_1078, %dma_start3A_1111] : memref<16384x64xf32, #tpu.memory_space<hbm>> -> memref<1x64xf32, #tpu.memory_space<hbm>>
        %dma_start3A_1113 = tpu.memref_squeeze %dma_start3A_1112 : memref<1x64xf32, #tpu.memory_space<hbm>> -> memref<64xf32, #tpu.memory_space<hbm>>
        %dma_start3A_1114 = arith.constant 0 : i32
        %dma_start3A_1115 = tpu.memref_slice %arg4[%and3A_1078, %dma_start3A_1114] : memref<16384x64xf32, #tpu.memory_space<hbm>> -> memref<1x64xf32, #tpu.memory_space<hbm>>
        %dma_start3A_1116 = tpu.memref_squeeze %dma_start3A_1115 : memref<1x64xf32, #tpu.memory_space<hbm>> -> memref<64xf32, #tpu.memory_space<hbm>>
        %dma_start3A_1117 = arith.constant 0 : i32
        %dma_start3A_1118 = tpu.memref_slice %arg22[%and3A_1071, %dma_start3A_1117] : memref<64x64xf32, #tpu.memory_space<vmem>> -> memref<1x64xf32, #tpu.memory_space<vmem>>
        %dma_start3A_1119 = tpu.memref_squeeze %dma_start3A_1118 : memref<1x64xf32, #tpu.memory_space<vmem>> -> memref<64xf32, #tpu.memory_space<vmem>>
        tpu.enqueue_dma source(%dma_start3A_1119 : memref<64xf32, #tpu.memory_space<vmem>>) target(%dma_start3A_1116 : memref<64xf32, #tpu.memory_space<hbm>>) target_semaphore(%arg23 : memref<!tpu.dma_semaphore, #tpu.memory_space<semaphore_mem>>)
        %add3A_1120 = arith.constant 1 : i32
        %add3A_1121 = arith.addi %while3A_1066, %add3A_1120 : i32
        scf.yield %add3A_1121 : i32
      }
      %while3A_835 = arith.constant 1 : i32
      %while3A_836 = scf.for %while3A_1065 = %while3A_832 to %while3A_828 step %while3A_835 iter_args(%while3A_1066 = %while3A_834) -> (i32)  : i32 {
        %ge3A = arith.constant 64 : i32
        %ge3A_1067 = arith.cmpi sge, %while3A_1066, %ge3A : i32
        %convert_element_type3A_1068 = arith.extui %ge3A_1067 : i1 to i32
        %cond3A_1069 = arith.constant 0 : i32
        %cond3A_1070 = arith.cmpi ne, %convert_element_type3A_1068, %cond3A_1069 : i32
        scf.if %cond3A_1070 {
          %dma_wait3A = arith.constant 0 : i32
          %dma_wait3A_1122 = arith.constant 0 : i32
          %dma_wait3A_1123 = arith.constant 0 : i32
          %dma_wait3A_1124 = tpu.memref_slice %arg22[%dma_wait3A, %dma_wait3A_1123] : memref<64x64xf32, #tpu.memory_space<vmem>> -> memref<1x64xf32, #tpu.memory_space<vmem>>
          %dma_wait3A_1125 = tpu.memref_squeeze %dma_wait3A_1124 : memref<1x64xf32, #tpu.memory_space<vmem>> -> memref<64xf32, #tpu.memory_space<vmem>>
          %dma_wait3A_1126 = arith.constant 0 : i32
          %dma_wait3A_1127 = tpu.memref_slice %arg4[%dma_wait3A_1122, %dma_wait3A_1126] : memref<16384x64xf32, #tpu.memory_space<hbm>> -> memref<1x64xf32, #tpu.memory_space<hbm>>
          %dma_wait3A_1128 = tpu.memref_squeeze %dma_wait3A_1127 : memref<1x64xf32, #tpu.memory_space<hbm>> -> memref<64xf32, #tpu.memory_space<hbm>>
          %dma_wait3A_1129 = arith.constant 0 : i32
          %dma_wait3A_1130 = tpu.memref_slice %arg4[%dma_wait3A_1122, %dma_wait3A_1129] : memref<16384x64xf32, #tpu.memory_space<hbm>> -> memref<1x64xf32, #tpu.memory_space<hbm>>
          %dma_wait3A_1131 = tpu.memref_squeeze %dma_wait3A_1130 : memref<1x64xf32, #tpu.memory_space<hbm>> -> memref<64xf32, #tpu.memory_space<hbm>>
          %dma_wait3A_1132 = arith.constant 0 : i32
          %dma_wait3A_1133 = tpu.memref_slice %arg22[%dma_wait3A, %dma_wait3A_1132] : memref<64x64xf32, #tpu.memory_space<vmem>> -> memref<1x64xf32, #tpu.memory_space<vmem>>
          %dma_wait3A_1134 = tpu.memref_squeeze %dma_wait3A_1133 : memref<1x64xf32, #tpu.memory_space<vmem>> -> memref<64xf32, #tpu.memory_space<vmem>>
          tpu.wait_dma2 semaphore(%arg23 : memref<!tpu.dma_semaphore, #tpu.memory_space<semaphore_mem>>) src(%dma_wait3A_1134 : memref<64xf32, #tpu.memory_space<vmem>>) dst(%dma_wait3A_1131 : memref<64xf32, #tpu.memory_space<hbm>>)
        } else {
        }
        %and3A = arith.constant 63 : i32
        %and3A_1071 = arith.andi %while3A_1066, %and3A : i32
        %get3A_1072 = arith.index_cast %while3A_1065 : i32 to index
        %get3A_1073 = tpu.vector_load %arg7[%get3A_1072] {strides = array<i32>} : memref<16400xi32, #tpu.memory_space<vmem>>, vector<16xi32>,
        %slice3A_1074 = vector.extract_strided_slice %get3A_1073 {offsets = [0], sizes = [1], strides = [1]} : vector<16xi32> to vector<1xi32>
        %squeeze3A_1075 = vector.extract %slice3A_1074[0] : i32 from vector<1xi32>
        %shift_right_arithmetic3A = arith.constant 7 : i32
        %shift_right_arithmetic3A_1076 = arith.shrsi %squeeze3A_1075, %shift_right_arithmetic3A : i32
        %and3A_1077 = arith.constant 16383 : i32
        %and3A_1078 = arith.andi %shift_right_arithmetic3A_1076, %and3A_1077 : i32
        %and3A_1079 = arith.constant 127 : i32
        %and3A_1080 = arith.andi %squeeze3A_1075, %and3A_1079 : i32
        %broadcast_in_dim3A_1081 = vector.broadcast %and3A_1080 : i32 to vector<16xi32>
        %add3A_1082 = arith.constant 0 : i32
        %add3A_1083 = vector.broadcast %add3A_1082 : i32 to vector<16xi32>
        %add3A_1084 = arith.addi %iota3A, %add3A_1083 : vector<16xi32>
        %gather3A = tpu.vector_load_idx %arg15[%add3A_1084, %broadcast_in_dim3A_1081] : memref<64x128xf32, #tpu.memory_space<vmem>>[vector<16xi32>, vector<16xi32>], vector<16xf32>,
        %swap3A_1085 = arith.index_cast %and3A_1071 : i32 to index
        %swap3A_1086 = arith.constant 0 : index
        %swap3A_1087 = tpu.vector_load %arg22[%swap3A_1085, %swap3A_1086] {strides = array<i32>} : memref<64x64xf32, #tpu.memory_space<vmem>>, vector<16xf32>,
        tpu.vector_store %arg22[%swap3A_1085, %swap3A_1086], %gather3A {strides = array<i32>} : memref<64x64xf32, #tpu.memory_space<vmem>>, vector<16xf32>,
        %add3A_1088 = arith.constant 16 : i32
        %add3A_1089 = vector.broadcast %add3A_1088 : i32 to vector<16xi32>
        %add3A_1090 = arith.addi %iota3A, %add3A_1089 : vector<16xi32>
        %gather3A_1091 = tpu.vector_load_idx %arg15[%add3A_1090, %broadcast_in_dim3A_1081] : memref<64x128xf32, #tpu.memory_space<vmem>>[vector<16xi32>, vector<16xi32>], vector<16xf32>,
        %swap3A_1092 = arith.index_cast %and3A_1071 : i32 to index
        %swap3A_1093 = arith.constant 16 : index
        %swap3A_1094 = tpu.vector_load %arg22[%swap3A_1092, %swap3A_1093] {strides = array<i32>} : memref<64x64xf32, #tpu.memory_space<vmem>>, vector<16xf32>,
        tpu.vector_store %arg22[%swap3A_1092, %swap3A_1093], %gather3A_1091 {strides = array<i32>} : memref<64x64xf32, #tpu.memory_space<vmem>>, vector<16xf32>,
        %add3A_1095 = arith.constant 32 : i32
        %add3A_1096 = vector.broadcast %add3A_1095 : i32 to vector<16xi32>
        %add3A_1097 = arith.addi %iota3A, %add3A_1096 : vector<16xi32>
        %gather3A_1098 = tpu.vector_load_idx %arg15[%add3A_1097, %broadcast_in_dim3A_1081] : memref<64x128xf32, #tpu.memory_space<vmem>>[vector<16xi32>, vector<16xi32>], vector<16xf32>,
        %swap3A_1099 = arith.index_cast %and3A_1071 : i32 to index
        %swap3A_1100 = arith.constant 32 : index
        %swap3A_1101 = tpu.vector_load %arg22[%swap3A_1099, %swap3A_1100] {strides = array<i32>} : memref<64x64xf32, #tpu.memory_space<vmem>>, vector<16xf32>,
        tpu.vector_store %arg22[%swap3A_1099, %swap3A_1100], %gather3A_1098 {strides = array<i32>} : memref<64x64xf32, #tpu.memory_space<vmem>>, vector<16xf32>,
        %add3A_1102 = arith.constant 48 : i32
        %add3A_1103 = vector.broadcast %add3A_1102 : i32 to vector<16xi32>
        %add3A_1104 = arith.addi %iota3A, %add3A_1103 : vector<16xi32>
        %gather3A_1105 = tpu.vector_load_idx %arg15[%add3A_1104, %broadcast_in_dim3A_1081] : memref<64x128xf32, #tpu.memory_space<vmem>>[vector<16xi32>, vector<16xi32>], vector<16xf32>,
        %swap3A_1106 = arith.index_cast %and3A_1071 : i32 to index
        %swap3A_1107 = arith.constant 48 : index
        %swap3A_1108 = tpu.vector_load %arg22[%swap3A_1106, %swap3A_1107] {strides = array<i32>} : memref<64x64xf32, #tpu.memory_space<vmem>>, vector<16xf32>,
        tpu.vector_store %arg22[%swap3A_1106, %swap3A_1107], %gather3A_1105 {strides = array<i32>} : memref<64x64xf32, #tpu.memory_space<vmem>>, vector<16xf32>,
        %dma_start3A = arith.constant 0 : i32
        %dma_start3A_1109 = tpu.memref_slice %arg22[%and3A_1071, %dma_start3A] : memref<64x64xf32, #tpu.memory_space<vmem>> -> memref<1x64xf32, #tpu.memory_space<vmem>>
        %dma_start3A_1110 = tpu.memref_squeeze %dma_start3A_1109 : memref<1x64xf32, #tpu.memory_space<vmem>> -> memref<64xf32, #tpu.memory_space<vmem>>
        %dma_start3A_1111 = arith.constant 0 : i32
        %dma_start3A_1112 = tpu.memref_slice %arg4[%and3A_1078, %dma_start3A_1111] : memref<16384x64xf32, #tpu.memory_space<hbm>> -> memref<1x64xf32, #tpu.memory_space<hbm>>
        %dma_start3A_1113 = tpu.memref_squeeze %dma_start3A_1112 : memref<1x64xf32, #tpu.memory_space<hbm>> -> memref<64xf32, #tpu.memory_space<hbm>>
        %dma_start3A_1114 = arith.constant 0 : i32
        %dma_start3A_1115 = tpu.memref_slice %arg4[%and3A_1078, %dma_start3A_1114] : memref<16384x64xf32, #tpu.memory_space<hbm>> -> memref<1x64xf32, #tpu.memory_space<hbm>>
        %dma_start3A_1116 = tpu.memref_squeeze %dma_start3A_1115 : memref<1x64xf32, #tpu.memory_space<hbm>> -> memref<64xf32, #tpu.memory_space<hbm>>
        %dma_start3A_1117 = arith.constant 0 : i32
        %dma_start3A_1118 = tpu.memref_slice %arg22[%and3A_1071, %dma_start3A_1117] : memref<64x64xf32, #tpu.memory_space<vmem>> -> memref<1x64xf32, #tpu.memory_space<vmem>>
        %dma_start3A_1119 = tpu.memref_squeeze %dma_start3A_1118 : memref<1x64xf32, #tpu.memory_space<vmem>> -> memref<64xf32, #tpu.memory_space<vmem>>
        tpu.enqueue_dma source(%dma_start3A_1119 : memref<64xf32, #tpu.memory_space<vmem>>) target(%dma_start3A_1116 : memref<64xf32, #tpu.memory_space<hbm>>) target_semaphore(%arg23 : memref<!tpu.dma_semaphore, #tpu.memory_space<semaphore_mem>>)
        %add3A_1120 = arith.constant 1 : i32
        %add3A_1121 = arith.addi %while3A_1066, %add3A_1120 : i32
        scf.yield %add3A_1121 : i32
      }
      %mul3A_837 = arith.constant 8 : i32
      %mul3A_838 = arith.muli %scan3A_762, %mul3A_837 : i32
      %add3A_839 = arith.constant 2 : i32
      %add3A_840 = arith.addi %mul3A_838, %add3A_839 : i32
      %lt3A_841 = arith.cmpi slt, %add3A_840, %add3A_707 : i32
      %add3A_842 = arith.constant 8 : i32
      %add3A_843 = arith.addi %add3A_840, %add3A_842 : i32
      %sub3A_844 = arith.constant 1 : i32
      %sub3A_845 = arith.subi %add3A_843, %sub3A_844 : i32
      %lt3A_846 = arith.cmpi slt, %sub3A_845, %add3A_707 : i32
      %convert_element_type3A_847 = arith.extui %lt3A_846 : i1 to i32
      %cond3A_848 = arith.constant 0 : i32
      %cond3A_849 = arith.cmpi ne, %convert_element_type3A_847, %cond3A_848 : i32
      scf.if %cond3A_849 {
        %add3A_1065 = arith.constant 8 : i32
        %add3A_1066 = arith.addi %add3A_840, %add3A_1065 : i32
        %sub3A_1067 = arith.constant 1 : i32
        %sub3A_1068 = arith.subi %add3A_1066, %sub3A_1067 : i32
        %get3A_1069 = arith.index_cast %sub3A_1068 : i32 to index
        %get3A_1070 = tpu.vector_load %arg11[%get3A_1069] {strides = array<i32>} : memref<272xi32, #tpu.memory_space<vmem>>, vector<16xi32>,
        %slice3A_1071 = vector.extract_strided_slice %get3A_1070 {offsets = [0], sizes = [1], strides = [1]} : vector<16xi32> to vector<1xi32>
        %squeeze3A_1072 = vector.extract %slice3A_1071[0] : i32 from vector<1xi32>
        %mul3A_1073 = arith.constant 128 : i32
        %mul3A_1074 = arith.muli %squeeze3A_1072, %mul3A_1073 : i32
        %multiple_of3A = tpu.assume_multiple %mul3A_1074, 128 : i32
        %dma_start3A = arith.constant 0 : i32
        %dma_start3A_1075 = tpu.memref_slice %arg3[%dma_start3A, %multiple_of3A] : memref<64x1000000xf32, #tpu.memory_space<hbm>> -> memref<64x128xf32, #tpu.memory_space<hbm>>
        %dma_start3A_1076 = arith.constant 0 : i32
        %dma_start3A_1077 = tpu.memref_slice %arg3[%dma_start3A_1076, %multiple_of3A] : memref<64x1000000xf32, #tpu.memory_space<hbm>> -> memref<64x128xf32, #tpu.memory_space<hbm>>
        tpu.enqueue_dma source(%dma_start3A_1077 : memref<64x128xf32, #tpu.memory_space<hbm>>) target(%arg15 : memref<64x128xf32, #tpu.memory_space<vmem>>) target_semaphore(%arg25 : memref<!tpu.dma_semaphore, #tpu.memory_space<semaphore_mem>>)
      } else {
      }
      %convert_element_type3A_850 = arith.extui %lt3A_841 : i1 to i32
      %cond3A_851 = arith.constant 0 : i32
      %cond3A_852 = arith.cmpi ne, %convert_element_type3A_850, %cond3A_851 : i32
      scf.if %cond3A_852 {
        %dma_wait3A = arith.constant 0 : i32
        %dma_wait3A_1065 = arith.constant 0 : i32
        %dma_wait3A_1066 = tpu.memref_slice %arg3[%dma_wait3A, %dma_wait3A_1065] : memref<64x1000000xf32, #tpu.memory_space<hbm>> -> memref<64x128xf32, #tpu.memory_space<hbm>>
        %dma_wait3A_1067 = arith.constant 0 : i32
        %dma_wait3A_1068 = arith.constant 0 : i32
        %dma_wait3A_1069 = tpu.memref_slice %arg3[%dma_wait3A_1067, %dma_wait3A_1068] : memref<64x1000000xf32, #tpu.memory_space<hbm>> -> memref<64x128xf32, #tpu.memory_space<hbm>>
        tpu.wait_dma2 semaphore(%arg26 : memref<!tpu.dma_semaphore, #tpu.memory_space<semaphore_mem>>) src(%dma_wait3A_1069 : memref<64x128xf32, #tpu.memory_space<hbm>>) dst(%arg16 : memref<64x128xf32, #tpu.memory_space<vmem>>)
      } else {
      }
      %get3A_853 = arith.index_cast %add3A_840 : i32 to index
      %get3A_854 = tpu.vector_load %arg12[%get3A_853] {strides = array<i32>} : memref<272xi32, #tpu.memory_space<vmem>>, vector<16xi32>,
      %slice3A_855 = vector.extract_strided_slice %get3A_854 {offsets = [0], sizes = [1], strides = [1]} : vector<16xi32> to vector<1xi32>
      %squeeze3A_856 = vector.extract %slice3A_855[0] : i32 from vector<1xi32>
      %get3A_857 = arith.index_cast %add3A_840 : i32 to index
      %get3A_858 = tpu.vector_load %arg13[%get3A_857] {strides = array<i32>} : memref<272xi32, #tpu.memory_space<vmem>>, vector<16xi32>,
      %slice3A_859 = vector.extract_strided_slice %get3A_858 {offsets = [0], sizes = [1], strides = [1]} : vector<16xi32> to vector<1xi32>
      %squeeze3A_860 = vector.extract %slice3A_859[0] : i32 from vector<1xi32>
      %jit3A_861 = arith.constant 0 : i32
      %select_n3A_862 = arith.select %lt3A_841, %squeeze3A_856, %jit3A_861 : i32
      %jit3A_863 = arith.constant 0 : i32
      %select_n3A_864 = arith.select %lt3A_841, %squeeze3A_860, %jit3A_863 : i32
      %while3A_865 = arith.subi %select_n3A_864, %select_n3A_862 : i32
      %while3A_866 = arith.addi %select_n3A_862, %while3A_865 : i32
      %while3A_867 = arith.constant 1 : i32
      %while3A_868 = arith.divsi %while3A_865, %while3A_867 : i32
      %while3A_869 = arith.muli %while3A_868, %while3A_867 : i32
      %while3A_870 = arith.addi %select_n3A_862, %while3A_869 : i32
      %while3A_871 = arith.constant 1 : i32
      %while3A_872 = scf.for %while3A_1065 = %select_n3A_862 to %while3A_870 step %while3A_871 iter_args(%while3A_1066 = %while3A_836) -> (i32)  : i32 {
        %ge3A = arith.constant 64 : i32
        %ge3A_1067 = arith.cmpi sge, %while3A_1066, %ge3A : i32
        %convert_element_type3A_1068 = arith.extui %ge3A_1067 : i1 to i32
        %cond3A_1069 = arith.constant 0 : i32
        %cond3A_1070 = arith.cmpi ne, %convert_element_type3A_1068, %cond3A_1069 : i32
        scf.if %cond3A_1070 {
          %dma_wait3A = arith.constant 0 : i32
          %dma_wait3A_1122 = arith.constant 0 : i32
          %dma_wait3A_1123 = arith.constant 0 : i32
          %dma_wait3A_1124 = tpu.memref_slice %arg22[%dma_wait3A, %dma_wait3A_1123] : memref<64x64xf32, #tpu.memory_space<vmem>> -> memref<1x64xf32, #tpu.memory_space<vmem>>
          %dma_wait3A_1125 = tpu.memref_squeeze %dma_wait3A_1124 : memref<1x64xf32, #tpu.memory_space<vmem>> -> memref<64xf32, #tpu.memory_space<vmem>>
          %dma_wait3A_1126 = arith.constant 0 : i32
          %dma_wait3A_1127 = tpu.memref_slice %arg4[%dma_wait3A_1122, %dma_wait3A_1126] : memref<16384x64xf32, #tpu.memory_space<hbm>> -> memref<1x64xf32, #tpu.memory_space<hbm>>
          %dma_wait3A_1128 = tpu.memref_squeeze %dma_wait3A_1127 : memref<1x64xf32, #tpu.memory_space<hbm>> -> memref<64xf32, #tpu.memory_space<hbm>>
          %dma_wait3A_1129 = arith.constant 0 : i32
          %dma_wait3A_1130 = tpu.memref_slice %arg4[%dma_wait3A_1122, %dma_wait3A_1129] : memref<16384x64xf32, #tpu.memory_space<hbm>> -> memref<1x64xf32, #tpu.memory_space<hbm>>
          %dma_wait3A_1131 = tpu.memref_squeeze %dma_wait3A_1130 : memref<1x64xf32, #tpu.memory_space<hbm>> -> memref<64xf32, #tpu.memory_space<hbm>>
          %dma_wait3A_1132 = arith.constant 0 : i32
          %dma_wait3A_1133 = tpu.memref_slice %arg22[%dma_wait3A, %dma_wait3A_1132] : memref<64x64xf32, #tpu.memory_space<vmem>> -> memref<1x64xf32, #tpu.memory_space<vmem>>
          %dma_wait3A_1134 = tpu.memref_squeeze %dma_wait3A_1133 : memref<1x64xf32, #tpu.memory_space<vmem>> -> memref<64xf32, #tpu.memory_space<vmem>>
          tpu.wait_dma2 semaphore(%arg23 : memref<!tpu.dma_semaphore, #tpu.memory_space<semaphore_mem>>) src(%dma_wait3A_1134 : memref<64xf32, #tpu.memory_space<vmem>>) dst(%dma_wait3A_1131 : memref<64xf32, #tpu.memory_space<hbm>>)
        } else {
        }
        %and3A = arith.constant 63 : i32
        %and3A_1071 = arith.andi %while3A_1066, %and3A : i32
        %get3A_1072 = arith.index_cast %while3A_1065 : i32 to index
        %get3A_1073 = tpu.vector_load %arg7[%get3A_1072] {strides = array<i32>} : memref<16400xi32, #tpu.memory_space<vmem>>, vector<16xi32>,
        %slice3A_1074 = vector.extract_strided_slice %get3A_1073 {offsets = [0], sizes = [1], strides = [1]} : vector<16xi32> to vector<1xi32>
        %squeeze3A_1075 = vector.extract %slice3A_1074[0] : i32 from vector<1xi32>
        %shift_right_arithmetic3A = arith.constant 7 : i32
        %shift_right_arithmetic3A_1076 = arith.shrsi %squeeze3A_1075, %shift_right_arithmetic3A : i32
        %and3A_1077 = arith.constant 16383 : i32
        %and3A_1078 = arith.andi %shift_right_arithmetic3A_1076, %and3A_1077 : i32
        %and3A_1079 = arith.constant 127 : i32
        %and3A_1080 = arith.andi %squeeze3A_1075, %and3A_1079 : i32
        %broadcast_in_dim3A_1081 = vector.broadcast %and3A_1080 : i32 to vector<16xi32>
        %add3A_1082 = arith.constant 0 : i32
        %add3A_1083 = vector.broadcast %add3A_1082 : i32 to vector<16xi32>
        %add3A_1084 = arith.addi %iota3A, %add3A_1083 : vector<16xi32>
        %gather3A = tpu.vector_load_idx %arg16[%add3A_1084, %broadcast_in_dim3A_1081] : memref<64x128xf32, #tpu.memory_space<vmem>>[vector<16xi32>, vector<16xi32>], vector<16xf32>,
        %swap3A_1085 = arith.index_cast %and3A_1071 : i32 to index
        %swap3A_1086 = arith.constant 0 : index
        %swap3A_1087 = tpu.vector_load %arg22[%swap3A_1085, %swap3A_1086] {strides = array<i32>} : memref<64x64xf32, #tpu.memory_space<vmem>>, vector<16xf32>,
        tpu.vector_store %arg22[%swap3A_1085, %swap3A_1086], %gather3A {strides = array<i32>} : memref<64x64xf32, #tpu.memory_space<vmem>>, vector<16xf32>,
        %add3A_1088 = arith.constant 16 : i32
        %add3A_1089 = vector.broadcast %add3A_1088 : i32 to vector<16xi32>
        %add3A_1090 = arith.addi %iota3A, %add3A_1089 : vector<16xi32>
        %gather3A_1091 = tpu.vector_load_idx %arg16[%add3A_1090, %broadcast_in_dim3A_1081] : memref<64x128xf32, #tpu.memory_space<vmem>>[vector<16xi32>, vector<16xi32>], vector<16xf32>,
        %swap3A_1092 = arith.index_cast %and3A_1071 : i32 to index
        %swap3A_1093 = arith.constant 16 : index
        %swap3A_1094 = tpu.vector_load %arg22[%swap3A_1092, %swap3A_1093] {strides = array<i32>} : memref<64x64xf32, #tpu.memory_space<vmem>>, vector<16xf32>,
        tpu.vector_store %arg22[%swap3A_1092, %swap3A_1093], %gather3A_1091 {strides = array<i32>} : memref<64x64xf32, #tpu.memory_space<vmem>>, vector<16xf32>,
        %add3A_1095 = arith.constant 32 : i32
        %add3A_1096 = vector.broadcast %add3A_1095 : i32 to vector<16xi32>
        %add3A_1097 = arith.addi %iota3A, %add3A_1096 : vector<16xi32>
        %gather3A_1098 = tpu.vector_load_idx %arg16[%add3A_1097, %broadcast_in_dim3A_1081] : memref<64x128xf32, #tpu.memory_space<vmem>>[vector<16xi32>, vector<16xi32>], vector<16xf32>,
        %swap3A_1099 = arith.index_cast %and3A_1071 : i32 to index
        %swap3A_1100 = arith.constant 32 : index
        %swap3A_1101 = tpu.vector_load %arg22[%swap3A_1099, %swap3A_1100] {strides = array<i32>} : memref<64x64xf32, #tpu.memory_space<vmem>>, vector<16xf32>,
        tpu.vector_store %arg22[%swap3A_1099, %swap3A_1100], %gather3A_1098 {strides = array<i32>} : memref<64x64xf32, #tpu.memory_space<vmem>>, vector<16xf32>,
        %add3A_1102 = arith.constant 48 : i32
        %add3A_1103 = vector.broadcast %add3A_1102 : i32 to vector<16xi32>
        %add3A_1104 = arith.addi %iota3A, %add3A_1103 : vector<16xi32>
        %gather3A_1105 = tpu.vector_load_idx %arg16[%add3A_1104, %broadcast_in_dim3A_1081] : memref<64x128xf32, #tpu.memory_space<vmem>>[vector<16xi32>, vector<16xi32>], vector<16xf32>,
        %swap3A_1106 = arith.index_cast %and3A_1071 : i32 to index
        %swap3A_1107 = arith.constant 48 : index
        %swap3A_1108 = tpu.vector_load %arg22[%swap3A_1106, %swap3A_1107] {strides = array<i32>} : memref<64x64xf32, #tpu.memory_space<vmem>>, vector<16xf32>,
        tpu.vector_store %arg22[%swap3A_1106, %swap3A_1107], %gather3A_1105 {strides = array<i32>} : memref<64x64xf32, #tpu.memory_space<vmem>>, vector<16xf32>,
        %dma_start3A = arith.constant 0 : i32
        %dma_start3A_1109 = tpu.memref_slice %arg22[%and3A_1071, %dma_start3A] : memref<64x64xf32, #tpu.memory_space<vmem>> -> memref<1x64xf32, #tpu.memory_space<vmem>>
        %dma_start3A_1110 = tpu.memref_squeeze %dma_start3A_1109 : memref<1x64xf32, #tpu.memory_space<vmem>> -> memref<64xf32, #tpu.memory_space<vmem>>
        %dma_start3A_1111 = arith.constant 0 : i32
        %dma_start3A_1112 = tpu.memref_slice %arg4[%and3A_1078, %dma_start3A_1111] : memref<16384x64xf32, #tpu.memory_space<hbm>> -> memref<1x64xf32, #tpu.memory_space<hbm>>
        %dma_start3A_1113 = tpu.memref_squeeze %dma_start3A_1112 : memref<1x64xf32, #tpu.memory_space<hbm>> -> memref<64xf32, #tpu.memory_space<hbm>>
        %dma_start3A_1114 = arith.constant 0 : i32
        %dma_start3A_1115 = tpu.memref_slice %arg4[%and3A_1078, %dma_start3A_1114] : memref<16384x64xf32, #tpu.memory_space<hbm>> -> memref<1x64xf32, #tpu.memory_space<hbm>>
        %dma_start3A_1116 = tpu.memref_squeeze %dma_start3A_1115 : memref<1x64xf32, #tpu.memory_space<hbm>> -> memref<64xf32, #tpu.memory_space<hbm>>
        %dma_start3A_1117 = arith.constant 0 : i32
        %dma_start3A_1118 = tpu.memref_slice %arg22[%and3A_1071, %dma_start3A_1117] : memref<64x64xf32, #tpu.memory_space<vmem>> -> memref<1x64xf32, #tpu.memory_space<vmem>>
        %dma_start3A_1119 = tpu.memref_squeeze %dma_start3A_1118 : memref<1x64xf32, #tpu.memory_space<vmem>> -> memref<64xf32, #tpu.memory_space<vmem>>
        tpu.enqueue_dma source(%dma_start3A_1119 : memref<64xf32, #tpu.memory_space<vmem>>) target(%dma_start3A_1116 : memref<64xf32, #tpu.memory_space<hbm>>) target_semaphore(%arg23 : memref<!tpu.dma_semaphore, #tpu.memory_space<semaphore_mem>>)
        %add3A_1120 = arith.constant 1 : i32
        %add3A_1121 = arith.addi %while3A_1066, %add3A_1120 : i32
        scf.yield %add3A_1121 : i32
      }
      %while3A_873 = arith.constant 1 : i32
      %while3A_874 = scf.for %while3A_1065 = %while3A_870 to %while3A_866 step %while3A_873 iter_args(%while3A_1066 = %while3A_872) -> (i32)  : i32 {
        %ge3A = arith.constant 64 : i32
        %ge3A_1067 = arith.cmpi sge, %while3A_1066, %ge3A : i32
        %convert_element_type3A_1068 = arith.extui %ge3A_1067 : i1 to i32
        %cond3A_1069 = arith.constant 0 : i32
        %cond3A_1070 = arith.cmpi ne, %convert_element_type3A_1068, %cond3A_1069 : i32
        scf.if %cond3A_1070 {
          %dma_wait3A = arith.constant 0 : i32
          %dma_wait3A_1122 = arith.constant 0 : i32
          %dma_wait3A_1123 = arith.constant 0 : i32
          %dma_wait3A_1124 = tpu.memref_slice %arg22[%dma_wait3A, %dma_wait3A_1123] : memref<64x64xf32, #tpu.memory_space<vmem>> -> memref<1x64xf32, #tpu.memory_space<vmem>>
          %dma_wait3A_1125 = tpu.memref_squeeze %dma_wait3A_1124 : memref<1x64xf32, #tpu.memory_space<vmem>> -> memref<64xf32, #tpu.memory_space<vmem>>
          %dma_wait3A_1126 = arith.constant 0 : i32
          %dma_wait3A_1127 = tpu.memref_slice %arg4[%dma_wait3A_1122, %dma_wait3A_1126] : memref<16384x64xf32, #tpu.memory_space<hbm>> -> memref<1x64xf32, #tpu.memory_space<hbm>>
          %dma_wait3A_1128 = tpu.memref_squeeze %dma_wait3A_1127 : memref<1x64xf32, #tpu.memory_space<hbm>> -> memref<64xf32, #tpu.memory_space<hbm>>
          %dma_wait3A_1129 = arith.constant 0 : i32
          %dma_wait3A_1130 = tpu.memref_slice %arg4[%dma_wait3A_1122, %dma_wait3A_1129] : memref<16384x64xf32, #tpu.memory_space<hbm>> -> memref<1x64xf32, #tpu.memory_space<hbm>>
          %dma_wait3A_1131 = tpu.memref_squeeze %dma_wait3A_1130 : memref<1x64xf32, #tpu.memory_space<hbm>> -> memref<64xf32, #tpu.memory_space<hbm>>
          %dma_wait3A_1132 = arith.constant 0 : i32
          %dma_wait3A_1133 = tpu.memref_slice %arg22[%dma_wait3A, %dma_wait3A_1132] : memref<64x64xf32, #tpu.memory_space<vmem>> -> memref<1x64xf32, #tpu.memory_space<vmem>>
          %dma_wait3A_1134 = tpu.memref_squeeze %dma_wait3A_1133 : memref<1x64xf32, #tpu.memory_space<vmem>> -> memref<64xf32, #tpu.memory_space<vmem>>
          tpu.wait_dma2 semaphore(%arg23 : memref<!tpu.dma_semaphore, #tpu.memory_space<semaphore_mem>>) src(%dma_wait3A_1134 : memref<64xf32, #tpu.memory_space<vmem>>) dst(%dma_wait3A_1131 : memref<64xf32, #tpu.memory_space<hbm>>)
        } else {
        }
        %and3A = arith.constant 63 : i32
        %and3A_1071 = arith.andi %while3A_1066, %and3A : i32
        %get3A_1072 = arith.index_cast %while3A_1065 : i32 to index
        %get3A_1073 = tpu.vector_load %arg7[%get3A_1072] {strides = array<i32>} : memref<16400xi32, #tpu.memory_space<vmem>>, vector<16xi32>,
        %slice3A_1074 = vector.extract_strided_slice %get3A_1073 {offsets = [0], sizes = [1], strides = [1]} : vector<16xi32> to vector<1xi32>
        %squeeze3A_1075 = vector.extract %slice3A_1074[0] : i32 from vector<1xi32>
        %shift_right_arithmetic3A = arith.constant 7 : i32
        %shift_right_arithmetic3A_1076 = arith.shrsi %squeeze3A_1075, %shift_right_arithmetic3A : i32
        %and3A_1077 = arith.constant 16383 : i32
        %and3A_1078 = arith.andi %shift_right_arithmetic3A_1076, %and3A_1077 : i32
        %and3A_1079 = arith.constant 127 : i32
        %and3A_1080 = arith.andi %squeeze3A_1075, %and3A_1079 : i32
        %broadcast_in_dim3A_1081 = vector.broadcast %and3A_1080 : i32 to vector<16xi32>
        %add3A_1082 = arith.constant 0 : i32
        %add3A_1083 = vector.broadcast %add3A_1082 : i32 to vector<16xi32>
        %add3A_1084 = arith.addi %iota3A, %add3A_1083 : vector<16xi32>
        %gather3A = tpu.vector_load_idx %arg16[%add3A_1084, %broadcast_in_dim3A_1081] : memref<64x128xf32, #tpu.memory_space<vmem>>[vector<16xi32>, vector<16xi32>], vector<16xf32>,
        %swap3A_1085 = arith.index_cast %and3A_1071 : i32 to index
        %swap3A_1086 = arith.constant 0 : index
        %swap3A_1087 = tpu.vector_load %arg22[%swap3A_1085, %swap3A_1086] {strides = array<i32>} : memref<64x64xf32, #tpu.memory_space<vmem>>, vector<16xf32>,
        tpu.vector_store %arg22[%swap3A_1085, %swap3A_1086], %gather3A {strides = array<i32>} : memref<64x64xf32, #tpu.memory_space<vmem>>, vector<16xf32>,
        %add3A_1088 = arith.constant 16 : i32
        %add3A_1089 = vector.broadcast %add3A_1088 : i32 to vector<16xi32>
        %add3A_1090 = arith.addi %iota3A, %add3A_1089 : vector<16xi32>
        %gather3A_1091 = tpu.vector_load_idx %arg16[%add3A_1090, %broadcast_in_dim3A_1081] : memref<64x128xf32, #tpu.memory_space<vmem>>[vector<16xi32>, vector<16xi32>], vector<16xf32>,
        %swap3A_1092 = arith.index_cast %and3A_1071 : i32 to index
        %swap3A_1093 = arith.constant 16 : index
        %swap3A_1094 = tpu.vector_load %arg22[%swap3A_1092, %swap3A_1093] {strides = array<i32>} : memref<64x64xf32, #tpu.memory_space<vmem>>, vector<16xf32>,
        tpu.vector_store %arg22[%swap3A_1092, %swap3A_1093], %gather3A_1091 {strides = array<i32>} : memref<64x64xf32, #tpu.memory_space<vmem>>, vector<16xf32>,
        %add3A_1095 = arith.constant 32 : i32
        %add3A_1096 = vector.broadcast %add3A_1095 : i32 to vector<16xi32>
        %add3A_1097 = arith.addi %iota3A, %add3A_1096 : vector<16xi32>
        %gather3A_1098 = tpu.vector_load_idx %arg16[%add3A_1097, %broadcast_in_dim3A_1081] : memref<64x128xf32, #tpu.memory_space<vmem>>[vector<16xi32>, vector<16xi32>], vector<16xf32>,
        %swap3A_1099 = arith.index_cast %and3A_1071 : i32 to index
        %swap3A_1100 = arith.constant 32 : index
        %swap3A_1101 = tpu.vector_load %arg22[%swap3A_1099, %swap3A_1100] {strides = array<i32>} : memref<64x64xf32, #tpu.memory_space<vmem>>, vector<16xf32>,
        tpu.vector_store %arg22[%swap3A_1099, %swap3A_1100], %gather3A_1098 {strides = array<i32>} : memref<64x64xf32, #tpu.memory_space<vmem>>, vector<16xf32>,
        %add3A_1102 = arith.constant 48 : i32
        %add3A_1103 = vector.broadcast %add3A_1102 : i32 to vector<16xi32>
        %add3A_1104 = arith.addi %iota3A, %add3A_1103 : vector<16xi32>
        %gather3A_1105 = tpu.vector_load_idx %arg16[%add3A_1104, %broadcast_in_dim3A_1081] : memref<64x128xf32, #tpu.memory_space<vmem>>[vector<16xi32>, vector<16xi32>], vector<16xf32>,
        %swap3A_1106 = arith.index_cast %and3A_1071 : i32 to index
        %swap3A_1107 = arith.constant 48 : index
        %swap3A_1108 = tpu.vector_load %arg22[%swap3A_1106, %swap3A_1107] {strides = array<i32>} : memref<64x64xf32, #tpu.memory_space<vmem>>, vector<16xf32>,
        tpu.vector_store %arg22[%swap3A_1106, %swap3A_1107], %gather3A_1105 {strides = array<i32>} : memref<64x64xf32, #tpu.memory_space<vmem>>, vector<16xf32>,
        %dma_start3A = arith.constant 0 : i32
        %dma_start3A_1109 = tpu.memref_slice %arg22[%and3A_1071, %dma_start3A] : memref<64x64xf32, #tpu.memory_space<vmem>> -> memref<1x64xf32, #tpu.memory_space<vmem>>
        %dma_start3A_1110 = tpu.memref_squeeze %dma_start3A_1109 : memref<1x64xf32, #tpu.memory_space<vmem>> -> memref<64xf32, #tpu.memory_space<vmem>>
        %dma_start3A_1111 = arith.constant 0 : i32
        %dma_start3A_1112 = tpu.memref_slice %arg4[%and3A_1078, %dma_start3A_1111] : memref<16384x64xf32, #tpu.memory_space<hbm>> -> memref<1x64xf32, #tpu.memory_space<hbm>>
        %dma_start3A_1113 = tpu.memref_squeeze %dma_start3A_1112 : memref<1x64xf32, #tpu.memory_space<hbm>> -> memref<64xf32, #tpu.memory_space<hbm>>
        %dma_start3A_1114 = arith.constant 0 : i32
        %dma_start3A_1115 = tpu.memref_slice %arg4[%and3A_1078, %dma_start3A_1114] : memref<16384x64xf32, #tpu.memory_space<hbm>> -> memref<1x64xf32, #tpu.memory_space<hbm>>
        %dma_start3A_1116 = tpu.memref_squeeze %dma_start3A_1115 : memref<1x64xf32, #tpu.memory_space<hbm>> -> memref<64xf32, #tpu.memory_space<hbm>>
        %dma_start3A_1117 = arith.constant 0 : i32
        %dma_start3A_1118 = tpu.memref_slice %arg22[%and3A_1071, %dma_start3A_1117] : memref<64x64xf32, #tpu.memory_space<vmem>> -> memref<1x64xf32, #tpu.memory_space<vmem>>
        %dma_start3A_1119 = tpu.memref_squeeze %dma_start3A_1118 : memref<1x64xf32, #tpu.memory_space<vmem>> -> memref<64xf32, #tpu.memory_space<vmem>>
        tpu.enqueue_dma source(%dma_start3A_1119 : memref<64xf32, #tpu.memory_space<vmem>>) target(%dma_start3A_1116 : memref<64xf32, #tpu.memory_space<hbm>>) target_semaphore(%arg23 : memref<!tpu.dma_semaphore, #tpu.memory_space<semaphore_mem>>)
        %add3A_1120 = arith.constant 1 : i32
        %add3A_1121 = arith.addi %while3A_1066, %add3A_1120 : i32
        scf.yield %add3A_1121 : i32
      }
      %mul3A_875 = arith.constant 8 : i32
      %mul3A_876 = arith.muli %scan3A_762, %mul3A_875 : i32
      %add3A_877 = arith.constant 3 : i32
      %add3A_878 = arith.addi %mul3A_876, %add3A_877 : i32
      %lt3A_879 = arith.cmpi slt, %add3A_878, %add3A_707 : i32
      %add3A_880 = arith.constant 8 : i32
      %add3A_881 = arith.addi %add3A_878, %add3A_880 : i32
      %sub3A_882 = arith.constant 1 : i32
      %sub3A_883 = arith.subi %add3A_881, %sub3A_882 : i32
      %lt3A_884 = arith.cmpi slt, %sub3A_883, %add3A_707 : i32
      %convert_element_type3A_885 = arith.extui %lt3A_884 : i1 to i32
      %cond3A_886 = arith.constant 0 : i32
      %cond3A_887 = arith.cmpi ne, %convert_element_type3A_885, %cond3A_886 : i32
      scf.if %cond3A_887 {
        %add3A_1065 = arith.constant 8 : i32
        %add3A_1066 = arith.addi %add3A_878, %add3A_1065 : i32
        %sub3A_1067 = arith.constant 1 : i32
        %sub3A_1068 = arith.subi %add3A_1066, %sub3A_1067 : i32
        %get3A_1069 = arith.index_cast %sub3A_1068 : i32 to index
        %get3A_1070 = tpu.vector_load %arg11[%get3A_1069] {strides = array<i32>} : memref<272xi32, #tpu.memory_space<vmem>>, vector<16xi32>,
        %slice3A_1071 = vector.extract_strided_slice %get3A_1070 {offsets = [0], sizes = [1], strides = [1]} : vector<16xi32> to vector<1xi32>
        %squeeze3A_1072 = vector.extract %slice3A_1071[0] : i32 from vector<1xi32>
        %mul3A_1073 = arith.constant 128 : i32
        %mul3A_1074 = arith.muli %squeeze3A_1072, %mul3A_1073 : i32
        %multiple_of3A = tpu.assume_multiple %mul3A_1074, 128 : i32
        %dma_start3A = arith.constant 0 : i32
        %dma_start3A_1075 = tpu.memref_slice %arg3[%dma_start3A, %multiple_of3A] : memref<64x1000000xf32, #tpu.memory_space<hbm>> -> memref<64x128xf32, #tpu.memory_space<hbm>>
        %dma_start3A_1076 = arith.constant 0 : i32
        %dma_start3A_1077 = tpu.memref_slice %arg3[%dma_start3A_1076, %multiple_of3A] : memref<64x1000000xf32, #tpu.memory_space<hbm>> -> memref<64x128xf32, #tpu.memory_space<hbm>>
        tpu.enqueue_dma source(%dma_start3A_1077 : memref<64x128xf32, #tpu.memory_space<hbm>>) target(%arg16 : memref<64x128xf32, #tpu.memory_space<vmem>>) target_semaphore(%arg26 : memref<!tpu.dma_semaphore, #tpu.memory_space<semaphore_mem>>)
      } else {
      }
      %convert_element_type3A_888 = arith.extui %lt3A_879 : i1 to i32
      %cond3A_889 = arith.constant 0 : i32
      %cond3A_890 = arith.cmpi ne, %convert_element_type3A_888, %cond3A_889 : i32
      scf.if %cond3A_890 {
        %dma_wait3A = arith.constant 0 : i32
        %dma_wait3A_1065 = arith.constant 0 : i32
        %dma_wait3A_1066 = tpu.memref_slice %arg3[%dma_wait3A, %dma_wait3A_1065] : memref<64x1000000xf32, #tpu.memory_space<hbm>> -> memref<64x128xf32, #tpu.memory_space<hbm>>
        %dma_wait3A_1067 = arith.constant 0 : i32
        %dma_wait3A_1068 = arith.constant 0 : i32
        %dma_wait3A_1069 = tpu.memref_slice %arg3[%dma_wait3A_1067, %dma_wait3A_1068] : memref<64x1000000xf32, #tpu.memory_space<hbm>> -> memref<64x128xf32, #tpu.memory_space<hbm>>
        tpu.wait_dma2 semaphore(%arg27 : memref<!tpu.dma_semaphore, #tpu.memory_space<semaphore_mem>>) src(%dma_wait3A_1069 : memref<64x128xf32, #tpu.memory_space<hbm>>) dst(%arg17 : memref<64x128xf32, #tpu.memory_space<vmem>>)
      } else {
      }
      %get3A_891 = arith.index_cast %add3A_878 : i32 to index
      %get3A_892 = tpu.vector_load %arg12[%get3A_891] {strides = array<i32>} : memref<272xi32, #tpu.memory_space<vmem>>, vector<16xi32>,
      %slice3A_893 = vector.extract_strided_slice %get3A_892 {offsets = [0], sizes = [1], strides = [1]} : vector<16xi32> to vector<1xi32>
      %squeeze3A_894 = vector.extract %slice3A_893[0] : i32 from vector<1xi32>
      %get3A_895 = arith.index_cast %add3A_878 : i32 to index
      %get3A_896 = tpu.vector_load %arg13[%get3A_895] {strides = array<i32>} : memref<272xi32, #tpu.memory_space<vmem>>, vector<16xi32>,
      %slice3A_897 = vector.extract_strided_slice %get3A_896 {offsets = [0], sizes = [1], strides = [1]} : vector<16xi32> to vector<1xi32>
      %squeeze3A_898 = vector.extract %slice3A_897[0] : i32 from vector<1xi32>
      %jit3A_899 = arith.constant 0 : i32
      %select_n3A_900 = arith.select %lt3A_879, %squeeze3A_894, %jit3A_899 : i32
      %jit3A_901 = arith.constant 0 : i32
      %select_n3A_902 = arith.select %lt3A_879, %squeeze3A_898, %jit3A_901 : i32
      %while3A_903 = arith.subi %select_n3A_902, %select_n3A_900 : i32
      %while3A_904 = arith.addi %select_n3A_900, %while3A_903 : i32
      %while3A_905 = arith.constant 1 : i32
      %while3A_906 = arith.divsi %while3A_903, %while3A_905 : i32
      %while3A_907 = arith.muli %while3A_906, %while3A_905 : i32
      %while3A_908 = arith.addi %select_n3A_900, %while3A_907 : i32
      %while3A_909 = arith.constant 1 : i32
      %while3A_910 = scf.for %while3A_1065 = %select_n3A_900 to %while3A_908 step %while3A_909 iter_args(%while3A_1066 = %while3A_874) -> (i32)  : i32 {
        %ge3A = arith.constant 64 : i32
        %ge3A_1067 = arith.cmpi sge, %while3A_1066, %ge3A : i32
        %convert_element_type3A_1068 = arith.extui %ge3A_1067 : i1 to i32
        %cond3A_1069 = arith.constant 0 : i32
        %cond3A_1070 = arith.cmpi ne, %convert_element_type3A_1068, %cond3A_1069 : i32
        scf.if %cond3A_1070 {
          %dma_wait3A = arith.constant 0 : i32
          %dma_wait3A_1122 = arith.constant 0 : i32
          %dma_wait3A_1123 = arith.constant 0 : i32
          %dma_wait3A_1124 = tpu.memref_slice %arg22[%dma_wait3A, %dma_wait3A_1123] : memref<64x64xf32, #tpu.memory_space<vmem>> -> memref<1x64xf32, #tpu.memory_space<vmem>>
          %dma_wait3A_1125 = tpu.memref_squeeze %dma_wait3A_1124 : memref<1x64xf32, #tpu.memory_space<vmem>> -> memref<64xf32, #tpu.memory_space<vmem>>
          %dma_wait3A_1126 = arith.constant 0 : i32
          %dma_wait3A_1127 = tpu.memref_slice %arg4[%dma_wait3A_1122, %dma_wait3A_1126] : memref<16384x64xf32, #tpu.memory_space<hbm>> -> memref<1x64xf32, #tpu.memory_space<hbm>>
          %dma_wait3A_1128 = tpu.memref_squeeze %dma_wait3A_1127 : memref<1x64xf32, #tpu.memory_space<hbm>> -> memref<64xf32, #tpu.memory_space<hbm>>
          %dma_wait3A_1129 = arith.constant 0 : i32
          %dma_wait3A_1130 = tpu.memref_slice %arg4[%dma_wait3A_1122, %dma_wait3A_1129] : memref<16384x64xf32, #tpu.memory_space<hbm>> -> memref<1x64xf32, #tpu.memory_space<hbm>>
          %dma_wait3A_1131 = tpu.memref_squeeze %dma_wait3A_1130 : memref<1x64xf32, #tpu.memory_space<hbm>> -> memref<64xf32, #tpu.memory_space<hbm>>
          %dma_wait3A_1132 = arith.constant 0 : i32
          %dma_wait3A_1133 = tpu.memref_slice %arg22[%dma_wait3A, %dma_wait3A_1132] : memref<64x64xf32, #tpu.memory_space<vmem>> -> memref<1x64xf32, #tpu.memory_space<vmem>>
          %dma_wait3A_1134 = tpu.memref_squeeze %dma_wait3A_1133 : memref<1x64xf32, #tpu.memory_space<vmem>> -> memref<64xf32, #tpu.memory_space<vmem>>
          tpu.wait_dma2 semaphore(%arg23 : memref<!tpu.dma_semaphore, #tpu.memory_space<semaphore_mem>>) src(%dma_wait3A_1134 : memref<64xf32, #tpu.memory_space<vmem>>) dst(%dma_wait3A_1131 : memref<64xf32, #tpu.memory_space<hbm>>)
        } else {
        }
        %and3A = arith.constant 63 : i32
        %and3A_1071 = arith.andi %while3A_1066, %and3A : i32
        %get3A_1072 = arith.index_cast %while3A_1065 : i32 to index
        %get3A_1073 = tpu.vector_load %arg7[%get3A_1072] {strides = array<i32>} : memref<16400xi32, #tpu.memory_space<vmem>>, vector<16xi32>,
        %slice3A_1074 = vector.extract_strided_slice %get3A_1073 {offsets = [0], sizes = [1], strides = [1]} : vector<16xi32> to vector<1xi32>
        %squeeze3A_1075 = vector.extract %slice3A_1074[0] : i32 from vector<1xi32>
        %shift_right_arithmetic3A = arith.constant 7 : i32
        %shift_right_arithmetic3A_1076 = arith.shrsi %squeeze3A_1075, %shift_right_arithmetic3A : i32
        %and3A_1077 = arith.constant 16383 : i32
        %and3A_1078 = arith.andi %shift_right_arithmetic3A_1076, %and3A_1077 : i32
        %and3A_1079 = arith.constant 127 : i32
        %and3A_1080 = arith.andi %squeeze3A_1075, %and3A_1079 : i32
        %broadcast_in_dim3A_1081 = vector.broadcast %and3A_1080 : i32 to vector<16xi32>
        %add3A_1082 = arith.constant 0 : i32
        %add3A_1083 = vector.broadcast %add3A_1082 : i32 to vector<16xi32>
        %add3A_1084 = arith.addi %iota3A, %add3A_1083 : vector<16xi32>
        %gather3A = tpu.vector_load_idx %arg17[%add3A_1084, %broadcast_in_dim3A_1081] : memref<64x128xf32, #tpu.memory_space<vmem>>[vector<16xi32>, vector<16xi32>], vector<16xf32>,
        %swap3A_1085 = arith.index_cast %and3A_1071 : i32 to index
        %swap3A_1086 = arith.constant 0 : index
        %swap3A_1087 = tpu.vector_load %arg22[%swap3A_1085, %swap3A_1086] {strides = array<i32>} : memref<64x64xf32, #tpu.memory_space<vmem>>, vector<16xf32>,
        tpu.vector_store %arg22[%swap3A_1085, %swap3A_1086], %gather3A {strides = array<i32>} : memref<64x64xf32, #tpu.memory_space<vmem>>, vector<16xf32>,
        %add3A_1088 = arith.constant 16 : i32
        %add3A_1089 = vector.broadcast %add3A_1088 : i32 to vector<16xi32>
        %add3A_1090 = arith.addi %iota3A, %add3A_1089 : vector<16xi32>
        %gather3A_1091 = tpu.vector_load_idx %arg17[%add3A_1090, %broadcast_in_dim3A_1081] : memref<64x128xf32, #tpu.memory_space<vmem>>[vector<16xi32>, vector<16xi32>], vector<16xf32>,
        %swap3A_1092 = arith.index_cast %and3A_1071 : i32 to index
        %swap3A_1093 = arith.constant 16 : index
        %swap3A_1094 = tpu.vector_load %arg22[%swap3A_1092, %swap3A_1093] {strides = array<i32>} : memref<64x64xf32, #tpu.memory_space<vmem>>, vector<16xf32>,
        tpu.vector_store %arg22[%swap3A_1092, %swap3A_1093], %gather3A_1091 {strides = array<i32>} : memref<64x64xf32, #tpu.memory_space<vmem>>, vector<16xf32>,
        %add3A_1095 = arith.constant 32 : i32
        %add3A_1096 = vector.broadcast %add3A_1095 : i32 to vector<16xi32>
        %add3A_1097 = arith.addi %iota3A, %add3A_1096 : vector<16xi32>
        %gather3A_1098 = tpu.vector_load_idx %arg17[%add3A_1097, %broadcast_in_dim3A_1081] : memref<64x128xf32, #tpu.memory_space<vmem>>[vector<16xi32>, vector<16xi32>], vector<16xf32>,
        %swap3A_1099 = arith.index_cast %and3A_1071 : i32 to index
        %swap3A_1100 = arith.constant 32 : index
        %swap3A_1101 = tpu.vector_load %arg22[%swap3A_1099, %swap3A_1100] {strides = array<i32>} : memref<64x64xf32, #tpu.memory_space<vmem>>, vector<16xf32>,
        tpu.vector_store %arg22[%swap3A_1099, %swap3A_1100], %gather3A_1098 {strides = array<i32>} : memref<64x64xf32, #tpu.memory_space<vmem>>, vector<16xf32>,
        %add3A_1102 = arith.constant 48 : i32
        %add3A_1103 = vector.broadcast %add3A_1102 : i32 to vector<16xi32>
        %add3A_1104 = arith.addi %iota3A, %add3A_1103 : vector<16xi32>
        %gather3A_1105 = tpu.vector_load_idx %arg17[%add3A_1104, %broadcast_in_dim3A_1081] : memref<64x128xf32, #tpu.memory_space<vmem>>[vector<16xi32>, vector<16xi32>], vector<16xf32>,
        %swap3A_1106 = arith.index_cast %and3A_1071 : i32 to index
        %swap3A_1107 = arith.constant 48 : index
        %swap3A_1108 = tpu.vector_load %arg22[%swap3A_1106, %swap3A_1107] {strides = array<i32>} : memref<64x64xf32, #tpu.memory_space<vmem>>, vector<16xf32>,
        tpu.vector_store %arg22[%swap3A_1106, %swap3A_1107], %gather3A_1105 {strides = array<i32>} : memref<64x64xf32, #tpu.memory_space<vmem>>, vector<16xf32>,
        %dma_start3A = arith.constant 0 : i32
        %dma_start3A_1109 = tpu.memref_slice %arg22[%and3A_1071, %dma_start3A] : memref<64x64xf32, #tpu.memory_space<vmem>> -> memref<1x64xf32, #tpu.memory_space<vmem>>
        %dma_start3A_1110 = tpu.memref_squeeze %dma_start3A_1109 : memref<1x64xf32, #tpu.memory_space<vmem>> -> memref<64xf32, #tpu.memory_space<vmem>>
        %dma_start3A_1111 = arith.constant 0 : i32
        %dma_start3A_1112 = tpu.memref_slice %arg4[%and3A_1078, %dma_start3A_1111] : memref<16384x64xf32, #tpu.memory_space<hbm>> -> memref<1x64xf32, #tpu.memory_space<hbm>>
        %dma_start3A_1113 = tpu.memref_squeeze %dma_start3A_1112 : memref<1x64xf32, #tpu.memory_space<hbm>> -> memref<64xf32, #tpu.memory_space<hbm>>
        %dma_start3A_1114 = arith.constant 0 : i32
        %dma_start3A_1115 = tpu.memref_slice %arg4[%and3A_1078, %dma_start3A_1114] : memref<16384x64xf32, #tpu.memory_space<hbm>> -> memref<1x64xf32, #tpu.memory_space<hbm>>
        %dma_start3A_1116 = tpu.memref_squeeze %dma_start3A_1115 : memref<1x64xf32, #tpu.memory_space<hbm>> -> memref<64xf32, #tpu.memory_space<hbm>>
        %dma_start3A_1117 = arith.constant 0 : i32
        %dma_start3A_1118 = tpu.memref_slice %arg22[%and3A_1071, %dma_start3A_1117] : memref<64x64xf32, #tpu.memory_space<vmem>> -> memref<1x64xf32, #tpu.memory_space<vmem>>
        %dma_start3A_1119 = tpu.memref_squeeze %dma_start3A_1118 : memref<1x64xf32, #tpu.memory_space<vmem>> -> memref<64xf32, #tpu.memory_space<vmem>>
        tpu.enqueue_dma source(%dma_start3A_1119 : memref<64xf32, #tpu.memory_space<vmem>>) target(%dma_start3A_1116 : memref<64xf32, #tpu.memory_space<hbm>>) target_semaphore(%arg23 : memref<!tpu.dma_semaphore, #tpu.memory_space<semaphore_mem>>)
        %add3A_1120 = arith.constant 1 : i32
        %add3A_1121 = arith.addi %while3A_1066, %add3A_1120 : i32
        scf.yield %add3A_1121 : i32
      }
      %while3A_911 = arith.constant 1 : i32
      %while3A_912 = scf.for %while3A_1065 = %while3A_908 to %while3A_904 step %while3A_911 iter_args(%while3A_1066 = %while3A_910) -> (i32)  : i32 {
        %ge3A = arith.constant 64 : i32
        %ge3A_1067 = arith.cmpi sge, %while3A_1066, %ge3A : i32
        %convert_element_type3A_1068 = arith.extui %ge3A_1067 : i1 to i32
        %cond3A_1069 = arith.constant 0 : i32
        %cond3A_1070 = arith.cmpi ne, %convert_element_type3A_1068, %cond3A_1069 : i32
        scf.if %cond3A_1070 {
          %dma_wait3A = arith.constant 0 : i32
          %dma_wait3A_1122 = arith.constant 0 : i32
          %dma_wait3A_1123 = arith.constant 0 : i32
          %dma_wait3A_1124 = tpu.memref_slice %arg22[%dma_wait3A, %dma_wait3A_1123] : memref<64x64xf32, #tpu.memory_space<vmem>> -> memref<1x64xf32, #tpu.memory_space<vmem>>
          %dma_wait3A_1125 = tpu.memref_squeeze %dma_wait3A_1124 : memref<1x64xf32, #tpu.memory_space<vmem>> -> memref<64xf32, #tpu.memory_space<vmem>>
          %dma_wait3A_1126 = arith.constant 0 : i32
          %dma_wait3A_1127 = tpu.memref_slice %arg4[%dma_wait3A_1122, %dma_wait3A_1126] : memref<16384x64xf32, #tpu.memory_space<hbm>> -> memref<1x64xf32, #tpu.memory_space<hbm>>
          %dma_wait3A_1128 = tpu.memref_squeeze %dma_wait3A_1127 : memref<1x64xf32, #tpu.memory_space<hbm>> -> memref<64xf32, #tpu.memory_space<hbm>>
          %dma_wait3A_1129 = arith.constant 0 : i32
          %dma_wait3A_1130 = tpu.memref_slice %arg4[%dma_wait3A_1122, %dma_wait3A_1129] : memref<16384x64xf32, #tpu.memory_space<hbm>> -> memref<1x64xf32, #tpu.memory_space<hbm>>
          %dma_wait3A_1131 = tpu.memref_squeeze %dma_wait3A_1130 : memref<1x64xf32, #tpu.memory_space<hbm>> -> memref<64xf32, #tpu.memory_space<hbm>>
          %dma_wait3A_1132 = arith.constant 0 : i32
          %dma_wait3A_1133 = tpu.memref_slice %arg22[%dma_wait3A, %dma_wait3A_1132] : memref<64x64xf32, #tpu.memory_space<vmem>> -> memref<1x64xf32, #tpu.memory_space<vmem>>
          %dma_wait3A_1134 = tpu.memref_squeeze %dma_wait3A_1133 : memref<1x64xf32, #tpu.memory_space<vmem>> -> memref<64xf32, #tpu.memory_space<vmem>>
          tpu.wait_dma2 semaphore(%arg23 : memref<!tpu.dma_semaphore, #tpu.memory_space<semaphore_mem>>) src(%dma_wait3A_1134 : memref<64xf32, #tpu.memory_space<vmem>>) dst(%dma_wait3A_1131 : memref<64xf32, #tpu.memory_space<hbm>>)
        } else {
        }
        %and3A = arith.constant 63 : i32
        %and3A_1071 = arith.andi %while3A_1066, %and3A : i32
        %get3A_1072 = arith.index_cast %while3A_1065 : i32 to index
        %get3A_1073 = tpu.vector_load %arg7[%get3A_1072] {strides = array<i32>} : memref<16400xi32, #tpu.memory_space<vmem>>, vector<16xi32>,
        %slice3A_1074 = vector.extract_strided_slice %get3A_1073 {offsets = [0], sizes = [1], strides = [1]} : vector<16xi32> to vector<1xi32>
        %squeeze3A_1075 = vector.extract %slice3A_1074[0] : i32 from vector<1xi32>
        %shift_right_arithmetic3A = arith.constant 7 : i32
        %shift_right_arithmetic3A_1076 = arith.shrsi %squeeze3A_1075, %shift_right_arithmetic3A : i32
        %and3A_1077 = arith.constant 16383 : i32
        %and3A_1078 = arith.andi %shift_right_arithmetic3A_1076, %and3A_1077 : i32
        %and3A_1079 = arith.constant 127 : i32
        %and3A_1080 = arith.andi %squeeze3A_1075, %and3A_1079 : i32
        %broadcast_in_dim3A_1081 = vector.broadcast %and3A_1080 : i32 to vector<16xi32>
        %add3A_1082 = arith.constant 0 : i32
        %add3A_1083 = vector.broadcast %add3A_1082 : i32 to vector<16xi32>
        %add3A_1084 = arith.addi %iota3A, %add3A_1083 : vector<16xi32>
        %gather3A = tpu.vector_load_idx %arg17[%add3A_1084, %broadcast_in_dim3A_1081] : memref<64x128xf32, #tpu.memory_space<vmem>>[vector<16xi32>, vector<16xi32>], vector<16xf32>,
        %swap3A_1085 = arith.index_cast %and3A_1071 : i32 to index
        %swap3A_1086 = arith.constant 0 : index
        %swap3A_1087 = tpu.vector_load %arg22[%swap3A_1085, %swap3A_1086] {strides = array<i32>} : memref<64x64xf32, #tpu.memory_space<vmem>>, vector<16xf32>,
        tpu.vector_store %arg22[%swap3A_1085, %swap3A_1086], %gather3A {strides = array<i32>} : memref<64x64xf32, #tpu.memory_space<vmem>>, vector<16xf32>,
        %add3A_1088 = arith.constant 16 : i32
        %add3A_1089 = vector.broadcast %add3A_1088 : i32 to vector<16xi32>
        %add3A_1090 = arith.addi %iota3A, %add3A_1089 : vector<16xi32>
        %gather3A_1091 = tpu.vector_load_idx %arg17[%add3A_1090, %broadcast_in_dim3A_1081] : memref<64x128xf32, #tpu.memory_space<vmem>>[vector<16xi32>, vector<16xi32>], vector<16xf32>,
        %swap3A_1092 = arith.index_cast %and3A_1071 : i32 to index
        %swap3A_1093 = arith.constant 16 : index
        %swap3A_1094 = tpu.vector_load %arg22[%swap3A_1092, %swap3A_1093] {strides = array<i32>} : memref<64x64xf32, #tpu.memory_space<vmem>>, vector<16xf32>,
        tpu.vector_store %arg22[%swap3A_1092, %swap3A_1093], %gather3A_1091 {strides = array<i32>} : memref<64x64xf32, #tpu.memory_space<vmem>>, vector<16xf32>,
        %add3A_1095 = arith.constant 32 : i32
        %add3A_1096 = vector.broadcast %add3A_1095 : i32 to vector<16xi32>
        %add3A_1097 = arith.addi %iota3A, %add3A_1096 : vector<16xi32>
        %gather3A_1098 = tpu.vector_load_idx %arg17[%add3A_1097, %broadcast_in_dim3A_1081] : memref<64x128xf32, #tpu.memory_space<vmem>>[vector<16xi32>, vector<16xi32>], vector<16xf32>,
        %swap3A_1099 = arith.index_cast %and3A_1071 : i32 to index
        %swap3A_1100 = arith.constant 32 : index
        %swap3A_1101 = tpu.vector_load %arg22[%swap3A_1099, %swap3A_1100] {strides = array<i32>} : memref<64x64xf32, #tpu.memory_space<vmem>>, vector<16xf32>,
        tpu.vector_store %arg22[%swap3A_1099, %swap3A_1100], %gather3A_1098 {strides = array<i32>} : memref<64x64xf32, #tpu.memory_space<vmem>>, vector<16xf32>,
        %add3A_1102 = arith.constant 48 : i32
        %add3A_1103 = vector.broadcast %add3A_1102 : i32 to vector<16xi32>
        %add3A_1104 = arith.addi %iota3A, %add3A_1103 : vector<16xi32>
        %gather3A_1105 = tpu.vector_load_idx %arg17[%add3A_1104, %broadcast_in_dim3A_1081] : memref<64x128xf32, #tpu.memory_space<vmem>>[vector<16xi32>, vector<16xi32>], vector<16xf32>,
        %swap3A_1106 = arith.index_cast %and3A_1071 : i32 to index
        %swap3A_1107 = arith.constant 48 : index
        %swap3A_1108 = tpu.vector_load %arg22[%swap3A_1106, %swap3A_1107] {strides = array<i32>} : memref<64x64xf32, #tpu.memory_space<vmem>>, vector<16xf32>,
        tpu.vector_store %arg22[%swap3A_1106, %swap3A_1107], %gather3A_1105 {strides = array<i32>} : memref<64x64xf32, #tpu.memory_space<vmem>>, vector<16xf32>,
        %dma_start3A = arith.constant 0 : i32
        %dma_start3A_1109 = tpu.memref_slice %arg22[%and3A_1071, %dma_start3A] : memref<64x64xf32, #tpu.memory_space<vmem>> -> memref<1x64xf32, #tpu.memory_space<vmem>>
        %dma_start3A_1110 = tpu.memref_squeeze %dma_start3A_1109 : memref<1x64xf32, #tpu.memory_space<vmem>> -> memref<64xf32, #tpu.memory_space<vmem>>
        %dma_start3A_1111 = arith.constant 0 : i32
        %dma_start3A_1112 = tpu.memref_slice %arg4[%and3A_1078, %dma_start3A_1111] : memref<16384x64xf32, #tpu.memory_space<hbm>> -> memref<1x64xf32, #tpu.memory_space<hbm>>
        %dma_start3A_1113 = tpu.memref_squeeze %dma_start3A_1112 : memref<1x64xf32, #tpu.memory_space<hbm>> -> memref<64xf32, #tpu.memory_space<hbm>>
        %dma_start3A_1114 = arith.constant 0 : i32
        %dma_start3A_1115 = tpu.memref_slice %arg4[%and3A_1078, %dma_start3A_1114] : memref<16384x64xf32, #tpu.memory_space<hbm>> -> memref<1x64xf32, #tpu.memory_space<hbm>>
        %dma_start3A_1116 = tpu.memref_squeeze %dma_start3A_1115 : memref<1x64xf32, #tpu.memory_space<hbm>> -> memref<64xf32, #tpu.memory_space<hbm>>
        %dma_start3A_1117 = arith.constant 0 : i32
        %dma_start3A_1118 = tpu.memref_slice %arg22[%and3A_1071, %dma_start3A_1117] : memref<64x64xf32, #tpu.memory_space<vmem>> -> memref<1x64xf32, #tpu.memory_space<vmem>>
        %dma_start3A_1119 = tpu.memref_squeeze %dma_start3A_1118 : memref<1x64xf32, #tpu.memory_space<vmem>> -> memref<64xf32, #tpu.memory_space<vmem>>
        tpu.enqueue_dma source(%dma_start3A_1119 : memref<64xf32, #tpu.memory_space<vmem>>) target(%dma_start3A_1116 : memref<64xf32, #tpu.memory_space<hbm>>) target_semaphore(%arg23 : memref<!tpu.dma_semaphore, #tpu.memory_space<semaphore_mem>>)
        %add3A_1120 = arith.constant 1 : i32
        %add3A_1121 = arith.addi %while3A_1066, %add3A_1120 : i32
        scf.yield %add3A_1121 : i32
      }
      %mul3A_913 = arith.constant 8 : i32
      %mul3A_914 = arith.muli %scan3A_762, %mul3A_913 : i32
      %add3A_915 = arith.constant 4 : i32
      %add3A_916 = arith.addi %mul3A_914, %add3A_915 : i32
      %lt3A_917 = arith.cmpi slt, %add3A_916, %add3A_707 : i32
      %add3A_918 = arith.constant 8 : i32
      %add3A_919 = arith.addi %add3A_916, %add3A_918 : i32
      %sub3A_920 = arith.constant 1 : i32
      %sub3A_921 = arith.subi %add3A_919, %sub3A_920 : i32
      %lt3A_922 = arith.cmpi slt, %sub3A_921, %add3A_707 : i32
      %convert_element_type3A_923 = arith.extui %lt3A_922 : i1 to i32
      %cond3A_924 = arith.constant 0 : i32
      %cond3A_925 = arith.cmpi ne, %convert_element_type3A_923, %cond3A_924 : i32
      scf.if %cond3A_925 {
        %add3A_1065 = arith.constant 8 : i32
        %add3A_1066 = arith.addi %add3A_916, %add3A_1065 : i32
        %sub3A_1067 = arith.constant 1 : i32
        %sub3A_1068 = arith.subi %add3A_1066, %sub3A_1067 : i32
        %get3A_1069 = arith.index_cast %sub3A_1068 : i32 to index
        %get3A_1070 = tpu.vector_load %arg11[%get3A_1069] {strides = array<i32>} : memref<272xi32, #tpu.memory_space<vmem>>, vector<16xi32>,
        %slice3A_1071 = vector.extract_strided_slice %get3A_1070 {offsets = [0], sizes = [1], strides = [1]} : vector<16xi32> to vector<1xi32>
        %squeeze3A_1072 = vector.extract %slice3A_1071[0] : i32 from vector<1xi32>
        %mul3A_1073 = arith.constant 128 : i32
        %mul3A_1074 = arith.muli %squeeze3A_1072, %mul3A_1073 : i32
        %multiple_of3A = tpu.assume_multiple %mul3A_1074, 128 : i32
        %dma_start3A = arith.constant 0 : i32
        %dma_start3A_1075 = tpu.memref_slice %arg3[%dma_start3A, %multiple_of3A] : memref<64x1000000xf32, #tpu.memory_space<hbm>> -> memref<64x128xf32, #tpu.memory_space<hbm>>
        %dma_start3A_1076 = arith.constant 0 : i32
        %dma_start3A_1077 = tpu.memref_slice %arg3[%dma_start3A_1076, %multiple_of3A] : memref<64x1000000xf32, #tpu.memory_space<hbm>> -> memref<64x128xf32, #tpu.memory_space<hbm>>
        tpu.enqueue_dma source(%dma_start3A_1077 : memref<64x128xf32, #tpu.memory_space<hbm>>) target(%arg17 : memref<64x128xf32, #tpu.memory_space<vmem>>) target_semaphore(%arg27 : memref<!tpu.dma_semaphore, #tpu.memory_space<semaphore_mem>>)
      } else {
      }
      %convert_element_type3A_926 = arith.extui %lt3A_917 : i1 to i32
      %cond3A_927 = arith.constant 0 : i32
      %cond3A_928 = arith.cmpi ne, %convert_element_type3A_926, %cond3A_927 : i32
      scf.if %cond3A_928 {
        %dma_wait3A = arith.constant 0 : i32
        %dma_wait3A_1065 = arith.constant 0 : i32
        %dma_wait3A_1066 = tpu.memref_slice %arg3[%dma_wait3A, %dma_wait3A_1065] : memref<64x1000000xf32, #tpu.memory_space<hbm>> -> memref<64x128xf32, #tpu.memory_space<hbm>>
        %dma_wait3A_1067 = arith.constant 0 : i32
        %dma_wait3A_1068 = arith.constant 0 : i32
        %dma_wait3A_1069 = tpu.memref_slice %arg3[%dma_wait3A_1067, %dma_wait3A_1068] : memref<64x1000000xf32, #tpu.memory_space<hbm>> -> memref<64x128xf32, #tpu.memory_space<hbm>>
        tpu.wait_dma2 semaphore(%arg28 : memref<!tpu.dma_semaphore, #tpu.memory_space<semaphore_mem>>) src(%dma_wait3A_1069 : memref<64x128xf32, #tpu.memory_space<hbm>>) dst(%arg18 : memref<64x128xf32, #tpu.memory_space<vmem>>)
      } else {
      }
      %get3A_929 = arith.index_cast %add3A_916 : i32 to index
      %get3A_930 = tpu.vector_load %arg12[%get3A_929] {strides = array<i32>} : memref<272xi32, #tpu.memory_space<vmem>>, vector<16xi32>,
      %slice3A_931 = vector.extract_strided_slice %get3A_930 {offsets = [0], sizes = [1], strides = [1]} : vector<16xi32> to vector<1xi32>
      %squeeze3A_932 = vector.extract %slice3A_931[0] : i32 from vector<1xi32>
      %get3A_933 = arith.index_cast %add3A_916 : i32 to index
      %get3A_934 = tpu.vector_load %arg13[%get3A_933] {strides = array<i32>} : memref<272xi32, #tpu.memory_space<vmem>>, vector<16xi32>,
      %slice3A_935 = vector.extract_strided_slice %get3A_934 {offsets = [0], sizes = [1], strides = [1]} : vector<16xi32> to vector<1xi32>
      %squeeze3A_936 = vector.extract %slice3A_935[0] : i32 from vector<1xi32>
      %jit3A_937 = arith.constant 0 : i32
      %select_n3A_938 = arith.select %lt3A_917, %squeeze3A_932, %jit3A_937 : i32
      %jit3A_939 = arith.constant 0 : i32
      %select_n3A_940 = arith.select %lt3A_917, %squeeze3A_936, %jit3A_939 : i32
      %while3A_941 = arith.subi %select_n3A_940, %select_n3A_938 : i32
      %while3A_942 = arith.addi %select_n3A_938, %while3A_941 : i32
      %while3A_943 = arith.constant 1 : i32
      %while3A_944 = arith.divsi %while3A_941, %while3A_943 : i32
      %while3A_945 = arith.muli %while3A_944, %while3A_943 : i32
      %while3A_946 = arith.addi %select_n3A_938, %while3A_945 : i32
      %while3A_947 = arith.constant 1 : i32
      %while3A_948 = scf.for %while3A_1065 = %select_n3A_938 to %while3A_946 step %while3A_947 iter_args(%while3A_1066 = %while3A_912) -> (i32)  : i32 {
        %ge3A = arith.constant 64 : i32
        %ge3A_1067 = arith.cmpi sge, %while3A_1066, %ge3A : i32
        %convert_element_type3A_1068 = arith.extui %ge3A_1067 : i1 to i32
        %cond3A_1069 = arith.constant 0 : i32
        %cond3A_1070 = arith.cmpi ne, %convert_element_type3A_1068, %cond3A_1069 : i32
        scf.if %cond3A_1070 {
          %dma_wait3A = arith.constant 0 : i32
          %dma_wait3A_1122 = arith.constant 0 : i32
          %dma_wait3A_1123 = arith.constant 0 : i32
          %dma_wait3A_1124 = tpu.memref_slice %arg22[%dma_wait3A, %dma_wait3A_1123] : memref<64x64xf32, #tpu.memory_space<vmem>> -> memref<1x64xf32, #tpu.memory_space<vmem>>
          %dma_wait3A_1125 = tpu.memref_squeeze %dma_wait3A_1124 : memref<1x64xf32, #tpu.memory_space<vmem>> -> memref<64xf32, #tpu.memory_space<vmem>>
          %dma_wait3A_1126 = arith.constant 0 : i32
          %dma_wait3A_1127 = tpu.memref_slice %arg4[%dma_wait3A_1122, %dma_wait3A_1126] : memref<16384x64xf32, #tpu.memory_space<hbm>> -> memref<1x64xf32, #tpu.memory_space<hbm>>
          %dma_wait3A_1128 = tpu.memref_squeeze %dma_wait3A_1127 : memref<1x64xf32, #tpu.memory_space<hbm>> -> memref<64xf32, #tpu.memory_space<hbm>>
          %dma_wait3A_1129 = arith.constant 0 : i32
          %dma_wait3A_1130 = tpu.memref_slice %arg4[%dma_wait3A_1122, %dma_wait3A_1129] : memref<16384x64xf32, #tpu.memory_space<hbm>> -> memref<1x64xf32, #tpu.memory_space<hbm>>
          %dma_wait3A_1131 = tpu.memref_squeeze %dma_wait3A_1130 : memref<1x64xf32, #tpu.memory_space<hbm>> -> memref<64xf32, #tpu.memory_space<hbm>>
          %dma_wait3A_1132 = arith.constant 0 : i32
          %dma_wait3A_1133 = tpu.memref_slice %arg22[%dma_wait3A, %dma_wait3A_1132] : memref<64x64xf32, #tpu.memory_space<vmem>> -> memref<1x64xf32, #tpu.memory_space<vmem>>
          %dma_wait3A_1134 = tpu.memref_squeeze %dma_wait3A_1133 : memref<1x64xf32, #tpu.memory_space<vmem>> -> memref<64xf32, #tpu.memory_space<vmem>>
          tpu.wait_dma2 semaphore(%arg23 : memref<!tpu.dma_semaphore, #tpu.memory_space<semaphore_mem>>) src(%dma_wait3A_1134 : memref<64xf32, #tpu.memory_space<vmem>>) dst(%dma_wait3A_1131 : memref<64xf32, #tpu.memory_space<hbm>>)
        } else {
        }
        %and3A = arith.constant 63 : i32
        %and3A_1071 = arith.andi %while3A_1066, %and3A : i32
        %get3A_1072 = arith.index_cast %while3A_1065 : i32 to index
        %get3A_1073 = tpu.vector_load %arg7[%get3A_1072] {strides = array<i32>} : memref<16400xi32, #tpu.memory_space<vmem>>, vector<16xi32>,
        %slice3A_1074 = vector.extract_strided_slice %get3A_1073 {offsets = [0], sizes = [1], strides = [1]} : vector<16xi32> to vector<1xi32>
        %squeeze3A_1075 = vector.extract %slice3A_1074[0] : i32 from vector<1xi32>
        %shift_right_arithmetic3A = arith.constant 7 : i32
        %shift_right_arithmetic3A_1076 = arith.shrsi %squeeze3A_1075, %shift_right_arithmetic3A : i32
        %and3A_1077 = arith.constant 16383 : i32
        %and3A_1078 = arith.andi %shift_right_arithmetic3A_1076, %and3A_1077 : i32
        %and3A_1079 = arith.constant 127 : i32
        %and3A_1080 = arith.andi %squeeze3A_1075, %and3A_1079 : i32
        %broadcast_in_dim3A_1081 = vector.broadcast %and3A_1080 : i32 to vector<16xi32>
        %add3A_1082 = arith.constant 0 : i32
        %add3A_1083 = vector.broadcast %add3A_1082 : i32 to vector<16xi32>
        %add3A_1084 = arith.addi %iota3A, %add3A_1083 : vector<16xi32>
        %gather3A = tpu.vector_load_idx %arg18[%add3A_1084, %broadcast_in_dim3A_1081] : memref<64x128xf32, #tpu.memory_space<vmem>>[vector<16xi32>, vector<16xi32>], vector<16xf32>,
        %swap3A_1085 = arith.index_cast %and3A_1071 : i32 to index
        %swap3A_1086 = arith.constant 0 : index
        %swap3A_1087 = tpu.vector_load %arg22[%swap3A_1085, %swap3A_1086] {strides = array<i32>} : memref<64x64xf32, #tpu.memory_space<vmem>>, vector<16xf32>,
        tpu.vector_store %arg22[%swap3A_1085, %swap3A_1086], %gather3A {strides = array<i32>} : memref<64x64xf32, #tpu.memory_space<vmem>>, vector<16xf32>,
        %add3A_1088 = arith.constant 16 : i32
        %add3A_1089 = vector.broadcast %add3A_1088 : i32 to vector<16xi32>
        %add3A_1090 = arith.addi %iota3A, %add3A_1089 : vector<16xi32>
        %gather3A_1091 = tpu.vector_load_idx %arg18[%add3A_1090, %broadcast_in_dim3A_1081] : memref<64x128xf32, #tpu.memory_space<vmem>>[vector<16xi32>, vector<16xi32>], vector<16xf32>,
        %swap3A_1092 = arith.index_cast %and3A_1071 : i32 to index
        %swap3A_1093 = arith.constant 16 : index
        %swap3A_1094 = tpu.vector_load %arg22[%swap3A_1092, %swap3A_1093] {strides = array<i32>} : memref<64x64xf32, #tpu.memory_space<vmem>>, vector<16xf32>,
        tpu.vector_store %arg22[%swap3A_1092, %swap3A_1093], %gather3A_1091 {strides = array<i32>} : memref<64x64xf32, #tpu.memory_space<vmem>>, vector<16xf32>,
        %add3A_1095 = arith.constant 32 : i32
        %add3A_1096 = vector.broadcast %add3A_1095 : i32 to vector<16xi32>
        %add3A_1097 = arith.addi %iota3A, %add3A_1096 : vector<16xi32>
        %gather3A_1098 = tpu.vector_load_idx %arg18[%add3A_1097, %broadcast_in_dim3A_1081] : memref<64x128xf32, #tpu.memory_space<vmem>>[vector<16xi32>, vector<16xi32>], vector<16xf32>,
        %swap3A_1099 = arith.index_cast %and3A_1071 : i32 to index
        %swap3A_1100 = arith.constant 32 : index
        %swap3A_1101 = tpu.vector_load %arg22[%swap3A_1099, %swap3A_1100] {strides = array<i32>} : memref<64x64xf32, #tpu.memory_space<vmem>>, vector<16xf32>,
        tpu.vector_store %arg22[%swap3A_1099, %swap3A_1100], %gather3A_1098 {strides = array<i32>} : memref<64x64xf32, #tpu.memory_space<vmem>>, vector<16xf32>,
        %add3A_1102 = arith.constant 48 : i32
        %add3A_1103 = vector.broadcast %add3A_1102 : i32 to vector<16xi32>
        %add3A_1104 = arith.addi %iota3A, %add3A_1103 : vector<16xi32>
        %gather3A_1105 = tpu.vector_load_idx %arg18[%add3A_1104, %broadcast_in_dim3A_1081] : memref<64x128xf32, #tpu.memory_space<vmem>>[vector<16xi32>, vector<16xi32>], vector<16xf32>,
        %swap3A_1106 = arith.index_cast %and3A_1071 : i32 to index
        %swap3A_1107 = arith.constant 48 : index
        %swap3A_1108 = tpu.vector_load %arg22[%swap3A_1106, %swap3A_1107] {strides = array<i32>} : memref<64x64xf32, #tpu.memory_space<vmem>>, vector<16xf32>,
        tpu.vector_store %arg22[%swap3A_1106, %swap3A_1107], %gather3A_1105 {strides = array<i32>} : memref<64x64xf32, #tpu.memory_space<vmem>>, vector<16xf32>,
        %dma_start3A = arith.constant 0 : i32
        %dma_start3A_1109 = tpu.memref_slice %arg22[%and3A_1071, %dma_start3A] : memref<64x64xf32, #tpu.memory_space<vmem>> -> memref<1x64xf32, #tpu.memory_space<vmem>>
        %dma_start3A_1110 = tpu.memref_squeeze %dma_start3A_1109 : memref<1x64xf32, #tpu.memory_space<vmem>> -> memref<64xf32, #tpu.memory_space<vmem>>
        %dma_start3A_1111 = arith.constant 0 : i32
        %dma_start3A_1112 = tpu.memref_slice %arg4[%and3A_1078, %dma_start3A_1111] : memref<16384x64xf32, #tpu.memory_space<hbm>> -> memref<1x64xf32, #tpu.memory_space<hbm>>
        %dma_start3A_1113 = tpu.memref_squeeze %dma_start3A_1112 : memref<1x64xf32, #tpu.memory_space<hbm>> -> memref<64xf32, #tpu.memory_space<hbm>>
        %dma_start3A_1114 = arith.constant 0 : i32
        %dma_start3A_1115 = tpu.memref_slice %arg4[%and3A_1078, %dma_start3A_1114] : memref<16384x64xf32, #tpu.memory_space<hbm>> -> memref<1x64xf32, #tpu.memory_space<hbm>>
        %dma_start3A_1116 = tpu.memref_squeeze %dma_start3A_1115 : memref<1x64xf32, #tpu.memory_space<hbm>> -> memref<64xf32, #tpu.memory_space<hbm>>
        %dma_start3A_1117 = arith.constant 0 : i32
        %dma_start3A_1118 = tpu.memref_slice %arg22[%and3A_1071, %dma_start3A_1117] : memref<64x64xf32, #tpu.memory_space<vmem>> -> memref<1x64xf32, #tpu.memory_space<vmem>>
        %dma_start3A_1119 = tpu.memref_squeeze %dma_start3A_1118 : memref<1x64xf32, #tpu.memory_space<vmem>> -> memref<64xf32, #tpu.memory_space<vmem>>
        tpu.enqueue_dma source(%dma_start3A_1119 : memref<64xf32, #tpu.memory_space<vmem>>) target(%dma_start3A_1116 : memref<64xf32, #tpu.memory_space<hbm>>) target_semaphore(%arg23 : memref<!tpu.dma_semaphore, #tpu.memory_space<semaphore_mem>>)
        %add3A_1120 = arith.constant 1 : i32
        %add3A_1121 = arith.addi %while3A_1066, %add3A_1120 : i32
        scf.yield %add3A_1121 : i32
      }
      %while3A_949 = arith.constant 1 : i32
      %while3A_950 = scf.for %while3A_1065 = %while3A_946 to %while3A_942 step %while3A_949 iter_args(%while3A_1066 = %while3A_948) -> (i32)  : i32 {
        %ge3A = arith.constant 64 : i32
        %ge3A_1067 = arith.cmpi sge, %while3A_1066, %ge3A : i32
        %convert_element_type3A_1068 = arith.extui %ge3A_1067 : i1 to i32
        %cond3A_1069 = arith.constant 0 : i32
        %cond3A_1070 = arith.cmpi ne, %convert_element_type3A_1068, %cond3A_1069 : i32
        scf.if %cond3A_1070 {
          %dma_wait3A = arith.constant 0 : i32
          %dma_wait3A_1122 = arith.constant 0 : i32
          %dma_wait3A_1123 = arith.constant 0 : i32
          %dma_wait3A_1124 = tpu.memref_slice %arg22[%dma_wait3A, %dma_wait3A_1123] : memref<64x64xf32, #tpu.memory_space<vmem>> -> memref<1x64xf32, #tpu.memory_space<vmem>>
          %dma_wait3A_1125 = tpu.memref_squeeze %dma_wait3A_1124 : memref<1x64xf32, #tpu.memory_space<vmem>> -> memref<64xf32, #tpu.memory_space<vmem>>
          %dma_wait3A_1126 = arith.constant 0 : i32
          %dma_wait3A_1127 = tpu.memref_slice %arg4[%dma_wait3A_1122, %dma_wait3A_1126] : memref<16384x64xf32, #tpu.memory_space<hbm>> -> memref<1x64xf32, #tpu.memory_space<hbm>>
          %dma_wait3A_1128 = tpu.memref_squeeze %dma_wait3A_1127 : memref<1x64xf32, #tpu.memory_space<hbm>> -> memref<64xf32, #tpu.memory_space<hbm>>
          %dma_wait3A_1129 = arith.constant 0 : i32
          %dma_wait3A_1130 = tpu.memref_slice %arg4[%dma_wait3A_1122, %dma_wait3A_1129] : memref<16384x64xf32, #tpu.memory_space<hbm>> -> memref<1x64xf32, #tpu.memory_space<hbm>>
          %dma_wait3A_1131 = tpu.memref_squeeze %dma_wait3A_1130 : memref<1x64xf32, #tpu.memory_space<hbm>> -> memref<64xf32, #tpu.memory_space<hbm>>
          %dma_wait3A_1132 = arith.constant 0 : i32
          %dma_wait3A_1133 = tpu.memref_slice %arg22[%dma_wait3A, %dma_wait3A_1132] : memref<64x64xf32, #tpu.memory_space<vmem>> -> memref<1x64xf32, #tpu.memory_space<vmem>>
          %dma_wait3A_1134 = tpu.memref_squeeze %dma_wait3A_1133 : memref<1x64xf32, #tpu.memory_space<vmem>> -> memref<64xf32, #tpu.memory_space<vmem>>
          tpu.wait_dma2 semaphore(%arg23 : memref<!tpu.dma_semaphore, #tpu.memory_space<semaphore_mem>>) src(%dma_wait3A_1134 : memref<64xf32, #tpu.memory_space<vmem>>) dst(%dma_wait3A_1131 : memref<64xf32, #tpu.memory_space<hbm>>)
        } else {
        }
        %and3A = arith.constant 63 : i32
        %and3A_1071 = arith.andi %while3A_1066, %and3A : i32
        %get3A_1072 = arith.index_cast %while3A_1065 : i32 to index
        %get3A_1073 = tpu.vector_load %arg7[%get3A_1072] {strides = array<i32>} : memref<16400xi32, #tpu.memory_space<vmem>>, vector<16xi32>,
        %slice3A_1074 = vector.extract_strided_slice %get3A_1073 {offsets = [0], sizes = [1], strides = [1]} : vector<16xi32> to vector<1xi32>
        %squeeze3A_1075 = vector.extract %slice3A_1074[0] : i32 from vector<1xi32>
        %shift_right_arithmetic3A = arith.constant 7 : i32
        %shift_right_arithmetic3A_1076 = arith.shrsi %squeeze3A_1075, %shift_right_arithmetic3A : i32
        %and3A_1077 = arith.constant 16383 : i32
        %and3A_1078 = arith.andi %shift_right_arithmetic3A_1076, %and3A_1077 : i32
        %and3A_1079 = arith.constant 127 : i32
        %and3A_1080 = arith.andi %squeeze3A_1075, %and3A_1079 : i32
        %broadcast_in_dim3A_1081 = vector.broadcast %and3A_1080 : i32 to vector<16xi32>
        %add3A_1082 = arith.constant 0 : i32
        %add3A_1083 = vector.broadcast %add3A_1082 : i32 to vector<16xi32>
        %add3A_1084 = arith.addi %iota3A, %add3A_1083 : vector<16xi32>
        %gather3A = tpu.vector_load_idx %arg18[%add3A_1084, %broadcast_in_dim3A_1081] : memref<64x128xf32, #tpu.memory_space<vmem>>[vector<16xi32>, vector<16xi32>], vector<16xf32>,
        %swap3A_1085 = arith.index_cast %and3A_1071 : i32 to index
        %swap3A_1086 = arith.constant 0 : index
        %swap3A_1087 = tpu.vector_load %arg22[%swap3A_1085, %swap3A_1086] {strides = array<i32>} : memref<64x64xf32, #tpu.memory_space<vmem>>, vector<16xf32>,
        tpu.vector_store %arg22[%swap3A_1085, %swap3A_1086], %gather3A {strides = array<i32>} : memref<64x64xf32, #tpu.memory_space<vmem>>, vector<16xf32>,
        %add3A_1088 = arith.constant 16 : i32
        %add3A_1089 = vector.broadcast %add3A_1088 : i32 to vector<16xi32>
        %add3A_1090 = arith.addi %iota3A, %add3A_1089 : vector<16xi32>
        %gather3A_1091 = tpu.vector_load_idx %arg18[%add3A_1090, %broadcast_in_dim3A_1081] : memref<64x128xf32, #tpu.memory_space<vmem>>[vector<16xi32>, vector<16xi32>], vector<16xf32>,
        %swap3A_1092 = arith.index_cast %and3A_1071 : i32 to index
        %swap3A_1093 = arith.constant 16 : index
        %swap3A_1094 = tpu.vector_load %arg22[%swap3A_1092, %swap3A_1093] {strides = array<i32>} : memref<64x64xf32, #tpu.memory_space<vmem>>, vector<16xf32>,
        tpu.vector_store %arg22[%swap3A_1092, %swap3A_1093], %gather3A_1091 {strides = array<i32>} : memref<64x64xf32, #tpu.memory_space<vmem>>, vector<16xf32>,
        %add3A_1095 = arith.constant 32 : i32
        %add3A_1096 = vector.broadcast %add3A_1095 : i32 to vector<16xi32>
        %add3A_1097 = arith.addi %iota3A, %add3A_1096 : vector<16xi32>
        %gather3A_1098 = tpu.vector_load_idx %arg18[%add3A_1097, %broadcast_in_dim3A_1081] : memref<64x128xf32, #tpu.memory_space<vmem>>[vector<16xi32>, vector<16xi32>], vector<16xf32>,
        %swap3A_1099 = arith.index_cast %and3A_1071 : i32 to index
        %swap3A_1100 = arith.constant 32 : index
        %swap3A_1101 = tpu.vector_load %arg22[%swap3A_1099, %swap3A_1100] {strides = array<i32>} : memref<64x64xf32, #tpu.memory_space<vmem>>, vector<16xf32>,
        tpu.vector_store %arg22[%swap3A_1099, %swap3A_1100], %gather3A_1098 {strides = array<i32>} : memref<64x64xf32, #tpu.memory_space<vmem>>, vector<16xf32>,
        %add3A_1102 = arith.constant 48 : i32
        %add3A_1103 = vector.broadcast %add3A_1102 : i32 to vector<16xi32>
        %add3A_1104 = arith.addi %iota3A, %add3A_1103 : vector<16xi32>
        %gather3A_1105 = tpu.vector_load_idx %arg18[%add3A_1104, %broadcast_in_dim3A_1081] : memref<64x128xf32, #tpu.memory_space<vmem>>[vector<16xi32>, vector<16xi32>], vector<16xf32>,
        %swap3A_1106 = arith.index_cast %and3A_1071 : i32 to index
        %swap3A_1107 = arith.constant 48 : index
        %swap3A_1108 = tpu.vector_load %arg22[%swap3A_1106, %swap3A_1107] {strides = array<i32>} : memref<64x64xf32, #tpu.memory_space<vmem>>, vector<16xf32>,
        tpu.vector_store %arg22[%swap3A_1106, %swap3A_1107], %gather3A_1105 {strides = array<i32>} : memref<64x64xf32, #tpu.memory_space<vmem>>, vector<16xf32>,
        %dma_start3A = arith.constant 0 : i32
        %dma_start3A_1109 = tpu.memref_slice %arg22[%and3A_1071, %dma_start3A] : memref<64x64xf32, #tpu.memory_space<vmem>> -> memref<1x64xf32, #tpu.memory_space<vmem>>
        %dma_start3A_1110 = tpu.memref_squeeze %dma_start3A_1109 : memref<1x64xf32, #tpu.memory_space<vmem>> -> memref<64xf32, #tpu.memory_space<vmem>>
        %dma_start3A_1111 = arith.constant 0 : i32
        %dma_start3A_1112 = tpu.memref_slice %arg4[%and3A_1078, %dma_start3A_1111] : memref<16384x64xf32, #tpu.memory_space<hbm>> -> memref<1x64xf32, #tpu.memory_space<hbm>>
        %dma_start3A_1113 = tpu.memref_squeeze %dma_start3A_1112 : memref<1x64xf32, #tpu.memory_space<hbm>> -> memref<64xf32, #tpu.memory_space<hbm>>
        %dma_start3A_1114 = arith.constant 0 : i32
        %dma_start3A_1115 = tpu.memref_slice %arg4[%and3A_1078, %dma_start3A_1114] : memref<16384x64xf32, #tpu.memory_space<hbm>> -> memref<1x64xf32, #tpu.memory_space<hbm>>
        %dma_start3A_1116 = tpu.memref_squeeze %dma_start3A_1115 : memref<1x64xf32, #tpu.memory_space<hbm>> -> memref<64xf32, #tpu.memory_space<hbm>>
        %dma_start3A_1117 = arith.constant 0 : i32
        %dma_start3A_1118 = tpu.memref_slice %arg22[%and3A_1071, %dma_start3A_1117] : memref<64x64xf32, #tpu.memory_space<vmem>> -> memref<1x64xf32, #tpu.memory_space<vmem>>
        %dma_start3A_1119 = tpu.memref_squeeze %dma_start3A_1118 : memref<1x64xf32, #tpu.memory_space<vmem>> -> memref<64xf32, #tpu.memory_space<vmem>>
        tpu.enqueue_dma source(%dma_start3A_1119 : memref<64xf32, #tpu.memory_space<vmem>>) target(%dma_start3A_1116 : memref<64xf32, #tpu.memory_space<hbm>>) target_semaphore(%arg23 : memref<!tpu.dma_semaphore, #tpu.memory_space<semaphore_mem>>)
        %add3A_1120 = arith.constant 1 : i32
        %add3A_1121 = arith.addi %while3A_1066, %add3A_1120 : i32
        scf.yield %add3A_1121 : i32
      }
      %mul3A_951 = arith.constant 8 : i32
      %mul3A_952 = arith.muli %scan3A_762, %mul3A_951 : i32
      %add3A_953 = arith.constant 5 : i32
      %add3A_954 = arith.addi %mul3A_952, %add3A_953 : i32
      %lt3A_955 = arith.cmpi slt, %add3A_954, %add3A_707 : i32
      %add3A_956 = arith.constant 8 : i32
      %add3A_957 = arith.addi %add3A_954, %add3A_956 : i32
      %sub3A_958 = arith.constant 1 : i32
      %sub3A_959 = arith.subi %add3A_957, %sub3A_958 : i32
      %lt3A_960 = arith.cmpi slt, %sub3A_959, %add3A_707 : i32
      %convert_element_type3A_961 = arith.extui %lt3A_960 : i1 to i32
      %cond3A_962 = arith.constant 0 : i32
      %cond3A_963 = arith.cmpi ne, %convert_element_type3A_961, %cond3A_962 : i32
      scf.if %cond3A_963 {
        %add3A_1065 = arith.constant 8 : i32
        %add3A_1066 = arith.addi %add3A_954, %add3A_1065 : i32
        %sub3A_1067 = arith.constant 1 : i32
        %sub3A_1068 = arith.subi %add3A_1066, %sub3A_1067 : i32
        %get3A_1069 = arith.index_cast %sub3A_1068 : i32 to index
        %get3A_1070 = tpu.vector_load %arg11[%get3A_1069] {strides = array<i32>} : memref<272xi32, #tpu.memory_space<vmem>>, vector<16xi32>,
        %slice3A_1071 = vector.extract_strided_slice %get3A_1070 {offsets = [0], sizes = [1], strides = [1]} : vector<16xi32> to vector<1xi32>
        %squeeze3A_1072 = vector.extract %slice3A_1071[0] : i32 from vector<1xi32>
        %mul3A_1073 = arith.constant 128 : i32
        %mul3A_1074 = arith.muli %squeeze3A_1072, %mul3A_1073 : i32
        %multiple_of3A = tpu.assume_multiple %mul3A_1074, 128 : i32
        %dma_start3A = arith.constant 0 : i32
        %dma_start3A_1075 = tpu.memref_slice %arg3[%dma_start3A, %multiple_of3A] : memref<64x1000000xf32, #tpu.memory_space<hbm>> -> memref<64x128xf32, #tpu.memory_space<hbm>>
        %dma_start3A_1076 = arith.constant 0 : i32
        %dma_start3A_1077 = tpu.memref_slice %arg3[%dma_start3A_1076, %multiple_of3A] : memref<64x1000000xf32, #tpu.memory_space<hbm>> -> memref<64x128xf32, #tpu.memory_space<hbm>>
        tpu.enqueue_dma source(%dma_start3A_1077 : memref<64x128xf32, #tpu.memory_space<hbm>>) target(%arg18 : memref<64x128xf32, #tpu.memory_space<vmem>>) target_semaphore(%arg28 : memref<!tpu.dma_semaphore, #tpu.memory_space<semaphore_mem>>)
      } else {
      }
      %convert_element_type3A_964 = arith.extui %lt3A_955 : i1 to i32
      %cond3A_965 = arith.constant 0 : i32
      %cond3A_966 = arith.cmpi ne, %convert_element_type3A_964, %cond3A_965 : i32
      scf.if %cond3A_966 {
        %dma_wait3A = arith.constant 0 : i32
        %dma_wait3A_1065 = arith.constant 0 : i32
        %dma_wait3A_1066 = tpu.memref_slice %arg3[%dma_wait3A, %dma_wait3A_1065] : memref<64x1000000xf32, #tpu.memory_space<hbm>> -> memref<64x128xf32, #tpu.memory_space<hbm>>
        %dma_wait3A_1067 = arith.constant 0 : i32
        %dma_wait3A_1068 = arith.constant 0 : i32
        %dma_wait3A_1069 = tpu.memref_slice %arg3[%dma_wait3A_1067, %dma_wait3A_1068] : memref<64x1000000xf32, #tpu.memory_space<hbm>> -> memref<64x128xf32, #tpu.memory_space<hbm>>
        tpu.wait_dma2 semaphore(%arg29 : memref<!tpu.dma_semaphore, #tpu.memory_space<semaphore_mem>>) src(%dma_wait3A_1069 : memref<64x128xf32, #tpu.memory_space<hbm>>) dst(%arg19 : memref<64x128xf32, #tpu.memory_space<vmem>>)
      } else {
      }
      %get3A_967 = arith.index_cast %add3A_954 : i32 to index
      %get3A_968 = tpu.vector_load %arg12[%get3A_967] {strides = array<i32>} : memref<272xi32, #tpu.memory_space<vmem>>, vector<16xi32>,
      %slice3A_969 = vector.extract_strided_slice %get3A_968 {offsets = [0], sizes = [1], strides = [1]} : vector<16xi32> to vector<1xi32>
      %squeeze3A_970 = vector.extract %slice3A_969[0] : i32 from vector<1xi32>
      %get3A_971 = arith.index_cast %add3A_954 : i32 to index
      %get3A_972 = tpu.vector_load %arg13[%get3A_971] {strides = array<i32>} : memref<272xi32, #tpu.memory_space<vmem>>, vector<16xi32>,
      %slice3A_973 = vector.extract_strided_slice %get3A_972 {offsets = [0], sizes = [1], strides = [1]} : vector<16xi32> to vector<1xi32>
      %squeeze3A_974 = vector.extract %slice3A_973[0] : i32 from vector<1xi32>
      %jit3A_975 = arith.constant 0 : i32
      %select_n3A_976 = arith.select %lt3A_955, %squeeze3A_970, %jit3A_975 : i32
      %jit3A_977 = arith.constant 0 : i32
      %select_n3A_978 = arith.select %lt3A_955, %squeeze3A_974, %jit3A_977 : i32
      %while3A_979 = arith.subi %select_n3A_978, %select_n3A_976 : i32
      %while3A_980 = arith.addi %select_n3A_976, %while3A_979 : i32
      %while3A_981 = arith.constant 1 : i32
      %while3A_982 = arith.divsi %while3A_979, %while3A_981 : i32
      %while3A_983 = arith.muli %while3A_982, %while3A_981 : i32
      %while3A_984 = arith.addi %select_n3A_976, %while3A_983 : i32
      %while3A_985 = arith.constant 1 : i32
      %while3A_986 = scf.for %while3A_1065 = %select_n3A_976 to %while3A_984 step %while3A_985 iter_args(%while3A_1066 = %while3A_950) -> (i32)  : i32 {
        %ge3A = arith.constant 64 : i32
        %ge3A_1067 = arith.cmpi sge, %while3A_1066, %ge3A : i32
        %convert_element_type3A_1068 = arith.extui %ge3A_1067 : i1 to i32
        %cond3A_1069 = arith.constant 0 : i32
        %cond3A_1070 = arith.cmpi ne, %convert_element_type3A_1068, %cond3A_1069 : i32
        scf.if %cond3A_1070 {
          %dma_wait3A = arith.constant 0 : i32
          %dma_wait3A_1122 = arith.constant 0 : i32
          %dma_wait3A_1123 = arith.constant 0 : i32
          %dma_wait3A_1124 = tpu.memref_slice %arg22[%dma_wait3A, %dma_wait3A_1123] : memref<64x64xf32, #tpu.memory_space<vmem>> -> memref<1x64xf32, #tpu.memory_space<vmem>>
          %dma_wait3A_1125 = tpu.memref_squeeze %dma_wait3A_1124 : memref<1x64xf32, #tpu.memory_space<vmem>> -> memref<64xf32, #tpu.memory_space<vmem>>
          %dma_wait3A_1126 = arith.constant 0 : i32
          %dma_wait3A_1127 = tpu.memref_slice %arg4[%dma_wait3A_1122, %dma_wait3A_1126] : memref<16384x64xf32, #tpu.memory_space<hbm>> -> memref<1x64xf32, #tpu.memory_space<hbm>>
          %dma_wait3A_1128 = tpu.memref_squeeze %dma_wait3A_1127 : memref<1x64xf32, #tpu.memory_space<hbm>> -> memref<64xf32, #tpu.memory_space<hbm>>
          %dma_wait3A_1129 = arith.constant 0 : i32
          %dma_wait3A_1130 = tpu.memref_slice %arg4[%dma_wait3A_1122, %dma_wait3A_1129] : memref<16384x64xf32, #tpu.memory_space<hbm>> -> memref<1x64xf32, #tpu.memory_space<hbm>>
          %dma_wait3A_1131 = tpu.memref_squeeze %dma_wait3A_1130 : memref<1x64xf32, #tpu.memory_space<hbm>> -> memref<64xf32, #tpu.memory_space<hbm>>
          %dma_wait3A_1132 = arith.constant 0 : i32
          %dma_wait3A_1133 = tpu.memref_slice %arg22[%dma_wait3A, %dma_wait3A_1132] : memref<64x64xf32, #tpu.memory_space<vmem>> -> memref<1x64xf32, #tpu.memory_space<vmem>>
          %dma_wait3A_1134 = tpu.memref_squeeze %dma_wait3A_1133 : memref<1x64xf32, #tpu.memory_space<vmem>> -> memref<64xf32, #tpu.memory_space<vmem>>
          tpu.wait_dma2 semaphore(%arg23 : memref<!tpu.dma_semaphore, #tpu.memory_space<semaphore_mem>>) src(%dma_wait3A_1134 : memref<64xf32, #tpu.memory_space<vmem>>) dst(%dma_wait3A_1131 : memref<64xf32, #tpu.memory_space<hbm>>)
        } else {
        }
        %and3A = arith.constant 63 : i32
        %and3A_1071 = arith.andi %while3A_1066, %and3A : i32
        %get3A_1072 = arith.index_cast %while3A_1065 : i32 to index
        %get3A_1073 = tpu.vector_load %arg7[%get3A_1072] {strides = array<i32>} : memref<16400xi32, #tpu.memory_space<vmem>>, vector<16xi32>,
        %slice3A_1074 = vector.extract_strided_slice %get3A_1073 {offsets = [0], sizes = [1], strides = [1]} : vector<16xi32> to vector<1xi32>
        %squeeze3A_1075 = vector.extract %slice3A_1074[0] : i32 from vector<1xi32>
        %shift_right_arithmetic3A = arith.constant 7 : i32
        %shift_right_arithmetic3A_1076 = arith.shrsi %squeeze3A_1075, %shift_right_arithmetic3A : i32
        %and3A_1077 = arith.constant 16383 : i32
        %and3A_1078 = arith.andi %shift_right_arithmetic3A_1076, %and3A_1077 : i32
        %and3A_1079 = arith.constant 127 : i32
        %and3A_1080 = arith.andi %squeeze3A_1075, %and3A_1079 : i32
        %broadcast_in_dim3A_1081 = vector.broadcast %and3A_1080 : i32 to vector<16xi32>
        %add3A_1082 = arith.constant 0 : i32
        %add3A_1083 = vector.broadcast %add3A_1082 : i32 to vector<16xi32>
        %add3A_1084 = arith.addi %iota3A, %add3A_1083 : vector<16xi32>
        %gather3A = tpu.vector_load_idx %arg19[%add3A_1084, %broadcast_in_dim3A_1081] : memref<64x128xf32, #tpu.memory_space<vmem>>[vector<16xi32>, vector<16xi32>], vector<16xf32>,
        %swap3A_1085 = arith.index_cast %and3A_1071 : i32 to index
        %swap3A_1086 = arith.constant 0 : index
        %swap3A_1087 = tpu.vector_load %arg22[%swap3A_1085, %swap3A_1086] {strides = array<i32>} : memref<64x64xf32, #tpu.memory_space<vmem>>, vector<16xf32>,
        tpu.vector_store %arg22[%swap3A_1085, %swap3A_1086], %gather3A {strides = array<i32>} : memref<64x64xf32, #tpu.memory_space<vmem>>, vector<16xf32>,
        %add3A_1088 = arith.constant 16 : i32
        %add3A_1089 = vector.broadcast %add3A_1088 : i32 to vector<16xi32>
        %add3A_1090 = arith.addi %iota3A, %add3A_1089 : vector<16xi32>
        %gather3A_1091 = tpu.vector_load_idx %arg19[%add3A_1090, %broadcast_in_dim3A_1081] : memref<64x128xf32, #tpu.memory_space<vmem>>[vector<16xi32>, vector<16xi32>], vector<16xf32>,
        %swap3A_1092 = arith.index_cast %and3A_1071 : i32 to index
        %swap3A_1093 = arith.constant 16 : index
        %swap3A_1094 = tpu.vector_load %arg22[%swap3A_1092, %swap3A_1093] {strides = array<i32>} : memref<64x64xf32, #tpu.memory_space<vmem>>, vector<16xf32>,
        tpu.vector_store %arg22[%swap3A_1092, %swap3A_1093], %gather3A_1091 {strides = array<i32>} : memref<64x64xf32, #tpu.memory_space<vmem>>, vector<16xf32>,
        %add3A_1095 = arith.constant 32 : i32
        %add3A_1096 = vector.broadcast %add3A_1095 : i32 to vector<16xi32>
        %add3A_1097 = arith.addi %iota3A, %add3A_1096 : vector<16xi32>
        %gather3A_1098 = tpu.vector_load_idx %arg19[%add3A_1097, %broadcast_in_dim3A_1081] : memref<64x128xf32, #tpu.memory_space<vmem>>[vector<16xi32>, vector<16xi32>], vector<16xf32>,
        %swap3A_1099 = arith.index_cast %and3A_1071 : i32 to index
        %swap3A_1100 = arith.constant 32 : index
        %swap3A_1101 = tpu.vector_load %arg22[%swap3A_1099, %swap3A_1100] {strides = array<i32>} : memref<64x64xf32, #tpu.memory_space<vmem>>, vector<16xf32>,
        tpu.vector_store %arg22[%swap3A_1099, %swap3A_1100], %gather3A_1098 {strides = array<i32>} : memref<64x64xf32, #tpu.memory_space<vmem>>, vector<16xf32>,
        %add3A_1102 = arith.constant 48 : i32
        %add3A_1103 = vector.broadcast %add3A_1102 : i32 to vector<16xi32>
        %add3A_1104 = arith.addi %iota3A, %add3A_1103 : vector<16xi32>
        %gather3A_1105 = tpu.vector_load_idx %arg19[%add3A_1104, %broadcast_in_dim3A_1081] : memref<64x128xf32, #tpu.memory_space<vmem>>[vector<16xi32>, vector<16xi32>], vector<16xf32>,
        %swap3A_1106 = arith.index_cast %and3A_1071 : i32 to index
        %swap3A_1107 = arith.constant 48 : index
        %swap3A_1108 = tpu.vector_load %arg22[%swap3A_1106, %swap3A_1107] {strides = array<i32>} : memref<64x64xf32, #tpu.memory_space<vmem>>, vector<16xf32>,
        tpu.vector_store %arg22[%swap3A_1106, %swap3A_1107], %gather3A_1105 {strides = array<i32>} : memref<64x64xf32, #tpu.memory_space<vmem>>, vector<16xf32>,
        %dma_start3A = arith.constant 0 : i32
        %dma_start3A_1109 = tpu.memref_slice %arg22[%and3A_1071, %dma_start3A] : memref<64x64xf32, #tpu.memory_space<vmem>> -> memref<1x64xf32, #tpu.memory_space<vmem>>
        %dma_start3A_1110 = tpu.memref_squeeze %dma_start3A_1109 : memref<1x64xf32, #tpu.memory_space<vmem>> -> memref<64xf32, #tpu.memory_space<vmem>>
        %dma_start3A_1111 = arith.constant 0 : i32
        %dma_start3A_1112 = tpu.memref_slice %arg4[%and3A_1078, %dma_start3A_1111] : memref<16384x64xf32, #tpu.memory_space<hbm>> -> memref<1x64xf32, #tpu.memory_space<hbm>>
        %dma_start3A_1113 = tpu.memref_squeeze %dma_start3A_1112 : memref<1x64xf32, #tpu.memory_space<hbm>> -> memref<64xf32, #tpu.memory_space<hbm>>
        %dma_start3A_1114 = arith.constant 0 : i32
        %dma_start3A_1115 = tpu.memref_slice %arg4[%and3A_1078, %dma_start3A_1114] : memref<16384x64xf32, #tpu.memory_space<hbm>> -> memref<1x64xf32, #tpu.memory_space<hbm>>
        %dma_start3A_1116 = tpu.memref_squeeze %dma_start3A_1115 : memref<1x64xf32, #tpu.memory_space<hbm>> -> memref<64xf32, #tpu.memory_space<hbm>>
        %dma_start3A_1117 = arith.constant 0 : i32
        %dma_start3A_1118 = tpu.memref_slice %arg22[%and3A_1071, %dma_start3A_1117] : memref<64x64xf32, #tpu.memory_space<vmem>> -> memref<1x64xf32, #tpu.memory_space<vmem>>
        %dma_start3A_1119 = tpu.memref_squeeze %dma_start3A_1118 : memref<1x64xf32, #tpu.memory_space<vmem>> -> memref<64xf32, #tpu.memory_space<vmem>>
        tpu.enqueue_dma source(%dma_start3A_1119 : memref<64xf32, #tpu.memory_space<vmem>>) target(%dma_start3A_1116 : memref<64xf32, #tpu.memory_space<hbm>>) target_semaphore(%arg23 : memref<!tpu.dma_semaphore, #tpu.memory_space<semaphore_mem>>)
        %add3A_1120 = arith.constant 1 : i32
        %add3A_1121 = arith.addi %while3A_1066, %add3A_1120 : i32
        scf.yield %add3A_1121 : i32
      }
      %while3A_987 = arith.constant 1 : i32
      %while3A_988 = scf.for %while3A_1065 = %while3A_984 to %while3A_980 step %while3A_987 iter_args(%while3A_1066 = %while3A_986) -> (i32)  : i32 {
        %ge3A = arith.constant 64 : i32
        %ge3A_1067 = arith.cmpi sge, %while3A_1066, %ge3A : i32
        %convert_element_type3A_1068 = arith.extui %ge3A_1067 : i1 to i32
        %cond3A_1069 = arith.constant 0 : i32
        %cond3A_1070 = arith.cmpi ne, %convert_element_type3A_1068, %cond3A_1069 : i32
        scf.if %cond3A_1070 {
          %dma_wait3A = arith.constant 0 : i32
          %dma_wait3A_1122 = arith.constant 0 : i32
          %dma_wait3A_1123 = arith.constant 0 : i32
          %dma_wait3A_1124 = tpu.memref_slice %arg22[%dma_wait3A, %dma_wait3A_1123] : memref<64x64xf32, #tpu.memory_space<vmem>> -> memref<1x64xf32, #tpu.memory_space<vmem>>
          %dma_wait3A_1125 = tpu.memref_squeeze %dma_wait3A_1124 : memref<1x64xf32, #tpu.memory_space<vmem>> -> memref<64xf32, #tpu.memory_space<vmem>>
          %dma_wait3A_1126 = arith.constant 0 : i32
          %dma_wait3A_1127 = tpu.memref_slice %arg4[%dma_wait3A_1122, %dma_wait3A_1126] : memref<16384x64xf32, #tpu.memory_space<hbm>> -> memref<1x64xf32, #tpu.memory_space<hbm>>
          %dma_wait3A_1128 = tpu.memref_squeeze %dma_wait3A_1127 : memref<1x64xf32, #tpu.memory_space<hbm>> -> memref<64xf32, #tpu.memory_space<hbm>>
          %dma_wait3A_1129 = arith.constant 0 : i32
          %dma_wait3A_1130 = tpu.memref_slice %arg4[%dma_wait3A_1122, %dma_wait3A_1129] : memref<16384x64xf32, #tpu.memory_space<hbm>> -> memref<1x64xf32, #tpu.memory_space<hbm>>
          %dma_wait3A_1131 = tpu.memref_squeeze %dma_wait3A_1130 : memref<1x64xf32, #tpu.memory_space<hbm>> -> memref<64xf32, #tpu.memory_space<hbm>>
          %dma_wait3A_1132 = arith.constant 0 : i32
          %dma_wait3A_1133 = tpu.memref_slice %arg22[%dma_wait3A, %dma_wait3A_1132] : memref<64x64xf32, #tpu.memory_space<vmem>> -> memref<1x64xf32, #tpu.memory_space<vmem>>
          %dma_wait3A_1134 = tpu.memref_squeeze %dma_wait3A_1133 : memref<1x64xf32, #tpu.memory_space<vmem>> -> memref<64xf32, #tpu.memory_space<vmem>>
          tpu.wait_dma2 semaphore(%arg23 : memref<!tpu.dma_semaphore, #tpu.memory_space<semaphore_mem>>) src(%dma_wait3A_1134 : memref<64xf32, #tpu.memory_space<vmem>>) dst(%dma_wait3A_1131 : memref<64xf32, #tpu.memory_space<hbm>>)
        } else {
        }
        %and3A = arith.constant 63 : i32
        %and3A_1071 = arith.andi %while3A_1066, %and3A : i32
        %get3A_1072 = arith.index_cast %while3A_1065 : i32 to index
        %get3A_1073 = tpu.vector_load %arg7[%get3A_1072] {strides = array<i32>} : memref<16400xi32, #tpu.memory_space<vmem>>, vector<16xi32>,
        %slice3A_1074 = vector.extract_strided_slice %get3A_1073 {offsets = [0], sizes = [1], strides = [1]} : vector<16xi32> to vector<1xi32>
        %squeeze3A_1075 = vector.extract %slice3A_1074[0] : i32 from vector<1xi32>
        %shift_right_arithmetic3A = arith.constant 7 : i32
        %shift_right_arithmetic3A_1076 = arith.shrsi %squeeze3A_1075, %shift_right_arithmetic3A : i32
        %and3A_1077 = arith.constant 16383 : i32
        %and3A_1078 = arith.andi %shift_right_arithmetic3A_1076, %and3A_1077 : i32
        %and3A_1079 = arith.constant 127 : i32
        %and3A_1080 = arith.andi %squeeze3A_1075, %and3A_1079 : i32
        %broadcast_in_dim3A_1081 = vector.broadcast %and3A_1080 : i32 to vector<16xi32>
        %add3A_1082 = arith.constant 0 : i32
        %add3A_1083 = vector.broadcast %add3A_1082 : i32 to vector<16xi32>
        %add3A_1084 = arith.addi %iota3A, %add3A_1083 : vector<16xi32>
        %gather3A = tpu.vector_load_idx %arg19[%add3A_1084, %broadcast_in_dim3A_1081] : memref<64x128xf32, #tpu.memory_space<vmem>>[vector<16xi32>, vector<16xi32>], vector<16xf32>,
        %swap3A_1085 = arith.index_cast %and3A_1071 : i32 to index
        %swap3A_1086 = arith.constant 0 : index
        %swap3A_1087 = tpu.vector_load %arg22[%swap3A_1085, %swap3A_1086] {strides = array<i32>} : memref<64x64xf32, #tpu.memory_space<vmem>>, vector<16xf32>,
        tpu.vector_store %arg22[%swap3A_1085, %swap3A_1086], %gather3A {strides = array<i32>} : memref<64x64xf32, #tpu.memory_space<vmem>>, vector<16xf32>,
        %add3A_1088 = arith.constant 16 : i32
        %add3A_1089 = vector.broadcast %add3A_1088 : i32 to vector<16xi32>
        %add3A_1090 = arith.addi %iota3A, %add3A_1089 : vector<16xi32>
        %gather3A_1091 = tpu.vector_load_idx %arg19[%add3A_1090, %broadcast_in_dim3A_1081] : memref<64x128xf32, #tpu.memory_space<vmem>>[vector<16xi32>, vector<16xi32>], vector<16xf32>,
        %swap3A_1092 = arith.index_cast %and3A_1071 : i32 to index
        %swap3A_1093 = arith.constant 16 : index
        %swap3A_1094 = tpu.vector_load %arg22[%swap3A_1092, %swap3A_1093] {strides = array<i32>} : memref<64x64xf32, #tpu.memory_space<vmem>>, vector<16xf32>,
        tpu.vector_store %arg22[%swap3A_1092, %swap3A_1093], %gather3A_1091 {strides = array<i32>} : memref<64x64xf32, #tpu.memory_space<vmem>>, vector<16xf32>,
        %add3A_1095 = arith.constant 32 : i32
        %add3A_1096 = vector.broadcast %add3A_1095 : i32 to vector<16xi32>
        %add3A_1097 = arith.addi %iota3A, %add3A_1096 : vector<16xi32>
        %gather3A_1098 = tpu.vector_load_idx %arg19[%add3A_1097, %broadcast_in_dim3A_1081] : memref<64x128xf32, #tpu.memory_space<vmem>>[vector<16xi32>, vector<16xi32>], vector<16xf32>,
        %swap3A_1099 = arith.index_cast %and3A_1071 : i32 to index
        %swap3A_1100 = arith.constant 32 : index
        %swap3A_1101 = tpu.vector_load %arg22[%swap3A_1099, %swap3A_1100] {strides = array<i32>} : memref<64x64xf32, #tpu.memory_space<vmem>>, vector<16xf32>,
        tpu.vector_store %arg22[%swap3A_1099, %swap3A_1100], %gather3A_1098 {strides = array<i32>} : memref<64x64xf32, #tpu.memory_space<vmem>>, vector<16xf32>,
        %add3A_1102 = arith.constant 48 : i32
        %add3A_1103 = vector.broadcast %add3A_1102 : i32 to vector<16xi32>
        %add3A_1104 = arith.addi %iota3A, %add3A_1103 : vector<16xi32>
        %gather3A_1105 = tpu.vector_load_idx %arg19[%add3A_1104, %broadcast_in_dim3A_1081] : memref<64x128xf32, #tpu.memory_space<vmem>>[vector<16xi32>, vector<16xi32>], vector<16xf32>,
        %swap3A_1106 = arith.index_cast %and3A_1071 : i32 to index
        %swap3A_1107 = arith.constant 48 : index
        %swap3A_1108 = tpu.vector_load %arg22[%swap3A_1106, %swap3A_1107] {strides = array<i32>} : memref<64x64xf32, #tpu.memory_space<vmem>>, vector<16xf32>,
        tpu.vector_store %arg22[%swap3A_1106, %swap3A_1107], %gather3A_1105 {strides = array<i32>} : memref<64x64xf32, #tpu.memory_space<vmem>>, vector<16xf32>,
        %dma_start3A = arith.constant 0 : i32
        %dma_start3A_1109 = tpu.memref_slice %arg22[%and3A_1071, %dma_start3A] : memref<64x64xf32, #tpu.memory_space<vmem>> -> memref<1x64xf32, #tpu.memory_space<vmem>>
        %dma_start3A_1110 = tpu.memref_squeeze %dma_start3A_1109 : memref<1x64xf32, #tpu.memory_space<vmem>> -> memref<64xf32, #tpu.memory_space<vmem>>
        %dma_start3A_1111 = arith.constant 0 : i32
        %dma_start3A_1112 = tpu.memref_slice %arg4[%and3A_1078, %dma_start3A_1111] : memref<16384x64xf32, #tpu.memory_space<hbm>> -> memref<1x64xf32, #tpu.memory_space<hbm>>
        %dma_start3A_1113 = tpu.memref_squeeze %dma_start3A_1112 : memref<1x64xf32, #tpu.memory_space<hbm>> -> memref<64xf32, #tpu.memory_space<hbm>>
        %dma_start3A_1114 = arith.constant 0 : i32
        %dma_start3A_1115 = tpu.memref_slice %arg4[%and3A_1078, %dma_start3A_1114] : memref<16384x64xf32, #tpu.memory_space<hbm>> -> memref<1x64xf32, #tpu.memory_space<hbm>>
        %dma_start3A_1116 = tpu.memref_squeeze %dma_start3A_1115 : memref<1x64xf32, #tpu.memory_space<hbm>> -> memref<64xf32, #tpu.memory_space<hbm>>
        %dma_start3A_1117 = arith.constant 0 : i32
        %dma_start3A_1118 = tpu.memref_slice %arg22[%and3A_1071, %dma_start3A_1117] : memref<64x64xf32, #tpu.memory_space<vmem>> -> memref<1x64xf32, #tpu.memory_space<vmem>>
        %dma_start3A_1119 = tpu.memref_squeeze %dma_start3A_1118 : memref<1x64xf32, #tpu.memory_space<vmem>> -> memref<64xf32, #tpu.memory_space<vmem>>
        tpu.enqueue_dma source(%dma_start3A_1119 : memref<64xf32, #tpu.memory_space<vmem>>) target(%dma_start3A_1116 : memref<64xf32, #tpu.memory_space<hbm>>) target_semaphore(%arg23 : memref<!tpu.dma_semaphore, #tpu.memory_space<semaphore_mem>>)
        %add3A_1120 = arith.constant 1 : i32
        %add3A_1121 = arith.addi %while3A_1066, %add3A_1120 : i32
        scf.yield %add3A_1121 : i32
      }
      %mul3A_989 = arith.constant 8 : i32
      %mul3A_990 = arith.muli %scan3A_762, %mul3A_989 : i32
      %add3A_991 = arith.constant 6 : i32
      %add3A_992 = arith.addi %mul3A_990, %add3A_991 : i32
      %lt3A_993 = arith.cmpi slt, %add3A_992, %add3A_707 : i32
      %add3A_994 = arith.constant 8 : i32
      %add3A_995 = arith.addi %add3A_992, %add3A_994 : i32
      %sub3A_996 = arith.constant 1 : i32
      %sub3A_997 = arith.subi %add3A_995, %sub3A_996 : i32
      %lt3A_998 = arith.cmpi slt, %sub3A_997, %add3A_707 : i32
      %convert_element_type3A_999 = arith.extui %lt3A_998 : i1 to i32
      %cond3A_1000 = arith.constant 0 : i32
      %cond3A_1001 = arith.cmpi ne, %convert_element_type3A_999, %cond3A_1000 : i32
      scf.if %cond3A_1001 {
        %add3A_1065 = arith.constant 8 : i32
        %add3A_1066 = arith.addi %add3A_992, %add3A_1065 : i32
        %sub3A_1067 = arith.constant 1 : i32
        %sub3A_1068 = arith.subi %add3A_1066, %sub3A_1067 : i32
        %get3A_1069 = arith.index_cast %sub3A_1068 : i32 to index
        %get3A_1070 = tpu.vector_load %arg11[%get3A_1069] {strides = array<i32>} : memref<272xi32, #tpu.memory_space<vmem>>, vector<16xi32>,
        %slice3A_1071 = vector.extract_strided_slice %get3A_1070 {offsets = [0], sizes = [1], strides = [1]} : vector<16xi32> to vector<1xi32>
        %squeeze3A_1072 = vector.extract %slice3A_1071[0] : i32 from vector<1xi32>
        %mul3A_1073 = arith.constant 128 : i32
        %mul3A_1074 = arith.muli %squeeze3A_1072, %mul3A_1073 : i32
        %multiple_of3A = tpu.assume_multiple %mul3A_1074, 128 : i32
        %dma_start3A = arith.constant 0 : i32
        %dma_start3A_1075 = tpu.memref_slice %arg3[%dma_start3A, %multiple_of3A] : memref<64x1000000xf32, #tpu.memory_space<hbm>> -> memref<64x128xf32, #tpu.memory_space<hbm>>
        %dma_start3A_1076 = arith.constant 0 : i32
        %dma_start3A_1077 = tpu.memref_slice %arg3[%dma_start3A_1076, %multiple_of3A] : memref<64x1000000xf32, #tpu.memory_space<hbm>> -> memref<64x128xf32, #tpu.memory_space<hbm>>
        tpu.enqueue_dma source(%dma_start3A_1077 : memref<64x128xf32, #tpu.memory_space<hbm>>) target(%arg19 : memref<64x128xf32, #tpu.memory_space<vmem>>) target_semaphore(%arg29 : memref<!tpu.dma_semaphore, #tpu.memory_space<semaphore_mem>>)
      } else {
      }
      %convert_element_type3A_1002 = arith.extui %lt3A_993 : i1 to i32
      %cond3A_1003 = arith.constant 0 : i32
      %cond3A_1004 = arith.cmpi ne, %convert_element_type3A_1002, %cond3A_1003 : i32
      scf.if %cond3A_1004 {
        %dma_wait3A = arith.constant 0 : i32
        %dma_wait3A_1065 = arith.constant 0 : i32
        %dma_wait3A_1066 = tpu.memref_slice %arg3[%dma_wait3A, %dma_wait3A_1065] : memref<64x1000000xf32, #tpu.memory_space<hbm>> -> memref<64x128xf32, #tpu.memory_space<hbm>>
        %dma_wait3A_1067 = arith.constant 0 : i32
        %dma_wait3A_1068 = arith.constant 0 : i32
        %dma_wait3A_1069 = tpu.memref_slice %arg3[%dma_wait3A_1067, %dma_wait3A_1068] : memref<64x1000000xf32, #tpu.memory_space<hbm>> -> memref<64x128xf32, #tpu.memory_space<hbm>>
        tpu.wait_dma2 semaphore(%arg30 : memref<!tpu.dma_semaphore, #tpu.memory_space<semaphore_mem>>) src(%dma_wait3A_1069 : memref<64x128xf32, #tpu.memory_space<hbm>>) dst(%arg20 : memref<64x128xf32, #tpu.memory_space<vmem>>)
      } else {
      }
      %get3A_1005 = arith.index_cast %add3A_992 : i32 to index
      %get3A_1006 = tpu.vector_load %arg12[%get3A_1005] {strides = array<i32>} : memref<272xi32, #tpu.memory_space<vmem>>, vector<16xi32>,
      %slice3A_1007 = vector.extract_strided_slice %get3A_1006 {offsets = [0], sizes = [1], strides = [1]} : vector<16xi32> to vector<1xi32>
      %squeeze3A_1008 = vector.extract %slice3A_1007[0] : i32 from vector<1xi32>
      %get3A_1009 = arith.index_cast %add3A_992 : i32 to index
      %get3A_1010 = tpu.vector_load %arg13[%get3A_1009] {strides = array<i32>} : memref<272xi32, #tpu.memory_space<vmem>>, vector<16xi32>,
      %slice3A_1011 = vector.extract_strided_slice %get3A_1010 {offsets = [0], sizes = [1], strides = [1]} : vector<16xi32> to vector<1xi32>
      %squeeze3A_1012 = vector.extract %slice3A_1011[0] : i32 from vector<1xi32>
      %jit3A_1013 = arith.constant 0 : i32
      %select_n3A_1014 = arith.select %lt3A_993, %squeeze3A_1008, %jit3A_1013 : i32
      %jit3A_1015 = arith.constant 0 : i32
      %select_n3A_1016 = arith.select %lt3A_993, %squeeze3A_1012, %jit3A_1015 : i32
      %while3A_1017 = arith.subi %select_n3A_1016, %select_n3A_1014 : i32
      %while3A_1018 = arith.addi %select_n3A_1014, %while3A_1017 : i32
      %while3A_1019 = arith.constant 1 : i32
      %while3A_1020 = arith.divsi %while3A_1017, %while3A_1019 : i32
      %while3A_1021 = arith.muli %while3A_1020, %while3A_1019 : i32
      %while3A_1022 = arith.addi %select_n3A_1014, %while3A_1021 : i32
      %while3A_1023 = arith.constant 1 : i32
      %while3A_1024 = scf.for %while3A_1065 = %select_n3A_1014 to %while3A_1022 step %while3A_1023 iter_args(%while3A_1066 = %while3A_988) -> (i32)  : i32 {
        %ge3A = arith.constant 64 : i32
        %ge3A_1067 = arith.cmpi sge, %while3A_1066, %ge3A : i32
        %convert_element_type3A_1068 = arith.extui %ge3A_1067 : i1 to i32
        %cond3A_1069 = arith.constant 0 : i32
        %cond3A_1070 = arith.cmpi ne, %convert_element_type3A_1068, %cond3A_1069 : i32
        scf.if %cond3A_1070 {
          %dma_wait3A = arith.constant 0 : i32
          %dma_wait3A_1122 = arith.constant 0 : i32
          %dma_wait3A_1123 = arith.constant 0 : i32
          %dma_wait3A_1124 = tpu.memref_slice %arg22[%dma_wait3A, %dma_wait3A_1123] : memref<64x64xf32, #tpu.memory_space<vmem>> -> memref<1x64xf32, #tpu.memory_space<vmem>>
          %dma_wait3A_1125 = tpu.memref_squeeze %dma_wait3A_1124 : memref<1x64xf32, #tpu.memory_space<vmem>> -> memref<64xf32, #tpu.memory_space<vmem>>
          %dma_wait3A_1126 = arith.constant 0 : i32
          %dma_wait3A_1127 = tpu.memref_slice %arg4[%dma_wait3A_1122, %dma_wait3A_1126] : memref<16384x64xf32, #tpu.memory_space<hbm>> -> memref<1x64xf32, #tpu.memory_space<hbm>>
          %dma_wait3A_1128 = tpu.memref_squeeze %dma_wait3A_1127 : memref<1x64xf32, #tpu.memory_space<hbm>> -> memref<64xf32, #tpu.memory_space<hbm>>
          %dma_wait3A_1129 = arith.constant 0 : i32
          %dma_wait3A_1130 = tpu.memref_slice %arg4[%dma_wait3A_1122, %dma_wait3A_1129] : memref<16384x64xf32, #tpu.memory_space<hbm>> -> memref<1x64xf32, #tpu.memory_space<hbm>>
          %dma_wait3A_1131 = tpu.memref_squeeze %dma_wait3A_1130 : memref<1x64xf32, #tpu.memory_space<hbm>> -> memref<64xf32, #tpu.memory_space<hbm>>
          %dma_wait3A_1132 = arith.constant 0 : i32
          %dma_wait3A_1133 = tpu.memref_slice %arg22[%dma_wait3A, %dma_wait3A_1132] : memref<64x64xf32, #tpu.memory_space<vmem>> -> memref<1x64xf32, #tpu.memory_space<vmem>>
          %dma_wait3A_1134 = tpu.memref_squeeze %dma_wait3A_1133 : memref<1x64xf32, #tpu.memory_space<vmem>> -> memref<64xf32, #tpu.memory_space<vmem>>
          tpu.wait_dma2 semaphore(%arg23 : memref<!tpu.dma_semaphore, #tpu.memory_space<semaphore_mem>>) src(%dma_wait3A_1134 : memref<64xf32, #tpu.memory_space<vmem>>) dst(%dma_wait3A_1131 : memref<64xf32, #tpu.memory_space<hbm>>)
        } else {
        }
        %and3A = arith.constant 63 : i32
        %and3A_1071 = arith.andi %while3A_1066, %and3A : i32
        %get3A_1072 = arith.index_cast %while3A_1065 : i32 to index
        %get3A_1073 = tpu.vector_load %arg7[%get3A_1072] {strides = array<i32>} : memref<16400xi32, #tpu.memory_space<vmem>>, vector<16xi32>,
        %slice3A_1074 = vector.extract_strided_slice %get3A_1073 {offsets = [0], sizes = [1], strides = [1]} : vector<16xi32> to vector<1xi32>
        %squeeze3A_1075 = vector.extract %slice3A_1074[0] : i32 from vector<1xi32>
        %shift_right_arithmetic3A = arith.constant 7 : i32
        %shift_right_arithmetic3A_1076 = arith.shrsi %squeeze3A_1075, %shift_right_arithmetic3A : i32
        %and3A_1077 = arith.constant 16383 : i32
        %and3A_1078 = arith.andi %shift_right_arithmetic3A_1076, %and3A_1077 : i32
        %and3A_1079 = arith.constant 127 : i32
        %and3A_1080 = arith.andi %squeeze3A_1075, %and3A_1079 : i32
        %broadcast_in_dim3A_1081 = vector.broadcast %and3A_1080 : i32 to vector<16xi32>
        %add3A_1082 = arith.constant 0 : i32
        %add3A_1083 = vector.broadcast %add3A_1082 : i32 to vector<16xi32>
        %add3A_1084 = arith.addi %iota3A, %add3A_1083 : vector<16xi32>
        %gather3A = tpu.vector_load_idx %arg20[%add3A_1084, %broadcast_in_dim3A_1081] : memref<64x128xf32, #tpu.memory_space<vmem>>[vector<16xi32>, vector<16xi32>], vector<16xf32>,
        %swap3A_1085 = arith.index_cast %and3A_1071 : i32 to index
        %swap3A_1086 = arith.constant 0 : index
        %swap3A_1087 = tpu.vector_load %arg22[%swap3A_1085, %swap3A_1086] {strides = array<i32>} : memref<64x64xf32, #tpu.memory_space<vmem>>, vector<16xf32>,
        tpu.vector_store %arg22[%swap3A_1085, %swap3A_1086], %gather3A {strides = array<i32>} : memref<64x64xf32, #tpu.memory_space<vmem>>, vector<16xf32>,
        %add3A_1088 = arith.constant 16 : i32
        %add3A_1089 = vector.broadcast %add3A_1088 : i32 to vector<16xi32>
        %add3A_1090 = arith.addi %iota3A, %add3A_1089 : vector<16xi32>
        %gather3A_1091 = tpu.vector_load_idx %arg20[%add3A_1090, %broadcast_in_dim3A_1081] : memref<64x128xf32, #tpu.memory_space<vmem>>[vector<16xi32>, vector<16xi32>], vector<16xf32>,
        %swap3A_1092 = arith.index_cast %and3A_1071 : i32 to index
        %swap3A_1093 = arith.constant 16 : index
        %swap3A_1094 = tpu.vector_load %arg22[%swap3A_1092, %swap3A_1093] {strides = array<i32>} : memref<64x64xf32, #tpu.memory_space<vmem>>, vector<16xf32>,
        tpu.vector_store %arg22[%swap3A_1092, %swap3A_1093], %gather3A_1091 {strides = array<i32>} : memref<64x64xf32, #tpu.memory_space<vmem>>, vector<16xf32>,
        %add3A_1095 = arith.constant 32 : i32
        %add3A_1096 = vector.broadcast %add3A_1095 : i32 to vector<16xi32>
        %add3A_1097 = arith.addi %iota3A, %add3A_1096 : vector<16xi32>
        %gather3A_1098 = tpu.vector_load_idx %arg20[%add3A_1097, %broadcast_in_dim3A_1081] : memref<64x128xf32, #tpu.memory_space<vmem>>[vector<16xi32>, vector<16xi32>], vector<16xf32>,
        %swap3A_1099 = arith.index_cast %and3A_1071 : i32 to index
        %swap3A_1100 = arith.constant 32 : index
        %swap3A_1101 = tpu.vector_load %arg22[%swap3A_1099, %swap3A_1100] {strides = array<i32>} : memref<64x64xf32, #tpu.memory_space<vmem>>, vector<16xf32>,
        tpu.vector_store %arg22[%swap3A_1099, %swap3A_1100], %gather3A_1098 {strides = array<i32>} : memref<64x64xf32, #tpu.memory_space<vmem>>, vector<16xf32>,
        %add3A_1102 = arith.constant 48 : i32
        %add3A_1103 = vector.broadcast %add3A_1102 : i32 to vector<16xi32>
        %add3A_1104 = arith.addi %iota3A, %add3A_1103 : vector<16xi32>
        %gather3A_1105 = tpu.vector_load_idx %arg20[%add3A_1104, %broadcast_in_dim3A_1081] : memref<64x128xf32, #tpu.memory_space<vmem>>[vector<16xi32>, vector<16xi32>], vector<16xf32>,
        %swap3A_1106 = arith.index_cast %and3A_1071 : i32 to index
        %swap3A_1107 = arith.constant 48 : index
        %swap3A_1108 = tpu.vector_load %arg22[%swap3A_1106, %swap3A_1107] {strides = array<i32>} : memref<64x64xf32, #tpu.memory_space<vmem>>, vector<16xf32>,
        tpu.vector_store %arg22[%swap3A_1106, %swap3A_1107], %gather3A_1105 {strides = array<i32>} : memref<64x64xf32, #tpu.memory_space<vmem>>, vector<16xf32>,
        %dma_start3A = arith.constant 0 : i32
        %dma_start3A_1109 = tpu.memref_slice %arg22[%and3A_1071, %dma_start3A] : memref<64x64xf32, #tpu.memory_space<vmem>> -> memref<1x64xf32, #tpu.memory_space<vmem>>
        %dma_start3A_1110 = tpu.memref_squeeze %dma_start3A_1109 : memref<1x64xf32, #tpu.memory_space<vmem>> -> memref<64xf32, #tpu.memory_space<vmem>>
        %dma_start3A_1111 = arith.constant 0 : i32
        %dma_start3A_1112 = tpu.memref_slice %arg4[%and3A_1078, %dma_start3A_1111] : memref<16384x64xf32, #tpu.memory_space<hbm>> -> memref<1x64xf32, #tpu.memory_space<hbm>>
        %dma_start3A_1113 = tpu.memref_squeeze %dma_start3A_1112 : memref<1x64xf32, #tpu.memory_space<hbm>> -> memref<64xf32, #tpu.memory_space<hbm>>
        %dma_start3A_1114 = arith.constant 0 : i32
        %dma_start3A_1115 = tpu.memref_slice %arg4[%and3A_1078, %dma_start3A_1114] : memref<16384x64xf32, #tpu.memory_space<hbm>> -> memref<1x64xf32, #tpu.memory_space<hbm>>
        %dma_start3A_1116 = tpu.memref_squeeze %dma_start3A_1115 : memref<1x64xf32, #tpu.memory_space<hbm>> -> memref<64xf32, #tpu.memory_space<hbm>>
        %dma_start3A_1117 = arith.constant 0 : i32
        %dma_start3A_1118 = tpu.memref_slice %arg22[%and3A_1071, %dma_start3A_1117] : memref<64x64xf32, #tpu.memory_space<vmem>> -> memref<1x64xf32, #tpu.memory_space<vmem>>
        %dma_start3A_1119 = tpu.memref_squeeze %dma_start3A_1118 : memref<1x64xf32, #tpu.memory_space<vmem>> -> memref<64xf32, #tpu.memory_space<vmem>>
        tpu.enqueue_dma source(%dma_start3A_1119 : memref<64xf32, #tpu.memory_space<vmem>>) target(%dma_start3A_1116 : memref<64xf32, #tpu.memory_space<hbm>>) target_semaphore(%arg23 : memref<!tpu.dma_semaphore, #tpu.memory_space<semaphore_mem>>)
        %add3A_1120 = arith.constant 1 : i32
        %add3A_1121 = arith.addi %while3A_1066, %add3A_1120 : i32
        scf.yield %add3A_1121 : i32
      }
      %while3A_1025 = arith.constant 1 : i32
      %while3A_1026 = scf.for %while3A_1065 = %while3A_1022 to %while3A_1018 step %while3A_1025 iter_args(%while3A_1066 = %while3A_1024) -> (i32)  : i32 {
        %ge3A = arith.constant 64 : i32
        %ge3A_1067 = arith.cmpi sge, %while3A_1066, %ge3A : i32
        %convert_element_type3A_1068 = arith.extui %ge3A_1067 : i1 to i32
        %cond3A_1069 = arith.constant 0 : i32
        %cond3A_1070 = arith.cmpi ne, %convert_element_type3A_1068, %cond3A_1069 : i32
        scf.if %cond3A_1070 {
          %dma_wait3A = arith.constant 0 : i32
          %dma_wait3A_1122 = arith.constant 0 : i32
          %dma_wait3A_1123 = arith.constant 0 : i32
          %dma_wait3A_1124 = tpu.memref_slice %arg22[%dma_wait3A, %dma_wait3A_1123] : memref<64x64xf32, #tpu.memory_space<vmem>> -> memref<1x64xf32, #tpu.memory_space<vmem>>
          %dma_wait3A_1125 = tpu.memref_squeeze %dma_wait3A_1124 : memref<1x64xf32, #tpu.memory_space<vmem>> -> memref<64xf32, #tpu.memory_space<vmem>>
          %dma_wait3A_1126 = arith.constant 0 : i32
          %dma_wait3A_1127 = tpu.memref_slice %arg4[%dma_wait3A_1122, %dma_wait3A_1126] : memref<16384x64xf32, #tpu.memory_space<hbm>> -> memref<1x64xf32, #tpu.memory_space<hbm>>
          %dma_wait3A_1128 = tpu.memref_squeeze %dma_wait3A_1127 : memref<1x64xf32, #tpu.memory_space<hbm>> -> memref<64xf32, #tpu.memory_space<hbm>>
          %dma_wait3A_1129 = arith.constant 0 : i32
          %dma_wait3A_1130 = tpu.memref_slice %arg4[%dma_wait3A_1122, %dma_wait3A_1129] : memref<16384x64xf32, #tpu.memory_space<hbm>> -> memref<1x64xf32, #tpu.memory_space<hbm>>
          %dma_wait3A_1131 = tpu.memref_squeeze %dma_wait3A_1130 : memref<1x64xf32, #tpu.memory_space<hbm>> -> memref<64xf32, #tpu.memory_space<hbm>>
          %dma_wait3A_1132 = arith.constant 0 : i32
          %dma_wait3A_1133 = tpu.memref_slice %arg22[%dma_wait3A, %dma_wait3A_1132] : memref<64x64xf32, #tpu.memory_space<vmem>> -> memref<1x64xf32, #tpu.memory_space<vmem>>
          %dma_wait3A_1134 = tpu.memref_squeeze %dma_wait3A_1133 : memref<1x64xf32, #tpu.memory_space<vmem>> -> memref<64xf32, #tpu.memory_space<vmem>>
          tpu.wait_dma2 semaphore(%arg23 : memref<!tpu.dma_semaphore, #tpu.memory_space<semaphore_mem>>) src(%dma_wait3A_1134 : memref<64xf32, #tpu.memory_space<vmem>>) dst(%dma_wait3A_1131 : memref<64xf32, #tpu.memory_space<hbm>>)
        } else {
        }
        %and3A = arith.constant 63 : i32
        %and3A_1071 = arith.andi %while3A_1066, %and3A : i32
        %get3A_1072 = arith.index_cast %while3A_1065 : i32 to index
        %get3A_1073 = tpu.vector_load %arg7[%get3A_1072] {strides = array<i32>} : memref<16400xi32, #tpu.memory_space<vmem>>, vector<16xi32>,
        %slice3A_1074 = vector.extract_strided_slice %get3A_1073 {offsets = [0], sizes = [1], strides = [1]} : vector<16xi32> to vector<1xi32>
        %squeeze3A_1075 = vector.extract %slice3A_1074[0] : i32 from vector<1xi32>
        %shift_right_arithmetic3A = arith.constant 7 : i32
        %shift_right_arithmetic3A_1076 = arith.shrsi %squeeze3A_1075, %shift_right_arithmetic3A : i32
        %and3A_1077 = arith.constant 16383 : i32
        %and3A_1078 = arith.andi %shift_right_arithmetic3A_1076, %and3A_1077 : i32
        %and3A_1079 = arith.constant 127 : i32
        %and3A_1080 = arith.andi %squeeze3A_1075, %and3A_1079 : i32
        %broadcast_in_dim3A_1081 = vector.broadcast %and3A_1080 : i32 to vector<16xi32>
        %add3A_1082 = arith.constant 0 : i32
        %add3A_1083 = vector.broadcast %add3A_1082 : i32 to vector<16xi32>
        %add3A_1084 = arith.addi %iota3A, %add3A_1083 : vector<16xi32>
        %gather3A = tpu.vector_load_idx %arg20[%add3A_1084, %broadcast_in_dim3A_1081] : memref<64x128xf32, #tpu.memory_space<vmem>>[vector<16xi32>, vector<16xi32>], vector<16xf32>,
        %swap3A_1085 = arith.index_cast %and3A_1071 : i32 to index
        %swap3A_1086 = arith.constant 0 : index
        %swap3A_1087 = tpu.vector_load %arg22[%swap3A_1085, %swap3A_1086] {strides = array<i32>} : memref<64x64xf32, #tpu.memory_space<vmem>>, vector<16xf32>,
        tpu.vector_store %arg22[%swap3A_1085, %swap3A_1086], %gather3A {strides = array<i32>} : memref<64x64xf32, #tpu.memory_space<vmem>>, vector<16xf32>,
        %add3A_1088 = arith.constant 16 : i32
        %add3A_1089 = vector.broadcast %add3A_1088 : i32 to vector<16xi32>
        %add3A_1090 = arith.addi %iota3A, %add3A_1089 : vector<16xi32>
        %gather3A_1091 = tpu.vector_load_idx %arg20[%add3A_1090, %broadcast_in_dim3A_1081] : memref<64x128xf32, #tpu.memory_space<vmem>>[vector<16xi32>, vector<16xi32>], vector<16xf32>,
        %swap3A_1092 = arith.index_cast %and3A_1071 : i32 to index
        %swap3A_1093 = arith.constant 16 : index
        %swap3A_1094 = tpu.vector_load %arg22[%swap3A_1092, %swap3A_1093] {strides = array<i32>} : memref<64x64xf32, #tpu.memory_space<vmem>>, vector<16xf32>,
        tpu.vector_store %arg22[%swap3A_1092, %swap3A_1093], %gather3A_1091 {strides = array<i32>} : memref<64x64xf32, #tpu.memory_space<vmem>>, vector<16xf32>,
        %add3A_1095 = arith.constant 32 : i32
        %add3A_1096 = vector.broadcast %add3A_1095 : i32 to vector<16xi32>
        %add3A_1097 = arith.addi %iota3A, %add3A_1096 : vector<16xi32>
        %gather3A_1098 = tpu.vector_load_idx %arg20[%add3A_1097, %broadcast_in_dim3A_1081] : memref<64x128xf32, #tpu.memory_space<vmem>>[vector<16xi32>, vector<16xi32>], vector<16xf32>,
        %swap3A_1099 = arith.index_cast %and3A_1071 : i32 to index
        %swap3A_1100 = arith.constant 32 : index
        %swap3A_1101 = tpu.vector_load %arg22[%swap3A_1099, %swap3A_1100] {strides = array<i32>} : memref<64x64xf32, #tpu.memory_space<vmem>>, vector<16xf32>,
        tpu.vector_store %arg22[%swap3A_1099, %swap3A_1100], %gather3A_1098 {strides = array<i32>} : memref<64x64xf32, #tpu.memory_space<vmem>>, vector<16xf32>,
        %add3A_1102 = arith.constant 48 : i32
        %add3A_1103 = vector.broadcast %add3A_1102 : i32 to vector<16xi32>
        %add3A_1104 = arith.addi %iota3A, %add3A_1103 : vector<16xi32>
        %gather3A_1105 = tpu.vector_load_idx %arg20[%add3A_1104, %broadcast_in_dim3A_1081] : memref<64x128xf32, #tpu.memory_space<vmem>>[vector<16xi32>, vector<16xi32>], vector<16xf32>,
        %swap3A_1106 = arith.index_cast %and3A_1071 : i32 to index
        %swap3A_1107 = arith.constant 48 : index
        %swap3A_1108 = tpu.vector_load %arg22[%swap3A_1106, %swap3A_1107] {strides = array<i32>} : memref<64x64xf32, #tpu.memory_space<vmem>>, vector<16xf32>,
        tpu.vector_store %arg22[%swap3A_1106, %swap3A_1107], %gather3A_1105 {strides = array<i32>} : memref<64x64xf32, #tpu.memory_space<vmem>>, vector<16xf32>,
        %dma_start3A = arith.constant 0 : i32
        %dma_start3A_1109 = tpu.memref_slice %arg22[%and3A_1071, %dma_start3A] : memref<64x64xf32, #tpu.memory_space<vmem>> -> memref<1x64xf32, #tpu.memory_space<vmem>>
        %dma_start3A_1110 = tpu.memref_squeeze %dma_start3A_1109 : memref<1x64xf32, #tpu.memory_space<vmem>> -> memref<64xf32, #tpu.memory_space<vmem>>
        %dma_start3A_1111 = arith.constant 0 : i32
        %dma_start3A_1112 = tpu.memref_slice %arg4[%and3A_1078, %dma_start3A_1111] : memref<16384x64xf32, #tpu.memory_space<hbm>> -> memref<1x64xf32, #tpu.memory_space<hbm>>
        %dma_start3A_1113 = tpu.memref_squeeze %dma_start3A_1112 : memref<1x64xf32, #tpu.memory_space<hbm>> -> memref<64xf32, #tpu.memory_space<hbm>>
        %dma_start3A_1114 = arith.constant 0 : i32
        %dma_start3A_1115 = tpu.memref_slice %arg4[%and3A_1078, %dma_start3A_1114] : memref<16384x64xf32, #tpu.memory_space<hbm>> -> memref<1x64xf32, #tpu.memory_space<hbm>>
        %dma_start3A_1116 = tpu.memref_squeeze %dma_start3A_1115 : memref<1x64xf32, #tpu.memory_space<hbm>> -> memref<64xf32, #tpu.memory_space<hbm>>
        %dma_start3A_1117 = arith.constant 0 : i32
        %dma_start3A_1118 = tpu.memref_slice %arg22[%and3A_1071, %dma_start3A_1117] : memref<64x64xf32, #tpu.memory_space<vmem>> -> memref<1x64xf32, #tpu.memory_space<vmem>>
        %dma_start3A_1119 = tpu.memref_squeeze %dma_start3A_1118 : memref<1x64xf32, #tpu.memory_space<vmem>> -> memref<64xf32, #tpu.memory_space<vmem>>
        tpu.enqueue_dma source(%dma_start3A_1119 : memref<64xf32, #tpu.memory_space<vmem>>) target(%dma_start3A_1116 : memref<64xf32, #tpu.memory_space<hbm>>) target_semaphore(%arg23 : memref<!tpu.dma_semaphore, #tpu.memory_space<semaphore_mem>>)
        %add3A_1120 = arith.constant 1 : i32
        %add3A_1121 = arith.addi %while3A_1066, %add3A_1120 : i32
        scf.yield %add3A_1121 : i32
      }
      %mul3A_1027 = arith.constant 8 : i32
      %mul3A_1028 = arith.muli %scan3A_762, %mul3A_1027 : i32
      %add3A_1029 = arith.constant 7 : i32
      %add3A_1030 = arith.addi %mul3A_1028, %add3A_1029 : i32
      %lt3A_1031 = arith.cmpi slt, %add3A_1030, %add3A_707 : i32
      %add3A_1032 = arith.constant 8 : i32
      %add3A_1033 = arith.addi %add3A_1030, %add3A_1032 : i32
      %sub3A_1034 = arith.constant 1 : i32
      %sub3A_1035 = arith.subi %add3A_1033, %sub3A_1034 : i32
      %lt3A_1036 = arith.cmpi slt, %sub3A_1035, %add3A_707 : i32
      %convert_element_type3A_1037 = arith.extui %lt3A_1036 : i1 to i32
      %cond3A_1038 = arith.constant 0 : i32
      %cond3A_1039 = arith.cmpi ne, %convert_element_type3A_1037, %cond3A_1038 : i32
      scf.if %cond3A_1039 {
        %add3A_1065 = arith.constant 8 : i32
        %add3A_1066 = arith.addi %add3A_1030, %add3A_1065 : i32
        %sub3A_1067 = arith.constant 1 : i32
        %sub3A_1068 = arith.subi %add3A_1066, %sub3A_1067 : i32
        %get3A_1069 = arith.index_cast %sub3A_1068 : i32 to index
        %get3A_1070 = tpu.vector_load %arg11[%get3A_1069] {strides = array<i32>} : memref<272xi32, #tpu.memory_space<vmem>>, vector<16xi32>,
        %slice3A_1071 = vector.extract_strided_slice %get3A_1070 {offsets = [0], sizes = [1], strides = [1]} : vector<16xi32> to vector<1xi32>
        %squeeze3A_1072 = vector.extract %slice3A_1071[0] : i32 from vector<1xi32>
        %mul3A_1073 = arith.constant 128 : i32
        %mul3A_1074 = arith.muli %squeeze3A_1072, %mul3A_1073 : i32
        %multiple_of3A = tpu.assume_multiple %mul3A_1074, 128 : i32
        %dma_start3A = arith.constant 0 : i32
        %dma_start3A_1075 = tpu.memref_slice %arg3[%dma_start3A, %multiple_of3A] : memref<64x1000000xf32, #tpu.memory_space<hbm>> -> memref<64x128xf32, #tpu.memory_space<hbm>>
        %dma_start3A_1076 = arith.constant 0 : i32
        %dma_start3A_1077 = tpu.memref_slice %arg3[%dma_start3A_1076, %multiple_of3A] : memref<64x1000000xf32, #tpu.memory_space<hbm>> -> memref<64x128xf32, #tpu.memory_space<hbm>>
        tpu.enqueue_dma source(%dma_start3A_1077 : memref<64x128xf32, #tpu.memory_space<hbm>>) target(%arg20 : memref<64x128xf32, #tpu.memory_space<vmem>>) target_semaphore(%arg30 : memref<!tpu.dma_semaphore, #tpu.memory_space<semaphore_mem>>)
      } else {
      }
      %convert_element_type3A_1040 = arith.extui %lt3A_1031 : i1 to i32
      %cond3A_1041 = arith.constant 0 : i32
      %cond3A_1042 = arith.cmpi ne, %convert_element_type3A_1040, %cond3A_1041 : i32
      scf.if %cond3A_1042 {
        %dma_wait3A = arith.constant 0 : i32
        %dma_wait3A_1065 = arith.constant 0 : i32
        %dma_wait3A_1066 = tpu.memref_slice %arg3[%dma_wait3A, %dma_wait3A_1065] : memref<64x1000000xf32, #tpu.memory_space<hbm>> -> memref<64x128xf32, #tpu.memory_space<hbm>>
        %dma_wait3A_1067 = arith.constant 0 : i32
        %dma_wait3A_1068 = arith.constant 0 : i32
        %dma_wait3A_1069 = tpu.memref_slice %arg3[%dma_wait3A_1067, %dma_wait3A_1068] : memref<64x1000000xf32, #tpu.memory_space<hbm>> -> memref<64x128xf32, #tpu.memory_space<hbm>>
        tpu.wait_dma2 semaphore(%arg31 : memref<!tpu.dma_semaphore, #tpu.memory_space<semaphore_mem>>) src(%dma_wait3A_1069 : memref<64x128xf32, #tpu.memory_space<hbm>>) dst(%arg21 : memref<64x128xf32, #tpu.memory_space<vmem>>)
      } else {
      }
      %get3A_1043 = arith.index_cast %add3A_1030 : i32 to index
      %get3A_1044 = tpu.vector_load %arg12[%get3A_1043] {strides = array<i32>} : memref<272xi32, #tpu.memory_space<vmem>>, vector<16xi32>,
      %slice3A_1045 = vector.extract_strided_slice %get3A_1044 {offsets = [0], sizes = [1], strides = [1]} : vector<16xi32> to vector<1xi32>
      %squeeze3A_1046 = vector.extract %slice3A_1045[0] : i32 from vector<1xi32>
      %get3A_1047 = arith.index_cast %add3A_1030 : i32 to index
      %get3A_1048 = tpu.vector_load %arg13[%get3A_1047] {strides = array<i32>} : memref<272xi32, #tpu.memory_space<vmem>>, vector<16xi32>,
      %slice3A_1049 = vector.extract_strided_slice %get3A_1048 {offsets = [0], sizes = [1], strides = [1]} : vector<16xi32> to vector<1xi32>
      %squeeze3A_1050 = vector.extract %slice3A_1049[0] : i32 from vector<1xi32>
      %jit3A_1051 = arith.constant 0 : i32
      %select_n3A_1052 = arith.select %lt3A_1031, %squeeze3A_1046, %jit3A_1051 : i32
      %jit3A_1053 = arith.constant 0 : i32
      %select_n3A_1054 = arith.select %lt3A_1031, %squeeze3A_1050, %jit3A_1053 : i32
      %while3A_1055 = arith.subi %select_n3A_1054, %select_n3A_1052 : i32
      %while3A_1056 = arith.addi %select_n3A_1052, %while3A_1055 : i32
      %while3A_1057 = arith.constant 1 : i32
      %while3A_1058 = arith.divsi %while3A_1055, %while3A_1057 : i32
      %while3A_1059 = arith.muli %while3A_1058, %while3A_1057 : i32
      %while3A_1060 = arith.addi %select_n3A_1052, %while3A_1059 : i32
      %while3A_1061 = arith.constant 1 : i32
      %while3A_1062 = scf.for %while3A_1065 = %select_n3A_1052 to %while3A_1060 step %while3A_1061 iter_args(%while3A_1066 = %while3A_1026) -> (i32)  : i32 {
        %ge3A = arith.constant 64 : i32
        %ge3A_1067 = arith.cmpi sge, %while3A_1066, %ge3A : i32
        %convert_element_type3A_1068 = arith.extui %ge3A_1067 : i1 to i32
        %cond3A_1069 = arith.constant 0 : i32
        %cond3A_1070 = arith.cmpi ne, %convert_element_type3A_1068, %cond3A_1069 : i32
        scf.if %cond3A_1070 {
          %dma_wait3A = arith.constant 0 : i32
          %dma_wait3A_1122 = arith.constant 0 : i32
          %dma_wait3A_1123 = arith.constant 0 : i32
          %dma_wait3A_1124 = tpu.memref_slice %arg22[%dma_wait3A, %dma_wait3A_1123] : memref<64x64xf32, #tpu.memory_space<vmem>> -> memref<1x64xf32, #tpu.memory_space<vmem>>
          %dma_wait3A_1125 = tpu.memref_squeeze %dma_wait3A_1124 : memref<1x64xf32, #tpu.memory_space<vmem>> -> memref<64xf32, #tpu.memory_space<vmem>>
          %dma_wait3A_1126 = arith.constant 0 : i32
          %dma_wait3A_1127 = tpu.memref_slice %arg4[%dma_wait3A_1122, %dma_wait3A_1126] : memref<16384x64xf32, #tpu.memory_space<hbm>> -> memref<1x64xf32, #tpu.memory_space<hbm>>
          %dma_wait3A_1128 = tpu.memref_squeeze %dma_wait3A_1127 : memref<1x64xf32, #tpu.memory_space<hbm>> -> memref<64xf32, #tpu.memory_space<hbm>>
          %dma_wait3A_1129 = arith.constant 0 : i32
          %dma_wait3A_1130 = tpu.memref_slice %arg4[%dma_wait3A_1122, %dma_wait3A_1129] : memref<16384x64xf32, #tpu.memory_space<hbm>> -> memref<1x64xf32, #tpu.memory_space<hbm>>
          %dma_wait3A_1131 = tpu.memref_squeeze %dma_wait3A_1130 : memref<1x64xf32, #tpu.memory_space<hbm>> -> memref<64xf32, #tpu.memory_space<hbm>>
          %dma_wait3A_1132 = arith.constant 0 : i32
          %dma_wait3A_1133 = tpu.memref_slice %arg22[%dma_wait3A, %dma_wait3A_1132] : memref<64x64xf32, #tpu.memory_space<vmem>> -> memref<1x64xf32, #tpu.memory_space<vmem>>
          %dma_wait3A_1134 = tpu.memref_squeeze %dma_wait3A_1133 : memref<1x64xf32, #tpu.memory_space<vmem>> -> memref<64xf32, #tpu.memory_space<vmem>>
          tpu.wait_dma2 semaphore(%arg23 : memref<!tpu.dma_semaphore, #tpu.memory_space<semaphore_mem>>) src(%dma_wait3A_1134 : memref<64xf32, #tpu.memory_space<vmem>>) dst(%dma_wait3A_1131 : memref<64xf32, #tpu.memory_space<hbm>>)
        } else {
        }
        %and3A = arith.constant 63 : i32
        %and3A_1071 = arith.andi %while3A_1066, %and3A : i32
        %get3A_1072 = arith.index_cast %while3A_1065 : i32 to index
        %get3A_1073 = tpu.vector_load %arg7[%get3A_1072] {strides = array<i32>} : memref<16400xi32, #tpu.memory_space<vmem>>, vector<16xi32>,
        %slice3A_1074 = vector.extract_strided_slice %get3A_1073 {offsets = [0], sizes = [1], strides = [1]} : vector<16xi32> to vector<1xi32>
        %squeeze3A_1075 = vector.extract %slice3A_1074[0] : i32 from vector<1xi32>
        %shift_right_arithmetic3A = arith.constant 7 : i32
        %shift_right_arithmetic3A_1076 = arith.shrsi %squeeze3A_1075, %shift_right_arithmetic3A : i32
        %and3A_1077 = arith.constant 16383 : i32
        %and3A_1078 = arith.andi %shift_right_arithmetic3A_1076, %and3A_1077 : i32
        %and3A_1079 = arith.constant 127 : i32
        %and3A_1080 = arith.andi %squeeze3A_1075, %and3A_1079 : i32
        %broadcast_in_dim3A_1081 = vector.broadcast %and3A_1080 : i32 to vector<16xi32>
        %add3A_1082 = arith.constant 0 : i32
        %add3A_1083 = vector.broadcast %add3A_1082 : i32 to vector<16xi32>
        %add3A_1084 = arith.addi %iota3A, %add3A_1083 : vector<16xi32>
        %gather3A = tpu.vector_load_idx %arg21[%add3A_1084, %broadcast_in_dim3A_1081] : memref<64x128xf32, #tpu.memory_space<vmem>>[vector<16xi32>, vector<16xi32>], vector<16xf32>,
        %swap3A_1085 = arith.index_cast %and3A_1071 : i32 to index
        %swap3A_1086 = arith.constant 0 : index
        %swap3A_1087 = tpu.vector_load %arg22[%swap3A_1085, %swap3A_1086] {strides = array<i32>} : memref<64x64xf32, #tpu.memory_space<vmem>>, vector<16xf32>,
        tpu.vector_store %arg22[%swap3A_1085, %swap3A_1086], %gather3A {strides = array<i32>} : memref<64x64xf32, #tpu.memory_space<vmem>>, vector<16xf32>,
        %add3A_1088 = arith.constant 16 : i32
        %add3A_1089 = vector.broadcast %add3A_1088 : i32 to vector<16xi32>
        %add3A_1090 = arith.addi %iota3A, %add3A_1089 : vector<16xi32>
        %gather3A_1091 = tpu.vector_load_idx %arg21[%add3A_1090, %broadcast_in_dim3A_1081] : memref<64x128xf32, #tpu.memory_space<vmem>>[vector<16xi32>, vector<16xi32>], vector<16xf32>,
        %swap3A_1092 = arith.index_cast %and3A_1071 : i32 to index
        %swap3A_1093 = arith.constant 16 : index
        %swap3A_1094 = tpu.vector_load %arg22[%swap3A_1092, %swap3A_1093] {strides = array<i32>} : memref<64x64xf32, #tpu.memory_space<vmem>>, vector<16xf32>,
        tpu.vector_store %arg22[%swap3A_1092, %swap3A_1093], %gather3A_1091 {strides = array<i32>} : memref<64x64xf32, #tpu.memory_space<vmem>>, vector<16xf32>,
        %add3A_1095 = arith.constant 32 : i32
        %add3A_1096 = vector.broadcast %add3A_1095 : i32 to vector<16xi32>
        %add3A_1097 = arith.addi %iota3A, %add3A_1096 : vector<16xi32>
        %gather3A_1098 = tpu.vector_load_idx %arg21[%add3A_1097, %broadcast_in_dim3A_1081] : memref<64x128xf32, #tpu.memory_space<vmem>>[vector<16xi32>, vector<16xi32>], vector<16xf32>,
        %swap3A_1099 = arith.index_cast %and3A_1071 : i32 to index
        %swap3A_1100 = arith.constant 32 : index
        %swap3A_1101 = tpu.vector_load %arg22[%swap3A_1099, %swap3A_1100] {strides = array<i32>} : memref<64x64xf32, #tpu.memory_space<vmem>>, vector<16xf32>,
        tpu.vector_store %arg22[%swap3A_1099, %swap3A_1100], %gather3A_1098 {strides = array<i32>} : memref<64x64xf32, #tpu.memory_space<vmem>>, vector<16xf32>,
        %add3A_1102 = arith.constant 48 : i32
        %add3A_1103 = vector.broadcast %add3A_1102 : i32 to vector<16xi32>
        %add3A_1104 = arith.addi %iota3A, %add3A_1103 : vector<16xi32>
        %gather3A_1105 = tpu.vector_load_idx %arg21[%add3A_1104, %broadcast_in_dim3A_1081] : memref<64x128xf32, #tpu.memory_space<vmem>>[vector<16xi32>, vector<16xi32>], vector<16xf32>,
        %swap3A_1106 = arith.index_cast %and3A_1071 : i32 to index
        %swap3A_1107 = arith.constant 48 : index
        %swap3A_1108 = tpu.vector_load %arg22[%swap3A_1106, %swap3A_1107] {strides = array<i32>} : memref<64x64xf32, #tpu.memory_space<vmem>>, vector<16xf32>,
        tpu.vector_store %arg22[%swap3A_1106, %swap3A_1107], %gather3A_1105 {strides = array<i32>} : memref<64x64xf32, #tpu.memory_space<vmem>>, vector<16xf32>,
        %dma_start3A = arith.constant 0 : i32
        %dma_start3A_1109 = tpu.memref_slice %arg22[%and3A_1071, %dma_start3A] : memref<64x64xf32, #tpu.memory_space<vmem>> -> memref<1x64xf32, #tpu.memory_space<vmem>>
        %dma_start3A_1110 = tpu.memref_squeeze %dma_start3A_1109 : memref<1x64xf32, #tpu.memory_space<vmem>> -> memref<64xf32, #tpu.memory_space<vmem>>
        %dma_start3A_1111 = arith.constant 0 : i32
        %dma_start3A_1112 = tpu.memref_slice %arg4[%and3A_1078, %dma_start3A_1111] : memref<16384x64xf32, #tpu.memory_space<hbm>> -> memref<1x64xf32, #tpu.memory_space<hbm>>
        %dma_start3A_1113 = tpu.memref_squeeze %dma_start3A_1112 : memref<1x64xf32, #tpu.memory_space<hbm>> -> memref<64xf32, #tpu.memory_space<hbm>>
        %dma_start3A_1114 = arith.constant 0 : i32
        %dma_start3A_1115 = tpu.memref_slice %arg4[%and3A_1078, %dma_start3A_1114] : memref<16384x64xf32, #tpu.memory_space<hbm>> -> memref<1x64xf32, #tpu.memory_space<hbm>>
        %dma_start3A_1116 = tpu.memref_squeeze %dma_start3A_1115 : memref<1x64xf32, #tpu.memory_space<hbm>> -> memref<64xf32, #tpu.memory_space<hbm>>
        %dma_start3A_1117 = arith.constant 0 : i32
        %dma_start3A_1118 = tpu.memref_slice %arg22[%and3A_1071, %dma_start3A_1117] : memref<64x64xf32, #tpu.memory_space<vmem>> -> memref<1x64xf32, #tpu.memory_space<vmem>>
        %dma_start3A_1119 = tpu.memref_squeeze %dma_start3A_1118 : memref<1x64xf32, #tpu.memory_space<vmem>> -> memref<64xf32, #tpu.memory_space<vmem>>
        tpu.enqueue_dma source(%dma_start3A_1119 : memref<64xf32, #tpu.memory_space<vmem>>) target(%dma_start3A_1116 : memref<64xf32, #tpu.memory_space<hbm>>) target_semaphore(%arg23 : memref<!tpu.dma_semaphore, #tpu.memory_space<semaphore_mem>>)
        %add3A_1120 = arith.constant 1 : i32
        %add3A_1121 = arith.addi %while3A_1066, %add3A_1120 : i32
        scf.yield %add3A_1121 : i32
      }
      %while3A_1063 = arith.constant 1 : i32
      %while3A_1064 = scf.for %while3A_1065 = %while3A_1060 to %while3A_1056 step %while3A_1063 iter_args(%while3A_1066 = %while3A_1062) -> (i32)  : i32 {
        %ge3A = arith.constant 64 : i32
        %ge3A_1067 = arith.cmpi sge, %while3A_1066, %ge3A : i32
        %convert_element_type3A_1068 = arith.extui %ge3A_1067 : i1 to i32
        %cond3A_1069 = arith.constant 0 : i32
        %cond3A_1070 = arith.cmpi ne, %convert_element_type3A_1068, %cond3A_1069 : i32
        scf.if %cond3A_1070 {
          %dma_wait3A = arith.constant 0 : i32
          %dma_wait3A_1122 = arith.constant 0 : i32
          %dma_wait3A_1123 = arith.constant 0 : i32
          %dma_wait3A_1124 = tpu.memref_slice %arg22[%dma_wait3A, %dma_wait3A_1123] : memref<64x64xf32, #tpu.memory_space<vmem>> -> memref<1x64xf32, #tpu.memory_space<vmem>>
          %dma_wait3A_1125 = tpu.memref_squeeze %dma_wait3A_1124 : memref<1x64xf32, #tpu.memory_space<vmem>> -> memref<64xf32, #tpu.memory_space<vmem>>
          %dma_wait3A_1126 = arith.constant 0 : i32
          %dma_wait3A_1127 = tpu.memref_slice %arg4[%dma_wait3A_1122, %dma_wait3A_1126] : memref<16384x64xf32, #tpu.memory_space<hbm>> -> memref<1x64xf32, #tpu.memory_space<hbm>>
          %dma_wait3A_1128 = tpu.memref_squeeze %dma_wait3A_1127 : memref<1x64xf32, #tpu.memory_space<hbm>> -> memref<64xf32, #tpu.memory_space<hbm>>
          %dma_wait3A_1129 = arith.constant 0 : i32
          %dma_wait3A_1130 = tpu.memref_slice %arg4[%dma_wait3A_1122, %dma_wait3A_1129] : memref<16384x64xf32, #tpu.memory_space<hbm>> -> memref<1x64xf32, #tpu.memory_space<hbm>>
          %dma_wait3A_1131 = tpu.memref_squeeze %dma_wait3A_1130 : memref<1x64xf32, #tpu.memory_space<hbm>> -> memref<64xf32, #tpu.memory_space<hbm>>
          %dma_wait3A_1132 = arith.constant 0 : i32
          %dma_wait3A_1133 = tpu.memref_slice %arg22[%dma_wait3A, %dma_wait3A_1132] : memref<64x64xf32, #tpu.memory_space<vmem>> -> memref<1x64xf32, #tpu.memory_space<vmem>>
          %dma_wait3A_1134 = tpu.memref_squeeze %dma_wait3A_1133 : memref<1x64xf32, #tpu.memory_space<vmem>> -> memref<64xf32, #tpu.memory_space<vmem>>
          tpu.wait_dma2 semaphore(%arg23 : memref<!tpu.dma_semaphore, #tpu.memory_space<semaphore_mem>>) src(%dma_wait3A_1134 : memref<64xf32, #tpu.memory_space<vmem>>) dst(%dma_wait3A_1131 : memref<64xf32, #tpu.memory_space<hbm>>)
        } else {
        }
        %and3A = arith.constant 63 : i32
        %and3A_1071 = arith.andi %while3A_1066, %and3A : i32
        %get3A_1072 = arith.index_cast %while3A_1065 : i32 to index
        %get3A_1073 = tpu.vector_load %arg7[%get3A_1072] {strides = array<i32>} : memref<16400xi32, #tpu.memory_space<vmem>>, vector<16xi32>,
        %slice3A_1074 = vector.extract_strided_slice %get3A_1073 {offsets = [0], sizes = [1], strides = [1]} : vector<16xi32> to vector<1xi32>
        %squeeze3A_1075 = vector.extract %slice3A_1074[0] : i32 from vector<1xi32>
        %shift_right_arithmetic3A = arith.constant 7 : i32
        %shift_right_arithmetic3A_1076 = arith.shrsi %squeeze3A_1075, %shift_right_arithmetic3A : i32
        %and3A_1077 = arith.constant 16383 : i32
        %and3A_1078 = arith.andi %shift_right_arithmetic3A_1076, %and3A_1077 : i32
        %and3A_1079 = arith.constant 127 : i32
        %and3A_1080 = arith.andi %squeeze3A_1075, %and3A_1079 : i32
        %broadcast_in_dim3A_1081 = vector.broadcast %and3A_1080 : i32 to vector<16xi32>
        %add3A_1082 = arith.constant 0 : i32
        %add3A_1083 = vector.broadcast %add3A_1082 : i32 to vector<16xi32>
        %add3A_1084 = arith.addi %iota3A, %add3A_1083 : vector<16xi32>
        %gather3A = tpu.vector_load_idx %arg21[%add3A_1084, %broadcast_in_dim3A_1081] : memref<64x128xf32, #tpu.memory_space<vmem>>[vector<16xi32>, vector<16xi32>], vector<16xf32>,
        %swap3A_1085 = arith.index_cast %and3A_1071 : i32 to index
        %swap3A_1086 = arith.constant 0 : index
        %swap3A_1087 = tpu.vector_load %arg22[%swap3A_1085, %swap3A_1086] {strides = array<i32>} : memref<64x64xf32, #tpu.memory_space<vmem>>, vector<16xf32>,
        tpu.vector_store %arg22[%swap3A_1085, %swap3A_1086], %gather3A {strides = array<i32>} : memref<64x64xf32, #tpu.memory_space<vmem>>, vector<16xf32>,
        %add3A_1088 = arith.constant 16 : i32
        %add3A_1089 = vector.broadcast %add3A_1088 : i32 to vector<16xi32>
        %add3A_1090 = arith.addi %iota3A, %add3A_1089 : vector<16xi32>
        %gather3A_1091 = tpu.vector_load_idx %arg21[%add3A_1090, %broadcast_in_dim3A_1081] : memref<64x128xf32, #tpu.memory_space<vmem>>[vector<16xi32>, vector<16xi32>], vector<16xf32>,
        %swap3A_1092 = arith.index_cast %and3A_1071 : i32 to index
        %swap3A_1093 = arith.constant 16 : index
        %swap3A_1094 = tpu.vector_load %arg22[%swap3A_1092, %swap3A_1093] {strides = array<i32>} : memref<64x64xf32, #tpu.memory_space<vmem>>, vector<16xf32>,
        tpu.vector_store %arg22[%swap3A_1092, %swap3A_1093], %gather3A_1091 {strides = array<i32>} : memref<64x64xf32, #tpu.memory_space<vmem>>, vector<16xf32>,
        %add3A_1095 = arith.constant 32 : i32
        %add3A_1096 = vector.broadcast %add3A_1095 : i32 to vector<16xi32>
        %add3A_1097 = arith.addi %iota3A, %add3A_1096 : vector<16xi32>
        %gather3A_1098 = tpu.vector_load_idx %arg21[%add3A_1097, %broadcast_in_dim3A_1081] : memref<64x128xf32, #tpu.memory_space<vmem>>[vector<16xi32>, vector<16xi32>], vector<16xf32>,
        %swap3A_1099 = arith.index_cast %and3A_1071 : i32 to index
        %swap3A_1100 = arith.constant 32 : index
        %swap3A_1101 = tpu.vector_load %arg22[%swap3A_1099, %swap3A_1100] {strides = array<i32>} : memref<64x64xf32, #tpu.memory_space<vmem>>, vector<16xf32>,
        tpu.vector_store %arg22[%swap3A_1099, %swap3A_1100], %gather3A_1098 {strides = array<i32>} : memref<64x64xf32, #tpu.memory_space<vmem>>, vector<16xf32>,
        %add3A_1102 = arith.constant 48 : i32
        %add3A_1103 = vector.broadcast %add3A_1102 : i32 to vector<16xi32>
        %add3A_1104 = arith.addi %iota3A, %add3A_1103 : vector<16xi32>
        %gather3A_1105 = tpu.vector_load_idx %arg21[%add3A_1104, %broadcast_in_dim3A_1081] : memref<64x128xf32, #tpu.memory_space<vmem>>[vector<16xi32>, vector<16xi32>], vector<16xf32>,
        %swap3A_1106 = arith.index_cast %and3A_1071 : i32 to index
        %swap3A_1107 = arith.constant 48 : index
        %swap3A_1108 = tpu.vector_load %arg22[%swap3A_1106, %swap3A_1107] {strides = array<i32>} : memref<64x64xf32, #tpu.memory_space<vmem>>, vector<16xf32>,
        tpu.vector_store %arg22[%swap3A_1106, %swap3A_1107], %gather3A_1105 {strides = array<i32>} : memref<64x64xf32, #tpu.memory_space<vmem>>, vector<16xf32>,
        %dma_start3A = arith.constant 0 : i32
        %dma_start3A_1109 = tpu.memref_slice %arg22[%and3A_1071, %dma_start3A] : memref<64x64xf32, #tpu.memory_space<vmem>> -> memref<1x64xf32, #tpu.memory_space<vmem>>
        %dma_start3A_1110 = tpu.memref_squeeze %dma_start3A_1109 : memref<1x64xf32, #tpu.memory_space<vmem>> -> memref<64xf32, #tpu.memory_space<vmem>>
        %dma_start3A_1111 = arith.constant 0 : i32
        %dma_start3A_1112 = tpu.memref_slice %arg4[%and3A_1078, %dma_start3A_1111] : memref<16384x64xf32, #tpu.memory_space<hbm>> -> memref<1x64xf32, #tpu.memory_space<hbm>>
        %dma_start3A_1113 = tpu.memref_squeeze %dma_start3A_1112 : memref<1x64xf32, #tpu.memory_space<hbm>> -> memref<64xf32, #tpu.memory_space<hbm>>
        %dma_start3A_1114 = arith.constant 0 : i32
        %dma_start3A_1115 = tpu.memref_slice %arg4[%and3A_1078, %dma_start3A_1114] : memref<16384x64xf32, #tpu.memory_space<hbm>> -> memref<1x64xf32, #tpu.memory_space<hbm>>
        %dma_start3A_1116 = tpu.memref_squeeze %dma_start3A_1115 : memref<1x64xf32, #tpu.memory_space<hbm>> -> memref<64xf32, #tpu.memory_space<hbm>>
        %dma_start3A_1117 = arith.constant 0 : i32
        %dma_start3A_1118 = tpu.memref_slice %arg22[%and3A_1071, %dma_start3A_1117] : memref<64x64xf32, #tpu.memory_space<vmem>> -> memref<1x64xf32, #tpu.memory_space<vmem>>
        %dma_start3A_1119 = tpu.memref_squeeze %dma_start3A_1118 : memref<1x64xf32, #tpu.memory_space<vmem>> -> memref<64xf32, #tpu.memory_space<vmem>>
        tpu.enqueue_dma source(%dma_start3A_1119 : memref<64xf32, #tpu.memory_space<vmem>>) target(%dma_start3A_1116 : memref<64xf32, #tpu.memory_space<hbm>>) target_semaphore(%arg23 : memref<!tpu.dma_semaphore, #tpu.memory_space<semaphore_mem>>)
        %add3A_1120 = arith.constant 1 : i32
        %add3A_1121 = arith.addi %while3A_1066, %add3A_1120 : i32
        scf.yield %add3A_1121 : i32
      }
      scf.yield %while3A_1064 : i32
    }
    %scan3A_747 = arith.constant 31 : i32
    %min3A_748 = arith.constant 64 : i32
    %min3A_749 = arith.minsi %scan3A_746, %min3A_748 : i32
    %while3A_750 = arith.constant 0 : i32
    %while3A_751 = arith.constant 0 : i32
    %while3A_752 = arith.subi %min3A_749, %while3A_750 : i32
    %while3A_753 = arith.addi %while3A_750, %while3A_752 : i32
    %while3A_754 = arith.constant 1 : i32
    %while3A_755 = arith.divsi %while3A_752, %while3A_754 : i32
    %while3A_756 = arith.muli %while3A_755, %while3A_754 : i32
    %while3A_757 = arith.addi %while3A_750, %while3A_756 : i32
    %while3A_758 = arith.constant 1 : i32
    %while3A_759 = scf.for %while3A_762 = %while3A_750 to %while3A_757 step %while3A_758 iter_args(%while3A_763 = %while3A_751) -> (i32)  : i32 {
      %dma_wait3A = arith.constant 0 : i32
      %dma_wait3A_764 = arith.constant 0 : i32
      %dma_wait3A_765 = arith.constant 0 : i32
      %dma_wait3A_766 = tpu.memref_slice %arg22[%dma_wait3A, %dma_wait3A_765] : memref<64x64xf32, #tpu.memory_space<vmem>> -> memref<1x64xf32, #tpu.memory_space<vmem>>
      %dma_wait3A_767 = tpu.memref_squeeze %dma_wait3A_766 : memref<1x64xf32, #tpu.memory_space<vmem>> -> memref<64xf32, #tpu.memory_space<vmem>>
      %dma_wait3A_768 = arith.constant 0 : i32
      %dma_wait3A_769 = tpu.memref_slice %arg4[%dma_wait3A_764, %dma_wait3A_768] : memref<16384x64xf32, #tpu.memory_space<hbm>> -> memref<1x64xf32, #tpu.memory_space<hbm>>
      %dma_wait3A_770 = tpu.memref_squeeze %dma_wait3A_769 : memref<1x64xf32, #tpu.memory_space<hbm>> -> memref<64xf32, #tpu.memory_space<hbm>>
      %dma_wait3A_771 = arith.constant 0 : i32
      %dma_wait3A_772 = tpu.memref_slice %arg4[%dma_wait3A_764, %dma_wait3A_771] : memref<16384x64xf32, #tpu.memory_space<hbm>> -> memref<1x64xf32, #tpu.memory_space<hbm>>
      %dma_wait3A_773 = tpu.memref_squeeze %dma_wait3A_772 : memref<1x64xf32, #tpu.memory_space<hbm>> -> memref<64xf32, #tpu.memory_space<hbm>>
      %dma_wait3A_774 = arith.constant 0 : i32
      %dma_wait3A_775 = tpu.memref_slice %arg22[%dma_wait3A, %dma_wait3A_774] : memref<64x64xf32, #tpu.memory_space<vmem>> -> memref<1x64xf32, #tpu.memory_space<vmem>>
      %dma_wait3A_776 = tpu.memref_squeeze %dma_wait3A_775 : memref<1x64xf32, #tpu.memory_space<vmem>> -> memref<64xf32, #tpu.memory_space<vmem>>
      tpu.wait_dma2 semaphore(%arg23 : memref<!tpu.dma_semaphore, #tpu.memory_space<semaphore_mem>>) src(%dma_wait3A_776 : memref<64xf32, #tpu.memory_space<vmem>>) dst(%dma_wait3A_773 : memref<64xf32, #tpu.memory_space<hbm>>)
      %while3A_777 = arith.constant 0 : i32
      scf.yield %while3A_777 : i32
    }
    %while3A_760 = arith.constant 1 : i32
    %while3A_761 = scf.for %while3A_762 = %while3A_757 to %while3A_753 step %while3A_760 iter_args(%while3A_763 = %while3A_759) -> (i32)  : i32 {
      %dma_wait3A = arith.constant 0 : i32
      %dma_wait3A_764 = arith.constant 0 : i32
      %dma_wait3A_765 = arith.constant 0 : i32
      %dma_wait3A_766 = tpu.memref_slice %arg22[%dma_wait3A, %dma_wait3A_765] : memref<64x64xf32, #tpu.memory_space<vmem>> -> memref<1x64xf32, #tpu.memory_space<vmem>>
      %dma_wait3A_767 = tpu.memref_squeeze %dma_wait3A_766 : memref<1x64xf32, #tpu.memory_space<vmem>> -> memref<64xf32, #tpu.memory_space<vmem>>
      %dma_wait3A_768 = arith.constant 0 : i32
      %dma_wait3A_769 = tpu.memref_slice %arg4[%dma_wait3A_764, %dma_wait3A_768] : memref<16384x64xf32, #tpu.memory_space<hbm>> -> memref<1x64xf32, #tpu.memory_space<hbm>>
      %dma_wait3A_770 = tpu.memref_squeeze %dma_wait3A_769 : memref<1x64xf32, #tpu.memory_space<hbm>> -> memref<64xf32, #tpu.memory_space<hbm>>
      %dma_wait3A_771 = arith.constant 0 : i32
      %dma_wait3A_772 = tpu.memref_slice %arg4[%dma_wait3A_764, %dma_wait3A_771] : memref<16384x64xf32, #tpu.memory_space<hbm>> -> memref<1x64xf32, #tpu.memory_space<hbm>>
      %dma_wait3A_773 = tpu.memref_squeeze %dma_wait3A_772 : memref<1x64xf32, #tpu.memory_space<hbm>> -> memref<64xf32, #tpu.memory_space<hbm>>
      %dma_wait3A_774 = arith.constant 0 : i32
      %dma_wait3A_775 = tpu.memref_slice %arg22[%dma_wait3A, %dma_wait3A_774] : memref<64x64xf32, #tpu.memory_space<vmem>> -> memref<1x64xf32, #tpu.memory_space<vmem>>
      %dma_wait3A_776 = tpu.memref_squeeze %dma_wait3A_775 : memref<1x64xf32, #tpu.memory_space<vmem>> -> memref<64xf32, #tpu.memory_space<vmem>>
      tpu.wait_dma2 semaphore(%arg23 : memref<!tpu.dma_semaphore, #tpu.memory_space<semaphore_mem>>) src(%dma_wait3A_776 : memref<64xf32, #tpu.memory_space<vmem>>) dst(%dma_wait3A_773 : memref<64xf32, #tpu.memory_space<hbm>>)
      %while3A_777 = arith.constant 0 : i32
      scf.yield %while3A_777 : i32
    }
    return
  }
}

</mosaic_0001>

<sc_bundles>
// kernel: kernel.3.cloned.1.call-start
scs
__scs_entry_jumppad:
0x0: {  	(pc) =	sbr.rel $0x88, $3  }
0x1: {  	(tag) =	ssettag $0x0;
	lr =	simm.s32 $0x1  }
0x2: {  	[smem:$0x3F9F] =	sst lr;
	_ =	strace $0xD0000000  }
0x3: {  	_ = 	snop  }
0x4: {  	_ = 	snop  }
0x5: {  	_ = 	snop  }
0x6: {  	_ = 	snop  }
0x7: {  	_ = 	snop  }
__scs_overlays_trampoline_lowered:
0x8: {  	[smem:$0x3FAE] =	sst s0  }
0x9: {  	[smem:$0x3FAF] =	sst s1  }
0xa: {  	[smem:$0x3FB0] =	sst s2  }
0xb: {  	[smem:$0x3FB1] =	sst s3  }
0xc: {  	[smem:$0x3FB2] =	sst s4  }
0xd: {  	[smem:$0x3FB3] =	sst s5  }
0xe: {  	[smem:$0x3FB4] =	sst s6  }
0xf: {  	[smem:$0x3FB5] =	sst s7  }
0x10: {  	[smem:$0x3FB6] =	sst s8  }
0x11: {  	[smem:$0x3FB7] =	sst s9;
	s0 =	simm.s32 @!p0 $0x0  }
0x12: {  	s1 =	sld [smem:$0x3F9D];
	s0 =	simm.s32 @p0 $0x1  }
0x13: {  	[smem:$0x3FB8] =	sst s0;
	s0 =	simm.s32 @!p1 $0x0  }
0x14: {  	s2 =	sld [smem:$0x3F9C];
	s0 =	simm.s32 @p1 $0x1  }
0x15: {  	[smem:$0x3FB9] =	sst s0;
	s0 =	simm.s32 @!p2 $0x0  }
0x16: {  	s3 =	sld [smem:$0x3FDB];
	s0 =	simm.s32 @p2 $0x1  }
0x17: {  	s4 =	simm.s32 $0x1BF5;
	[smem:$0x3FBB] =	sst s0  }
0x18: {  	s0 =	sld [smem:$0x3F9E];
	_ =	swait.ge [sflag:s4], $0x0  }
0x19: {  	s7 =	sld [smem:$0x3F9F]  }
0x1a: {  	s8 =	sadd.s32 $0xFFFFE003, lr  }
0x1b: {  	s9 =	sadd.s32 $0xFFFFFEF7, lr;
	s5 =	simm.s32 $0xFFFFFFFF;
	p2 =	slt.u32 s8, $0xFFFFF086  }
0x1c: {  	p1 =	slt.u32 s9, $0xF7A;
	s5 =	simm.s32 @!p2 $0x0  }
0x1d: {  	s5 =	simm.s32 @p1 $0x1;
	p0 =	seq.s32 s7, s2  }
0x1e: {  	s7 =	smul.u32 @!p0 $0xF7A, s2;
	p2 =	seq.s32 @!p0 s5, $0x0  }
0x1f: {  	s9 =	smul.u32 $0xF7A, s1;
	s8 =	simm.s32 @!p0 $0x1BF5;
	p2 =	por !p2, p0  }
0x20: {  	[sflag:s8] =	ssyncset.s32 @!p0 $0xFFFFF086;
	s6 =	sadd.s32 @!p0 s3, s7;
	s7 =	simm.s32 @!p0 $0x108  }
0x21: {  	s3 =	sadd.s32 s3, s9;
	s6 =	sadd.s32 @!p0 $0x88, s6;
	s7 =	simm.s32 @p2 $0x1082  }
0x22: {  	[simem:s7], [sflag:s8] =	dma.local @!p0 [hbm:s6], $0xF7A  }
0x23: {  	s9 =	sor.u32 $0xD0000000, s2;
	s6 =	simm.s32 $0x108;
	_ =	swait.ge @!p0 [sflag:s8], $0x0  }
0x24: {  	s3 =	sadd.s32 $0x88, s3;
	s6 =	simm.s32 @!p1 $0x1082;
	[sflag:s4] =	ssyncset.s32 $0xFFFFF086  }
0x25: {  	[simem:s6], [sflag:s4] =	dma.local [hbm:s3], $0xF7A  }
0x26: {  	[smem:$0x3F9F] =	sst s1;
	(tag) =	ssettag s2;
	_ =	strace s9  }
0x27: {  	s1 =	sld [smem:$0x3FAF]  }
0x28: {  	s2 =	sld [smem:$0x3FB0]  }
0x29: {  	s4 =	sld [smem:$0x3FB2]  }
0x2a: {  	p0 =	seq.s32 s5, $0x0;
	s5 =	sld [smem:$0x3FB3]  }
0x2b: {  	s6 =	sld [smem:$0x3FB4]  }
0x2c: {  	s7 =	sld [smem:$0x3FB5]  }
0x2d: {  	s3 =	simm.s32 $0x108;
	s8 =	sld [smem:$0x3FB6]  }
0x2e: {  	s3 =	simm.s32 @!p0 $0x1082;
	s9 =	sld [smem:$0x3FB7]  }
0x2f: {  	lr =	sadd.s32 s0, s3;
	s0 =	sld [smem:$0x3FAE]  }
0x30: {  	s3 =	sld [smem:$0x3FB1]  }
0x31: {  	[smem:$0x3FBA] =	sst s10  }
0x32: {  	s10 =	sld [smem:$0x3FB8];
	_ =	sdelay $0x3  }
0x33: {  	p0 =	seq.s32 s10, $0x1;
	s10 =	sld [smem:$0x3FBA];
	_ =	sdelay $0x3  }
0x34: {  	[smem:$0x3FBA] =	sst s10  }
0x35: {  	s10 =	sld [smem:$0x3FB9];
	_ =	sdelay $0x3  }
0x36: {  	p1 =	seq.s32 s10, $0x1;
	s10 =	sld [smem:$0x3FBA];
	_ =	sdelay $0x3  }
0x37: {  	[smem:$0x3FBA] =	sst s10  }
0x38: {  	s10 =	sld [smem:$0x3FBB]  }
0x39: {  	_ = 	snop;
	(pc) =	sbr.ind lr, $3  }
0x3a: {  	_ = 	snop  }
0x3b: {  	_ = 	snop  }
0x3c: {  	p2 =	seq.s32 s10, $0x1;
	s10 =	sld [smem:$0x3FBA]  }
0x3d: {  	_ =	shalt  }
0x3e: {  	_ =	shalt  }
0x3f: {  	_ =	shalt  }
0x40: {  	_ =	shalt  }
0x41: {  	_ =	shalt  }
0x42: {  	_ =	shalt  }
0x43: {  	_ =	shalt  }
0x44: {  	_ =	shalt  }
0x45: {  	_ =	shalt  }
0x46: {  	_ =	shalt  }
0x47: {  	_ =	shalt  }
0x48: {  	_ =	shalt  }
0x49: {  	_ =	shalt  }
0x4a: {  	_ =	shalt  }
0x4b: {  	_ =	shalt  }
0x4c: {  	_ =	shalt  }
0x4d: {  	_ =	shalt  }
0x4e: {  	_ =	shalt  }
0x4f: {  	_ =	shalt  }
0x50: {  	_ =	shalt  }
0x51: {  	_ =	shalt  }
0x52: {  	_ =	shalt  }
0x53: {  	_ =	shalt  }
0x54: {  	_ =	shalt  }
0x55: {  	_ =	shalt  }
0x56: {  	_ =	shalt  }
0x57: {  	_ =	shalt  }
0x58: {  	_ =	shalt  }
0x59: {  	_ =	shalt  }
0x5a: {  	_ =	shalt  }
0x5b: {  	_ =	shalt  }
0x5c: {  	_ =	shalt  }
0x5d: {  	_ =	shalt  }
0x5e: {  	_ =	shalt  }
0x5f: {  	_ =	shalt  }
0x60: {  	_ =	shalt  }
0x61: {  	_ =	shalt  }
0x62: {  	_ =	shalt  }
0x63: {  	_ =	shalt  }
0x64: {  	_ =	shalt  }
0x65: {  	_ =	shalt  }
0x66: {  	_ =	shalt  }
0x67: {  	_ =	shalt  }
0x68: {  	_ =	shalt  }
0x69: {  	_ =	shalt  }
0x6a: {  	_ =	shalt  }
0x6b: {  	_ =	shalt  }
0x6c: {  	_ =	shalt  }
0x6d: {  	_ =	shalt  }
0x6e: {  	_ =	shalt  }
0x6f: {  	_ =	shalt  }
0x70: {  	_ =	shalt  }
0x71: {  	_ =	shalt  }
0x72: {  	_ =	shalt  }
0x73: {  	_ =	shalt  }
0x74: {  	_ =	shalt  }
0x75: {  	_ =	shalt  }
0x76: {  	_ =	shalt  }
0x77: {  	_ =	shalt  }
0x78: {  	_ =	shalt  }
0x79: {  	_ =	shalt  }
0x7a: {  	_ =	shalt  }
0x7b: {  	_ =	shalt  }
0x7c: {  	_ =	shalt  }
0x7d: {  	_ =	shalt  }
0x7e: {  	_ =	shalt  }
0x7f: {  	_ =	shalt  }
0x80: {  	_ =	shalt  }
0x81: {  	_ =	shalt  }
0x82: {  	_ =	shalt  }
0x83: {  	_ =	shalt  }
0x84: {  	_ =	shalt  }
0x85: {  	_ =	shalt  }
0x86: {  	_ =	shalt  }
0x87: {  	_ =	shalt  }
.Lfunc_end0:
.L_simem_size_0:
called_computation_lowered:
.L_overlay_start_0:
0x88: {  	s2 =	sld [smem:$0x3FD9]  }
0x89: {  	s3 =	sld [smem:$0x3FFE];
	_ =	sdelay $0x1  }
0x8a: {  	s1 =	srdreg.scid  }
0x8b: {  	s0 =	sand.u32 $0x1, s1  }
0x8c: {  	s17 =	sshll.u32 s0, $0xA;
	s2 =	sadd.s32 s3, s2  }
0x8d: {  	s2 =	sadd.s32 s2, s17  }
0x8e: {  	[smem:$0x3FC6] =	sst s2  }
0x8f: {  	_ = 	snop  }
0x90: {  	s2 =	sld [smem:$0x3FC9]  }
0x91: {  	s18 =	sld [smem:$0x3FC8];
	(tm) =	ssettm $0x1  }
0x92: {  	s4 =	sld [smem:$0x3FFB];
	_ =	sdelay $0x3  }
0x93: {  	_ =	strace s4  }
0x94: {  	s4 =	sld [smem:$0x3FFC];
	_ =	sdelay $0x3  }
0x95: {  	_ =	strace s4  }
0x96: {  	s4 =	sld [smem:$0x3FFD];
	_ =	sdelay $0x3  }
0x97: {  	_ =	strace s4  }
0x98: {  	_ =	strace $0x8FFFFFFF  }
0x99: {  	s19 =	sld [smem:$0x3FDB];
	_ =	sdelay $0x1  }
0x9a: {  	s5 =	simm.s32 $_scs_section_size  }
0x9b: {  	s6 =	simm.s32 $_size__tile_overlayer_lowered;
	s7 =	simm.s32 $_tile_overlayer_lowered  }
0x9c: {  	s22 =	simm.s32 $0x1BFF;
	s21 =	sshll.u32 s7, $0x1;
	s4 =	sadd.s32 s5, s19  }
0x9d: {  	s8 =	simm.s32 $0x0;
	s20 =	sshll.u32 s6, $0x1;
	s6 =	sadd.s32 s21, s4  }
0x9e: {  	[timem:s8], [sflag:s22] =	dma.local [hbm:s6], s20  }
0x9f: {  	_ =	swait.ge [sflag:s22], s20  }
0xa0: {  	s5 =	ssub.s32 $0x0, s20;
	[sflag:s22] =	ssyncset.done $0x0  }
0xa1: {  	[sflag:s22] =	ssyncadd.s32 s5;
	_ =	sdelay $0x1  }
0xa2: {  	s23 =	simm.s32 $0x1B8B  }
0xa3: {  	_ =	swait.ge [sflag:s23], $0x1  }
0xa4: {  	[sflag:s23] =	ssyncset.done $0x0  }
0xa5: {  	s25 =	simm.s32 $0x1B8E;
	s24 =	sld [smem:$0x3FFE];
	[sflag:s23] =	ssyncadd.s32 $0xFFFFFFFF  }
0xa6: {  	s26 =	simm.s32 $execute0_lowered;
	[smem:$0x3FD2] =	sst s25  }
0xa7: {  	s6 =	sshll.u32 s26, $0x1;
	_ =	strace $0x80000046;
	[dreg:$0x1] =	wrdreg $0xFFFFFFFF  }
0xa8: {  	s28 =	simm.s32 $_size_execute0_lowered;
	s4 =	sadd.s32 s4, s6;
	[dreg:$0x0] =	wrdreg $0x0  }
0xa9: {  	s6 =	sshll.u32 s28, $0x1;
	[dreg:$0x2] =	wrdreg s4  }
0xaa: {  	[dreg:$0x3] =	wrdreg s6  }
0xab: {  	[dreg:$0x4] =	wrdreg $0xC0  }
0xac: {  	_ =	task [dreg:s8], $0x5FFFF  }
0xad: {  	[dreg:$0x1] =	wrdreg $0xFFFFFFFF  }
0xae: {  	[dreg:$0x0] =	wrdreg $0x60  }
0xaf: {  	[dreg:$0x2] =	wrdreg s2  }
0xb0: {  	[dreg:$0x3] =	wrdreg s18  }
0xb1: {  	[dreg:$0x4] =	wrdreg s24  }
0xb2: {  	[dreg:$0x5] =	wrdreg $0x9  }
0xb3: {  	_ =	task.clear_ibuf [dreg:s8], $0x6FFFF;
	_ =	strace $0x90000046  }
0xb4: {  	s29 =	simm.s32 $0x9;
	_ =	strace $0x80000048  }
0xb5: {  	_ =	swait.ge [sflag:s29], $0x1  }
0xb6: {  	[sflag:s29] =	ssyncadd.s32 $0xFFFFFFFF  }
0xb7: {  	_ =	strace $0x90000048  }
0xb8: {  	_ =	sfence  }
0xb9: {  	s30 =	sld [smem:$0x0];
	_ =	sdelay $0x2  }
0xba: {  	s31 =	sshll.u32 s1, $0xD;
	s1 =	sshrl.u32 s1, $0x2  }
0xbb: {  	s3 =	sand.u32 $0x4000, s31;
	s1 =	sadd.s32 s1, s30  }
0xbc: {  	s0 =	sor.u32 s3, s0;
	s1 =	sshll.u32 s1, $0x11  }
0xbd: {  	s0 =	sor.u32 s1, s0  }
0xbe: {  	s0 =	sadd.s32 $0x8F2B, s0  }
0xbf: {  	[sflag:s0] =	ssyncadd.remote.s32 $0x1  }
0xc0: {  	_ =	sfence.sel $0xFFFF  }
0xc1: {  	[dreg:$0x0] =	wrdreg $0xFFFFFFFF;
	(pc) =	sbr.abs _section_cstart, $3  }
0xc2: {  	[dreg:$0x1] =	wrdreg $0xFFFFFFFF  }
0xc3: {  	_ =	task.clear_ibuf [dreg:s8], $0x2FFFF;
	_ =	strace $0x9FFFFFFF  }
0xc4: {  	(tm) =	ssettm $0x7FFFFFFF  }
0xc5: {  	_ =	shalt  }
tec
execute0_lowered:
.L_overlay_start_1:
0x0: {  	(tag) =	ssettag $0x1  }
0x1: {  	s3 =	rddreg [dreg:$0x1];
	s0 =	srdreg.scid  }
0x2: {  	s2 =	stileid.u32;
	s1 =	rddreg [dreg:$0x2];
	s4 =	simm.s32 $0x0  }
0x3: {  	s19 =	simm.s32 $0x1;
	s0 =	sand.u32 $0x1, s0;
	s2 =	sshll.u32 s2, $0x1  }
0x4: {  	s22 =	simm.s32 $0x0;
	s2 =	sor.u32 s0, s2;
	s0 =	ssub.s32 $0x2, s0  }
0x5: {  	[smem:$0x7FF] =	sst s4;
	s2 =	smul.u32 $0xF5, s2;
	s6 =	sshrl.u32 s0, $0x1  }
0x6: {  	s5 =	sadd.s32 $0x400, s1;
	_ =	strace $0x80000047;
	s0 =	ssub.s32 s0, s6  }
0x7: {  	s29 =	smin.u32 s2, $0x1D90;
	s30 =	sadd.s32 $0x10, s2;
	s7 =	sadd.s32 $0x20, s2  }
0x8: {  	s8 =	sadd.s32 $0x30, s2;
	s9 =	sadd.s32 $0x40, s2;
	s10 =	sadd.s32 $0x50, s2  }
0x9: {  	s11 =	sadd.s32 $0x60, s2;
	s12 =	sadd.s32 $0x70, s2;
	s13 =	sadd.s32 $0x80, s2  }
0xa: {  	v18 =	vlaneseq.u32;
	v19 =	vimm.s32 $0x0;
	s14 =	sadd.s32 $0x90, s2;
	s15 =	sadd.s32 $0xA0, s2;
	s16 =	sadd.s32 $0xB0, s2;
	v0 =	vmov s2  }
0xb: {  	s31 =	sadd.s32 $0xC0, s2;
	s17 =	sadd.s32 $0xD0, s2;
	s18 =	sadd.s32 $0xE0, s2;
	v2 =	vadd.s32 s2, v18;
	v3 =	vadd.s32 s30, v18;
	v4 =	vadd.s32 s7, v18  }
.Ltmp0:
0xc: {  	s2 =	sadd.s32 $0xF0, s2;
	s6 =	smax.u32 s0, $0x1;
	v5 =	vadd.s32 s8, v18;
	v6 =	vadd.s32 s9, v18;
	v7 =	vadd.s32 s10, v18;
	(pc) =	sbr.rel .LBB2_1-.Ltmp0, $4  }
0xd: {  	s1 =	sadd.s32 $0xF5, s29;
	s7 =	simm.s32 $0xA;
	s9 =	simm.s32 $0xC700;
	v8 =	vadd.s32 s11, v18;
	v9 =	vadd.s32 s12, v18;
	v10 =	vadd.s32 s13, v18  }
0xe: {  	s10 =	simm.s32 $0xC880;
	s11 =	simm.s32 $0xCA00;
	s12 =	simm.s32 $0xEA00;
	v11 =	vadd.s32 s14, v18;
	v12 =	vadd.s32 s15, v18;
	v13 =	vadd.s32 s16, v18  }
0xf: {  	s13 =	simm.s32 $0x10A00;
	s14 =	simm.s32 $0x12A00;
	s15 =	simm.s32 $0x14A00;
	v14 =	vadd.s32 s31, v18;
	v15 =	vadd.s32 s17, v18;
	v16 =	vadd.s32 s18, v18  }
0x10: {  	s16 =	simm.s32 $0x16A00;
	s17 =	simm.s32 $0x18A00;
	s18 =	simm.s32 $0x1AA00;
	v17 =	vadd.s32 s2, v18;
	v18 =	vmul.u32 $0x80, v18;
	v1 =	vmov s1  }
.LBB2_78:
0x11: {  	[sflag:s19] =	ssyncadd.s32 $0xFFFFFF80  }
.LBB2_79:
0x12: {  	s22 =	sadd.s32 $0x1, s22  }
0x13: {  	p0 =	sne.s32 s22, s6  }
.Ltmp1:
0x14: {  	_ = 	snop;
	(pc) =	sbr.rel @!p0 .LBB2_80-.Ltmp1, $1  }
0x15: {  	_ =	sdelay $0x3  }
.LBB2_1:
0x16: {  	s0 =	rddreg [dreg:$0x0]  }
0x17: {  	[tilespmem:s4], [sflag:$0xA] =	stream.linear.gather [hbm4b:s0+s4], $0x4000, $0x38;
	[tilespmem:$0x1EA00] =	vst v63  }
0x18: {  	_ =	swait.ge [sflag:s7], $0x4000  }
0x19: {  	[sflag:s7] =	ssyncset.done $0x0  }
0x1a: {  	s26 =	simm.s32 $0x20;
	[sflag:s7] =	ssyncadd.s32 $0xFFFFC000  }
0x1b: {  	v20 =	vld [tilespmem:s26+$0xFFFFFFE0];
	_ =	sdelay $0x4  }
0x1c: {  	v21 =	vshra.s32 v20, $0x7  }
0x1d: {  	vm0 =	vge.s32 v21, v0;
	vm1 =	vlt.s32 v21, v1  }
0x1e: {  	vm0 =	vmand vm0, vm1  }
0x1f: {  	v22 =	vmpcnt.ones.xlane vm0;
	_ =	sdelay $0x1  }
0x20: {  	(v2sf) =	vpush v22, $0x0;
	_ =	sdelay $0x1  }
0x21: {  	v22 =	vmov s4  }
0x22: {  	v21 =	vsub.s32 v21, v0;
	v22 =	vshll.u32 v22, $0x7  }
0x23: {  	v21 =	vshll.u32 v21, $0x15;
	v22 =	vor.u32 v18, v22  }
0x24: {  	v20 =	vand.u32 $0x7F, v20;
	v21 =	vadd.s32 v22, v21  }
0x25: {  	v20 =	vor.u32 v20, v21  }
0x26: {  	[tilespmem:s4+$0x4000] =	vst.msk vm0, v20  }
0x27: {  	v20 =	vld [tilespmem:s26+$0xFFFFFFF0];
	_ =	sdelay $0x1  }
0x28: {  	s1 =	simm.s32 $0x10  }
0x29: {  	v22 =	vmov s1  }
0x2a: {  	v22 =	vshll.u32 v22, $0x7  }
0x2b: {  	v22 =	vor.u32 v18, v22;
	v21 =	vshra.s32 v20, $0x7;
	v20 =	vand.u32 $0x7F, v20  }
0x2c: {  	vm0 =	vge.s32 v21, v0;
	vm1 =	vlt.s32 v21, v1;
	v21 =	vsub.s32 v21, v0  }
0x2d: {  	v20 =	vor.u32 v22, v20;
	vm0 =	vmand vm0, vm1;
	v21 =	vshll.u32 v21, $0x15;
	s28 =	spop (v2sf)  }
0x2e: {  	v22 =	vmpcnt.ones.xlane vm0;
	v20 =	vor.u32 v21, v20;
	s1 =	sadd.s32 $0x0, s28  }
0x2f: {  	[tilespmem:s1+$0x4000] =	vst.msk vm0, v20  }
0x30: {  	(v2sf) =	vpush v22, $0x0;
	v20 =	vld [tilespmem:s26+$0x0];
	_ =	sdelay $0x4  }
0x31: {  	v21 =	vshra.s32 v20, $0x7  }
0x32: {  	vm0 =	vge.s32 v21, v0;
	vm1 =	vlt.s32 v21, v1  }
0x33: {  	vm0 =	vmand vm0, vm1  }
0x34: {  	v22 =	vmpcnt.ones.xlane vm0;
	_ =	sdelay $0x1  }
0x35: {  	(v2sf) =	vpush v22, $0x0  }
0x36: {  	s2 =	simm.s32 $0x20  }
0x37: {  	v22 =	vmov s2  }
0x38: {  	v22 =	vshll.u32 v22, $0x7  }
0x39: {  	v20 =	vand.u32 $0x7F, v20;
	v21 =	vsub.s32 v21, v0;
	v22 =	vor.u32 v18, v22  }
0x3a: {  	v21 =	vshll.u32 v21, $0x15;
	v20 =	vor.u32 v22, v20;
	s29 =	spop (v2sf)  }
0x3b: {  	s1 =	sadd.s32 s1, s29;
	v20 =	vor.u32 v21, v20  }
0x3c: {  	[tilespmem:s1+$0x4000] =	vst.msk vm0, v20  }
0x3d: {  	v20 =	vld [tilespmem:s26+$0x10];
	_ =	sdelay $0x1  }
0x3e: {  	s30 =	simm.s32 $0x30  }
0x3f: {  	v21 =	vmov s30  }
0x40: {  	v21 =	vshll.u32 v21, $0x7  }
0x41: {  	v21 =	vor.u32 v18, v21;
	v22 =	vshra.s32 v20, $0x7  }
0x42: {  	v20 =	vand.u32 $0x7F, v20;
	vm0 =	vge.s32 v22, v0;
	v23 =	vsub.s32 v22, v0  }
0x43: {  	vm1 =	vlt.s32 v22, v1;
	v20 =	vor.u32 v21, v20;
	v22 =	vshll.u32 v23, $0x15;
	s31 =	spop (v2sf)  }
0x44: {  	vm0 =	vmand vm0, vm1;
	v20 =	vor.u32 v22, v20;
	s0 =	sadd.s32 s1, s31  }
0x45: {  	[tilespmem:s0+$0x4000] =	vst.msk vm0, v20;
	v20 =	vmpcnt.ones.xlane vm0;
	_ =	sdelay $0x1  }
0x46: {  	(v2sf) =	vpush v20, $0x0;
	_ =	sdelay $0x4  }
0x47: {  	s24 =	simm.s32 $0x60  }
0x48: {  	v21 =	vld [tilespmem:s24+$0xFFFFFFE0];
	_ =	sdelay $0x3  }
0x49: {  	s23 =	simm.s32 $0x40  }
0x4a: {  	v22 =	vmov s23;
	v20 =	vshra.s32 v21, $0x7  }
0x4b: {  	v22 =	vshll.u32 v22, $0x7;
	vm0 =	vge.s32 v20, v0;
	vm1 =	vlt.s32 v20, v1  }
0x4c: {  	v22 =	vor.u32 v18, v22;
	v20 =	vsub.s32 v20, v0;
	vm0 =	vmand vm0, vm1  }
0x4d: {  	s25 =	simm.s32 $0x4;
	v21 =	vand.u32 $0x7F, v21;
	v20 =	vshll.u32 v20, $0x15;
	v23 =	vmpcnt.ones.xlane vm0  }
.LBB2_2:
0x4e: {  	s25 =	sadd.s32 $0x4, s25;
	v20 =	vadd.s32 v22, v20;
	s1 =	spop (v2sf)  }
0x4f: {  	p0 =	slt.u32 s25, $0x3FC;
	v20 =	vor.u32 v21, v20;
	(v2sf) =	vpush v23, $0x0;
	s0 =	sadd.s32 s0, s1  }
0x50: {  	[tilespmem:s0+$0x4000] =	vst.msk vm0, v20  }
0x51: {  	v20 =	vld [tilespmem:s24+$0xFFFFFFF0];
	_ =	sdelay $0x4  }
0x52: {  	v21 =	vshra.s32 v20, $0x7;
	v20 =	vand.u32 $0x7F, v20  }
0x53: {  	vm0 =	vge.s32 v21, v0;
	vm1 =	vlt.s32 v21, v1;
	v21 =	vsub.s32 v21, v0  }
0x54: {  	vm0 =	vmand vm0, vm1;
	v21 =	vshll.u32 v21, $0x15  }
0x55: {  	v22 =	vmpcnt.ones.xlane vm0  }
0x56: {  	s1 =	sadd.s32 $0x10, s23  }
0x57: {  	v23 =	vmov s1;
	(v2sf) =	vpush v22, $0x0  }
0x58: {  	v22 =	vshll.u32 v23, $0x7  }
0x59: {  	v22 =	vor.u32 v18, v22  }
0x5a: {  	v20 =	vor.u32 v22, v20;
	s1 =	spop (v2sf)  }
0x5b: {  	v20 =	vor.u32 v21, v20;
	s0 =	sadd.s32 s0, s1  }
0x5c: {  	[tilespmem:s0+$0x4000] =	vst.msk vm0, v20  }
0x5d: {  	v20 =	vld [tilespmem:s24+$0x0];
	_ =	sdelay $0x3  }
0x5e: {  	s1 =	sadd.s32 $0x20, s23  }
0x5f: {  	v22 =	vmov s1;
	v21 =	vshra.s32 v20, $0x7;
	v20 =	vand.u32 $0x7F, v20  }
0x60: {  	vm0 =	vge.s32 v21, v0;
	vm1 =	vlt.s32 v21, v1;
	v21 =	vsub.s32 v21, v0  }
0x61: {  	v22 =	vshll.u32 v22, $0x7;
	vm0 =	vmand vm0, vm1;
	v21 =	vshll.u32 v21, $0x15  }
0x62: {  	v22 =	vor.u32 v18, v22;
	v23 =	vmpcnt.ones.xlane vm0  }
0x63: {  	v20 =	vor.u32 v22, v20;
	s1 =	spop (v2sf)  }
0x64: {  	v20 =	vor.u32 v21, v20;
	s0 =	sadd.s32 s0, s1;
	(v2sf) =	vpush v23, $0x0  }
0x65: {  	[tilespmem:s0+$0x4000] =	vst.msk vm0, v20  }
0x66: {  	v20 =	vld [tilespmem:s24+$0x10];
	_ =	sdelay $0x4  }
0x67: {  	v21 =	vshra.s32 v20, $0x7;
	v20 =	vand.u32 $0x7F, v20  }
0x68: {  	vm0 =	vge.s32 v21, v0;
	vm1 =	vlt.s32 v21, v1;
	v21 =	vsub.s32 v21, v0  }
0x69: {  	vm0 =	vmand vm0, vm1;
	v21 =	vshll.u32 v21, $0x15  }
0x6a: {  	v22 =	vmpcnt.ones.xlane vm0  }
0x6b: {  	s1 =	sadd.s32 $0x30, s23  }
0x6c: {  	v23 =	vmov s1;
	(v2sf) =	vpush v22, $0x0  }
0x6d: {  	v22 =	vshll.u32 v23, $0x7  }
0x6e: {  	v22 =	vor.u32 v18, v22  }
0x6f: {  	v20 =	vor.u32 v22, v20;
	s1 =	spop (v2sf)  }
0x70: {  	v20 =	vor.u32 v21, v20;
	s0 =	sadd.s32 s0, s1  }
0x71: {  	s24 =	sadd.s32 $0x40, s24;
	[tilespmem:s0+$0x4000] =	vst.msk vm0, v20  }
0x72: {  	v21 =	vld [tilespmem:s24+$0xFFFFFFE0];
	_ =	sdelay $0x3  }
.Ltmp2:
0x73: {  	s23 =	sadd.s32 $0x40, s23;
	(pc) =	sbr.rel @p0 .LBB2_2-.Ltmp2, $4  }
0x74: {  	v22 =	vmov s23;
	v20 =	vshra.s32 v21, $0x7  }
0x75: {  	vm0 =	vge.s32 v20, v0;
	vm1 =	vlt.s32 v20, v1;
	v20 =	vsub.s32 v20, v0  }
0x76: {  	v22 =	vshll.u32 v22, $0x7;
	vm0 =	vmand vm0, vm1;
	v20 =	vshll.u32 v20, $0x15  }
0x77: {  	v22 =	vor.u32 v18, v22;
	v21 =	vand.u32 $0x7F, v21;
	v23 =	vmpcnt.ones.xlane vm0  }
0x78: {  	v20 =	vadd.s32 v22, v20;
	s1 =	spop (v2sf)  }
0x79: {  	v20 =	vor.u32 v21, v20;
	s0 =	sadd.s32 s0, s1  }
0x7a: {  	(v2sf) =	vpush v23, $0x0;
	[tilespmem:s0+$0x4000] =	vst.msk vm0, v20  }
0x7b: {  	v20 =	vld [tilespmem:s24+$0xFFFFFFF0];
	_ =	sdelay $0x4  }
0x7c: {  	v54 =	vshra.s32 v20, $0x7  }
0x7d: {  	vm11 =	vge.s32 v54, v0;
	vm1 =	vlt.s32 v54, v1  }
0x7e: {  	vm0 =	vmand vm11, vm1  }
0x7f: {  	v56 =	vmpcnt.ones.xlane vm0;
	_ =	sdelay $0x1  }
0x80: {  	s21 =	sadd.s32 $0x10, s23;
	(v2sf) =	vpush v56, $0x0  }
0x81: {  	v55 =	vmov s21  }
0x82: {  	v22 =	vshll.u32 v55, $0x7  }
0x83: {  	v22 =	vor.u32 v18, v22;
	v20 =	vand.u32 $0x7F, v20;
	v21 =	vsub.s32 v54, v0  }
0x84: {  	v20 =	vor.u32 v22, v20;
	v21 =	vshll.u32 v21, $0x15;
	s25 =	spop (v2sf)  }
0x85: {  	v20 =	vor.u32 v21, v20;
	s0 =	sadd.s32 s0, s25  }
0x86: {  	[tilespmem:s0+$0x4000] =	vst.msk vm0, v20  }
0x87: {  	v20 =	vld [tilespmem:s24+$0x0];
	_ =	sdelay $0x2  }
0x88: {  	s26 =	sadd.s32 $0x20, s23  }
0x89: {  	v59 =	vmov s26  }
0x8a: {  	v23 =	vshll.u32 v59, $0x7;
	v57 =	vshra.s32 v20, $0x7  }
0x8b: {  	v60 =	vor.u32 v18, v23;
	vm12 =	vge.s32 v57, v0;
	vm13 =	vlt.s32 v57, v1  }
0x8c: {  	v20 =	vand.u32 $0x7F, v20;
	v21 =	vsub.s32 v57, v0;
	vm0 =	vmand vm12, vm13  }
0x8d: {  	v20 =	vor.u32 v60, v20;
	v21 =	vshll.u32 v21, $0x15;
	v58 =	vmpcnt.ones.xlane vm0;
	s28 =	spop (v2sf)  }
0x8e: {  	v20 =	vor.u32 v21, v20;
	s0 =	sadd.s32 s0, s28  }
0x8f: {  	(v2sf) =	vpush v58, $0x0;
	[tilespmem:s0+$0x4000] =	vst.msk vm0, v20  }
0x90: {  	v20 =	vld [tilespmem:s24+$0x10];
	_ =	sdelay $0x4  }
0x91: {  	v61 =	vshra.s32 v20, $0x7  }
0x92: {  	vm14 =	vge.s32 v61, v0;
	vm15 =	vlt.s32 v61, v1  }
0x93: {  	vm0 =	vmand vm14, vm15  }
0x94: {  	v63 =	vmpcnt.ones.xlane vm0;
	_ =	sdelay $0x1  }
0x95: {  	s29 =	sadd.s32 $0x30, s23;
	(v2sf) =	vpush v63, $0x0  }
0x96: {  	v62 =	vmov s29  }
0x97: {  	v22 =	vshll.u32 v62, $0x7  }
0x98: {  	v22 =	vor.u32 v18, v22;
	v20 =	vand.u32 $0x7F, v20;
	v21 =	vsub.s32 v61, v0  }
0x99: {  	v20 =	vor.u32 v22, v20;
	v21 =	vshll.u32 v21, $0x15;
	s30 =	spop (v2sf)  }
0x9a: {  	v20 =	vor.u32 v21, v20;
	s0 =	sadd.s32 s0, s30  }
0x9b: {  	[tilespmem:s0+$0x4000] =	vst.msk vm0, v20  }
0x9c: {  	[tilespmem:$0xC100] =	vst v19  }
0x9d: {  	[tilespmem:$0xC110] =	vst v19  }
0x9e: {  	[tilespmem:$0xC120] =	vst v19  }
0x9f: {  	[tilespmem:$0xC130] =	vst v19  }
0xa0: {  	[tilespmem:$0xC140] =	vst v19  }
0xa1: {  	[tilespmem:$0xC150] =	vst v19  }
0xa2: {  	[tilespmem:$0xC160] =	vst v19  }
0xa3: {  	[tilespmem:$0xC170] =	vst v19  }
0xa4: {  	[tilespmem:$0xC180] =	vst v19;
	s31 =	spop (v2sf)  }
0xa5: {  	[tilespmem:$0xC190] =	vst v19;
	s23 =	sadd.s32 s0, s31  }
0xa6: {  	[tilespmem:$0xC1A0] =	vst v19;
	p0 =	slt.s32 s23, $0x1  }
.Ltmp3:
0xa7: {  	[tilespmem:$0xC1B0] =	vst v19;
	(pc) =	sbr.rel @p0 .LBB2_7-.Ltmp3, $4  }
0xa8: {  	[tilespmem:$0xC1C0] =	vst v19  }
0xa9: {  	[tilespmem:$0xC1D0] =	vst v19  }
0xaa: {  	[tilespmem:$0xC1E0] =	vst v19  }
0xab: {  	[tilespmem:$0xC1F0] =	vst v19  }
0xac: {  	s0 =	simm.s32 $0x4000  }
0xad: {  	v20 =	vld [tilespmem:s0+$0x0];
	_ =	sdelay $0x4  }
0xae: {  	(v2sf) =	vpush v20, $0x0;
	_ =	sdelay $0xe  }
0xaf: {  	s1 =	spop (v2sf)  }
0xb0: {  	s1 =	sshra.s32 s1, $0x15  }
0xb1: {  	p1 =	sgt.s32 s23, $0x1;
	v20 =	vld [tilespmem:s1+$0xC100]  }
.Ltmp4:
0xb2: {  	_ = 	snop;
	(pc) =	sbr.rel @!p1 .LBB2_6-.Ltmp4, $2  }
0xb3: {  	_ =	sdelay $0x2  }
0xb4: {  	s2 =	simm.s32 $0x1;
	v20 =	vadd.s32 $0x1, v20  }
.LBB2_5:
0xb5: {  	s2 =	sadd.s32 $0x1, s2;
	[tilespmem:s1+$0xC100] =	vst.msk $0x1, v20;
	s0 =	sadd.s32 $0x1, s0  }
0xb6: {  	v20 =	vld [tilespmem:s0+$0x0];
	p1 =	slt.s32 s2, s23;
	_ =	sdelay $0x4  }
0xb7: {  	(v2sf) =	vpush v20, $0x0;
	_ =	sdelay $0xe  }
0xb8: {  	s1 =	spop (v2sf)  }
0xb9: {  	s1 =	sshra.s32 s1, $0x15  }
0xba: {  	v20 =	vld [tilespmem:s1+$0xC100]  }
.Ltmp5:
0xbb: {  	(pc) =	sbr.rel @p1 .LBB2_5-.Ltmp5, $2  }
0xbc: {  	_ =	sdelay $0x2  }
0xbd: {  	v20 =	vadd.s32 $0x1, v20  }
.LBB2_6:
0xbe: {  	[tilespmem:s1+$0xC100] =	vst.msk $0x1, v20  }
.LBB2_7:
0xbf: {  	v21 =	vld [tilespmem:$0xC100];
	_ =	sdelay $0x4  }
0xc0: {  	(xrf0) =	vadd.scan.msk.s32 $0xffff, v21;
	_ =	sdelay $0x5  }
0xc1: {  	v20, _, _ =	vpop (xrf0)  }
0xc2: {  	v20 =	vsub.s32 v20, v21  }
0xc3: {  	(v2sf) =	vpush v20, $0xF  }
0xc4: {  	(v2sf) =	vpush v21, $0xF;
	_ =	sdelay $0x3  }
0xc5: {  	v48 =	vld [tilespmem:$0xC110];
	_ =	sdelay $0x4  }
0xc6: {  	(xrf0) =	vadd.scan.msk.s32 $0xffff, v48;
	_ =	sdelay $0x4  }
0xc7: {  	s0 =	spop (v2sf)  }
0xc8: {  	v22, _, _ =	vpop (xrf0);
	s1 =	spop (v2sf)  }
0xc9: {  	v22 =	vsub.s32 v22, v48;
	s0 =	sadd.s32 s1, s0  }
0xca: {  	v22 =	vadd.s32 s0, v22  }
0xcb: {  	(v2sf) =	vpush v22, $0xF  }
0xcc: {  	(v2sf) =	vpush v48, $0xF;
	_ =	sdelay $0x3  }
0xcd: {  	v49 =	vld [tilespmem:$0xC120];
	_ =	sdelay $0x4  }
0xce: {  	(xrf0) =	vadd.scan.msk.s32 $0xffff, v49;
	_ =	sdelay $0x4  }
0xcf: {  	s28 =	spop (v2sf)  }
0xd0: {  	v23, _, _ =	vpop (xrf0);
	s29 =	spop (v2sf)  }
0xd1: {  	v23 =	vsub.s32 v23, v49;
	s0 =	sadd.s32 s29, s28  }
0xd2: {  	v23 =	vadd.s32 s0, v23  }
0xd3: {  	(v2sf) =	vpush v23, $0xF  }
0xd4: {  	(v2sf) =	vpush v49, $0xF;
	_ =	sdelay $0x3  }
0xd5: {  	v50 =	vld [tilespmem:$0xC130];
	_ =	sdelay $0x4  }
0xd6: {  	(xrf0) =	vadd.scan.msk.s32 $0xffff, v50;
	_ =	sdelay $0x4  }
0xd7: {  	s30 =	spop (v2sf)  }
0xd8: {  	v24, _, _ =	vpop (xrf0);
	s31 =	spop (v2sf)  }
0xd9: {  	v24 =	vsub.s32 v24, v50;
	s0 =	sadd.s32 s31, s30  }
0xda: {  	v24 =	vadd.s32 s0, v24  }
0xdb: {  	(v2sf) =	vpush v24, $0xF  }
0xdc: {  	(v2sf) =	vpush v50, $0xF;
	_ =	sdelay $0x3  }
0xdd: {  	v51 =	vld [tilespmem:$0xC140];
	_ =	sdelay $0x4  }
0xde: {  	(xrf0) =	vadd.scan.msk.s32 $0xffff, v51;
	_ =	sdelay $0x4  }
0xdf: {  	s1 =	spop (v2sf)  }
0xe0: {  	v25, _, _ =	vpop (xrf0);
	s2 =	spop (v2sf)  }
0xe1: {  	v25 =	vsub.s32 v25, v51;
	s0 =	sadd.s32 s2, s1  }
0xe2: {  	v25 =	vadd.s32 s0, v25  }
0xe3: {  	(v2sf) =	vpush v25, $0xF  }
0xe4: {  	(v2sf) =	vpush v51, $0xF;
	_ =	sdelay $0x3  }
0xe5: {  	v52 =	vld [tilespmem:$0xC150];
	_ =	sdelay $0x4  }
0xe6: {  	(xrf0) =	vadd.scan.msk.s32 $0xffff, v52;
	_ =	sdelay $0x4  }
0xe7: {  	s8 =	spop (v2sf)  }
0xe8: {  	v26, _, _ =	vpop (xrf0);
	s20 =	spop (v2sf)  }
0xe9: {  	v26 =	vsub.s32 v26, v52;
	s0 =	sadd.s32 s20, s8  }
0xea: {  	v26 =	vadd.s32 s0, v26  }
0xeb: {  	(v2sf) =	vpush v26, $0xF  }
0xec: {  	(v2sf) =	vpush v52, $0xF;
	_ =	sdelay $0x3  }
0xed: {  	v53 =	vld [tilespmem:$0xC160];
	_ =	sdelay $0x4  }
0xee: {  	(xrf0) =	vadd.scan.msk.s32 $0xffff, v53;
	_ =	sdelay $0x4  }
0xef: {  	s21 =	spop (v2sf)  }
0xf0: {  	v27, _, _ =	vpop (xrf0);
	s24 =	spop (v2sf)  }
0xf1: {  	v27 =	vsub.s32 v27, v53;
	s0 =	sadd.s32 s24, s21  }
0xf2: {  	v27 =	vadd.s32 s0, v27  }
0xf3: {  	(v2sf) =	vpush v27, $0xF  }
0xf4: {  	(v2sf) =	vpush v53, $0xF;
	_ =	sdelay $0x3  }
0xf5: {  	v54 =	vld [tilespmem:$0xC170];
	_ =	sdelay $0x4  }
0xf6: {  	(xrf0) =	vadd.scan.msk.s32 $0xffff, v54;
	_ =	sdelay $0x4  }
0xf7: {  	s25 =	spop (v2sf)  }
0xf8: {  	v28, _, _ =	vpop (xrf0);
	s26 =	spop (v2sf)  }
0xf9: {  	v28 =	vsub.s32 v28, v54;
	s0 =	sadd.s32 s26, s25  }
0xfa: {  	v28 =	vadd.s32 s0, v28  }
0xfb: {  	(v2sf) =	vpush v28, $0xF  }
0xfc: {  	(v2sf) =	vpush v54, $0xF;
	_ =	sdelay $0x3  }
0xfd: {  	v55 =	vld [tilespmem:$0xC180];
	_ =	sdelay $0x4  }
0xfe: {  	(xrf0) =	vadd.scan.msk.s32 $0xffff, v55;
	_ =	sdelay $0x4  }
0xff: {  	s28 =	spop (v2sf)  }
0x100: {  	v29, _, _ =	vpop (xrf0);
	s29 =	spop (v2sf)  }
0x101: {  	v29 =	vsub.s32 v29, v55;
	s0 =	sadd.s32 s29, s28  }
0x102: {  	v29 =	vadd.s32 s0, v29  }
0x103: {  	(v2sf) =	vpush v29, $0xF  }
0x104: {  	(v2sf) =	vpush v55, $0xF;
	_ =	sdelay $0x3  }
0x105: {  	v56 =	vld [tilespmem:$0xC190];
	_ =	sdelay $0x4  }
0x106: {  	(xrf0) =	vadd.scan.msk.s32 $0xffff, v56;
	_ =	sdelay $0x4  }
0x107: {  	s30 =	spop (v2sf)  }
0x108: {  	v30, _, _ =	vpop (xrf0);
	s31 =	spop (v2sf)  }
0x109: {  	v30 =	vsub.s32 v30, v56;
	s0 =	sadd.s32 s31, s30  }
0x10a: {  	v30 =	vadd.s32 s0, v30  }
0x10b: {  	(v2sf) =	vpush v30, $0xF  }
0x10c: {  	(v2sf) =	vpush v56, $0xF;
	_ =	sdelay $0x3  }
0x10d: {  	v57 =	vld [tilespmem:$0xC1A0];
	_ =	sdelay $0x4  }
0x10e: {  	(xrf0) =	vadd.scan.msk.s32 $0xffff, v57;
	_ =	sdelay $0x4  }
0x10f: {  	s1 =	spop (v2sf)  }
0x110: {  	v31, _, _ =	vpop (xrf0);
	s2 =	spop (v2sf)  }
0x111: {  	v31 =	vsub.s32 v31, v57;
	s0 =	sadd.s32 s2, s1  }
0x112: {  	v31 =	vadd.s32 s0, v31  }
0x113: {  	(v2sf) =	vpush v31, $0xF  }
0x114: {  	(v2sf) =	vpush v57, $0xF;
	_ =	sdelay $0x3  }
0x115: {  	v58 =	vld [tilespmem:$0xC1B0];
	_ =	sdelay $0x4  }
0x116: {  	(xrf0) =	vadd.scan.msk.s32 $0xffff, v58;
	_ =	sdelay $0x4  }
0x117: {  	s8 =	spop (v2sf)  }
0x118: {  	v32, _, _ =	vpop (xrf0);
	s20 =	spop (v2sf)  }
0x119: {  	v32 =	vsub.s32 v32, v58;
	s0 =	sadd.s32 s20, s8  }
0x11a: {  	v32 =	vadd.s32 s0, v32  }
0x11b: {  	(v2sf) =	vpush v32, $0xF  }
0x11c: {  	(v2sf) =	vpush v58, $0xF;
	_ =	sdelay $0x3  }
0x11d: {  	v59 =	vld [tilespmem:$0xC1C0];
	_ =	sdelay $0x4  }
0x11e: {  	(xrf0) =	vadd.scan.msk.s32 $0xffff, v59;
	_ =	sdelay $0x4  }
0x11f: {  	s21 =	spop (v2sf)  }
0x120: {  	v33, _, _ =	vpop (xrf0);
	s24 =	spop (v2sf)  }
0x121: {  	v33 =	vsub.s32 v33, v59;
	s0 =	sadd.s32 s24, s21  }
0x122: {  	v33 =	vadd.s32 s0, v33  }
0x123: {  	(v2sf) =	vpush v33, $0xF  }
0x124: {  	(v2sf) =	vpush v59, $0xF;
	_ =	sdelay $0x3  }
0x125: {  	v60 =	vld [tilespmem:$0xC1D0];
	_ =	sdelay $0x4  }
0x126: {  	(xrf0) =	vadd.scan.msk.s32 $0xffff, v60;
	_ =	sdelay $0x4  }
0x127: {  	s25 =	spop (v2sf)  }
0x128: {  	v34, _, _ =	vpop (xrf0);
	s26 =	spop (v2sf)  }
0x129: {  	v34 =	vsub.s32 v34, v60;
	s0 =	sadd.s32 s26, s25  }
0x12a: {  	v34 =	vadd.s32 s0, v34  }
0x12b: {  	(v2sf) =	vpush v34, $0xF  }
0x12c: {  	(v2sf) =	vpush v60, $0xF;
	_ =	sdelay $0x3  }
0x12d: {  	v61 =	vld [tilespmem:$0xC1E0];
	_ =	sdelay $0x2  }
0x12e: {  	[tilespmem:$0xC280] =	vst v20  }
0x12f: {  	[tilespmem:$0xC400] =	vst v20  }
0x130: {  	[tilespmem:$0xC290] =	vst v22;
	(xrf0) =	vadd.scan.msk.s32 $0xffff, v61  }
0x131: {  	[tilespmem:$0xC410] =	vst v22  }
0x132: {  	[tilespmem:$0xC2A0] =	vst v23  }
0x133: {  	[tilespmem:$0xC420] =	vst v23  }
0x134: {  	[tilespmem:$0xC2B0] =	vst v24  }
0x135: {  	[tilespmem:$0xC430] =	vst v24;
	s28 =	spop (v2sf)  }
0x136: {  	[tilespmem:$0xC2C0] =	vst v25;
	v20, _, _ =	vpop (xrf0);
	s29 =	spop (v2sf)  }
0x137: {  	[tilespmem:$0xC440] =	vst v25;
	v20 =	vsub.s32 v20, v61;
	s0 =	sadd.s32 s29, s28  }
0x138: {  	[tilespmem:$0xC2D0] =	vst v26;
	v20 =	vadd.s32 s0, v20  }
0x139: {  	[tilespmem:$0xC450] =	vst v26;
	(v2sf) =	vpush v20, $0xF  }
0x13a: {  	[tilespmem:$0xC2E0] =	vst v27;
	(v2sf) =	vpush v61, $0xF  }
0x13b: {  	[tilespmem:$0xC460] =	vst v27  }
0x13c: {  	[tilespmem:$0xC2F0] =	vst v28  }
0x13d: {  	[tilespmem:$0xC470] =	vst v28  }
0x13e: {  	v62 =	vld [tilespmem:$0xC1F0];
	[tilespmem:$0xC300] =	vst v29  }
0x13f: {  	[tilespmem:$0xC480] =	vst v29  }
0x140: {  	[tilespmem:$0xC310] =	vst v30  }
0x141: {  	[tilespmem:$0xC490] =	vst v30  }
0x142: {  	[tilespmem:$0xC320] =	vst v31  }
0x143: {  	(xrf0) =	vadd.scan.msk.s32 $0xffff, v62;
	[tilespmem:$0xC4A0] =	vst v31  }
0x144: {  	[tilespmem:$0xC330] =	vst v32  }
0x145: {  	[tilespmem:$0xC4B0] =	vst v32  }
0x146: {  	[tilespmem:$0xC340] =	vst v33  }
0x147: {  	[tilespmem:$0xC4C0] =	vst v33  }
0x148: {  	[tilespmem:$0xC350] =	vst v34;
	s30 =	spop (v2sf)  }
.Ltmp6:
0x149: {  	v63, _, _ =	vpop (xrf0);
	[tilespmem:$0xC4D0] =	vst v34;
	s31 =	spop (v2sf);
	(pc) =	sbr.rel @p0 .LBB2_11-.Ltmp6, $4  }
0x14a: {  	v21 =	vsub.s32 v63, v62;
	[tilespmem:$0xC360] =	vst v20;
	s0 =	sadd.s32 s31, s30  }
0x14b: {  	[tilespmem:$0xC4E0] =	vst v20;
	v20 =	vadd.s32 s0, v21  }
0x14c: {  	[tilespmem:$0xC370] =	vst v20  }
0x14d: {  	[tilespmem:$0xC4F0] =	vst v20  }
0x14e: {  	s0 =	simm.s32 $0x4000  }
0x14f: {  	v20 =	vld [tilespmem:s0+$0x0];
	_ =	sdelay $0x4  }
0x150: {  	(v2sf) =	vpush v20, $0x0;
	_ =	sdelay $0xe  }
0x151: {  	s1 =	spop (v2sf)  }
0x152: {  	s20 =	sshra.s32 s1, $0x15  }
0x153: {  	v21 =	vld [tilespmem:s20+$0xC400];
	_ =	sdelay $0x4  }
0x154: {  	(v2sf) =	vpush v21, $0x0;
	_ =	sdelay $0xc  }
0x155: {  	p0 =	sgt.s32 s23, $0x1  }
.Ltmp7:
0x156: {  	_ = 	snop;
	(pc) =	sbr.rel @!p0 .LBB2_10-.Ltmp7, $4  }
0x157: {  	s1 =	spop (v2sf)  }
0x158: {  	s2 =	sadd.s32 $0x1, s1  }
0x159: {  	v21 =	vmov s2  }
0x15a: {  	s2 =	simm.s32 $0x1;
	[tilespmem:s20+$0xC400] =	vst.msk $0x1, v21  }
.LBB2_9:
0x15b: {  	s2 =	sadd.s32 $0x1, s2;
	[tilespmem:s1+$0x8080] =	vst.msk $0x1, v20;
	s0 =	sadd.s32 $0x1, s0  }
0x15c: {  	v20 =	vld [tilespmem:s0+$0x0];
	p0 =	slt.s32 s2, s23;
	_ =	sdelay $0x4  }
0x15d: {  	(v2sf) =	vpush v20, $0x0;
	_ =	sdelay $0xe  }
0x15e: {  	s1 =	spop (v2sf)  }
0x15f: {  	s20 =	sshra.s32 s1, $0x15  }
0x160: {  	v21 =	vld [tilespmem:s20+$0xC400];
	_ =	sdelay $0x4  }
0x161: {  	(v2sf) =	vpush v21, $0x0;
	_ =	sdelay $0xd  }
.Ltmp8:
0x162: {  	(pc) =	sbr.rel @p0 .LBB2_9-.Ltmp8, $4  }
0x163: {  	s1 =	spop (v2sf)  }
0x164: {  	s21 =	sadd.s32 $0x1, s1  }
0x165: {  	v21 =	vmov s21  }
0x166: {  	[tilespmem:s20+$0xC400] =	vst.msk $0x1, v21  }
.LBB2_10:
0x167: {  	[tilespmem:s1+$0x8080] =	vst.msk $0x1, v20  }
.LBB2_11:
0x168: {  	v20 =	vld [tilespmem:$0xC100];
	_ =	sdelay $0x4  }
0x169: {  	s0 =	simm.s32 $0xC580;
	vm0 =	vgt.s32 v20, $0x0  }
0x16a: {  	[tilespmem:s0+$0x0] =	vst.msk vm0, v2  }
0x16b: {  	v21 =	vmpcnt.ones.xlane vm0;
	v20 =	vld [tilespmem:$0xC280];
	_ =	sdelay $0x1  }
0x16c: {  	(v2sf) =	vpush v21, $0x0;
	_ =	sdelay $0x2  }
0x16d: {  	[tilespmem:s9+$0x0] =	vst.msk vm0, v20  }
0x16e: {  	v20 =	vld [tilespmem:$0xC400];
	_ =	sdelay $0x4  }
0x16f: {  	[tilespmem:s10+$0x0] =	vst.msk vm0, v20  }
0x170: {  	v20 =	vld [tilespmem:$0xC110];
	_ =	sdelay $0x4  }
0x171: {  	s29 =	spop (v2sf);
	vm13 =	vgt.s32 v20, $0x0  }
0x172: {  	[tilespmem:s29+$0xC580] =	vst.msk vm13, v3;
	v20 =	vmpcnt.ones.xlane vm13  }
0x173: {  	v62 =	vld [tilespmem:$0xC290]  }
0x174: {  	(v2sf) =	vpush v20, $0x0;
	_ =	sdelay $0x3  }
0x175: {  	[tilespmem:s29+$0xC700] =	vst.msk vm13, v62  }
0x176: {  	v20 =	vld [tilespmem:$0xC410];
	_ =	sdelay $0x4  }
0x177: {  	[tilespmem:s29+$0xC880] =	vst.msk vm13, v20  }
0x178: {  	v20 =	vld [tilespmem:$0xC120];
	_ =	sdelay $0x3  }
0x179: {  	s1 =	spop (v2sf)  }
0x17a: {  	s0 =	sadd.s32 s29, s1;
	vm14 =	vgt.s32 v20, $0x0  }
0x17b: {  	[tilespmem:s0+$0xC580] =	vst.msk vm14, v4;
	v20 =	vmpcnt.ones.xlane vm14  }
0x17c: {  	v21 =	vld [tilespmem:$0xC2A0]  }
0x17d: {  	(v2sf) =	vpush v20, $0x0;
	_ =	sdelay $0x3  }
0x17e: {  	[tilespmem:s0+$0xC700] =	vst.msk vm14, v21  }
0x17f: {  	v20 =	vld [tilespmem:$0xC420];
	_ =	sdelay $0x4  }
0x180: {  	[tilespmem:s0+$0xC880] =	vst.msk vm14, v20  }
0x181: {  	v20 =	vld [tilespmem:$0xC130];
	_ =	sdelay $0x3  }
0x182: {  	s30 =	spop (v2sf)  }
0x183: {  	s0 =	sadd.s32 s0, s30;
	vm15 =	vgt.s32 v20, $0x0  }
0x184: {  	[tilespmem:s0+$0xC580] =	vst.msk vm15, v5;
	v20 =	vmpcnt.ones.xlane vm15  }
0x185: {  	v21 =	vld [tilespmem:$0xC2B0]  }
0x186: {  	(v2sf) =	vpush v20, $0x0;
	_ =	sdelay $0x3  }
0x187: {  	[tilespmem:s0+$0xC700] =	vst.msk vm15, v21  }
0x188: {  	v20 =	vld [tilespmem:$0xC430];
	_ =	sdelay $0x4  }
0x189: {  	[tilespmem:s0+$0xC880] =	vst.msk vm15, v20  }
0x18a: {  	v20 =	vld [tilespmem:$0xC140];
	_ =	sdelay $0x3  }
0x18b: {  	s31 =	spop (v2sf)  }
0x18c: {  	s0 =	sadd.s32 s0, s31;
	vm4 =	vgt.s32 v20, $0x0  }
0x18d: {  	[tilespmem:s0+$0xC580] =	vst.msk vm4, v6;
	v20 =	vmpcnt.ones.xlane vm4  }
0x18e: {  	v21 =	vld [tilespmem:$0xC2C0]  }
0x18f: {  	(v2sf) =	vpush v20, $0x0;
	_ =	sdelay $0x3  }
0x190: {  	[tilespmem:s0+$0xC700] =	vst.msk vm4, v21  }
0x191: {  	v20 =	vld [tilespmem:$0xC440];
	_ =	sdelay $0x4  }
0x192: {  	[tilespmem:s0+$0xC880] =	vst.msk vm4, v20  }
0x193: {  	v20 =	vld [tilespmem:$0xC150];
	_ =	sdelay $0x3  }
0x194: {  	s2 =	spop (v2sf)  }
0x195: {  	s0 =	sadd.s32 s0, s2;
	vm5 =	vgt.s32 v20, $0x0  }
0x196: {  	[tilespmem:s0+$0xC580] =	vst.msk vm5, v7;
	v20 =	vmpcnt.ones.xlane vm5  }
0x197: {  	v21 =	vld [tilespmem:$0xC2D0]  }
0x198: {  	(v2sf) =	vpush v20, $0x0;
	_ =	sdelay $0x3  }
0x199: {  	[tilespmem:s0+$0xC700] =	vst.msk vm5, v21  }
0x19a: {  	v20 =	vld [tilespmem:$0xC450];
	_ =	sdelay $0x4  }
0x19b: {  	[tilespmem:s0+$0xC880] =	vst.msk vm5, v20  }
0x19c: {  	v20 =	vld [tilespmem:$0xC160];
	_ =	sdelay $0x3  }
0x19d: {  	s8 =	spop (v2sf)  }
0x19e: {  	s0 =	sadd.s32 s0, s8;
	vm6 =	vgt.s32 v20, $0x0  }
0x19f: {  	[tilespmem:s0+$0xC580] =	vst.msk vm6, v8;
	v20 =	vmpcnt.ones.xlane vm6  }
0x1a0: {  	v21 =	vld [tilespmem:$0xC2E0]  }
0x1a1: {  	(v2sf) =	vpush v20, $0x0;
	_ =	sdelay $0x3  }
0x1a2: {  	[tilespmem:s0+$0xC700] =	vst.msk vm6, v21  }
0x1a3: {  	v20 =	vld [tilespmem:$0xC460];
	_ =	sdelay $0x4  }
0x1a4: {  	[tilespmem:s0+$0xC880] =	vst.msk vm6, v20  }
0x1a5: {  	v20 =	vld [tilespmem:$0xC170];
	_ =	sdelay $0x3  }
0x1a6: {  	s20 =	spop (v2sf)  }
0x1a7: {  	s0 =	sadd.s32 s0, s20;
	vm7 =	vgt.s32 v20, $0x0  }
0x1a8: {  	[tilespmem:s0+$0xC580] =	vst.msk vm7, v9;
	v20 =	vmpcnt.ones.xlane vm7  }
0x1a9: {  	v21 =	vld [tilespmem:$0xC2F0]  }
0x1aa: {  	(v2sf) =	vpush v20, $0x0;
	_ =	sdelay $0x3  }
0x1ab: {  	[tilespmem:s0+$0xC700] =	vst.msk vm7, v21  }
0x1ac: {  	v20 =	vld [tilespmem:$0xC470];
	_ =	sdelay $0x4  }
0x1ad: {  	[tilespmem:s0+$0xC880] =	vst.msk vm7, v20  }
0x1ae: {  	v20 =	vld [tilespmem:$0xC180];
	_ =	sdelay $0x3  }
0x1af: {  	s21 =	spop (v2sf)  }
0x1b0: {  	s0 =	sadd.s32 s0, s21;
	vm8 =	vgt.s32 v20, $0x0  }
0x1b1: {  	[tilespmem:s0+$0xC580] =	vst.msk vm8, v10;
	v20 =	vmpcnt.ones.xlane vm8  }
0x1b2: {  	v21 =	vld [tilespmem:$0xC300]  }
0x1b3: {  	(v2sf) =	vpush v20, $0x0;
	_ =	sdelay $0x3  }
0x1b4: {  	[tilespmem:s0+$0xC700] =	vst.msk vm8, v21  }
0x1b5: {  	v20 =	vld [tilespmem:$0xC480];
	_ =	sdelay $0x4  }
0x1b6: {  	[tilespmem:s0+$0xC880] =	vst.msk vm8, v20  }
0x1b7: {  	v20 =	vld [tilespmem:$0xC190];
	_ =	sdelay $0x3  }
0x1b8: {  	s23 =	spop (v2sf)  }
0x1b9: {  	s0 =	sadd.s32 s0, s23;
	vm9 =	vgt.s32 v20, $0x0  }
0x1ba: {  	[tilespmem:s0+$0xC580] =	vst.msk vm9, v11;
	v20 =	vmpcnt.ones.xlane vm9  }
0x1bb: {  	v21 =	vld [tilespmem:$0xC310]  }
0x1bc: {  	(v2sf) =	vpush v20, $0x0;
	_ =	sdelay $0x3  }
0x1bd: {  	[tilespmem:s0+$0xC700] =	vst.msk vm9, v21  }
0x1be: {  	v20 =	vld [tilespmem:$0xC490];
	_ =	sdelay $0x4  }
0x1bf: {  	[tilespmem:s0+$0xC880] =	vst.msk vm9, v20  }
0x1c0: {  	v20 =	vld [tilespmem:$0xC1A0];
	_ =	sdelay $0x3  }
0x1c1: {  	s24 =	spop (v2sf)  }
0x1c2: {  	s0 =	sadd.s32 s0, s24;
	vm10 =	vgt.s32 v20, $0x0  }
0x1c3: {  	[tilespmem:s0+$0xC580] =	vst.msk vm10, v12;
	v20 =	vmpcnt.ones.xlane vm10  }
0x1c4: {  	v21 =	vld [tilespmem:$0xC320]  }
0x1c5: {  	(v2sf) =	vpush v20, $0x0;
	_ =	sdelay $0x3  }
0x1c6: {  	[tilespmem:s0+$0xC700] =	vst.msk vm10, v21  }
0x1c7: {  	v20 =	vld [tilespmem:$0xC4A0];
	_ =	sdelay $0x4  }
0x1c8: {  	[tilespmem:s0+$0xC880] =	vst.msk vm10, v20  }
0x1c9: {  	v20 =	vld [tilespmem:$0xC1B0];
	_ =	sdelay $0x3  }
0x1ca: {  	s25 =	spop (v2sf)  }
0x1cb: {  	s0 =	sadd.s32 s0, s25;
	vm11 =	vgt.s32 v20, $0x0  }
0x1cc: {  	[tilespmem:s0+$0xC580] =	vst.msk vm11, v13;
	v20 =	vmpcnt.ones.xlane vm11  }
0x1cd: {  	v21 =	vld [tilespmem:$0xC330]  }
0x1ce: {  	(v2sf) =	vpush v20, $0x0;
	_ =	sdelay $0x3  }
0x1cf: {  	[tilespmem:s0+$0xC700] =	vst.msk vm11, v21  }
0x1d0: {  	v20 =	vld [tilespmem:$0xC4B0];
	_ =	sdelay $0x4  }
0x1d1: {  	[tilespmem:s0+$0xC880] =	vst.msk vm11, v20  }
0x1d2: {  	v20 =	vld [tilespmem:$0xC1C0];
	_ =	sdelay $0x3  }
0x1d3: {  	s26 =	spop (v2sf)  }
0x1d4: {  	s0 =	sadd.s32 s0, s26;
	vm12 =	vgt.s32 v20, $0x0  }
0x1d5: {  	[tilespmem:s0+$0xC580] =	vst.msk vm12, v14;
	v20 =	vmpcnt.ones.xlane vm12  }
0x1d6: {  	v21 =	vld [tilespmem:$0xC340]  }
0x1d7: {  	(v2sf) =	vpush v20, $0x0;
	_ =	sdelay $0x3  }
0x1d8: {  	[tilespmem:s0+$0xC700] =	vst.msk vm12, v21  }
0x1d9: {  	v20 =	vld [tilespmem:$0xC4C0];
	_ =	sdelay $0x4  }
0x1da: {  	[tilespmem:s0+$0xC880] =	vst.msk vm12, v20  }
0x1db: {  	v20 =	vld [tilespmem:$0xC1D0];
	_ =	sdelay $0x3  }
0x1dc: {  	s28 =	spop (v2sf)  }
0x1dd: {  	s0 =	sadd.s32 s0, s28;
	vm13 =	vgt.s32 v20, $0x0  }
0x1de: {  	[tilespmem:s0+$0xC580] =	vst.msk vm13, v15;
	v20 =	vmpcnt.ones.xlane vm13  }
0x1df: {  	v21 =	vld [tilespmem:$0xC350]  }
0x1e0: {  	(v2sf) =	vpush v20, $0x0;
	_ =	sdelay $0x3  }
0x1e1: {  	[tilespmem:s0+$0xC700] =	vst.msk vm13, v21  }
0x1e2: {  	v20 =	vld [tilespmem:$0xC4D0];
	_ =	sdelay $0x4  }
0x1e3: {  	[tilespmem:s0+$0xC880] =	vst.msk vm13, v20  }
0x1e4: {  	v20 =	vld [tilespmem:$0xC1E0];
	_ =	sdelay $0x3  }
0x1e5: {  	s29 =	spop (v2sf)  }
0x1e6: {  	s0 =	sadd.s32 s0, s29;
	vm14 =	vgt.s32 v20, $0x0  }
0x1e7: {  	[tilespmem:s0+$0xC580] =	vst.msk vm14, v16  }
0x1e8: {  	v20 =	vld [tilespmem:$0xC360];
	_ =	sdelay $0x4  }
0x1e9: {  	[tilespmem:s0+$0xC700] =	vst.msk vm14, v20  }
0x1ea: {  	v63 =	vmpcnt.ones.xlane vm14;
	v20 =	vld [tilespmem:$0xC4E0];
	_ =	sdelay $0x1  }
0x1eb: {  	(v2sf) =	vpush v63, $0x0;
	_ =	sdelay $0x2  }
0x1ec: {  	[tilespmem:s0+$0xC880] =	vst.msk vm14, v20  }
0x1ed: {  	v20 =	vld [tilespmem:$0xC1F0];
	_ =	sdelay $0x4  }
0x1ee: {  	vm15 =	vgt.s32 v20, $0x0  }
0x1ef: {  	v20 =	vmpcnt.ones.xlane vm15;
	_ =	sdelay $0x1  }
0x1f0: {  	(v2sf) =	vpush v20, $0x0;
	_ =	sdelay $0x2  }
0x1f1: {  	s30 =	spop (v2sf)  }
0x1f2: {  	s0 =	sadd.s32 s0, s30  }
0x1f3: {  	[tilespmem:s0+$0xC580] =	vst.msk vm15, v17  }
0x1f4: {  	v20 =	vld [tilespmem:$0xC370];
	_ =	sdelay $0x4  }
0x1f5: {  	[tilespmem:s0+$0xC700] =	vst.msk vm15, v20  }
0x1f6: {  	v20 =	vld [tilespmem:$0xC4F0];
	_ =	sdelay $0x2  }
0x1f7: {  	s31 =	spop (v2sf)  }
0x1f8: {  	s23 =	sadd.s32 s0, s31  }
0x1f9: {  	[tilespmem:s0+$0xC880] =	vst.msk vm15, v20;
	p0 =	slt.s32 s23, $0x1  }
0x1fa: {  	v20 =	vld @!p0 [tilespmem:$0xC580];
	_ =	sdelay $0x4  }
0x1fb: {  	(v2sf) =	vpush @!p0 v20, $0x0;
	_ =	sdelay $0xe  }
0x1fc: {  	s0 =	spop @!p0 (v2sf)  }
0x1fd: {  	s1 =	simm.s32 @!p0 $0x400;
	s0 =	sshll.u32 @!p0 s0, $0x7  }
0x1fe: {  	s2 =	simm.s32 @!p0 $0x7A1400;
	s0 =	sand.u32 @!p0 $0x1FFFFF80, s0  }
0x1ff: {  	s20 =	simm.s32 @!p0 $0xCA00;
	p1 =	seq.s32 @!p0 s23, $0x1;
	s0 =	sadd.s32 @!p0 s3, s0  }
0x200: {  	[tilespmem:s20], [sflag:$0x2] =	stream.strided.gather @!p0 [hbm4b:s0+s1], $0x2000, s2, s1, $0x38;
	[tilespmem:$0x1EA00] =	vst v63  }
0x201: {  	p0 =	por p0, p1  }
0x202: {  	v20 =	vld @!p0 [tilespmem:$0xC581];
	_ =	sdelay $0x4  }
0x203: {  	(v2sf) =	vpush @!p0 v20, $0x0;
	_ =	sdelay $0xe  }
0x204: {  	s0 =	spop @!p0 (v2sf)  }
0x205: {  	s1 =	simm.s32 @!p0 $0x400;
	s0 =	sshll.u32 @!p0 s0, $0x7  }
0x206: {  	s2 =	simm.s32 @!p0 $0x7A1400;
	s0 =	sand.u32 @!p0 $0x1FFFFF80, s0  }
0x207: {  	s20 =	simm.s32 @!p0 $0xEA00;
	p1 =	slt.u32 @!p0 s23, $0x3;
	s0 =	sadd.s32 @!p0 s3, s0  }
0x208: {  	[tilespmem:s20], [sflag:$0x3] =	stream.strided.gather @!p0 [hbm4b:s0+s1], $0x2000, s2, s1, $0x38;
	[tilespmem:$0x1EA00] =	vst v63  }
0x209: {  	p0 =	por p0, p1  }
0x20a: {  	v20 =	vld @!p0 [tilespmem:$0xC582];
	_ =	sdelay $0x4  }
0x20b: {  	(v2sf) =	vpush @!p0 v20, $0x0;
	_ =	sdelay $0xe  }
0x20c: {  	s0 =	spop @!p0 (v2sf)  }
0x20d: {  	s1 =	simm.s32 @!p0 $0x400;
	s0 =	sshll.u32 @!p0 s0, $0x7  }
0x20e: {  	s2 =	simm.s32 @!p0 $0x7A1400;
	s0 =	sand.u32 @!p0 $0x1FFFFF80, s0  }
0x20f: {  	s20 =	simm.s32 @!p0 $0x10A00;
	p1 =	seq.s32 @!p0 s23, $0x3;
	s0 =	sadd.s32 @!p0 s3, s0  }
0x210: {  	[tilespmem:s20], [sflag:$0x4] =	stream.strided.gather @!p0 [hbm4b:s0+s1], $0x2000, s2, s1, $0x38;
	[tilespmem:$0x1EA00] =	vst v63  }
0x211: {  	p0 =	por p0, p1  }
.Ltmp9:
0x212: {  	_ = 	snop;
	(pc) =	sbr.rel @p0 .LBB2_13-.Ltmp9, $1  }
0x213: {  	_ =	sdelay $0x3  }
0x214: {  	v20 =	vld [tilespmem:$0xC583];
	_ =	sdelay $0x4  }
0x215: {  	(v2sf) =	vpush v20, $0x0;
	_ =	sdelay $0xe  }
0x216: {  	s0 =	spop (v2sf)  }
0x217: {  	s0 =	sshll.u32 s0, $0x7  }
0x218: {  	s1 =	simm.s32 $0x400;
	s0 =	sand.u32 $0x1FFFFF80, s0  }
0x219: {  	s2 =	simm.s32 $0x7A1400;
	p0 =	slt.u32 s23, $0x5;
	s0 =	sadd.s32 s3, s0  }
0x21a: {  	[tilespmem:s14], [sflag:$0x5] =	stream.strided.gather [hbm4b:s0+s1], $0x2000, s2, s1, $0x38;
	[tilespmem:$0x1EA00] =	vst v63  }
0x21b: {  	v20 =	vld @!p0 [tilespmem:$0xC584];
	_ =	sdelay $0x4  }
0x21c: {  	(v2sf) =	vpush @!p0 v20, $0x0;
	_ =	sdelay $0xe  }
0x21d: {  	s0 =	spop @!p0 (v2sf)  }
0x21e: {  	p1 =	seq.s32 @!p0 s23, $0x5;
	s0 =	sshll.u32 @!p0 s0, $0x7  }
0x21f: {  	s20 =	simm.s32 @!p0 $0x14A00;
	p2 =	por p1, p0;
	s0 =	sand.u32 @!p0 $0x1FFFFF80, s0  }
0x220: {  	s1 =	simm.s32 @!p0 $0x400;
	s2 =	simm.s32 @!p0 $0x7A1400;
	s0 =	sadd.s32 @!p0 s3, s0  }
0x221: {  	[tilespmem:s20], [sflag:$0x6] =	stream.strided.gather @!p0 [hbm4b:s0+s1], $0x2000, s2, s1, $0x38;
	[tilespmem:$0x1EA00] =	vst v63  }
0x222: {  	v20 =	vld @!p2 [tilespmem:$0xC585];
	_ =	sdelay $0x4  }
0x223: {  	(v2sf) =	vpush @!p2 v20, $0x0;
	_ =	sdelay $0xe  }
0x224: {  	s0 =	spop @!p2 (v2sf)  }
0x225: {  	s0 =	sshll.u32 @!p2 s0, $0x7  }
0x226: {  	s1 =	simm.s32 @!p2 $0x400;
	s0 =	sand.u32 @!p2 $0x1FFFFF80, s0  }
0x227: {  	s2 =	simm.s32 @!p2 $0x7A1400;
	s20 =	simm.s32 @!p2 $0x16A00;
	s0 =	sadd.s32 @!p2 s3, s0  }
0x228: {  	[tilespmem:s20], [sflag:$0x7] =	stream.strided.gather @!p2 [hbm4b:s0+s1], $0x2000, s2, s1, $0x38;
	[tilespmem:$0x1EA00] =	vst v63  }
0x229: {  	p2 =	slt.u32 @!p2 s23, $0x7  }
0x22a: {  	p1 =	por @!p0 p2, p1  }
0x22b: {  	p0 =	por p1, p0  }
0x22c: {  	v20 =	vld @!p0 [tilespmem:$0xC586];
	_ =	sdelay $0x4  }
0x22d: {  	(v2sf) =	vpush @!p0 v20, $0x0;
	_ =	sdelay $0xe  }
0x22e: {  	s0 =	spop @!p0 (v2sf)  }
0x22f: {  	s0 =	sshll.u32 @!p0 s0, $0x7  }
0x230: {  	s1 =	simm.s32 @!p0 $0x400;
	s0 =	sand.u32 @!p0 $0x1FFFFF80, s0  }
0x231: {  	s2 =	simm.s32 @!p0 $0x7A1400;
	s20 =	simm.s32 @!p0 $0x18A00;
	s0 =	sadd.s32 @!p0 s3, s0  }
0x232: {  	[tilespmem:s20], [sflag:$0x8] =	stream.strided.gather @!p0 [hbm4b:s0+s1], $0x2000, s2, s1, $0x38;
	[tilespmem:$0x1EA00] =	vst v63  }
.LBB2_13:
.Ltmp10:
0x233: {  	(pc) =	sbr.rel .LBB2_14-.Ltmp10, $2  }
0x234: {  	_ =	sdelay $0x2  }
0x235: {  	s28 =	simm.s32 $0x0;
	s24 =	simm.s32 $0x0  }
.LBB2_69:
0x236: {  	s29 =	smov.u32 s25  }
.LBB2_73:
0x237: {  	s2 =	simm.s32 @!p2 $0x1;
	[tilespmem:s0+$0x1CA30] =	vst @p0 v23  }
0x238: {  	[hbm4b:s1+s4] =	stream.linear.scatter @p0 [tilespmem:s20], [sflag:$0x1], $0x80, $0x38;
	[tilespmem:$0x1EA00] =	vst v63  }
0x239: {  	_ =	swait.ge @!p2 [sflag:s2], $0x80  }
0x23a: {  	[sflag:s2] =	ssyncset.done @!p2 $0x0  }
0x23b: {  	[sflag:s2] =	ssyncadd.s32 @!p2 $0xFFFFFF80  }
0x23c: {  	v20 =	vld [tilespmem:s26+$0x0];
	_ =	sdelay $0x4  }
0x23d: {  	(v2sf) =	vpush v20, $0x0;
	_ =	sdelay $0xe  }
0x23e: {  	s26 =	spop (v2sf)  }
0x23f: {  	s30 =	sand.u32 $0x7F, s26  }
0x240: {  	v20 =	vor.u32 s30, v18;
	_ =	sdelay $0x4  }
0x241: {  	v21 =	vor.u32 $0x800, v18;
	v20 =	vld.idx.msk [tilespmem:v20+s18+$0x0], $0xffff  }
0x242: {  	v21 =	vor.u32 s30, v21  }
0x243: {  	s2 =	sadd.s32 @p0 $0x80, s29  }
0x244: {  	s25 =	smov.u32 @p0 s2  }
0x245: {  	s2 =	sand.u32 $0x1F80, s25  }
0x246: {  	[tilespmem:s2+$0x1CA00] =	vst v20  }
0x247: {  	v62 =	vor.u32 $0x1000, v18;
	v20 =	vld.idx.msk [tilespmem:v21+s18+$0x0], $0xffff  }
0x248: {  	v21 =	vor.u32 s30, v62;
	_ =	sdelay $0x3  }
0x249: {  	[tilespmem:s2+$0x1CA10] =	vst v20  }
0x24a: {  	v63 =	vor.u32 $0x1800, v18;
	v20 =	vld.idx.msk [tilespmem:v21+s18+$0x0], $0xffff  }
0x24b: {  	v21 =	vor.u32 s30, v63;
	_ =	sdelay $0x3  }
0x24c: {  	[tilespmem:s2+$0x1CA20] =	vst v20  }
0x24d: {  	v20 =	vld.idx.msk [tilespmem:v21+s18+$0x0], $0xffff;
	_ =	sdelay $0x2  }
0x24e: {  	s0 =	sshrl.u32 s26, $0x3  }
0x24f: {  	s0 =	sand.u32 $0x3FFF0, s0  }
0x250: {  	s28 =	sadd.s32 $0x1, s28;
	s31 =	sadd.s32 $0x1CA00, s2;
	s0 =	sadd.s32 s5, s0;
	[tilespmem:s2+$0x1CA30] =	vst v20  }
0x251: {  	[hbm4b:s0+s4] =	stream.linear.scatter [tilespmem:s31], [sflag:$0x1], $0x80, $0x38;
	[tilespmem:$0x1EA00] =	vst v63  }
.LBB2_74:
0x252: {  	s24 =	sadd.s32 $0x1, s24  }
0x253: {  	p0 =	sne.s32 s24, $0x1F  }
.Ltmp11:
0x254: {  	_ = 	snop;
	(pc) =	sbr.rel @!p0 .LBB2_75-.Ltmp11, $1  }
0x255: {  	_ =	sdelay $0x3  }
.LBB2_14:
0x256: {  	s25 =	sshllo.u32 s24, $0x3  }
0x257: {  	s26 =	sshll.u32 s24, $0x3;
	p0 =	sge.s32 s25, s23  }
0x258: {  	v20 =	vld @!p0 [tilespmem:s26+$0xC587];
	_ =	sdelay $0x4  }
0x259: {  	(v2sf) =	vpush @!p0 v20, $0x0;
	_ =	sdelay $0xe  }
0x25a: {  	s0 =	spop @!p0 (v2sf)  }
0x25b: {  	s0 =	sshll.u32 @!p0 s0, $0x7  }
0x25c: {  	p1 =	sge.s32 s26, s23;
	s1 =	simm.s32 @!p0 $0x400;
	s0 =	sand.u32 @!p0 $0x1FFFFF80, s0  }
0x25d: {  	s2 =	simm.s32 @!p0 $0x7A1400;
	s20 =	simm.s32 @!p0 $0x1AA00;
	s0 =	sadd.s32 @!p0 s3, s0  }
0x25e: {  	[tilespmem:s20], [sflag:$0x9] =	stream.strided.gather @!p0 [hbm4b:s0+s1], $0x2000, s2, s1, $0x38;
	[tilespmem:$0x1EA00] =	vst v63  }
0x25f: {  	s0 =	simm.s32 @!p1 $0x2  }
0x260: {  	_ =	swait.ge @!p1 [sflag:s0], $0x2000  }
0x261: {  	[sflag:s0] =	ssyncset.done @!p1 $0x0  }
0x262: {  	[sflag:s0] =	ssyncadd.s32 @!p1 $0xFFFFE000  }
0x263: {  	v20 =	vld [tilespmem:s26+$0xC700]  }
0x264: {  	v21 =	vld [tilespmem:s26+$0xC880];
	_ =	sdelay $0x3  }
0x265: {  	(v2sf) =	vpush v20, $0x0  }
0x266: {  	(v2sf) =	vpush v21, $0x0;
	_ =	sdelay $0xd  }
0x267: {  	s1 =	spop (v2sf)  }
0x268: {  	p1 =	slt.s32 s26, s23;
	s2 =	spop (v2sf)  }
0x269: {  	s1 =	simm.s32 @!p1 $0x0;
	s2 =	simm.s32 @!p1 $0x0  }
0x26a: {  	p1 =	sle.s32 s2, s1  }
.Ltmp12:
0x26b: {  	_ = 	snop;
	(pc) =	sbr.rel @p1 .LBB2_15-.Ltmp12, $1  }
0x26c: {  	_ =	sdelay $0x3  }
0x26d: {  	s0 =	ssub.s32 s2, s1  }
0x26e: {  	s0 =	sadd.s32 $0xFFFFFFFF, s0  }
0x26f: {  	p2 =	sne.s32 s0, $0x0  }
.Ltmp13:
0x270: {  	_ = 	snop;
	(pc) =	sbr.rel @!p2 .LBB2_17-.Ltmp13, $4  }
0x271: {  	_ = 	snop  }
0x272: {  	s20 =	sshll.u32 s1, $0x2;
	s30 =	sshll.u32 s28, $0x7  }
0x273: {  	s21 =	sadd.s32 s28, s2;
	p3 =	slt.s32 s28, $0x40;
	s20 =	sshra.s32 s20, $0x2  }
0x274: {  	p1 =	por $0x0, $0x0;
	s29 =	ssub.s32 s21, s1;
	s31 =	sadd.s32 $0x8080, s20  }
0x275: {  	s1 =	simm.s32 @!p3 $0x1  }
0x276: {  	_ =	swait.ge @!p3 [sflag:s1], $0x80  }
0x277: {  	[sflag:s1] =	ssyncset.done @!p3 $0x0  }
0x278: {  	[sflag:s1] =	ssyncadd.s32 @!p3 $0xFFFFFF80  }
0x279: {  	v20 =	vld [tilespmem:s31+$0x0];
	_ =	sdelay $0x4  }
0x27a: {  	(v2sf) =	vpush v20, $0x0;
	_ =	sdelay $0xe  }
0x27b: {  	s21 =	spop (v2sf)  }
0x27c: {  	s2 =	sand.u32 $0x7F, s21  }
0x27d: {  	v20 =	vor.u32 s2, v18;
	_ =	sdelay $0x4  }
0x27e: {  	v21 =	vld.idx.msk [tilespmem:v20+s11+$0x0], $0xffff;
	v20 =	vor.u32 $0x800, v18  }
0x27f: {  	v22 =	vor.u32 s2, v20;
	_ =	sdelay $0x2  }
0x280: {  	s20 =	sand.u32 $0x1F80, s30  }
0x281: {  	[tilespmem:s20+$0x1CA00] =	vst v21  }
0x282: {  	v21 =	vor.u32 $0x1000, v18;
	v22 =	vld.idx.msk [tilespmem:v22+s11+$0x0], $0xffff  }
0x283: {  	v23 =	vor.u32 s2, v21;
	_ =	sdelay $0x3  }
0x284: {  	[tilespmem:s20+$0x1CA10] =	vst v22  }
0x285: {  	v22 =	vor.u32 $0x1800, v18;
	v23 =	vld.idx.msk [tilespmem:v23+s11+$0x0], $0xffff  }
0x286: {  	v24 =	vor.u32 s2, v22;
	_ =	sdelay $0x2  }
0x287: {  	s2 =	sadd.s32 $0xFFFFFFFF, s0  }
0x288: {  	p2 =	sne.s32 s2, $0x0;
	[tilespmem:s20+$0x1CA20] =	vst v23  }
.Ltmp14:
0x289: {  	v23 =	vld.idx.msk [tilespmem:v24+s11+$0x0], $0xffff;
	(pc) =	sbr.rel @!p2 .LBB2_19-.Ltmp14, $4  }
0x28a: {  	_ = 	snop  }
0x28b: {  	p1 =	por $0x1, $0x1;
	s31 =	sadd.s32 $0x1, s31;
	s1 =	sshrl.u32 s21, $0x3  }
0x28c: {  	s21 =	sadd.s32 $0x1CA00, s20;
	s1 =	sand.u32 $0x3FFF0, s1;
	s0 =	sadd.s32 $0x1, s28  }
0x28d: {  	s1 =	sadd.s32 s5, s1;
	s28 =	smov.u32 s30;
	p3 =	slt.s32 s0, $0x40  }
.LBB2_20:
0x28e: {  	s2 =	sadd.s32 $0xFFFFFFFF, s2;
	s8 =	simm.s32 @!p3 $0x1;
	[tilespmem:s20+$0x1CA30] =	vst v23;
	s28 =	sadd.s32 $0x80, s28  }
0x28f: {  	[hbm4b:s1+s4] =	stream.linear.scatter [tilespmem:s21], [sflag:$0x1], $0x80, $0x38;
	[tilespmem:$0x1EA00] =	vst v63  }
0x290: {  	p2 =	sne.s32 s2, $0x0;
	_ =	swait.ge @!p3 [sflag:s8], $0x80  }
0x291: {  	[sflag:s8] =	ssyncset.done @!p3 $0x0  }
0x292: {  	[sflag:s8] =	ssyncadd.s32 @!p3 $0xFFFFFF80  }
0x293: {  	v23 =	vld [tilespmem:s31+$0x0];
	_ =	sdelay $0x4  }
0x294: {  	(v2sf) =	vpush v23, $0x0;
	_ =	sdelay $0xe  }
0x295: {  	s1 =	spop (v2sf)  }
0x296: {  	s8 =	sand.u32 $0x7F, s1;
	s1 =	sshrl.u32 s1, $0x3  }
0x297: {  	v23 =	vor.u32 s8, v18;
	s1 =	sand.u32 $0x3FFF0, s1;
	_ =	sdelay $0x4  }
0x298: {  	v23 =	vld.idx.msk [tilespmem:v23+s11+$0x0], $0xffff;
	_ =	sdelay $0x1  }
0x299: {  	v24 =	vor.u32 s8, v20;
	_ =	sdelay $0x2  }
0x29a: {  	s20 =	sand.u32 $0x1F80, s28  }
0x29b: {  	[tilespmem:s20+$0x1CA00] =	vst v23  }
0x29c: {  	v23 =	vld.idx.msk [tilespmem:v24+s11+$0x0], $0xffff;
	_ =	sdelay $0x1  }
0x29d: {  	v24 =	vor.u32 s8, v21;
	_ =	sdelay $0x3  }
0x29e: {  	[tilespmem:s20+$0x1CA10] =	vst v23  }
0x29f: {  	v23 =	vld.idx.msk [tilespmem:v24+s11+$0x0], $0xffff;
	_ =	sdelay $0x1  }
0x2a0: {  	v24 =	vor.u32 s8, v22;
	_ =	sdelay $0x3  }
0x2a1: {  	[tilespmem:s20+$0x1CA20] =	vst v23  }
0x2a2: {  	v23 =	vld.idx.msk [tilespmem:v24+s11+$0x0], $0xffff  }
.Ltmp15:
0x2a3: {  	(pc) =	sbr.rel @p2 .LBB2_20-.Ltmp15, $3  }
0x2a4: {  	_ =	sdelay $0x1  }
0x2a5: {  	s0 =	sadd.s32 $0x1, s0;
	s31 =	sadd.s32 $0x1, s31  }
0x2a6: {  	s21 =	sadd.s32 $0x1CA00, s20;
	p3 =	slt.s32 s0, $0x40;
	s1 =	sadd.s32 s5, s1  }
.LBB2_21:
0x2a7: {  	s0 =	simm.s32 @!p3 $0x1;
	[tilespmem:s20+$0x1CA30] =	vst @p1 v23  }
0x2a8: {  	[hbm4b:s1+s4] =	stream.linear.scatter @p1 [tilespmem:s21], [sflag:$0x1], $0x80, $0x38;
	[tilespmem:$0x1EA00] =	vst v63  }
0x2a9: {  	_ =	swait.ge @!p3 [sflag:s0], $0x80  }
0x2aa: {  	[sflag:s0] =	ssyncset.done @!p3 $0x0  }
0x2ab: {  	[sflag:s0] =	ssyncadd.s32 @!p3 $0xFFFFFF80  }
0x2ac: {  	v20 =	vld [tilespmem:s31+$0x0];
	_ =	sdelay $0x4  }
0x2ad: {  	(v2sf) =	vpush v20, $0x0;
	_ =	sdelay $0xe  }
0x2ae: {  	s20 =	spop (v2sf)  }
0x2af: {  	s21 =	sand.u32 $0x7F, s20  }
0x2b0: {  	v20 =	vor.u32 s21, v18;
	_ =	sdelay $0x4  }
0x2b1: {  	v21 =	vor.u32 $0x800, v18;
	v20 =	vld.idx.msk [tilespmem:v20+s11+$0x0], $0xffff  }
0x2b2: {  	v21 =	vor.u32 s21, v21  }
0x2b3: {  	s2 =	sadd.s32 @p1 $0x80, s28  }
0x2b4: {  	s30 =	smov.u32 @p1 s2  }
0x2b5: {  	s2 =	sand.u32 $0x1F80, s30  }
0x2b6: {  	[tilespmem:s2+$0x1CA00] =	vst v20  }
0x2b7: {  	v62 =	vor.u32 $0x1000, v18;
	v20 =	vld.idx.msk [tilespmem:v21+s11+$0x0], $0xffff  }
0x2b8: {  	v21 =	vor.u32 s21, v62;
	_ =	sdelay $0x3  }
0x2b9: {  	[tilespmem:s2+$0x1CA10] =	vst v20  }
0x2ba: {  	v63 =	vor.u32 $0x1800, v18;
	v20 =	vld.idx.msk [tilespmem:v21+s11+$0x0], $0xffff  }
0x2bb: {  	v21 =	vor.u32 s21, v63;
	_ =	sdelay $0x3  }
0x2bc: {  	[tilespmem:s2+$0x1CA20] =	vst v20  }
0x2bd: {  	v20 =	vld.idx.msk [tilespmem:v21+s11+$0x0], $0xffff;
	_ =	sdelay $0x1  }
.Ltmp16:
0x2be: {  	_ = 	snop;
	(pc) =	sbr.rel .LBB2_22-.Ltmp16, $4  }
0x2bf: {  	s0 =	sshrl.u32 s20, $0x3  }
0x2c0: {  	s0 =	sand.u32 $0x3FFF0, s0  }
0x2c1: {  	s31 =	sadd.s32 $0x1CA00, s2;
	s0 =	sadd.s32 s5, s0;
	[tilespmem:s2+$0x1CA30] =	vst v20  }
0x2c2: {  	[hbm4b:s0+s4] =	stream.linear.scatter [tilespmem:s31], [sflag:$0x1], $0x80, $0x38;
	[tilespmem:$0x1EA00] =	vst v63  }
.LBB2_15:
0x2c3: {  	s29 =	smov.u32 s28  }
.LBB2_22:
0x2c4: {  	s0 =	sadd.s32 $0x8, s26  }
0x2c5: {  	p1 =	sge.s32 s0, s23  }
0x2c6: {  	v20 =	vld @!p1 [tilespmem:s0+$0xC580];
	_ =	sdelay $0x4  }
0x2c7: {  	(v2sf) =	vpush @!p1 v20, $0x0;
	_ =	sdelay $0xe  }
0x2c8: {  	s0 =	spop @!p1 (v2sf)  }
0x2c9: {  	s0 =	sshll.u32 @!p1 s0, $0x7  }
0x2ca: {  	s1 =	sor.u32 $0x1, s26;
	s2 =	simm.s32 @!p1 $0x400;
	s0 =	sand.u32 @!p1 $0x1FFFFF80, s0  }
0x2cb: {  	s8 =	simm.s32 @!p1 $0x7A1400;
	s20 =	simm.s32 @!p1 $0xCA00;
	s0 =	sadd.s32 @!p1 s3, s0  }
0x2cc: {  	[tilespmem:s20], [sflag:$0x2] =	stream.strided.gather @!p1 [hbm4b:s0+s2], $0x2000, s8, s2, $0x38;
	[tilespmem:$0x1EA00] =	vst v63  }
0x2cd: {  	p1 =	sge.s32 s1, s23  }
0x2ce: {  	s0 =	simm.s32 @!p1 $0x3  }
0x2cf: {  	_ =	swait.ge @!p1 [sflag:s0], $0x2000  }
0x2d0: {  	[sflag:s0] =	ssyncset.done @!p1 $0x0  }
0x2d1: {  	[sflag:s0] =	ssyncadd.s32 @!p1 $0xFFFFE000  }
0x2d2: {  	v20 =	vld [tilespmem:s1+$0xC700]  }
0x2d3: {  	v21 =	vld [tilespmem:s1+$0xC880];
	_ =	sdelay $0x3  }
0x2d4: {  	(v2sf) =	vpush v20, $0x0  }
0x2d5: {  	(v2sf) =	vpush v21, $0x0;
	_ =	sdelay $0xd  }
0x2d6: {  	s0 =	spop (v2sf)  }
0x2d7: {  	p1 =	slt.s32 s1, s23;
	s1 =	spop (v2sf)  }
0x2d8: {  	s0 =	simm.s32 @!p1 $0x0;
	s1 =	simm.s32 @!p1 $0x0  }
0x2d9: {  	p1 =	sle.s32 s1, s0  }
.Ltmp17:
0x2da: {  	_ = 	snop;
	(pc) =	sbr.rel @p1 .LBB2_29-.Ltmp17, $1  }
0x2db: {  	_ =	sdelay $0x3  }
0x2dc: {  	s1 =	ssub.s32 s1, s0  }
0x2dd: {  	s2 =	sadd.s32 $0xFFFFFFFF, s1  }
0x2de: {  	p2 =	sne.s32 s2, $0x0  }
.Ltmp18:
0x2df: {  	_ = 	snop;
	(pc) =	sbr.rel @!p2 .LBB2_24-.Ltmp18, $4  }
0x2e0: {  	_ = 	snop  }
0x2e1: {  	s31 =	sshll.u32 s0, $0x2  }
0x2e2: {  	s28 =	sshll.u32 s29, $0x7;
	s0 =	sshra.s32 s31, $0x2  }
0x2e3: {  	p3 =	slt.s32 s29, $0x40;
	p1 =	por $0x0, $0x0;
	s30 =	sadd.s32 $0x8080, s0  }
0x2e4: {  	s0 =	simm.s32 @!p3 $0x1  }
0x2e5: {  	_ =	swait.ge @!p3 [sflag:s0], $0x80  }
0x2e6: {  	[sflag:s0] =	ssyncset.done @!p3 $0x0  }
0x2e7: {  	[sflag:s0] =	ssyncadd.s32 @!p3 $0xFFFFFF80  }
0x2e8: {  	v20 =	vld [tilespmem:s30+$0x0];
	_ =	sdelay $0x4  }
0x2e9: {  	(v2sf) =	vpush v20, $0x0;
	_ =	sdelay $0xe  }
0x2ea: {  	s1 =	spop (v2sf)  }
0x2eb: {  	s8 =	sand.u32 $0x7F, s1  }
0x2ec: {  	v20 =	vor.u32 s8, v18;
	_ =	sdelay $0x4  }
0x2ed: {  	v21 =	vld.idx.msk [tilespmem:v20+s12+$0x0], $0xffff;
	v20 =	vor.u32 $0x800, v18  }
0x2ee: {  	v22 =	vor.u32 s8, v20;
	_ =	sdelay $0x2  }
0x2ef: {  	s0 =	sand.u32 $0x1F80, s28  }
0x2f0: {  	[tilespmem:s0+$0x1CA00] =	vst v21  }
0x2f1: {  	v21 =	vor.u32 $0x1000, v18;
	v22 =	vld.idx.msk [tilespmem:v22+s12+$0x0], $0xffff  }
0x2f2: {  	v23 =	vor.u32 s8, v21;
	_ =	sdelay $0x3  }
0x2f3: {  	[tilespmem:s0+$0x1CA10] =	vst v22  }
0x2f4: {  	v22 =	vor.u32 $0x1800, v18;
	v23 =	vld.idx.msk [tilespmem:v23+s12+$0x0], $0xffff  }
0x2f5: {  	v24 =	vor.u32 s8, v22;
	_ =	sdelay $0x2  }
0x2f6: {  	s2 =	sadd.s32 $0xFFFFFFFF, s2  }
0x2f7: {  	p2 =	sne.s32 s2, $0x0;
	[tilespmem:s0+$0x1CA20] =	vst v23  }
.Ltmp19:
0x2f8: {  	v23 =	vld.idx.msk [tilespmem:v24+s12+$0x0], $0xffff;
	(pc) =	sbr.rel @!p2 .LBB2_26-.Ltmp19, $4  }
0x2f9: {  	_ = 	snop  }
0x2fa: {  	s29 =	sadd.s32 $0x1, s29;
	p1 =	por $0x1, $0x1;
	s1 =	sshrl.u32 s1, $0x3  }
0x2fb: {  	s31 =	smov.u32 s28;
	p3 =	slt.s32 s29, $0x40;
	s1 =	sand.u32 $0x3FFF0, s1  }
0x2fc: {  	s30 =	sadd.s32 $0x1, s30;
	s20 =	sadd.s32 $0x1CA00, s0;
	s1 =	sadd.s32 s5, s1  }
.LBB2_27:
0x2fd: {  	s2 =	sadd.s32 $0xFFFFFFFF, s2;
	s8 =	simm.s32 @!p3 $0x1;
	[tilespmem:s0+$0x1CA30] =	vst v23;
	s31 =	sadd.s32 $0x80, s31  }
0x2fe: {  	[hbm4b:s1+s4] =	stream.linear.scatter [tilespmem:s20], [sflag:$0x1], $0x80, $0x38;
	[tilespmem:$0x1EA00] =	vst v63  }
0x2ff: {  	p2 =	sne.s32 s2, $0x0;
	_ =	swait.ge @!p3 [sflag:s8], $0x80  }
0x300: {  	[sflag:s8] =	ssyncset.done @!p3 $0x0  }
0x301: {  	[sflag:s8] =	ssyncadd.s32 @!p3 $0xFFFFFF80  }
0x302: {  	v23 =	vld [tilespmem:s30+$0x0];
	_ =	sdelay $0x4  }
0x303: {  	(v2sf) =	vpush v23, $0x0;
	_ =	sdelay $0xe  }
0x304: {  	s0 =	spop (v2sf)  }
0x305: {  	s1 =	sand.u32 $0x7F, s0;
	s0 =	sshrl.u32 s0, $0x3  }
0x306: {  	v23 =	vor.u32 s1, v18;
	s8 =	sand.u32 $0x3FFF0, s0;
	_ =	sdelay $0x4  }
0x307: {  	v23 =	vld.idx.msk [tilespmem:v23+s12+$0x0], $0xffff;
	_ =	sdelay $0x1  }
0x308: {  	v24 =	vor.u32 s1, v20;
	_ =	sdelay $0x2  }
0x309: {  	s0 =	sand.u32 $0x1F80, s31  }
0x30a: {  	[tilespmem:s0+$0x1CA00] =	vst v23  }
0x30b: {  	v23 =	vld.idx.msk [tilespmem:v24+s12+$0x0], $0xffff;
	_ =	sdelay $0x1  }
0x30c: {  	v24 =	vor.u32 s1, v21;
	_ =	sdelay $0x3  }
0x30d: {  	[tilespmem:s0+$0x1CA10] =	vst v23  }
0x30e: {  	v23 =	vld.idx.msk [tilespmem:v24+s12+$0x0], $0xffff;
	_ =	sdelay $0x1  }
0x30f: {  	v24 =	vor.u32 s1, v22;
	_ =	sdelay $0x3  }
0x310: {  	[tilespmem:s0+$0x1CA20] =	vst v23  }
0x311: {  	v23 =	vld.idx.msk [tilespmem:v24+s12+$0x0], $0xffff  }
.Ltmp20:
0x312: {  	(pc) =	sbr.rel @p2 .LBB2_27-.Ltmp20, $3  }
0x313: {  	_ =	sdelay $0x1  }
0x314: {  	s29 =	sadd.s32 $0x1, s29;
	s30 =	sadd.s32 $0x1, s30  }
0x315: {  	p3 =	slt.s32 s29, $0x40;
	s20 =	sadd.s32 $0x1CA00, s0;
	s1 =	sadd.s32 s5, s8  }
.LBB2_28:
0x316: {  	s2 =	simm.s32 @!p3 $0x1;
	[tilespmem:s0+$0x1CA30] =	vst @p1 v23  }
0x317: {  	[hbm4b:s1+s4] =	stream.linear.scatter @p1 [tilespmem:s20], [sflag:$0x1], $0x80, $0x38;
	[tilespmem:$0x1EA00] =	vst v63  }
0x318: {  	_ =	swait.ge @!p3 [sflag:s2], $0x80  }
0x319: {  	[sflag:s2] =	ssyncset.done @!p3 $0x0  }
0x31a: {  	[sflag:s2] =	ssyncadd.s32 @!p3 $0xFFFFFF80  }
0x31b: {  	v20 =	vld [tilespmem:s30+$0x0];
	_ =	sdelay $0x4  }
0x31c: {  	(v2sf) =	vpush v20, $0x0;
	_ =	sdelay $0xe  }
0x31d: {  	s21 =	spop (v2sf)  }
0x31e: {  	s30 =	sand.u32 $0x7F, s21  }
0x31f: {  	v20 =	vor.u32 s30, v18;
	_ =	sdelay $0x4  }
0x320: {  	v21 =	vor.u32 $0x800, v18;
	v20 =	vld.idx.msk [tilespmem:v20+s12+$0x0], $0xffff  }
0x321: {  	v21 =	vor.u32 s30, v21  }
0x322: {  	s2 =	sadd.s32 @p1 $0x80, s31  }
0x323: {  	s28 =	smov.u32 @p1 s2  }
0x324: {  	s2 =	sand.u32 $0x1F80, s28  }
0x325: {  	[tilespmem:s2+$0x1CA00] =	vst v20  }
0x326: {  	v62 =	vor.u32 $0x1000, v18;
	v20 =	vld.idx.msk [tilespmem:v21+s12+$0x0], $0xffff  }
0x327: {  	v21 =	vor.u32 s30, v62;
	_ =	sdelay $0x3  }
0x328: {  	[tilespmem:s2+$0x1CA10] =	vst v20  }
0x329: {  	v63 =	vor.u32 $0x1800, v18;
	v20 =	vld.idx.msk [tilespmem:v21+s12+$0x0], $0xffff  }
0x32a: {  	v21 =	vor.u32 s30, v63;
	_ =	sdelay $0x3  }
0x32b: {  	[tilespmem:s2+$0x1CA20] =	vst v20  }
0x32c: {  	v20 =	vld.idx.msk [tilespmem:v21+s12+$0x0], $0xffff;
	_ =	sdelay $0x2  }
0x32d: {  	s0 =	sshrl.u32 s21, $0x3  }
0x32e: {  	s0 =	sand.u32 $0x3FFF0, s0  }
0x32f: {  	s29 =	sadd.s32 $0x1, s29;
	s31 =	sadd.s32 $0x1CA00, s2;
	s0 =	sadd.s32 s5, s0;
	[tilespmem:s2+$0x1CA30] =	vst v20  }
0x330: {  	[hbm4b:s0+s4] =	stream.linear.scatter [tilespmem:s31], [sflag:$0x1], $0x80, $0x38;
	[tilespmem:$0x1EA00] =	vst v63  }
.LBB2_29:
0x331: {  	s0 =	sadd.s32 $0x9, s26  }
0x332: {  	p1 =	sge.s32 s0, s23  }
0x333: {  	v20 =	vld @!p1 [tilespmem:s0+$0xC580];
	_ =	sdelay $0x4  }
0x334: {  	(v2sf) =	vpush @!p1 v20, $0x0;
	_ =	sdelay $0xe  }
0x335: {  	s0 =	spop @!p1 (v2sf)  }
0x336: {  	s0 =	sshll.u32 @!p1 s0, $0x7  }
0x337: {  	s2 =	sor.u32 $0x2, s26;
	s1 =	simm.s32 @!p1 $0x400;
	s0 =	sand.u32 @!p1 $0x1FFFFF80, s0  }
0x338: {  	s8 =	simm.s32 @!p1 $0x7A1400;
	s20 =	simm.s32 @!p1 $0xEA00;
	s0 =	sadd.s32 @!p1 s3, s0  }
0x339: {  	[tilespmem:s20], [sflag:$0x3] =	stream.strided.gather @!p1 [hbm4b:s0+s1], $0x2000, s8, s1, $0x38;
	[tilespmem:$0x1EA00] =	vst v63  }
0x33a: {  	p1 =	sge.s32 s2, s23  }
0x33b: {  	s0 =	simm.s32 @!p1 $0x4  }
0x33c: {  	_ =	swait.ge @!p1 [sflag:s0], $0x2000  }
0x33d: {  	[sflag:s0] =	ssyncset.done @!p1 $0x0  }
0x33e: {  	[sflag:s0] =	ssyncadd.s32 @!p1 $0xFFFFE000  }
0x33f: {  	v20 =	vld [tilespmem:s2+$0xC700]  }
0x340: {  	v21 =	vld [tilespmem:s2+$0xC880];
	_ =	sdelay $0x3  }
0x341: {  	(v2sf) =	vpush v20, $0x0  }
0x342: {  	(v2sf) =	vpush v21, $0x0;
	_ =	sdelay $0xd  }
0x343: {  	s1 =	spop (v2sf)  }
0x344: {  	p1 =	slt.s32 s2, s23;
	s2 =	spop (v2sf)  }
0x345: {  	s1 =	simm.s32 @!p1 $0x0;
	s2 =	simm.s32 @!p1 $0x0  }
0x346: {  	p1 =	sle.s32 s2, s1  }
.Ltmp21:
0x347: {  	_ = 	snop;
	(pc) =	sbr.rel @p1 .LBB2_30-.Ltmp21, $1  }
0x348: {  	_ =	sdelay $0x3  }
0x349: {  	s0 =	ssub.s32 s2, s1  }
0x34a: {  	s0 =	sadd.s32 $0xFFFFFFFF, s0  }
0x34b: {  	p2 =	sne.s32 s0, $0x0  }
.Ltmp22:
0x34c: {  	_ = 	snop;
	(pc) =	sbr.rel @!p2 .LBB2_32-.Ltmp22, $4  }
0x34d: {  	_ = 	snop  }
0x34e: {  	s8 =	sshll.u32 s1, $0x2;
	s30 =	sshll.u32 s29, $0x7  }
0x34f: {  	s21 =	sadd.s32 s29, s2;
	p3 =	slt.s32 s29, $0x40;
	s8 =	sshra.s32 s8, $0x2  }
0x350: {  	p1 =	por $0x0, $0x0;
	s28 =	ssub.s32 s21, s1;
	s31 =	sadd.s32 $0x8080, s8  }
0x351: {  	s1 =	simm.s32 @!p3 $0x1  }
0x352: {  	_ =	swait.ge @!p3 [sflag:s1], $0x80  }
0x353: {  	[sflag:s1] =	ssyncset.done @!p3 $0x0  }
0x354: {  	[sflag:s1] =	ssyncadd.s32 @!p3 $0xFFFFFF80  }
0x355: {  	v20 =	vld [tilespmem:s31+$0x0];
	_ =	sdelay $0x4  }
0x356: {  	(v2sf) =	vpush v20, $0x0;
	_ =	sdelay $0xe  }
0x357: {  	s21 =	spop (v2sf)  }
0x358: {  	s2 =	sand.u32 $0x7F, s21  }
0x359: {  	v20 =	vor.u32 s2, v18;
	_ =	sdelay $0x4  }
0x35a: {  	v21 =	vld.idx.msk [tilespmem:v20+s13+$0x0], $0xffff;
	v20 =	vor.u32 $0x800, v18  }
0x35b: {  	v22 =	vor.u32 s2, v20;
	_ =	sdelay $0x2  }
0x35c: {  	s20 =	sand.u32 $0x1F80, s30  }
0x35d: {  	[tilespmem:s20+$0x1CA00] =	vst v21  }
0x35e: {  	v21 =	vor.u32 $0x1000, v18;
	v22 =	vld.idx.msk [tilespmem:v22+s13+$0x0], $0xffff  }
0x35f: {  	v23 =	vor.u32 s2, v21;
	_ =	sdelay $0x3  }
0x360: {  	[tilespmem:s20+$0x1CA10] =	vst v22  }
0x361: {  	v22 =	vor.u32 $0x1800, v18;
	v23 =	vld.idx.msk [tilespmem:v23+s13+$0x0], $0xffff  }
0x362: {  	v24 =	vor.u32 s2, v22;
	_ =	sdelay $0x2  }
0x363: {  	s2 =	sadd.s32 $0xFFFFFFFF, s0  }
0x364: {  	p2 =	sne.s32 s2, $0x0;
	[tilespmem:s20+$0x1CA20] =	vst v23  }
.Ltmp23:
0x365: {  	v23 =	vld.idx.msk [tilespmem:v24+s13+$0x0], $0xffff;
	(pc) =	sbr.rel @!p2 .LBB2_34-.Ltmp23, $4  }
0x366: {  	_ = 	snop  }
0x367: {  	p1 =	por $0x1, $0x1;
	s31 =	sadd.s32 $0x1, s31;
	s1 =	sshrl.u32 s21, $0x3  }
0x368: {  	s21 =	sadd.s32 $0x1CA00, s20;
	s1 =	sand.u32 $0x3FFF0, s1;
	s0 =	sadd.s32 $0x1, s29  }
0x369: {  	s1 =	sadd.s32 s5, s1;
	s29 =	smov.u32 s30;
	p3 =	slt.s32 s0, $0x40  }
.LBB2_35:
0x36a: {  	s2 =	sadd.s32 $0xFFFFFFFF, s2;
	s8 =	simm.s32 @!p3 $0x1;
	[tilespmem:s20+$0x1CA30] =	vst v23;
	s29 =	sadd.s32 $0x80, s29  }
0x36b: {  	[hbm4b:s1+s4] =	stream.linear.scatter [tilespmem:s21], [sflag:$0x1], $0x80, $0x38;
	[tilespmem:$0x1EA00] =	vst v63  }
0x36c: {  	p2 =	sne.s32 s2, $0x0;
	_ =	swait.ge @!p3 [sflag:s8], $0x80  }
0x36d: {  	[sflag:s8] =	ssyncset.done @!p3 $0x0  }
0x36e: {  	[sflag:s8] =	ssyncadd.s32 @!p3 $0xFFFFFF80  }
0x36f: {  	v23 =	vld [tilespmem:s31+$0x0];
	_ =	sdelay $0x4  }
0x370: {  	(v2sf) =	vpush v23, $0x0;
	_ =	sdelay $0xe  }
0x371: {  	s1 =	spop (v2sf)  }
0x372: {  	s8 =	sand.u32 $0x7F, s1;
	s1 =	sshrl.u32 s1, $0x3  }
0x373: {  	v23 =	vor.u32 s8, v18;
	s1 =	sand.u32 $0x3FFF0, s1;
	_ =	sdelay $0x4  }
0x374: {  	v23 =	vld.idx.msk [tilespmem:v23+s13+$0x0], $0xffff;
	_ =	sdelay $0x1  }
0x375: {  	v24 =	vor.u32 s8, v20;
	_ =	sdelay $0x2  }
0x376: {  	s20 =	sand.u32 $0x1F80, s29  }
0x377: {  	[tilespmem:s20+$0x1CA00] =	vst v23  }
0x378: {  	v23 =	vld.idx.msk [tilespmem:v24+s13+$0x0], $0xffff;
	_ =	sdelay $0x1  }
0x379: {  	v24 =	vor.u32 s8, v21;
	_ =	sdelay $0x3  }
0x37a: {  	[tilespmem:s20+$0x1CA10] =	vst v23  }
0x37b: {  	v23 =	vld.idx.msk [tilespmem:v24+s13+$0x0], $0xffff;
	_ =	sdelay $0x1  }
0x37c: {  	v24 =	vor.u32 s8, v22;
	_ =	sdelay $0x3  }
0x37d: {  	[tilespmem:s20+$0x1CA20] =	vst v23  }
0x37e: {  	v23 =	vld.idx.msk [tilespmem:v24+s13+$0x0], $0xffff  }
.Ltmp24:
0x37f: {  	(pc) =	sbr.rel @p2 .LBB2_35-.Ltmp24, $3  }
0x380: {  	_ =	sdelay $0x1  }
0x381: {  	s0 =	sadd.s32 $0x1, s0;
	s31 =	sadd.s32 $0x1, s31  }
0x382: {  	s21 =	sadd.s32 $0x1CA00, s20;
	p3 =	slt.s32 s0, $0x40;
	s1 =	sadd.s32 s5, s1  }
.LBB2_36:
0x383: {  	s0 =	simm.s32 @!p3 $0x1;
	[tilespmem:s20+$0x1CA30] =	vst @p1 v23  }
0x384: {  	[hbm4b:s1+s4] =	stream.linear.scatter @p1 [tilespmem:s21], [sflag:$0x1], $0x80, $0x38;
	[tilespmem:$0x1EA00] =	vst v63  }
0x385: {  	_ =	swait.ge @!p3 [sflag:s0], $0x80  }
0x386: {  	[sflag:s0] =	ssyncset.done @!p3 $0x0  }
0x387: {  	[sflag:s0] =	ssyncadd.s32 @!p3 $0xFFFFFF80  }
0x388: {  	v20 =	vld [tilespmem:s31+$0x0];
	_ =	sdelay $0x4  }
0x389: {  	(v2sf) =	vpush v20, $0x0;
	_ =	sdelay $0xe  }
0x38a: {  	s20 =	spop (v2sf)  }
0x38b: {  	s21 =	sand.u32 $0x7F, s20  }
0x38c: {  	v20 =	vor.u32 s21, v18;
	_ =	sdelay $0x4  }
0x38d: {  	v21 =	vor.u32 $0x800, v18;
	v20 =	vld.idx.msk [tilespmem:v20+s13+$0x0], $0xffff  }
0x38e: {  	v21 =	vor.u32 s21, v21  }
0x38f: {  	s2 =	sadd.s32 @p1 $0x80, s29  }
0x390: {  	s30 =	smov.u32 @p1 s2  }
0x391: {  	s2 =	sand.u32 $0x1F80, s30  }
0x392: {  	[tilespmem:s2+$0x1CA00] =	vst v20  }
0x393: {  	v62 =	vor.u32 $0x1000, v18;
	v20 =	vld.idx.msk [tilespmem:v21+s13+$0x0], $0xffff  }
0x394: {  	v21 =	vor.u32 s21, v62;
	_ =	sdelay $0x3  }
0x395: {  	[tilespmem:s2+$0x1CA10] =	vst v20  }
0x396: {  	v63 =	vor.u32 $0x1800, v18;
	v20 =	vld.idx.msk [tilespmem:v21+s13+$0x0], $0xffff  }
0x397: {  	v21 =	vor.u32 s21, v63;
	_ =	sdelay $0x3  }
0x398: {  	[tilespmem:s2+$0x1CA20] =	vst v20  }
0x399: {  	v20 =	vld.idx.msk [tilespmem:v21+s13+$0x0], $0xffff;
	_ =	sdelay $0x1  }
.Ltmp25:
0x39a: {  	_ = 	snop;
	(pc) =	sbr.rel .LBB2_37-.Ltmp25, $4  }
0x39b: {  	s0 =	sshrl.u32 s20, $0x3  }
0x39c: {  	s0 =	sand.u32 $0x3FFF0, s0  }
0x39d: {  	s31 =	sadd.s32 $0x1CA00, s2;
	s0 =	sadd.s32 s5, s0;
	[tilespmem:s2+$0x1CA30] =	vst v20  }
0x39e: {  	[hbm4b:s0+s4] =	stream.linear.scatter [tilespmem:s31], [sflag:$0x1], $0x80, $0x38;
	[tilespmem:$0x1EA00] =	vst v63  }
.LBB2_30:
0x39f: {  	s28 =	smov.u32 s29  }
.LBB2_37:
0x3a0: {  	s0 =	sadd.s32 $0xA, s26  }
0x3a1: {  	p1 =	sge.s32 s0, s23  }
0x3a2: {  	v20 =	vld @!p1 [tilespmem:s0+$0xC580];
	_ =	sdelay $0x4  }
0x3a3: {  	(v2sf) =	vpush @!p1 v20, $0x0;
	_ =	sdelay $0xe  }
0x3a4: {  	s0 =	spop @!p1 (v2sf)  }
0x3a5: {  	s0 =	sshll.u32 @!p1 s0, $0x7  }
0x3a6: {  	s1 =	sor.u32 $0x3, s26;
	s2 =	simm.s32 @!p1 $0x400;
	s0 =	sand.u32 @!p1 $0x1FFFFF80, s0  }
0x3a7: {  	s8 =	simm.s32 @!p1 $0x7A1400;
	s20 =	simm.s32 @!p1 $0x10A00;
	s0 =	sadd.s32 @!p1 s3, s0  }
0x3a8: {  	[tilespmem:s20], [sflag:$0x4] =	stream.strided.gather @!p1 [hbm4b:s0+s2], $0x2000, s8, s2, $0x38;
	[tilespmem:$0x1EA00] =	vst v63  }
0x3a9: {  	p1 =	sge.s32 s1, s23  }
0x3aa: {  	s0 =	simm.s32 @!p1 $0x5  }
0x3ab: {  	_ =	swait.ge @!p1 [sflag:s0], $0x2000  }
0x3ac: {  	[sflag:s0] =	ssyncset.done @!p1 $0x0  }
0x3ad: {  	[sflag:s0] =	ssyncadd.s32 @!p1 $0xFFFFE000  }
0x3ae: {  	v20 =	vld [tilespmem:s1+$0xC700]  }
0x3af: {  	v21 =	vld [tilespmem:s1+$0xC880];
	_ =	sdelay $0x3  }
0x3b0: {  	(v2sf) =	vpush v20, $0x0  }
0x3b1: {  	(v2sf) =	vpush v21, $0x0;
	_ =	sdelay $0xd  }
0x3b2: {  	s0 =	spop (v2sf)  }
0x3b3: {  	p1 =	slt.s32 s1, s23;
	s1 =	spop (v2sf)  }
0x3b4: {  	s0 =	simm.s32 @!p1 $0x0;
	s1 =	simm.s32 @!p1 $0x0  }
0x3b5: {  	p1 =	sle.s32 s1, s0  }
.Ltmp26:
0x3b6: {  	_ = 	snop;
	(pc) =	sbr.rel @p1 .LBB2_44-.Ltmp26, $1  }
0x3b7: {  	_ =	sdelay $0x3  }
0x3b8: {  	s1 =	ssub.s32 s1, s0  }
0x3b9: {  	s2 =	sadd.s32 $0xFFFFFFFF, s1  }
0x3ba: {  	p2 =	sne.s32 s2, $0x0  }
.Ltmp27:
0x3bb: {  	_ = 	snop;
	(pc) =	sbr.rel @!p2 .LBB2_39-.Ltmp27, $4  }
0x3bc: {  	_ = 	snop  }
0x3bd: {  	s31 =	sshll.u32 s0, $0x2  }
0x3be: {  	s29 =	sshll.u32 s28, $0x7;
	s0 =	sshra.s32 s31, $0x2  }
0x3bf: {  	p3 =	slt.s32 s28, $0x40;
	p1 =	por $0x0, $0x0;
	s30 =	sadd.s32 $0x8080, s0  }
0x3c0: {  	s0 =	simm.s32 @!p3 $0x1  }
0x3c1: {  	_ =	swait.ge @!p3 [sflag:s0], $0x80  }
0x3c2: {  	[sflag:s0] =	ssyncset.done @!p3 $0x0  }
0x3c3: {  	[sflag:s0] =	ssyncadd.s32 @!p3 $0xFFFFFF80  }
0x3c4: {  	v20 =	vld [tilespmem:s30+$0x0];
	_ =	sdelay $0x4  }
0x3c5: {  	(v2sf) =	vpush v20, $0x0;
	_ =	sdelay $0xe  }
0x3c6: {  	s1 =	spop (v2sf)  }
0x3c7: {  	s8 =	sand.u32 $0x7F, s1  }
0x3c8: {  	v20 =	vor.u32 s8, v18;
	_ =	sdelay $0x4  }
0x3c9: {  	v21 =	vld.idx.msk [tilespmem:v20+s14+$0x0], $0xffff;
	v20 =	vor.u32 $0x800, v18  }
0x3ca: {  	v22 =	vor.u32 s8, v20;
	_ =	sdelay $0x2  }
0x3cb: {  	s0 =	sand.u32 $0x1F80, s29  }
0x3cc: {  	[tilespmem:s0+$0x1CA00] =	vst v21  }
0x3cd: {  	v21 =	vor.u32 $0x1000, v18;
	v22 =	vld.idx.msk [tilespmem:v22+s14+$0x0], $0xffff  }
0x3ce: {  	v23 =	vor.u32 s8, v21;
	_ =	sdelay $0x3  }
0x3cf: {  	[tilespmem:s0+$0x1CA10] =	vst v22  }
0x3d0: {  	v22 =	vor.u32 $0x1800, v18;
	v23 =	vld.idx.msk [tilespmem:v23+s14+$0x0], $0xffff  }
0x3d1: {  	v24 =	vor.u32 s8, v22;
	_ =	sdelay $0x2  }
0x3d2: {  	s2 =	sadd.s32 $0xFFFFFFFF, s2  }
0x3d3: {  	p2 =	sne.s32 s2, $0x0;
	[tilespmem:s0+$0x1CA20] =	vst v23  }
.Ltmp28:
0x3d4: {  	v23 =	vld.idx.msk [tilespmem:v24+s14+$0x0], $0xffff;
	(pc) =	sbr.rel @!p2 .LBB2_41-.Ltmp28, $4  }
0x3d5: {  	_ = 	snop  }
0x3d6: {  	s28 =	sadd.s32 $0x1, s28;
	p1 =	por $0x1, $0x1;
	s1 =	sshrl.u32 s1, $0x3  }
0x3d7: {  	s31 =	smov.u32 s29;
	p3 =	slt.s32 s28, $0x40;
	s1 =	sand.u32 $0x3FFF0, s1  }
0x3d8: {  	s30 =	sadd.s32 $0x1, s30;
	s20 =	sadd.s32 $0x1CA00, s0;
	s1 =	sadd.s32 s5, s1  }
.LBB2_42:
0x3d9: {  	s2 =	sadd.s32 $0xFFFFFFFF, s2;
	s8 =	simm.s32 @!p3 $0x1;
	[tilespmem:s0+$0x1CA30] =	vst v23;
	s31 =	sadd.s32 $0x80, s31  }
0x3da: {  	[hbm4b:s1+s4] =	stream.linear.scatter [tilespmem:s20], [sflag:$0x1], $0x80, $0x38;
	[tilespmem:$0x1EA00] =	vst v63  }
0x3db: {  	p2 =	sne.s32 s2, $0x0;
	_ =	swait.ge @!p3 [sflag:s8], $0x80  }
0x3dc: {  	[sflag:s8] =	ssyncset.done @!p3 $0x0  }
0x3dd: {  	[sflag:s8] =	ssyncadd.s32 @!p3 $0xFFFFFF80  }
0x3de: {  	v23 =	vld [tilespmem:s30+$0x0];
	_ =	sdelay $0x4  }
0x3df: {  	(v2sf) =	vpush v23, $0x0;
	_ =	sdelay $0xe  }
0x3e0: {  	s0 =	spop (v2sf)  }
0x3e1: {  	s1 =	sand.u32 $0x7F, s0;
	s0 =	sshrl.u32 s0, $0x3  }
0x3e2: {  	v23 =	vor.u32 s1, v18;
	s8 =	sand.u32 $0x3FFF0, s0;
	_ =	sdelay $0x4  }
0x3e3: {  	v23 =	vld.idx.msk [tilespmem:v23+s14+$0x0], $0xffff;
	_ =	sdelay $0x1  }
0x3e4: {  	v24 =	vor.u32 s1, v20;
	_ =	sdelay $0x2  }
0x3e5: {  	s0 =	sand.u32 $0x1F80, s31  }
0x3e6: {  	[tilespmem:s0+$0x1CA00] =	vst v23  }
0x3e7: {  	v23 =	vld.idx.msk [tilespmem:v24+s14+$0x0], $0xffff;
	_ =	sdelay $0x1  }
0x3e8: {  	v24 =	vor.u32 s1, v21;
	_ =	sdelay $0x3  }
0x3e9: {  	[tilespmem:s0+$0x1CA10] =	vst v23  }
0x3ea: {  	v23 =	vld.idx.msk [tilespmem:v24+s14+$0x0], $0xffff;
	_ =	sdelay $0x1  }
0x3eb: {  	v24 =	vor.u32 s1, v22;
	_ =	sdelay $0x3  }
0x3ec: {  	[tilespmem:s0+$0x1CA20] =	vst v23  }
0x3ed: {  	v23 =	vld.idx.msk [tilespmem:v24+s14+$0x0], $0xffff  }
.Ltmp29:
0x3ee: {  	(pc) =	sbr.rel @p2 .LBB2_42-.Ltmp29, $3  }
0x3ef: {  	_ =	sdelay $0x1  }
0x3f0: {  	s28 =	sadd.s32 $0x1, s28;
	s30 =	sadd.s32 $0x1, s30  }
0x3f1: {  	p3 =	slt.s32 s28, $0x40;
	s20 =	sadd.s32 $0x1CA00, s0;
	s1 =	sadd.s32 s5, s8  }
.LBB2_43:
0x3f2: {  	s2 =	simm.s32 @!p3 $0x1;
	[tilespmem:s0+$0x1CA30] =	vst @p1 v23  }
0x3f3: {  	[hbm4b:s1+s4] =	stream.linear.scatter @p1 [tilespmem:s20], [sflag:$0x1], $0x80, $0x38;
	[tilespmem:$0x1EA00] =	vst v63  }
0x3f4: {  	_ =	swait.ge @!p3 [sflag:s2], $0x80  }
0x3f5: {  	[sflag:s2] =	ssyncset.done @!p3 $0x0  }
0x3f6: {  	[sflag:s2] =	ssyncadd.s32 @!p3 $0xFFFFFF80  }
0x3f7: {  	v20 =	vld [tilespmem:s30+$0x0];
	_ =	sdelay $0x4  }
0x3f8: {  	(v2sf) =	vpush v20, $0x0;
	_ =	sdelay $0xe  }
0x3f9: {  	s21 =	spop (v2sf)  }
0x3fa: {  	s30 =	sand.u32 $0x7F, s21  }
0x3fb: {  	v20 =	vor.u32 s30, v18;
	_ =	sdelay $0x4  }
0x3fc: {  	v21 =	vor.u32 $0x800, v18;
	v20 =	vld.idx.msk [tilespmem:v20+s14+$0x0], $0xffff  }
0x3fd: {  	v21 =	vor.u32 s30, v21  }
0x3fe: {  	s2 =	sadd.s32 @p1 $0x80, s31  }
0x3ff: {  	s29 =	smov.u32 @p1 s2  }
0x400: {  	s2 =	sand.u32 $0x1F80, s29  }
0x401: {  	[tilespmem:s2+$0x1CA00] =	vst v20  }
0x402: {  	v62 =	vor.u32 $0x1000, v18;
	v20 =	vld.idx.msk [tilespmem:v21+s14+$0x0], $0xffff  }
0x403: {  	v21 =	vor.u32 s30, v62;
	_ =	sdelay $0x3  }
0x404: {  	[tilespmem:s2+$0x1CA10] =	vst v20  }
0x405: {  	v63 =	vor.u32 $0x1800, v18;
	v20 =	vld.idx.msk [tilespmem:v21+s14+$0x0], $0xffff  }
0x406: {  	v21 =	vor.u32 s30, v63;
	_ =	sdelay $0x3  }
0x407: {  	[tilespmem:s2+$0x1CA20] =	vst v20  }
0x408: {  	v20 =	vld.idx.msk [tilespmem:v21+s14+$0x0], $0xffff;
	_ =	sdelay $0x2  }
0x409: {  	s0 =	sshrl.u32 s21, $0x3  }
0x40a: {  	s0 =	sand.u32 $0x3FFF0, s0  }
0x40b: {  	s28 =	sadd.s32 $0x1, s28;
	s31 =	sadd.s32 $0x1CA00, s2;
	s0 =	sadd.s32 s5, s0;
	[tilespmem:s2+$0x1CA30] =	vst v20  }
0x40c: {  	[hbm4b:s0+s4] =	stream.linear.scatter [tilespmem:s31], [sflag:$0x1], $0x80, $0x38;
	[tilespmem:$0x1EA00] =	vst v63  }
.LBB2_44:
0x40d: {  	s0 =	sadd.s32 $0xB, s26  }
0x40e: {  	p1 =	sge.s32 s0, s23  }
0x40f: {  	v20 =	vld @!p1 [tilespmem:s0+$0xC580];
	_ =	sdelay $0x4  }
0x410: {  	(v2sf) =	vpush @!p1 v20, $0x0;
	_ =	sdelay $0xe  }
0x411: {  	s0 =	spop @!p1 (v2sf)  }
0x412: {  	s0 =	sshll.u32 @!p1 s0, $0x7  }
0x413: {  	s2 =	sor.u32 $0x4, s26;
	s1 =	simm.s32 @!p1 $0x400;
	s0 =	sand.u32 @!p1 $0x1FFFFF80, s0  }
0x414: {  	s8 =	simm.s32 @!p1 $0x7A1400;
	s20 =	simm.s32 @!p1 $0x12A00;
	s0 =	sadd.s32 @!p1 s3, s0  }
0x415: {  	[tilespmem:s20], [sflag:$0x5] =	stream.strided.gather @!p1 [hbm4b:s0+s1], $0x2000, s8, s1, $0x38;
	[tilespmem:$0x1EA00] =	vst v63  }
0x416: {  	p1 =	sge.s32 s2, s23  }
0x417: {  	s0 =	simm.s32 @!p1 $0x6  }
0x418: {  	_ =	swait.ge @!p1 [sflag:s0], $0x2000  }
0x419: {  	[sflag:s0] =	ssyncset.done @!p1 $0x0  }
0x41a: {  	[sflag:s0] =	ssyncadd.s32 @!p1 $0xFFFFE000  }
0x41b: {  	v20 =	vld [tilespmem:s2+$0xC700]  }
0x41c: {  	v21 =	vld [tilespmem:s2+$0xC880];
	_ =	sdelay $0x3  }
0x41d: {  	(v2sf) =	vpush v20, $0x0  }
0x41e: {  	(v2sf) =	vpush v21, $0x0;
	_ =	sdelay $0xd  }
0x41f: {  	s1 =	spop (v2sf)  }
0x420: {  	p1 =	slt.s32 s2, s23;
	s2 =	spop (v2sf)  }
0x421: {  	s1 =	simm.s32 @!p1 $0x0;
	s2 =	simm.s32 @!p1 $0x0  }
0x422: {  	p1 =	sle.s32 s2, s1  }
.Ltmp30:
0x423: {  	_ = 	snop;
	(pc) =	sbr.rel @p1 .LBB2_45-.Ltmp30, $1  }
0x424: {  	_ =	sdelay $0x3  }
0x425: {  	s0 =	ssub.s32 s2, s1  }
0x426: {  	s0 =	sadd.s32 $0xFFFFFFFF, s0  }
0x427: {  	p2 =	sne.s32 s0, $0x0  }
.Ltmp31:
0x428: {  	_ = 	snop;
	(pc) =	sbr.rel @!p2 .LBB2_47-.Ltmp31, $4  }
0x429: {  	_ = 	snop  }
0x42a: {  	s8 =	sshll.u32 s1, $0x2;
	s30 =	sshll.u32 s28, $0x7  }
0x42b: {  	s21 =	sadd.s32 s28, s2;
	p3 =	slt.s32 s28, $0x40;
	s8 =	sshra.s32 s8, $0x2  }
0x42c: {  	p1 =	por $0x0, $0x0;
	s29 =	ssub.s32 s21, s1;
	s31 =	sadd.s32 $0x8080, s8  }
0x42d: {  	s1 =	simm.s32 @!p3 $0x1  }
0x42e: {  	_ =	swait.ge @!p3 [sflag:s1], $0x80  }
0x42f: {  	[sflag:s1] =	ssyncset.done @!p3 $0x0  }
0x430: {  	[sflag:s1] =	ssyncadd.s32 @!p3 $0xFFFFFF80  }
0x431: {  	v20 =	vld [tilespmem:s31+$0x0];
	_ =	sdelay $0x4  }
0x432: {  	(v2sf) =	vpush v20, $0x0;
	_ =	sdelay $0xe  }
0x433: {  	s21 =	spop (v2sf)  }
0x434: {  	s2 =	sand.u32 $0x7F, s21  }
0x435: {  	v20 =	vor.u32 s2, v18;
	_ =	sdelay $0x4  }
0x436: {  	v21 =	vld.idx.msk [tilespmem:v20+s15+$0x0], $0xffff;
	v20 =	vor.u32 $0x800, v18  }
0x437: {  	v22 =	vor.u32 s2, v20;
	_ =	sdelay $0x2  }
0x438: {  	s20 =	sand.u32 $0x1F80, s30  }
0x439: {  	[tilespmem:s20+$0x1CA00] =	vst v21  }
0x43a: {  	v21 =	vor.u32 $0x1000, v18;
	v22 =	vld.idx.msk [tilespmem:v22+s15+$0x0], $0xffff  }
0x43b: {  	v23 =	vor.u32 s2, v21;
	_ =	sdelay $0x3  }
0x43c: {  	[tilespmem:s20+$0x1CA10] =	vst v22  }
0x43d: {  	v22 =	vor.u32 $0x1800, v18;
	v23 =	vld.idx.msk [tilespmem:v23+s15+$0x0], $0xffff  }
0x43e: {  	v24 =	vor.u32 s2, v22;
	_ =	sdelay $0x2  }
0x43f: {  	s2 =	sadd.s32 $0xFFFFFFFF, s0  }
0x440: {  	p2 =	sne.s32 s2, $0x0;
	[tilespmem:s20+$0x1CA20] =	vst v23  }
.Ltmp32:
0x441: {  	v23 =	vld.idx.msk [tilespmem:v24+s15+$0x0], $0xffff;
	(pc) =	sbr.rel @!p2 .LBB2_49-.Ltmp32, $4  }
0x442: {  	_ = 	snop  }
0x443: {  	p1 =	por $0x1, $0x1;
	s31 =	sadd.s32 $0x1, s31;
	s1 =	sshrl.u32 s21, $0x3  }
0x444: {  	s21 =	sadd.s32 $0x1CA00, s20;
	s1 =	sand.u32 $0x3FFF0, s1;
	s0 =	sadd.s32 $0x1, s28  }
0x445: {  	s1 =	sadd.s32 s5, s1;
	s28 =	smov.u32 s30;
	p3 =	slt.s32 s0, $0x40  }
.LBB2_50:
0x446: {  	s2 =	sadd.s32 $0xFFFFFFFF, s2;
	s8 =	simm.s32 @!p3 $0x1;
	[tilespmem:s20+$0x1CA30] =	vst v23;
	s28 =	sadd.s32 $0x80, s28  }
0x447: {  	[hbm4b:s1+s4] =	stream.linear.scatter [tilespmem:s21], [sflag:$0x1], $0x80, $0x38;
	[tilespmem:$0x1EA00] =	vst v63  }
0x448: {  	p2 =	sne.s32 s2, $0x0;
	_ =	swait.ge @!p3 [sflag:s8], $0x80  }
0x449: {  	[sflag:s8] =	ssyncset.done @!p3 $0x0  }
0x44a: {  	[sflag:s8] =	ssyncadd.s32 @!p3 $0xFFFFFF80  }
0x44b: {  	v23 =	vld [tilespmem:s31+$0x0];
	_ =	sdelay $0x4  }
0x44c: {  	(v2sf) =	vpush v23, $0x0;
	_ =	sdelay $0xe  }
0x44d: {  	s1 =	spop (v2sf)  }
0x44e: {  	s8 =	sand.u32 $0x7F, s1;
	s1 =	sshrl.u32 s1, $0x3  }
0x44f: {  	v23 =	vor.u32 s8, v18;
	s1 =	sand.u32 $0x3FFF0, s1;
	_ =	sdelay $0x4  }
0x450: {  	v23 =	vld.idx.msk [tilespmem:v23+s15+$0x0], $0xffff;
	_ =	sdelay $0x1  }
0x451: {  	v24 =	vor.u32 s8, v20;
	_ =	sdelay $0x2  }
0x452: {  	s20 =	sand.u32 $0x1F80, s28  }
0x453: {  	[tilespmem:s20+$0x1CA00] =	vst v23  }
0x454: {  	v23 =	vld.idx.msk [tilespmem:v24+s15+$0x0], $0xffff;
	_ =	sdelay $0x1  }
0x455: {  	v24 =	vor.u32 s8, v21;
	_ =	sdelay $0x3  }
0x456: {  	[tilespmem:s20+$0x1CA10] =	vst v23  }
0x457: {  	v23 =	vld.idx.msk [tilespmem:v24+s15+$0x0], $0xffff;
	_ =	sdelay $0x1  }
0x458: {  	v24 =	vor.u32 s8, v22;
	_ =	sdelay $0x3  }
0x459: {  	[tilespmem:s20+$0x1CA20] =	vst v23  }
0x45a: {  	v23 =	vld.idx.msk [tilespmem:v24+s15+$0x0], $0xffff  }
.Ltmp33:
0x45b: {  	(pc) =	sbr.rel @p2 .LBB2_50-.Ltmp33, $3  }
0x45c: {  	_ =	sdelay $0x1  }
0x45d: {  	s0 =	sadd.s32 $0x1, s0;
	s31 =	sadd.s32 $0x1, s31  }
0x45e: {  	s21 =	sadd.s32 $0x1CA00, s20;
	p3 =	slt.s32 s0, $0x40;
	s1 =	sadd.s32 s5, s1  }
.LBB2_51:
0x45f: {  	s0 =	simm.s32 @!p3 $0x1;
	[tilespmem:s20+$0x1CA30] =	vst @p1 v23  }
0x460: {  	[hbm4b:s1+s4] =	stream.linear.scatter @p1 [tilespmem:s21], [sflag:$0x1], $0x80, $0x38;
	[tilespmem:$0x1EA00] =	vst v63  }
0x461: {  	_ =	swait.ge @!p3 [sflag:s0], $0x80  }
0x462: {  	[sflag:s0] =	ssyncset.done @!p3 $0x0  }
0x463: {  	[sflag:s0] =	ssyncadd.s32 @!p3 $0xFFFFFF80  }
0x464: {  	v20 =	vld [tilespmem:s31+$0x0];
	_ =	sdelay $0x4  }
0x465: {  	(v2sf) =	vpush v20, $0x0;
	_ =	sdelay $0xe  }
0x466: {  	s20 =	spop (v2sf)  }
0x467: {  	s21 =	sand.u32 $0x7F, s20  }
0x468: {  	v20 =	vor.u32 s21, v18;
	_ =	sdelay $0x4  }
0x469: {  	v21 =	vor.u32 $0x800, v18;
	v20 =	vld.idx.msk [tilespmem:v20+s15+$0x0], $0xffff  }
0x46a: {  	v21 =	vor.u32 s21, v21  }
0x46b: {  	s2 =	sadd.s32 @p1 $0x80, s28  }
0x46c: {  	s30 =	smov.u32 @p1 s2  }
0x46d: {  	s2 =	sand.u32 $0x1F80, s30  }
0x46e: {  	[tilespmem:s2+$0x1CA00] =	vst v20  }
0x46f: {  	v62 =	vor.u32 $0x1000, v18;
	v20 =	vld.idx.msk [tilespmem:v21+s15+$0x0], $0xffff  }
0x470: {  	v21 =	vor.u32 s21, v62;
	_ =	sdelay $0x3  }
0x471: {  	[tilespmem:s2+$0x1CA10] =	vst v20  }
0x472: {  	v63 =	vor.u32 $0x1800, v18;
	v20 =	vld.idx.msk [tilespmem:v21+s15+$0x0], $0xffff  }
0x473: {  	v21 =	vor.u32 s21, v63;
	_ =	sdelay $0x3  }
0x474: {  	[tilespmem:s2+$0x1CA20] =	vst v20  }
0x475: {  	v20 =	vld.idx.msk [tilespmem:v21+s15+$0x0], $0xffff;
	_ =	sdelay $0x1  }
.Ltmp34:
0x476: {  	_ = 	snop;
	(pc) =	sbr.rel .LBB2_52-.Ltmp34, $4  }
0x477: {  	s0 =	sshrl.u32 s20, $0x3  }
0x478: {  	s0 =	sand.u32 $0x3FFF0, s0  }
0x479: {  	s31 =	sadd.s32 $0x1CA00, s2;
	s0 =	sadd.s32 s5, s0;
	[tilespmem:s2+$0x1CA30] =	vst v20  }
0x47a: {  	[hbm4b:s0+s4] =	stream.linear.scatter [tilespmem:s31], [sflag:$0x1], $0x80, $0x38;
	[tilespmem:$0x1EA00] =	vst v63  }
.LBB2_45:
0x47b: {  	s29 =	smov.u32 s28  }
.LBB2_52:
0x47c: {  	s0 =	sadd.s32 $0xC, s26  }
0x47d: {  	p1 =	sge.s32 s0, s23  }
0x47e: {  	v20 =	vld @!p1 [tilespmem:s0+$0xC580];
	_ =	sdelay $0x4  }
0x47f: {  	(v2sf) =	vpush @!p1 v20, $0x0;
	_ =	sdelay $0xe  }
0x480: {  	s0 =	spop @!p1 (v2sf)  }
0x481: {  	s0 =	sshll.u32 @!p1 s0, $0x7  }
0x482: {  	s1 =	sor.u32 $0x5, s26;
	s2 =	simm.s32 @!p1 $0x400;
	s0 =	sand.u32 @!p1 $0x1FFFFF80, s0  }
0x483: {  	s8 =	simm.s32 @!p1 $0x7A1400;
	s20 =	simm.s32 @!p1 $0x14A00;
	s0 =	sadd.s32 @!p1 s3, s0  }
0x484: {  	[tilespmem:s20], [sflag:$0x6] =	stream.strided.gather @!p1 [hbm4b:s0+s2], $0x2000, s8, s2, $0x38;
	[tilespmem:$0x1EA00] =	vst v63  }
0x485: {  	p1 =	sge.s32 s1, s23  }
0x486: {  	s0 =	simm.s32 @!p1 $0x7  }
0x487: {  	_ =	swait.ge @!p1 [sflag:s0], $0x2000  }
0x488: {  	[sflag:s0] =	ssyncset.done @!p1 $0x0  }
0x489: {  	[sflag:s0] =	ssyncadd.s32 @!p1 $0xFFFFE000  }
0x48a: {  	v20 =	vld [tilespmem:s1+$0xC700]  }
0x48b: {  	v21 =	vld [tilespmem:s1+$0xC880];
	_ =	sdelay $0x3  }
0x48c: {  	(v2sf) =	vpush v20, $0x0  }
0x48d: {  	(v2sf) =	vpush v21, $0x0;
	_ =	sdelay $0xd  }
0x48e: {  	s0 =	spop (v2sf)  }
0x48f: {  	p1 =	slt.s32 s1, s23;
	s1 =	spop (v2sf)  }
0x490: {  	s0 =	simm.s32 @!p1 $0x0;
	s1 =	simm.s32 @!p1 $0x0  }
0x491: {  	p1 =	sle.s32 s1, s0  }
.Ltmp35:
0x492: {  	_ = 	snop;
	(pc) =	sbr.rel @p1 .LBB2_59-.Ltmp35, $1  }
0x493: {  	_ =	sdelay $0x3  }
0x494: {  	s1 =	ssub.s32 s1, s0  }
0x495: {  	s2 =	sadd.s32 $0xFFFFFFFF, s1  }
0x496: {  	p2 =	sne.s32 s2, $0x0  }
.Ltmp36:
0x497: {  	_ = 	snop;
	(pc) =	sbr.rel @!p2 .LBB2_54-.Ltmp36, $4  }
0x498: {  	_ = 	snop  }
0x499: {  	s31 =	sshll.u32 s0, $0x2  }
0x49a: {  	s28 =	sshll.u32 s29, $0x7;
	s0 =	sshra.s32 s31, $0x2  }
0x49b: {  	p3 =	slt.s32 s29, $0x40;
	p1 =	por $0x0, $0x0;
	s30 =	sadd.s32 $0x8080, s0  }
0x49c: {  	s0 =	simm.s32 @!p3 $0x1  }
0x49d: {  	_ =	swait.ge @!p3 [sflag:s0], $0x80  }
0x49e: {  	[sflag:s0] =	ssyncset.done @!p3 $0x0  }
0x49f: {  	[sflag:s0] =	ssyncadd.s32 @!p3 $0xFFFFFF80  }
0x4a0: {  	v20 =	vld [tilespmem:s30+$0x0];
	_ =	sdelay $0x4  }
0x4a1: {  	(v2sf) =	vpush v20, $0x0;
	_ =	sdelay $0xe  }
0x4a2: {  	s1 =	spop (v2sf)  }
0x4a3: {  	s8 =	sand.u32 $0x7F, s1  }
0x4a4: {  	v20 =	vor.u32 s8, v18;
	_ =	sdelay $0x4  }
0x4a5: {  	v21 =	vld.idx.msk [tilespmem:v20+s16+$0x0], $0xffff;
	v20 =	vor.u32 $0x800, v18  }
0x4a6: {  	v22 =	vor.u32 s8, v20;
	_ =	sdelay $0x2  }
0x4a7: {  	s0 =	sand.u32 $0x1F80, s28  }
0x4a8: {  	[tilespmem:s0+$0x1CA00] =	vst v21  }
0x4a9: {  	v21 =	vor.u32 $0x1000, v18;
	v22 =	vld.idx.msk [tilespmem:v22+s16+$0x0], $0xffff  }
0x4aa: {  	v23 =	vor.u32 s8, v21;
	_ =	sdelay $0x3  }
0x4ab: {  	[tilespmem:s0+$0x1CA10] =	vst v22  }
0x4ac: {  	v22 =	vor.u32 $0x1800, v18;
	v23 =	vld.idx.msk [tilespmem:v23+s16+$0x0], $0xffff  }
0x4ad: {  	v24 =	vor.u32 s8, v22;
	_ =	sdelay $0x2  }
0x4ae: {  	s2 =	sadd.s32 $0xFFFFFFFF, s2  }
0x4af: {  	p2 =	sne.s32 s2, $0x0;
	[tilespmem:s0+$0x1CA20] =	vst v23  }
.Ltmp37:
0x4b0: {  	v23 =	vld.idx.msk [tilespmem:v24+s16+$0x0], $0xffff;
	(pc) =	sbr.rel @!p2 .LBB2_56-.Ltmp37, $4  }
0x4b1: {  	_ = 	snop  }
0x4b2: {  	s29 =	sadd.s32 $0x1, s29;
	p1 =	por $0x1, $0x1;
	s1 =	sshrl.u32 s1, $0x3  }
0x4b3: {  	s31 =	smov.u32 s28;
	p3 =	slt.s32 s29, $0x40;
	s1 =	sand.u32 $0x3FFF0, s1  }
0x4b4: {  	s30 =	sadd.s32 $0x1, s30;
	s20 =	sadd.s32 $0x1CA00, s0;
	s1 =	sadd.s32 s5, s1  }
.LBB2_57:
0x4b5: {  	s2 =	sadd.s32 $0xFFFFFFFF, s2;
	s8 =	simm.s32 @!p3 $0x1;
	[tilespmem:s0+$0x1CA30] =	vst v23;
	s31 =	sadd.s32 $0x80, s31  }
0x4b6: {  	[hbm4b:s1+s4] =	stream.linear.scatter [tilespmem:s20], [sflag:$0x1], $0x80, $0x38;
	[tilespmem:$0x1EA00] =	vst v63  }
0x4b7: {  	p2 =	sne.s32 s2, $0x0;
	_ =	swait.ge @!p3 [sflag:s8], $0x80  }
0x4b8: {  	[sflag:s8] =	ssyncset.done @!p3 $0x0  }
0x4b9: {  	[sflag:s8] =	ssyncadd.s32 @!p3 $0xFFFFFF80  }
0x4ba: {  	v23 =	vld [tilespmem:s30+$0x0];
	_ =	sdelay $0x4  }
0x4bb: {  	(v2sf) =	vpush v23, $0x0;
	_ =	sdelay $0xe  }
0x4bc: {  	s0 =	spop (v2sf)  }
0x4bd: {  	s1 =	sand.u32 $0x7F, s0;
	s0 =	sshrl.u32 s0, $0x3  }
0x4be: {  	v23 =	vor.u32 s1, v18;
	s8 =	sand.u32 $0x3FFF0, s0;
	_ =	sdelay $0x4  }
0x4bf: {  	v23 =	vld.idx.msk [tilespmem:v23+s16+$0x0], $0xffff;
	_ =	sdelay $0x1  }
0x4c0: {  	v24 =	vor.u32 s1, v20;
	_ =	sdelay $0x2  }
0x4c1: {  	s0 =	sand.u32 $0x1F80, s31  }
0x4c2: {  	[tilespmem:s0+$0x1CA00] =	vst v23  }
0x4c3: {  	v23 =	vld.idx.msk [tilespmem:v24+s16+$0x0], $0xffff;
	_ =	sdelay $0x1  }
0x4c4: {  	v24 =	vor.u32 s1, v21;
	_ =	sdelay $0x3  }
0x4c5: {  	[tilespmem:s0+$0x1CA10] =	vst v23  }
0x4c6: {  	v23 =	vld.idx.msk [tilespmem:v24+s16+$0x0], $0xffff;
	_ =	sdelay $0x1  }
0x4c7: {  	v24 =	vor.u32 s1, v22;
	_ =	sdelay $0x3  }
0x4c8: {  	[tilespmem:s0+$0x1CA20] =	vst v23  }
0x4c9: {  	v23 =	vld.idx.msk [tilespmem:v24+s16+$0x0], $0xffff  }
.Ltmp38:
0x4ca: {  	(pc) =	sbr.rel @p2 .LBB2_57-.Ltmp38, $3  }
0x4cb: {  	_ =	sdelay $0x1  }
0x4cc: {  	s29 =	sadd.s32 $0x1, s29;
	s30 =	sadd.s32 $0x1, s30  }
0x4cd: {  	p3 =	slt.s32 s29, $0x40;
	s20 =	sadd.s32 $0x1CA00, s0;
	s1 =	sadd.s32 s5, s8  }
.LBB2_58:
0x4ce: {  	s2 =	simm.s32 @!p3 $0x1;
	[tilespmem:s0+$0x1CA30] =	vst @p1 v23  }
0x4cf: {  	[hbm4b:s1+s4] =	stream.linear.scatter @p1 [tilespmem:s20], [sflag:$0x1], $0x80, $0x38;
	[tilespmem:$0x1EA00] =	vst v63  }
0x4d0: {  	_ =	swait.ge @!p3 [sflag:s2], $0x80  }
0x4d1: {  	[sflag:s2] =	ssyncset.done @!p3 $0x0  }
0x4d2: {  	[sflag:s2] =	ssyncadd.s32 @!p3 $0xFFFFFF80  }
0x4d3: {  	v20 =	vld [tilespmem:s30+$0x0];
	_ =	sdelay $0x4  }
0x4d4: {  	(v2sf) =	vpush v20, $0x0;
	_ =	sdelay $0xe  }
0x4d5: {  	s21 =	spop (v2sf)  }
0x4d6: {  	s30 =	sand.u32 $0x7F, s21  }
0x4d7: {  	v20 =	vor.u32 s30, v18;
	_ =	sdelay $0x4  }
0x4d8: {  	v21 =	vor.u32 $0x800, v18;
	v20 =	vld.idx.msk [tilespmem:v20+s16+$0x0], $0xffff  }
0x4d9: {  	v21 =	vor.u32 s30, v21  }
0x4da: {  	s2 =	sadd.s32 @p1 $0x80, s31  }
0x4db: {  	s28 =	smov.u32 @p1 s2  }
0x4dc: {  	s2 =	sand.u32 $0x1F80, s28  }
0x4dd: {  	[tilespmem:s2+$0x1CA00] =	vst v20  }
0x4de: {  	v62 =	vor.u32 $0x1000, v18;
	v20 =	vld.idx.msk [tilespmem:v21+s16+$0x0], $0xffff  }
0x4df: {  	v21 =	vor.u32 s30, v62;
	_ =	sdelay $0x3  }
0x4e0: {  	[tilespmem:s2+$0x1CA10] =	vst v20  }
0x4e1: {  	v63 =	vor.u32 $0x1800, v18;
	v20 =	vld.idx.msk [tilespmem:v21+s16+$0x0], $0xffff  }
0x4e2: {  	v21 =	vor.u32 s30, v63;
	_ =	sdelay $0x3  }
0x4e3: {  	[tilespmem:s2+$0x1CA20] =	vst v20  }
0x4e4: {  	v20 =	vld.idx.msk [tilespmem:v21+s16+$0x0], $0xffff;
	_ =	sdelay $0x2  }
0x4e5: {  	s0 =	sshrl.u32 s21, $0x3  }
0x4e6: {  	s0 =	sand.u32 $0x3FFF0, s0  }
0x4e7: {  	s29 =	sadd.s32 $0x1, s29;
	s31 =	sadd.s32 $0x1CA00, s2;
	s0 =	sadd.s32 s5, s0;
	[tilespmem:s2+$0x1CA30] =	vst v20  }
0x4e8: {  	[hbm4b:s0+s4] =	stream.linear.scatter [tilespmem:s31], [sflag:$0x1], $0x80, $0x38;
	[tilespmem:$0x1EA00] =	vst v63  }
.LBB2_59:
0x4e9: {  	s0 =	sadd.s32 $0xD, s26  }
0x4ea: {  	p1 =	sge.s32 s0, s23  }
0x4eb: {  	v20 =	vld @!p1 [tilespmem:s0+$0xC580];
	_ =	sdelay $0x4  }
0x4ec: {  	(v2sf) =	vpush @!p1 v20, $0x0;
	_ =	sdelay $0xe  }
0x4ed: {  	s0 =	spop @!p1 (v2sf)  }
0x4ee: {  	s0 =	sshll.u32 @!p1 s0, $0x7  }
0x4ef: {  	s2 =	sor.u32 $0x6, s26;
	s1 =	simm.s32 @!p1 $0x400;
	s0 =	sand.u32 @!p1 $0x1FFFFF80, s0  }
0x4f0: {  	s8 =	simm.s32 @!p1 $0x7A1400;
	s20 =	simm.s32 @!p1 $0x16A00;
	s0 =	sadd.s32 @!p1 s3, s0  }
0x4f1: {  	[tilespmem:s20], [sflag:$0x7] =	stream.strided.gather @!p1 [hbm4b:s0+s1], $0x2000, s8, s1, $0x38;
	[tilespmem:$0x1EA00] =	vst v63  }
0x4f2: {  	p1 =	sge.s32 s2, s23  }
0x4f3: {  	s0 =	simm.s32 @!p1 $0x8  }
0x4f4: {  	_ =	swait.ge @!p1 [sflag:s0], $0x2000  }
0x4f5: {  	[sflag:s0] =	ssyncset.done @!p1 $0x0  }
0x4f6: {  	[sflag:s0] =	ssyncadd.s32 @!p1 $0xFFFFE000  }
0x4f7: {  	v20 =	vld [tilespmem:s2+$0xC700]  }
0x4f8: {  	v21 =	vld [tilespmem:s2+$0xC880];
	_ =	sdelay $0x3  }
0x4f9: {  	(v2sf) =	vpush v20, $0x0  }
0x4fa: {  	(v2sf) =	vpush v21, $0x0;
	_ =	sdelay $0xd  }
0x4fb: {  	s1 =	spop (v2sf)  }
0x4fc: {  	p1 =	slt.s32 s2, s23;
	s2 =	spop (v2sf)  }
0x4fd: {  	s1 =	simm.s32 @!p1 $0x0;
	s2 =	simm.s32 @!p1 $0x0  }
0x4fe: {  	p1 =	sle.s32 s2, s1  }
.Ltmp39:
0x4ff: {  	_ = 	snop;
	(pc) =	sbr.rel @p1 .LBB2_60-.Ltmp39, $1  }
0x500: {  	_ =	sdelay $0x3  }
0x501: {  	s0 =	ssub.s32 s2, s1  }
0x502: {  	s0 =	sadd.s32 $0xFFFFFFFF, s0  }
0x503: {  	p2 =	sne.s32 s0, $0x0  }
.Ltmp40:
0x504: {  	_ = 	snop;
	(pc) =	sbr.rel @!p2 .LBB2_62-.Ltmp40, $4  }
0x505: {  	_ = 	snop  }
0x506: {  	s8 =	sshll.u32 s1, $0x2;
	s30 =	sshll.u32 s29, $0x7  }
0x507: {  	s21 =	sadd.s32 s29, s2;
	p3 =	slt.s32 s29, $0x40;
	s8 =	sshra.s32 s8, $0x2  }
0x508: {  	p1 =	por $0x0, $0x0;
	s28 =	ssub.s32 s21, s1;
	s31 =	sadd.s32 $0x8080, s8  }
0x509: {  	s1 =	simm.s32 @!p3 $0x1  }
0x50a: {  	_ =	swait.ge @!p3 [sflag:s1], $0x80  }
0x50b: {  	[sflag:s1] =	ssyncset.done @!p3 $0x0  }
0x50c: {  	[sflag:s1] =	ssyncadd.s32 @!p3 $0xFFFFFF80  }
0x50d: {  	v20 =	vld [tilespmem:s31+$0x0];
	_ =	sdelay $0x4  }
0x50e: {  	(v2sf) =	vpush v20, $0x0;
	_ =	sdelay $0xe  }
0x50f: {  	s21 =	spop (v2sf)  }
0x510: {  	s2 =	sand.u32 $0x7F, s21  }
0x511: {  	v20 =	vor.u32 s2, v18;
	_ =	sdelay $0x4  }
0x512: {  	v21 =	vld.idx.msk [tilespmem:v20+s17+$0x0], $0xffff;
	v20 =	vor.u32 $0x800, v18  }
0x513: {  	v22 =	vor.u32 s2, v20;
	_ =	sdelay $0x2  }
0x514: {  	s20 =	sand.u32 $0x1F80, s30  }
0x515: {  	[tilespmem:s20+$0x1CA00] =	vst v21  }
0x516: {  	v21 =	vor.u32 $0x1000, v18;
	v22 =	vld.idx.msk [tilespmem:v22+s17+$0x0], $0xffff  }
0x517: {  	v23 =	vor.u32 s2, v21;
	_ =	sdelay $0x3  }
0x518: {  	[tilespmem:s20+$0x1CA10] =	vst v22  }
0x519: {  	v22 =	vor.u32 $0x1800, v18;
	v23 =	vld.idx.msk [tilespmem:v23+s17+$0x0], $0xffff  }
0x51a: {  	v24 =	vor.u32 s2, v22;
	_ =	sdelay $0x2  }
0x51b: {  	s2 =	sadd.s32 $0xFFFFFFFF, s0  }
0x51c: {  	p2 =	sne.s32 s2, $0x0;
	[tilespmem:s20+$0x1CA20] =	vst v23  }
.Ltmp41:
0x51d: {  	v23 =	vld.idx.msk [tilespmem:v24+s17+$0x0], $0xffff;
	(pc) =	sbr.rel @!p2 .LBB2_64-.Ltmp41, $4  }
0x51e: {  	_ = 	snop  }
0x51f: {  	p1 =	por $0x1, $0x1;
	s31 =	sadd.s32 $0x1, s31;
	s1 =	sshrl.u32 s21, $0x3  }
0x520: {  	s21 =	sadd.s32 $0x1CA00, s20;
	s1 =	sand.u32 $0x3FFF0, s1;
	s0 =	sadd.s32 $0x1, s29  }
0x521: {  	s1 =	sadd.s32 s5, s1;
	s29 =	smov.u32 s30;
	p3 =	slt.s32 s0, $0x40  }
.LBB2_65:
0x522: {  	s2 =	sadd.s32 $0xFFFFFFFF, s2;
	s8 =	simm.s32 @!p3 $0x1;
	[tilespmem:s20+$0x1CA30] =	vst v23;
	s29 =	sadd.s32 $0x80, s29  }
0x523: {  	[hbm4b:s1+s4] =	stream.linear.scatter [tilespmem:s21], [sflag:$0x1], $0x80, $0x38;
	[tilespmem:$0x1EA00] =	vst v63  }
0x524: {  	p2 =	sne.s32 s2, $0x0;
	_ =	swait.ge @!p3 [sflag:s8], $0x80  }
0x525: {  	[sflag:s8] =	ssyncset.done @!p3 $0x0  }
0x526: {  	[sflag:s8] =	ssyncadd.s32 @!p3 $0xFFFFFF80  }
0x527: {  	v23 =	vld [tilespmem:s31+$0x0];
	_ =	sdelay $0x4  }
0x528: {  	(v2sf) =	vpush v23, $0x0;
	_ =	sdelay $0xe  }
0x529: {  	s1 =	spop (v2sf)  }
0x52a: {  	s8 =	sand.u32 $0x7F, s1;
	s1 =	sshrl.u32 s1, $0x3  }
0x52b: {  	v23 =	vor.u32 s8, v18;
	s1 =	sand.u32 $0x3FFF0, s1;
	_ =	sdelay $0x4  }
0x52c: {  	v23 =	vld.idx.msk [tilespmem:v23+s17+$0x0], $0xffff;
	_ =	sdelay $0x1  }
0x52d: {  	v24 =	vor.u32 s8, v20;
	_ =	sdelay $0x2  }
0x52e: {  	s20 =	sand.u32 $0x1F80, s29  }
0x52f: {  	[tilespmem:s20+$0x1CA00] =	vst v23  }
0x530: {  	v23 =	vld.idx.msk [tilespmem:v24+s17+$0x0], $0xffff;
	_ =	sdelay $0x1  }
0x531: {  	v24 =	vor.u32 s8, v21;
	_ =	sdelay $0x3  }
0x532: {  	[tilespmem:s20+$0x1CA10] =	vst v23  }
0x533: {  	v23 =	vld.idx.msk [tilespmem:v24+s17+$0x0], $0xffff;
	_ =	sdelay $0x1  }
0x534: {  	v24 =	vor.u32 s8, v22;
	_ =	sdelay $0x3  }
0x535: {  	[tilespmem:s20+$0x1CA20] =	vst v23  }
0x536: {  	v23 =	vld.idx.msk [tilespmem:v24+s17+$0x0], $0xffff  }
.Ltmp42:
0x537: {  	(pc) =	sbr.rel @p2 .LBB2_65-.Ltmp42, $3  }
0x538: {  	_ =	sdelay $0x1  }
0x539: {  	s0 =	sadd.s32 $0x1, s0;
	s31 =	sadd.s32 $0x1, s31  }
0x53a: {  	s21 =	sadd.s32 $0x1CA00, s20;
	p3 =	slt.s32 s0, $0x40;
	s1 =	sadd.s32 s5, s1  }
.LBB2_66:
0x53b: {  	s0 =	simm.s32 @!p3 $0x1;
	[tilespmem:s20+$0x1CA30] =	vst @p1 v23  }
0x53c: {  	[hbm4b:s1+s4] =	stream.linear.scatter @p1 [tilespmem:s21], [sflag:$0x1], $0x80, $0x38;
	[tilespmem:$0x1EA00] =	vst v63  }
0x53d: {  	_ =	swait.ge @!p3 [sflag:s0], $0x80  }
0x53e: {  	[sflag:s0] =	ssyncset.done @!p3 $0x0  }
0x53f: {  	[sflag:s0] =	ssyncadd.s32 @!p3 $0xFFFFFF80  }
0x540: {  	v20 =	vld [tilespmem:s31+$0x0];
	_ =	sdelay $0x4  }
0x541: {  	(v2sf) =	vpush v20, $0x0;
	_ =	sdelay $0xe  }
0x542: {  	s20 =	spop (v2sf)  }
0x543: {  	s21 =	sand.u32 $0x7F, s20  }
0x544: {  	v20 =	vor.u32 s21, v18;
	_ =	sdelay $0x4  }
0x545: {  	v21 =	vor.u32 $0x800, v18;
	v20 =	vld.idx.msk [tilespmem:v20+s17+$0x0], $0xffff  }
0x546: {  	v21 =	vor.u32 s21, v21  }
0x547: {  	s2 =	sadd.s32 @p1 $0x80, s29  }
0x548: {  	s30 =	smov.u32 @p1 s2  }
0x549: {  	s2 =	sand.u32 $0x1F80, s30  }
0x54a: {  	[tilespmem:s2+$0x1CA00] =	vst v20  }
0x54b: {  	v62 =	vor.u32 $0x1000, v18;
	v20 =	vld.idx.msk [tilespmem:v21+s17+$0x0], $0xffff  }
0x54c: {  	v21 =	vor.u32 s21, v62;
	_ =	sdelay $0x3  }
0x54d: {  	[tilespmem:s2+$0x1CA10] =	vst v20  }
0x54e: {  	v63 =	vor.u32 $0x1800, v18;
	v20 =	vld.idx.msk [tilespmem:v21+s17+$0x0], $0xffff  }
0x54f: {  	v21 =	vor.u32 s21, v63;
	_ =	sdelay $0x3  }
0x550: {  	[tilespmem:s2+$0x1CA20] =	vst v20  }
0x551: {  	v20 =	vld.idx.msk [tilespmem:v21+s17+$0x0], $0xffff;
	_ =	sdelay $0x1  }
.Ltmp43:
0x552: {  	_ = 	snop;
	(pc) =	sbr.rel .LBB2_67-.Ltmp43, $4  }
0x553: {  	s0 =	sshrl.u32 s20, $0x3  }
0x554: {  	s0 =	sand.u32 $0x3FFF0, s0  }
0x555: {  	s31 =	sadd.s32 $0x1CA00, s2;
	s0 =	sadd.s32 s5, s0;
	[tilespmem:s2+$0x1CA30] =	vst v20  }
0x556: {  	[hbm4b:s0+s4] =	stream.linear.scatter [tilespmem:s31], [sflag:$0x1], $0x80, $0x38;
	[tilespmem:$0x1EA00] =	vst v63  }
.LBB2_60:
0x557: {  	s28 =	smov.u32 s29  }
.LBB2_67:
0x558: {  	s0 =	sadd.s32 $0xE, s26  }
0x559: {  	p1 =	sge.s32 s0, s23  }
0x55a: {  	v20 =	vld @!p1 [tilespmem:s0+$0xC580];
	_ =	sdelay $0x4  }
0x55b: {  	(v2sf) =	vpush @!p1 v20, $0x0;
	_ =	sdelay $0xe  }
0x55c: {  	s0 =	spop @!p1 (v2sf)  }
0x55d: {  	s0 =	sshll.u32 @!p1 s0, $0x7  }
0x55e: {  	s1 =	simm.s32 @!p1 $0x400;
	s0 =	sand.u32 @!p1 $0x1FFFFF80, s0  }
0x55f: {  	s2 =	simm.s32 @!p1 $0x7A1400;
	s8 =	simm.s32 @!p1 $0x18A00;
	s0 =	sadd.s32 @!p1 s3, s0  }
0x560: {  	[tilespmem:s8], [sflag:$0x8] =	stream.strided.gather @!p1 [hbm4b:s0+s1], $0x2000, s2, s1, $0x38;
	[tilespmem:$0x1EA00] =	vst v63  }
0x561: {  	s0 =	simm.s32 @!p0 $0x9  }
0x562: {  	_ =	swait.ge @!p0 [sflag:s0], $0x2000  }
0x563: {  	[sflag:s0] =	ssyncset.done @!p0 $0x0  }
0x564: {  	[sflag:s0] =	ssyncadd.s32 @!p0 $0xFFFFE000  }
0x565: {  	v20 =	vld [tilespmem:s25+$0xC700]  }
0x566: {  	v21 =	vld [tilespmem:s25+$0xC880];
	_ =	sdelay $0x3  }
0x567: {  	(v2sf) =	vpush v20, $0x0  }
0x568: {  	(v2sf) =	vpush v21, $0x0;
	_ =	sdelay $0xd  }
0x569: {  	s0 =	spop (v2sf)  }
0x56a: {  	p0 =	slt.s32 s25, s23;
	s1 =	spop (v2sf)  }
0x56b: {  	s0 =	simm.s32 @!p0 $0x0;
	s1 =	simm.s32 @!p0 $0x0  }
0x56c: {  	p0 =	sle.s32 s1, s0  }
.Ltmp44:
0x56d: {  	_ = 	snop;
	(pc) =	sbr.rel @p0 .LBB2_74-.Ltmp44, $1  }
0x56e: {  	_ =	sdelay $0x3  }
0x56f: {  	s1 =	ssub.s32 s1, s0  }
0x570: {  	s2 =	sadd.s32 $0xFFFFFFFF, s1  }
0x571: {  	p1 =	sne.s32 s2, $0x0  }
.Ltmp45:
0x572: {  	_ = 	snop;
	(pc) =	sbr.rel @!p1 .LBB2_69-.Ltmp45, $4  }
0x573: {  	_ = 	snop  }
0x574: {  	s31 =	sshll.u32 s0, $0x2  }
0x575: {  	s25 =	sshll.u32 s28, $0x7;
	s0 =	sshra.s32 s31, $0x2  }
0x576: {  	p2 =	slt.s32 s28, $0x40;
	p0 =	por $0x0, $0x0;
	s26 =	sadd.s32 $0x8080, s0  }
0x577: {  	s0 =	simm.s32 @!p2 $0x1  }
0x578: {  	_ =	swait.ge @!p2 [sflag:s0], $0x80  }
0x579: {  	[sflag:s0] =	ssyncset.done @!p2 $0x0  }
0x57a: {  	[sflag:s0] =	ssyncadd.s32 @!p2 $0xFFFFFF80  }
0x57b: {  	v20 =	vld [tilespmem:s26+$0x0];
	_ =	sdelay $0x4  }
0x57c: {  	(v2sf) =	vpush v20, $0x0;
	_ =	sdelay $0xe  }
0x57d: {  	s1 =	spop (v2sf)  }
0x57e: {  	s8 =	sand.u32 $0x7F, s1  }
0x57f: {  	v20 =	vor.u32 s8, v18;
	_ =	sdelay $0x4  }
0x580: {  	v21 =	vld.idx.msk [tilespmem:v20+s18+$0x0], $0xffff;
	v20 =	vor.u32 $0x800, v18  }
0x581: {  	v22 =	vor.u32 s8, v20;
	_ =	sdelay $0x2  }
0x582: {  	s0 =	sand.u32 $0x1F80, s25  }
0x583: {  	[tilespmem:s0+$0x1CA00] =	vst v21  }
0x584: {  	v21 =	vor.u32 $0x1000, v18;
	v22 =	vld.idx.msk [tilespmem:v22+s18+$0x0], $0xffff  }
0x585: {  	v23 =	vor.u32 s8, v21;
	_ =	sdelay $0x3  }
0x586: {  	[tilespmem:s0+$0x1CA10] =	vst v22  }
0x587: {  	v22 =	vor.u32 $0x1800, v18;
	v23 =	vld.idx.msk [tilespmem:v23+s18+$0x0], $0xffff  }
0x588: {  	v24 =	vor.u32 s8, v22;
	_ =	sdelay $0x2  }
0x589: {  	s2 =	sadd.s32 $0xFFFFFFFF, s2  }
0x58a: {  	p1 =	sne.s32 s2, $0x0;
	[tilespmem:s0+$0x1CA20] =	vst v23  }
.Ltmp46:
0x58b: {  	v23 =	vld.idx.msk [tilespmem:v24+s18+$0x0], $0xffff;
	(pc) =	sbr.rel @!p1 .LBB2_71-.Ltmp46, $4  }
0x58c: {  	_ = 	snop  }
0x58d: {  	s28 =	sadd.s32 $0x1, s28;
	p0 =	por $0x1, $0x1;
	s1 =	sshrl.u32 s1, $0x3  }
0x58e: {  	s29 =	smov.u32 s25;
	p2 =	slt.s32 s28, $0x40;
	s1 =	sand.u32 $0x3FFF0, s1  }
0x58f: {  	s26 =	sadd.s32 $0x1, s26;
	s20 =	sadd.s32 $0x1CA00, s0;
	s1 =	sadd.s32 s5, s1  }
.LBB2_72:
0x590: {  	s2 =	sadd.s32 $0xFFFFFFFF, s2;
	s8 =	simm.s32 @!p2 $0x1;
	[tilespmem:s0+$0x1CA30] =	vst v23;
	s29 =	sadd.s32 $0x80, s29  }
0x591: {  	[hbm4b:s1+s4] =	stream.linear.scatter [tilespmem:s20], [sflag:$0x1], $0x80, $0x38;
	[tilespmem:$0x1EA00] =	vst v63  }
0x592: {  	p1 =	sne.s32 s2, $0x0;
	_ =	swait.ge @!p2 [sflag:s8], $0x80  }
0x593: {  	[sflag:s8] =	ssyncset.done @!p2 $0x0  }
0x594: {  	[sflag:s8] =	ssyncadd.s32 @!p2 $0xFFFFFF80  }
0x595: {  	v23 =	vld [tilespmem:s26+$0x0];
	_ =	sdelay $0x4  }
0x596: {  	(v2sf) =	vpush v23, $0x0;
	_ =	sdelay $0xe  }
0x597: {  	s0 =	spop (v2sf)  }
0x598: {  	s1 =	sand.u32 $0x7F, s0;
	s0 =	sshrl.u32 s0, $0x3  }
0x599: {  	v23 =	vor.u32 s1, v18;
	s8 =	sand.u32 $0x3FFF0, s0;
	_ =	sdelay $0x4  }
0x59a: {  	v23 =	vld.idx.msk [tilespmem:v23+s18+$0x0], $0xffff;
	_ =	sdelay $0x1  }
0x59b: {  	v24 =	vor.u32 s1, v20;
	_ =	sdelay $0x2  }
0x59c: {  	s0 =	sand.u32 $0x1F80, s29  }
0x59d: {  	[tilespmem:s0+$0x1CA00] =	vst v23  }
0x59e: {  	v23 =	vld.idx.msk [tilespmem:v24+s18+$0x0], $0xffff;
	_ =	sdelay $0x1  }
0x59f: {  	v24 =	vor.u32 s1, v21;
	_ =	sdelay $0x3  }
0x5a0: {  	[tilespmem:s0+$0x1CA10] =	vst v23  }
0x5a1: {  	v23 =	vld.idx.msk [tilespmem:v24+s18+$0x0], $0xffff;
	_ =	sdelay $0x1  }
0x5a2: {  	v24 =	vor.u32 s1, v22;
	_ =	sdelay $0x3  }
0x5a3: {  	[tilespmem:s0+$0x1CA20] =	vst v23  }
0x5a4: {  	v23 =	vld.idx.msk [tilespmem:v24+s18+$0x0], $0xffff  }
.Ltmp47:
0x5a5: {  	(pc) =	sbr.rel @p1 .LBB2_72-.Ltmp47, $3  }
0x5a6: {  	_ =	sdelay $0x1  }
0x5a7: {  	s28 =	sadd.s32 $0x1, s28;
	s26 =	sadd.s32 $0x1, s26  }
0x5a8: {  	p2 =	slt.s32 s28, $0x40;
	s20 =	sadd.s32 $0x1CA00, s0;
	s1 =	sadd.s32 s5, s8  }
.Ltmp48:
0x5a9: {  	_ = 	snop;
	(pc) =	sbr.rel .LBB2_73-.Ltmp48, $1  }
0x5aa: {  	_ =	sdelay $0x3  }
.LBB2_17:
.Ltmp49:
0x5ab: {  	(pc) =	sbr.rel .LBB2_21-.Ltmp49, $2  }
0x5ac: {  	_ =	sdelay $0x2  }
0x5ad: {  	s28 =	smov.u32 s30  }
.LBB2_24:
.Ltmp50:
0x5ae: {  	(pc) =	sbr.rel .LBB2_28-.Ltmp50, $2  }
0x5af: {  	_ =	sdelay $0x2  }
0x5b0: {  	s31 =	smov.u32 s28  }
.LBB2_32:
.Ltmp51:
0x5b1: {  	(pc) =	sbr.rel .LBB2_36-.Ltmp51, $2  }
0x5b2: {  	_ =	sdelay $0x2  }
0x5b3: {  	s29 =	smov.u32 s30  }
.LBB2_39:
.Ltmp52:
0x5b4: {  	(pc) =	sbr.rel .LBB2_43-.Ltmp52, $2  }
0x5b5: {  	_ =	sdelay $0x2  }
0x5b6: {  	s31 =	smov.u32 s29  }
.LBB2_47:
.Ltmp53:
0x5b7: {  	(pc) =	sbr.rel .LBB2_51-.Ltmp53, $2  }
0x5b8: {  	_ =	sdelay $0x2  }
0x5b9: {  	s28 =	smov.u32 s30  }
.LBB2_54:
.Ltmp54:
0x5ba: {  	(pc) =	sbr.rel .LBB2_58-.Ltmp54, $2  }
0x5bb: {  	_ =	sdelay $0x2  }
0x5bc: {  	s31 =	smov.u32 s28  }
.LBB2_62:
.Ltmp55:
0x5bd: {  	(pc) =	sbr.rel .LBB2_66-.Ltmp55, $2  }
0x5be: {  	_ =	sdelay $0x2  }
0x5bf: {  	s29 =	smov.u32 s30  }
.LBB2_19:
.Ltmp56:
0x5c0: {  	(pc) =	sbr.rel .LBB2_21-.Ltmp56, $2  }
0x5c1: {  	_ =	sdelay $0x2  }
0x5c2: {  	s28 =	smov.u32 s30  }
.LBB2_26:
.Ltmp57:
0x5c3: {  	(pc) =	sbr.rel .LBB2_28-.Ltmp57, $2  }
0x5c4: {  	_ =	sdelay $0x2  }
0x5c5: {  	s31 =	smov.u32 s28  }
.LBB2_34:
.Ltmp58:
0x5c6: {  	(pc) =	sbr.rel .LBB2_36-.Ltmp58, $2  }
0x5c7: {  	_ =	sdelay $0x2  }
0x5c8: {  	s29 =	smov.u32 s30  }
.LBB2_41:
.Ltmp59:
0x5c9: {  	(pc) =	sbr.rel .LBB2_43-.Ltmp59, $2  }
0x5ca: {  	_ =	sdelay $0x2  }
0x5cb: {  	s31 =	smov.u32 s29  }
.LBB2_49:
.Ltmp60:
0x5cc: {  	(pc) =	sbr.rel .LBB2_51-.Ltmp60, $2  }
0x5cd: {  	_ =	sdelay $0x2  }
0x5ce: {  	s28 =	smov.u32 s30  }
.LBB2_56:
.Ltmp61:
0x5cf: {  	(pc) =	sbr.rel .LBB2_58-.Ltmp61, $2  }
0x5d0: {  	_ =	sdelay $0x2  }
0x5d1: {  	s31 =	smov.u32 s28  }
.LBB2_64:
.Ltmp62:
0x5d2: {  	(pc) =	sbr.rel .LBB2_66-.Ltmp62, $2  }
0x5d3: {  	_ =	sdelay $0x2  }
0x5d4: {  	s29 =	smov.u32 s30  }
.LBB2_71:
.Ltmp63:
0x5d5: {  	(pc) =	sbr.rel .LBB2_73-.Ltmp63, $2  }
0x5d6: {  	_ =	sdelay $0x2  }
0x5d7: {  	s29 =	smov.u32 s25  }
.LBB2_75:
0x5d8: {  	p0 =	slt.s32 s28, $0x1  }
.Ltmp64:
0x5d9: {  	_ = 	snop;
	(pc) =	sbr.rel @p0 .LBB2_79-.Ltmp64, $1  }
0x5da: {  	_ =	sdelay $0x3  }
0x5db: {  	p0 =	slt.s32 s28, $0x40  }
0x5dc: {  	s28 =	simm.s32 @!p0 $0x40  }
0x5dd: {  	p0 =	sne.s32 s28, $0x1  }
.Ltmp65:
0x5de: {  	_ = 	snop;
	(pc) =	sbr.rel @!p0 .LBB2_78-.Ltmp65, $3  }
0x5df: {  	_ =	sdelay $0x1  }
0x5e0: {  	_ =	swait.ge [sflag:s19], $0x80  }
0x5e1: {  	[sflag:s19] =	ssyncset.done $0x0;
	s0 =	sadd.s32 $0xFFFFFFFF, s28  }
.LBB2_77:
0x5e2: {  	p0 =	sne.s32 s0, $0x1;
	s0 =	sadd.s32 $0xFFFFFFFF, s0;
	[sflag:s19] =	ssyncadd.s32 $0xFFFFFF80  }
.Ltmp66:
0x5e3: {  	(pc) =	sbr.rel @p0 .LBB2_77-.Ltmp66, $3  }
0x5e4: {  	_ =	sdelay $0x1  }
0x5e5: {  	_ =	swait.ge [sflag:s19], $0x80  }
0x5e6: {  	[sflag:s19] =	ssyncset.done $0x0  }
.Ltmp67:
0x5e7: {  	_ = 	snop;
	(pc) =	sbr.rel .LBB2_78-.Ltmp67, $1  }
0x5e8: {  	_ =	sdelay $0x3  }
.LBB2_80:
0x5e9: {  	_ =	sfence.sel $0x180000  }
0x5ea: {  	[bflag:$0x0] =	sbarrier.arrive $0xFFFF  }
0x5eb: {  	_ =	strace $0x90000047  }
0x5ec: {  	s0 =	stileid.u32;
	[bflag:$0x2] =	sbarrier.arrive $0xFFFF  }
0x5ed: {  	p0 =	sne.s32 s0, $0x0;
	s0 =	rddreg [dreg:$0x3]  }
0x5ee: {  	s0 =	sadd.s32 @!p0 $0x100000, s0  }
0x5ef: {  	[sflag:s0] =	ssyncadd.tile.s32 @!p0 $0x1;
	_ =	shalt  }
.Lfunc_end2:
_tile_overlayer_lowered:
.L_overlay_start_2:
0x5f0: {  	(tag) =	ssettag $0x2  }
0x5f1: {  	s0 =	rddreg [dreg:$0x0];
	s2 =	stileid.u32  }
0x5f2: {  	s1 =	rddreg [dreg:$0x1];
	p0 =	sne.s32 s2, $0x0  }
0x5f3: {  	s3 =	rddreg [dreg:$0x2];
	[bflag:$0x3] =	sbarrier.arrive $0xFFFF;
	s2 =	simm.s32 @!p0 $0x1C0A  }
0x5f4: {  	[timem:s3], [sflag:s2] =	dma.local @!p0 [hbm:s0], s1  }
0x5f5: {  	s0 =	simm.s32 @!p0 $0xA  }
0x5f6: {  	_ =	swait.ge @!p0 [sflag:s0], s1  }
0x5f7: {  	s1 =	ssub.s32 @!p0 $0x0, s1;
	[sflag:s0] =	ssyncset.done @!p0 $0x0  }
0x5f8: {  	[sflag:s0] =	ssyncadd.s32 @!p0 s1  }
0x5f9: {  	[bflag:$0x3] =	sbarrier.arrive $0xFFFF  }
0x5fa: {  	_ =	shalt  }

</sc_bundles>
